<compile_context>
chip_gen: v7x
topology: tpu7x:2x2x1
jax: 0.10.2.dev20260603
libtpu: 0.0.44.dev20260713+nightly
codegen_flags: <defaults>
</compile_context>

<pallas_src>
import functools

import jax
import jax.numpy as jnp
from jax import lax
from jax.experimental import pallas as pl
from jax.experimental.pallas import tpu as pltpu
from jax.experimental.pallas import tpu_sc as plsc

_VOCAB = 1000000
_HID = 64
_B = 16384
_L = 200
_EPS = 1e-5

_NC = 2
_NS = 16
_NW = _NC * _NS
_PER_W = _B // _NW
_S0 = 104
_S1 = _L - _S0
_ICHUNK = 32
_NICHUNK = _PER_W // _ICHUNK
_OCHUNK = 64
_NBUF = 8


def _sc_body(x_hbm, tab_hbm, out_hbm, idx_v, rows_v, out_v,
             g0, g1, g2, g3, g4, g5, g6, g7, sem_idx, sem_out):
    gsems = (g0, g1, g2, g3, g4, g5, g6, g7)
    wid = lax.axis_index("s") * _NC + lax.axis_index("c")
    base = wid * _PER_W

    def idx_src(e):
        par = lax.rem(lax.div(e, _ICHUNK), 2)
        eloc = lax.rem(e, _ICHUNK)
        return par, eloc

    def start(e, b):
        par, eloc = idx_src(e)
        for off, n in ((0, _S0), (_S0, _S1)):
            pltpu.async_copy(
                tab_hbm.at[idx_v.at[par, eloc, pl.ds(off, n)]],
                rows_v.at[b, pl.ds(off, n)],
                gsems[b],
            )

    def wait_g(e, b):
        par, eloc = idx_src(e)
        for off, n in ((0, _S0), (_S0, _S1)):
            pltpu.make_async_copy(
                tab_hbm.at[idx_v.at[par, eloc, pl.ds(off, n)]],
                rows_v.at[b, pl.ds(off, n)],
                gsems[b],
            ).wait()

    def accumulate(b):
        rbuf = rows_v.at[b]

        def acc_body(j, carry):
            a0, a1, a2, a3 = carry
            a0 = a0 + rbuf[j, pl.ds(0, 16)]
            a1 = a1 + rbuf[j, pl.ds(16, 16)]
            a2 = a2 + rbuf[j, pl.ds(32, 16)]
            a3 = a3 + rbuf[j, pl.ds(48, 16)]
            return (a0, a1, a2, a3)

        zero = jnp.zeros((16,), jnp.float32)
        return lax.fori_loop(0, _L, acc_body, (zero, zero, zero, zero),
                             unroll=8)

    def drain_out():
        pltpu.make_async_copy(
            out_v.at[0], out_hbm.at[pl.ds(base, _OCHUNK)], sem_out,
        ).wait()

    pltpu.sync_copy(x_hbm.at[pl.ds(base, _ICHUNK)], idx_v.at[0])
    pltpu.async_copy(x_hbm.at[pl.ds(base + _ICHUNK, _ICHUNK)], idx_v.at[1],
                     sem_idx)
    for b in range(_NBUF):
        start(b, b)

    def group(t, _):
        for b in range(_NBUF):
            e = t * _NBUF + b
            wait_g(e, b)
            a0, a1, a2, a3 = accumulate(b)
            e2 = e + _NBUF

            @pl.when(jnp.logical_and(e2 < _PER_W, lax.rem(e2, _ICHUNK) == 0))
            def _():
                pltpu.make_async_copy(
                    x_hbm.at[pl.ds(base, _ICHUNK)], idx_v.at[0], sem_idx,
                ).wait()

            @pl.when(e2 < _PER_W)
            def _():
                start(e2, b)

            @pl.when(jnp.logical_and(
                jnp.logical_and(lax.rem(e, _ICHUNK) == 0, e > 0),
                e < (_NICHUNK - 1) * _ICHUNK))
            def _():
                cj1 = lax.div(e, _ICHUNK) + 1
                pltpu.async_copy(
                    x_hbm.at[pl.ds(base + cj1 * _ICHUNK, _ICHUNK)],
                    idx_v.at[lax.rem(cj1, 2)],
                    sem_idx,
                )

            opar = lax.rem(lax.div(e, _OCHUNK), 2)
            orow = lax.rem(e, _OCHUNK)
            inv_l = jnp.float32(1.0 / _L)
            out_v[opar, orow, pl.ds(0, 16)] = a0 * inv_l
            out_v[opar, orow, pl.ds(16, 16)] = a1 * inv_l
            out_v[opar, orow, pl.ds(32, 16)] = a2 * inv_l
            out_v[opar, orow, pl.ds(48, 16)] = a3 * inv_l

            @pl.when(lax.rem(e, _OCHUNK) == _OCHUNK - 1)
            def _():
                oc = lax.div(e, _OCHUNK)

                @pl.when(oc > 0)
                def _():
                    drain_out()

                pltpu.async_copy(
                    out_v.at[opar],
                    out_hbm.at[pl.ds(base + oc * _OCHUNK, _OCHUNK)],
                    sem_out,
                )
        return 0

    lax.fori_loop(0, _PER_W // _NBUF, group, 0)
    drain_out()


@functools.cache
def _sc_bow_sums():
    return pl.kernel(
        _sc_body,
        out_type=jax.ShapeDtypeStruct((_B, _HID), jnp.float32),
        mesh=plsc.VectorSubcoreMesh(core_axis_name="c", subcore_axis_name="s"),
        compiler_params=pltpu.CompilerParams(use_tc_tiling_on_sc=False),
        scratch_types=[
            pltpu.VMEM((2, _ICHUNK, _L), jnp.int32),
            pltpu.VMEM((_NBUF, _L, _HID), jnp.float32),
            pltpu.VMEM((2, _OCHUNK, _HID), jnp.float32),
            pltpu.SemaphoreType.DMA,
            pltpu.SemaphoreType.DMA,
            pltpu.SemaphoreType.DMA,
            pltpu.SemaphoreType.DMA,
            pltpu.SemaphoreType.DMA,
            pltpu.SemaphoreType.DMA,
            pltpu.SemaphoreType.DMA,
            pltpu.SemaphoreType.DMA,
            pltpu.SemaphoreType.DMA,
            pltpu.SemaphoreType.DMA,
        ],
    )


def _dense_body(sums_ref, w1_ref, b1_ref, g_ref, bt_ref, w2_ref, b2_ref,
                out_ref):
    bow = sums_ref[...]
    h = lax.dot_general(bow, w1_ref[...], (((1,), (1,)), ((), ())),
                        preferred_element_type=jnp.float32) + b1_ref[...]
    mu = jnp.mean(h, axis=0, keepdims=True)
    hc = h - mu
    var = jnp.mean(hc * hc, axis=0, keepdims=True)
    hn = hc * lax.rsqrt(var + _EPS) * g_ref[...] + bt_ref[...]
    h2 = jnp.maximum(hn, 0.0)
    out_ref[...] = lax.dot_general(h2, w2_ref[...], (((1,), (1,)), ((), ())),
                                   preferred_element_type=jnp.float32) + b2_ref[...]


def _dense_head(sums, w1, b1, g, bt, w2p, b2p):
    return pl.pallas_call(
        _dense_body,
        out_shape=jax.ShapeDtypeStruct((_B, 8), jnp.float32),
    )(sums, w1, b1, g, bt, w2p, b2p)


def kernel(x, table, W1, b1, gamma, beta, W2, b2):
    xi = x.astype(jnp.int32)
    bow = _sc_bow_sums()(xi, table)
    w2p = jnp.zeros((8, _HID), jnp.float32).at[:5, :].set(W2)
    b2p = jnp.zeros((1, 8), jnp.float32).at[:, :5].set(b2)
    out8 = _dense_head(bow, W1, b1[None, :], gamma[None, :], beta[None, :],
                       w2p, b2p)
    return out8[:, :5]

# --- scband reference (transcript-rebuilt; emitter-appended) ---
"""Pipeline reference for scband-bowmodel-26310969655524 (READ-ONLY COPY).

The authoritative reference and input builder live on the scoring server;
editing this copy changes nothing except your own understanding.
"""

import jax, jax.numpy as jnp
import numpy as np

VOCAB = 1000000
HID = 64
B = 16384
L = 200
EPS = 1e-5

def setup_inputs(seed: int = 0) -> dict:
    key = jax.random.key(seed)
    k1, k2, k3, k4, k5 = jax.random.split(key, 5)
    x = jax.random.randint(k1, (B, L), 0, VOCAB, dtype=jnp.int64) if jax.config.jax_enable_x64 else jax.random.randint(k1, (B, L), 0, VOCAB, dtype=jnp.int32)
    table = jax.random.normal(k2, (VOCAB, HID), dtype=jnp.float32) * 0.02
    W1 = jax.random.normal(k3, (HID, HID), dtype=jnp.float32) * (1.0 / np.sqrt(HID))
    b1 = jnp.zeros((HID,), dtype=jnp.float32)
    gamma = jnp.ones((HID,), dtype=jnp.float32)
    beta = jnp.zeros((HID,), dtype=jnp.float32)
    W2 = jax.random.normal(k4, (5, HID), dtype=jnp.float32) * (1.0 / np.sqrt(HID))
    b2 = jnp.zeros((5,), dtype=jnp.float32)
    return {"x": x, "table": table, "W1": W1, "b1": b1, "gamma": gamma, "beta": beta, "W2": W2, "b2": b2}

def reference(x, table, W1, b1, gamma, beta, W2, b2):
    # per-sample embedding lookup + mean over sequence (BOW)
    emb = jnp.take(table, x, axis=0)          # [B, L, HID]
    bow = emb.mean(axis=1)                     # [B, HID]
    h = bow @ W1.T + b1                        # fc_hidden
    # BatchNorm1d (training-mode batch statistics)
    mu = h.mean(axis=0)
    var = h.var(axis=0)
    hn = (h - mu) / jnp.sqrt(var + EPS)
    hn = hn * gamma + beta
    h = jax.nn.relu(hn)
    # dropout treated as identity (deterministic reference)
    out = h @ W2.T + b2                        # [B, 5]
    return out

if __name__ == "__main__":
    import jax
    _d = setup_inputs()
    print(jax.jit(kernel)(*tuple(_d.values())))

</pallas_src>

<mosaic_0001>
#map = affine_map<(d0, d1) -> (0, 0)>
module attributes {stable_mosaic.version = 14 : i64} {
  func.func @_sc_body(%arg0: i32, %arg1: i32, %arg2: memref<16384x200xi32, #tpu.memory_space<hbm>>, %arg3: memref<1000000x64xf32, #tpu.memory_space<hbm>>, %arg4: memref<16384x64xf32, #tpu.memory_space<hbm>>, %arg5: memref<2x32x200xi32, #tpu.memory_space<vmem>>, %arg6: memref<8x200x64xf32, #tpu.memory_space<vmem>>, %arg7: memref<2x64x64xf32, #tpu.memory_space<vmem>>, %arg8: memref<!tpu.dma_semaphore, #tpu.memory_space<semaphore_mem>>, %arg9: memref<!tpu.dma_semaphore, #tpu.memory_space<semaphore_mem>>, %arg10: memref<!tpu.dma_semaphore, #tpu.memory_space<semaphore_mem>>, %arg11: memref<!tpu.dma_semaphore, #tpu.memory_space<semaphore_mem>>, %arg12: memref<!tpu.dma_semaphore, #tpu.memory_space<semaphore_mem>>, %arg13: memref<!tpu.dma_semaphore, #tpu.memory_space<semaphore_mem>>, %arg14: memref<!tpu.dma_semaphore, #tpu.memory_space<semaphore_mem>>, %arg15: memref<!tpu.dma_semaphore, #tpu.memory_space<semaphore_mem>>, %arg16: memref<!tpu.dma_semaphore, #tpu.memory_space<semaphore_mem>>, %arg17: memref<!tpu.dma_semaphore, #tpu.memory_space<semaphore_mem>>) attributes {dimension_semantics = [#tpu.dimension_semantics<core_parallel>, #tpu.dimension_semantics<subcore_parallel>], iteration_bounds = array<i64: 2, 16>, scalar_prefetch = 0 : i64, scratch_operands = 13 : i64, tpu.core_type = #tpu.core_type<sc_vector_subcore>, window_params = [{transform_indices = #map}, {transform_indices = #map}, {transform_indices = #map}]} {
    %mul3A = arith.constant 2 : i32
    %mul3A_0 = arith.muli %arg1, %mul3A : i32
    %add3A = arith.addi %mul3A_0, %arg0 : i32
    %mul3A_1 = arith.constant 512 : i32
    %mul3A_2 = arith.muli %add3A, %mul3A_1 : i32
    %run_scoped3A = arith.constant 0 : i32
    "tpu.region"() ({
      %run_scoped3A_273 = tpu.sem_alloc : memref<!tpu.dma_semaphore, #tpu.memory_space<semaphore_mem>>
      %dma_start3A_274 = arith.constant 0 : i32
      %dma_start3A_275 = arith.constant 0 : i32
      %dma_start3A_276 = tpu.memref_slice %arg5[%run_scoped3A, %dma_start3A_274, %dma_start3A_275] : memref<2x32x200xi32, #tpu.memory_space<vmem>> -> memref<1x32x200xi32, #tpu.memory_space<vmem>>
      %dma_start3A_277 = tpu.memref_squeeze %dma_start3A_276 : memref<1x32x200xi32, #tpu.memory_space<vmem>> -> memref<32x200xi32, #tpu.memory_space<vmem>>
      %dma_start3A_278 = arith.constant 0 : i32
      %dma_start3A_279 = tpu.memref_slice %arg2[%mul3A_2, %dma_start3A_278] : memref<16384x200xi32, #tpu.memory_space<hbm>> -> memref<32x200xi32, #tpu.memory_space<hbm>>
      %dma_start3A_280 = arith.constant 0 : i32
      %dma_start3A_281 = arith.constant 0 : i32
      %dma_start3A_282 = tpu.memref_slice %arg5[%run_scoped3A, %dma_start3A_280, %dma_start3A_281] : memref<2x32x200xi32, #tpu.memory_space<vmem>> -> memref<1x32x200xi32, #tpu.memory_space<vmem>>
      %dma_start3A_283 = tpu.memref_squeeze %dma_start3A_282 : memref<1x32x200xi32, #tpu.memory_space<vmem>> -> memref<32x200xi32, #tpu.memory_space<vmem>>
      %dma_start3A_284 = arith.constant 0 : i32
      %dma_start3A_285 = tpu.memref_slice %arg2[%mul3A_2, %dma_start3A_284] : memref<16384x200xi32, #tpu.memory_space<hbm>> -> memref<32x200xi32, #tpu.memory_space<hbm>>
      tpu.enqueue_dma source(%dma_start3A_285 : memref<32x200xi32, #tpu.memory_space<hbm>>) target(%dma_start3A_283 : memref<32x200xi32, #tpu.memory_space<vmem>>) target_semaphore(%run_scoped3A_273 : memref<!tpu.dma_semaphore, #tpu.memory_space<semaphore_mem>>)
      %dma_wait3A_286 = arith.constant 0 : i32
      %dma_wait3A_287 = arith.constant 0 : i32
      %dma_wait3A_288 = tpu.memref_slice %arg5[%run_scoped3A, %dma_wait3A_286, %dma_wait3A_287] : memref<2x32x200xi32, #tpu.memory_space<vmem>> -> memref<1x32x200xi32, #tpu.memory_space<vmem>>
      %dma_wait3A_289 = tpu.memref_squeeze %dma_wait3A_288 : memref<1x32x200xi32, #tpu.memory_space<vmem>> -> memref<32x200xi32, #tpu.memory_space<vmem>>
      %dma_wait3A_290 = arith.constant 0 : i32
      %dma_wait3A_291 = tpu.memref_slice %arg2[%mul3A_2, %dma_wait3A_290] : memref<16384x200xi32, #tpu.memory_space<hbm>> -> memref<32x200xi32, #tpu.memory_space<hbm>>
      %dma_wait3A_292 = arith.constant 0 : i32
      %dma_wait3A_293 = arith.constant 0 : i32
      %dma_wait3A_294 = tpu.memref_slice %arg5[%run_scoped3A, %dma_wait3A_292, %dma_wait3A_293] : memref<2x32x200xi32, #tpu.memory_space<vmem>> -> memref<1x32x200xi32, #tpu.memory_space<vmem>>
      %dma_wait3A_295 = tpu.memref_squeeze %dma_wait3A_294 : memref<1x32x200xi32, #tpu.memory_space<vmem>> -> memref<32x200xi32, #tpu.memory_space<vmem>>
      %dma_wait3A_296 = arith.constant 0 : i32
      %dma_wait3A_297 = tpu.memref_slice %arg2[%mul3A_2, %dma_wait3A_296] : memref<16384x200xi32, #tpu.memory_space<hbm>> -> memref<32x200xi32, #tpu.memory_space<hbm>>
      tpu.wait_dma2 semaphore(%run_scoped3A_273 : memref<!tpu.dma_semaphore, #tpu.memory_space<semaphore_mem>>) src(%dma_wait3A_297 : memref<32x200xi32, #tpu.memory_space<hbm>>) dst(%dma_wait3A_295 : memref<32x200xi32, #tpu.memory_space<vmem>>)
      tpu.yield
    }) : () -> ()
    %add3A_3 = arith.constant 32 : i32
    %add3A_4 = arith.addi %mul3A_2, %add3A_3 : i32
    %dma_start3A = arith.constant 1 : i32
    %dma_start3A_5 = arith.constant 0 : i32
    %dma_start3A_6 = arith.constant 0 : i32
    %dma_start3A_7 = tpu.memref_slice %arg5[%dma_start3A, %dma_start3A_5, %dma_start3A_6] : memref<2x32x200xi32, #tpu.memory_space<vmem>> -> memref<1x32x200xi32, #tpu.memory_space<vmem>>
    %dma_start3A_8 = tpu.memref_squeeze %dma_start3A_7 : memref<1x32x200xi32, #tpu.memory_space<vmem>> -> memref<32x200xi32, #tpu.memory_space<vmem>>
    %dma_start3A_9 = arith.constant 0 : i32
    %dma_start3A_10 = tpu.memref_slice %arg2[%add3A_4, %dma_start3A_9] : memref<16384x200xi32, #tpu.memory_space<hbm>> -> memref<32x200xi32, #tpu.memory_space<hbm>>
    %dma_start3A_11 = arith.constant 0 : i32
    %dma_start3A_12 = arith.constant 0 : i32
    %dma_start3A_13 = tpu.memref_slice %arg5[%dma_start3A, %dma_start3A_11, %dma_start3A_12] : memref<2x32x200xi32, #tpu.memory_space<vmem>> -> memref<1x32x200xi32, #tpu.memory_space<vmem>>
    %dma_start3A_14 = tpu.memref_squeeze %dma_start3A_13 : memref<1x32x200xi32, #tpu.memory_space<vmem>> -> memref<32x200xi32, #tpu.memory_space<vmem>>
    %dma_start3A_15 = arith.constant 0 : i32
    %dma_start3A_16 = tpu.memref_slice %arg2[%add3A_4, %dma_start3A_15] : memref<16384x200xi32, #tpu.memory_space<hbm>> -> memref<32x200xi32, #tpu.memory_space<hbm>>
    tpu.enqueue_dma source(%dma_start3A_16 : memref<32x200xi32, #tpu.memory_space<hbm>>) target(%dma_start3A_14 : memref<32x200xi32, #tpu.memory_space<vmem>>) target_semaphore(%arg16 : memref<!tpu.dma_semaphore, #tpu.memory_space<semaphore_mem>>)
    %div3A = arith.constant 0 : i32
    %div3A_17 = arith.constant 32 : i32
    %div3A_18 = arith.divsi %div3A, %div3A_17 : i32
    %rem3A = arith.constant 2 : i32
    %rem3A_19 = arith.remsi %div3A_18, %rem3A : i32
    %rem3A_20 = arith.constant 0 : i32
    %rem3A_21 = arith.constant 32 : i32
    %rem3A_22 = arith.remsi %rem3A_20, %rem3A_21 : i32
    %dma_start3A_23 = arith.constant 0 : i32
    %dma_start3A_24 = arith.constant 0 : i32
    %dma_start3A_25 = arith.constant 0 : i32
    %dma_start3A_26 = tpu.memref_slice %arg6[%dma_start3A_23, %dma_start3A_24, %dma_start3A_25] : memref<8x200x64xf32, #tpu.memory_space<vmem>> -> memref<1x104x64xf32, #tpu.memory_space<vmem>>
    %dma_start3A_27 = tpu.memref_squeeze %dma_start3A_26 : memref<1x104x64xf32, #tpu.memory_space<vmem>> -> memref<104x64xf32, #tpu.memory_space<vmem>>
    %dma_start3A_28 = arith.constant 0 : i32
    %dma_start3A_29 = tpu.memref_slice %arg5[%rem3A_19, %rem3A_22, %dma_start3A_28] : memref<2x32x200xi32, #tpu.memory_space<vmem>> -> memref<1x1x104xi32, #tpu.memory_space<vmem>>
    %dma_start3A_30 = tpu.memref_squeeze %dma_start3A_29 : memref<1x1x104xi32, #tpu.memory_space<vmem>> -> memref<104xi32, #tpu.memory_space<vmem>>
    %dma_start3A_31 = arith.constant 0 : i32
    %dma_start3A_32 = arith.constant 0 : i32
    %dma_start3A_33 = tpu.memref_slice %arg3[%dma_start3A_31, %dma_start3A_32] : memref<1000000x64xf32, #tpu.memory_space<hbm>> -> memref<1000000x64xf32, #tpu.memory_space<hbm>>
    tpu.enqueue_indirect_dma source(%dma_start3A_33 : memref<1000000x64xf32, #tpu.memory_space<hbm>>) target(%dma_start3A_27 : memref<104x64xf32, #tpu.memory_space<vmem>>) offsets(%dma_start3A_30 : memref<104xi32, #tpu.memory_space<vmem>>) semaphore(%arg8 : memref<!tpu.dma_semaphore, #tpu.memory_space<semaphore_mem>>)
    %dma_start3A_34 = arith.constant 0 : i32
    %dma_start3A_35 = arith.constant 104 : i32
    %dma_start3A_36 = arith.constant 0 : i32
    %dma_start3A_37 = tpu.memref_slice %arg6[%dma_start3A_34, %dma_start3A_35, %dma_start3A_36] : memref<8x200x64xf32, #tpu.memory_space<vmem>> -> memref<1x96x64xf32, #tpu.memory_space<vmem>>
    %dma_start3A_38 = tpu.memref_squeeze %dma_start3A_37 : memref<1x96x64xf32, #tpu.memory_space<vmem>> -> memref<96x64xf32, #tpu.memory_space<vmem>>
    %dma_start3A_39 = arith.constant 104 : i32
    %dma_start3A_40 = tpu.memref_slice %arg5[%rem3A_19, %rem3A_22, %dma_start3A_39] : memref<2x32x200xi32, #tpu.memory_space<vmem>> -> memref<1x1x96xi32, #tpu.memory_space<vmem>>
    %dma_start3A_41 = tpu.memref_squeeze %dma_start3A_40 : memref<1x1x96xi32, #tpu.memory_space<vmem>> -> memref<96xi32, #tpu.memory_space<vmem>>
    %dma_start3A_42 = arith.constant 0 : i32
    %dma_start3A_43 = arith.constant 0 : i32
    %dma_start3A_44 = tpu.memref_slice %arg3[%dma_start3A_42, %dma_start3A_43] : memref<1000000x64xf32, #tpu.memory_space<hbm>> -> memref<1000000x64xf32, #tpu.memory_space<hbm>>
    tpu.enqueue_indirect_dma source(%dma_start3A_44 : memref<1000000x64xf32, #tpu.memory_space<hbm>>) target(%dma_start3A_38 : memref<96x64xf32, #tpu.memory_space<vmem>>) offsets(%dma_start3A_41 : memref<96xi32, #tpu.memory_space<vmem>>) semaphore(%arg8 : memref<!tpu.dma_semaphore, #tpu.memory_space<semaphore_mem>>)
    %div3A_45 = arith.constant 1 : i32
    %div3A_46 = arith.constant 32 : i32
    %div3A_47 = arith.divsi %div3A_45, %div3A_46 : i32
    %rem3A_48 = arith.constant 2 : i32
    %rem3A_49 = arith.remsi %div3A_47, %rem3A_48 : i32
    %rem3A_50 = arith.constant 1 : i32
    %rem3A_51 = arith.constant 32 : i32
    %rem3A_52 = arith.remsi %rem3A_50, %rem3A_51 : i32
    %dma_start3A_53 = arith.constant 1 : i32
    %dma_start3A_54 = arith.constant 0 : i32
    %dma_start3A_55 = arith.constant 0 : i32
    %dma_start3A_56 = tpu.memref_slice %arg6[%dma_start3A_53, %dma_start3A_54, %dma_start3A_55] : memref<8x200x64xf32, #tpu.memory_space<vmem>> -> memref<1x104x64xf32, #tpu.memory_space<vmem>>
    %dma_start3A_57 = tpu.memref_squeeze %dma_start3A_56 : memref<1x104x64xf32, #tpu.memory_space<vmem>> -> memref<104x64xf32, #tpu.memory_space<vmem>>
    %dma_start3A_58 = arith.constant 0 : i32
    %dma_start3A_59 = tpu.memref_slice %arg5[%rem3A_49, %rem3A_52, %dma_start3A_58] : memref<2x32x200xi32, #tpu.memory_space<vmem>> -> memref<1x1x104xi32, #tpu.memory_space<vmem>>
    %dma_start3A_60 = tpu.memref_squeeze %dma_start3A_59 : memref<1x1x104xi32, #tpu.memory_space<vmem>> -> memref<104xi32, #tpu.memory_space<vmem>>
    %dma_start3A_61 = arith.constant 0 : i32
    %dma_start3A_62 = arith.constant 0 : i32
    %dma_start3A_63 = tpu.memref_slice %arg3[%dma_start3A_61, %dma_start3A_62] : memref<1000000x64xf32, #tpu.memory_space<hbm>> -> memref<1000000x64xf32, #tpu.memory_space<hbm>>
    tpu.enqueue_indirect_dma source(%dma_start3A_63 : memref<1000000x64xf32, #tpu.memory_space<hbm>>) target(%dma_start3A_57 : memref<104x64xf32, #tpu.memory_space<vmem>>) offsets(%dma_start3A_60 : memref<104xi32, #tpu.memory_space<vmem>>) semaphore(%arg9 : memref<!tpu.dma_semaphore, #tpu.memory_space<semaphore_mem>>)
    %dma_start3A_64 = arith.constant 1 : i32
    %dma_start3A_65 = arith.constant 104 : i32
    %dma_start3A_66 = arith.constant 0 : i32
    %dma_start3A_67 = tpu.memref_slice %arg6[%dma_start3A_64, %dma_start3A_65, %dma_start3A_66] : memref<8x200x64xf32, #tpu.memory_space<vmem>> -> memref<1x96x64xf32, #tpu.memory_space<vmem>>
    %dma_start3A_68 = tpu.memref_squeeze %dma_start3A_67 : memref<1x96x64xf32, #tpu.memory_space<vmem>> -> memref<96x64xf32, #tpu.memory_space<vmem>>
    %dma_start3A_69 = arith.constant 104 : i32
    %dma_start3A_70 = tpu.memref_slice %arg5[%rem3A_49, %rem3A_52, %dma_start3A_69] : memref<2x32x200xi32, #tpu.memory_space<vmem>> -> memref<1x1x96xi32, #tpu.memory_space<vmem>>
    %dma_start3A_71 = tpu.memref_squeeze %dma_start3A_70 : memref<1x1x96xi32, #tpu.memory_space<vmem>> -> memref<96xi32, #tpu.memory_space<vmem>>
    %dma_start3A_72 = arith.constant 0 : i32
    %dma_start3A_73 = arith.constant 0 : i32
    %dma_start3A_74 = tpu.memref_slice %arg3[%dma_start3A_72, %dma_start3A_73] : memref<1000000x64xf32, #tpu.memory_space<hbm>> -> memref<1000000x64xf32, #tpu.memory_space<hbm>>
    tpu.enqueue_indirect_dma source(%dma_start3A_74 : memref<1000000x64xf32, #tpu.memory_space<hbm>>) target(%dma_start3A_68 : memref<96x64xf32, #tpu.memory_space<vmem>>) offsets(%dma_start3A_71 : memref<96xi32, #tpu.memory_space<vmem>>) semaphore(%arg9 : memref<!tpu.dma_semaphore, #tpu.memory_space<semaphore_mem>>)
    %div3A_75 = arith.constant 2 : i32
    %div3A_76 = arith.constant 32 : i32
    %div3A_77 = arith.divsi %div3A_75, %div3A_76 : i32
    %rem3A_78 = arith.constant 2 : i32
    %rem3A_79 = arith.remsi %div3A_77, %rem3A_78 : i32
    %rem3A_80 = arith.constant 2 : i32
    %rem3A_81 = arith.constant 32 : i32
    %rem3A_82 = arith.remsi %rem3A_80, %rem3A_81 : i32
    %dma_start3A_83 = arith.constant 2 : i32
    %dma_start3A_84 = arith.constant 0 : i32
    %dma_start3A_85 = arith.constant 0 : i32
    %dma_start3A_86 = tpu.memref_slice %arg6[%dma_start3A_83, %dma_start3A_84, %dma_start3A_85] : memref<8x200x64xf32, #tpu.memory_space<vmem>> -> memref<1x104x64xf32, #tpu.memory_space<vmem>>
    %dma_start3A_87 = tpu.memref_squeeze %dma_start3A_86 : memref<1x104x64xf32, #tpu.memory_space<vmem>> -> memref<104x64xf32, #tpu.memory_space<vmem>>
    %dma_start3A_88 = arith.constant 0 : i32
    %dma_start3A_89 = tpu.memref_slice %arg5[%rem3A_79, %rem3A_82, %dma_start3A_88] : memref<2x32x200xi32, #tpu.memory_space<vmem>> -> memref<1x1x104xi32, #tpu.memory_space<vmem>>
    %dma_start3A_90 = tpu.memref_squeeze %dma_start3A_89 : memref<1x1x104xi32, #tpu.memory_space<vmem>> -> memref<104xi32, #tpu.memory_space<vmem>>
    %dma_start3A_91 = arith.constant 0 : i32
    %dma_start3A_92 = arith.constant 0 : i32
    %dma_start3A_93 = tpu.memref_slice %arg3[%dma_start3A_91, %dma_start3A_92] : memref<1000000x64xf32, #tpu.memory_space<hbm>> -> memref<1000000x64xf32, #tpu.memory_space<hbm>>
    tpu.enqueue_indirect_dma source(%dma_start3A_93 : memref<1000000x64xf32, #tpu.memory_space<hbm>>) target(%dma_start3A_87 : memref<104x64xf32, #tpu.memory_space<vmem>>) offsets(%dma_start3A_90 : memref<104xi32, #tpu.memory_space<vmem>>) semaphore(%arg10 : memref<!tpu.dma_semaphore, #tpu.memory_space<semaphore_mem>>)
    %dma_start3A_94 = arith.constant 2 : i32
    %dma_start3A_95 = arith.constant 104 : i32
    %dma_start3A_96 = arith.constant 0 : i32
    %dma_start3A_97 = tpu.memref_slice %arg6[%dma_start3A_94, %dma_start3A_95, %dma_start3A_96] : memref<8x200x64xf32, #tpu.memory_space<vmem>> -> memref<1x96x64xf32, #tpu.memory_space<vmem>>
    %dma_start3A_98 = tpu.memref_squeeze %dma_start3A_97 : memref<1x96x64xf32, #tpu.memory_space<vmem>> -> memref<96x64xf32, #tpu.memory_space<vmem>>
    %dma_start3A_99 = arith.constant 104 : i32
    %dma_start3A_100 = tpu.memref_slice %arg5[%rem3A_79, %rem3A_82, %dma_start3A_99] : memref<2x32x200xi32, #tpu.memory_space<vmem>> -> memref<1x1x96xi32, #tpu.memory_space<vmem>>
    %dma_start3A_101 = tpu.memref_squeeze %dma_start3A_100 : memref<1x1x96xi32, #tpu.memory_space<vmem>> -> memref<96xi32, #tpu.memory_space<vmem>>
    %dma_start3A_102 = arith.constant 0 : i32
    %dma_start3A_103 = arith.constant 0 : i32
    %dma_start3A_104 = tpu.memref_slice %arg3[%dma_start3A_102, %dma_start3A_103] : memref<1000000x64xf32, #tpu.memory_space<hbm>> -> memref<1000000x64xf32, #tpu.memory_space<hbm>>
    tpu.enqueue_indirect_dma source(%dma_start3A_104 : memref<1000000x64xf32, #tpu.memory_space<hbm>>) target(%dma_start3A_98 : memref<96x64xf32, #tpu.memory_space<vmem>>) offsets(%dma_start3A_101 : memref<96xi32, #tpu.memory_space<vmem>>) semaphore(%arg10 : memref<!tpu.dma_semaphore, #tpu.memory_space<semaphore_mem>>)
    %div3A_105 = arith.constant 3 : i32
    %div3A_106 = arith.constant 32 : i32
    %div3A_107 = arith.divsi %div3A_105, %div3A_106 : i32
    %rem3A_108 = arith.constant 2 : i32
    %rem3A_109 = arith.remsi %div3A_107, %rem3A_108 : i32
    %rem3A_110 = arith.constant 3 : i32
    %rem3A_111 = arith.constant 32 : i32
    %rem3A_112 = arith.remsi %rem3A_110, %rem3A_111 : i32
    %dma_start3A_113 = arith.constant 3 : i32
    %dma_start3A_114 = arith.constant 0 : i32
    %dma_start3A_115 = arith.constant 0 : i32
    %dma_start3A_116 = tpu.memref_slice %arg6[%dma_start3A_113, %dma_start3A_114, %dma_start3A_115] : memref<8x200x64xf32, #tpu.memory_space<vmem>> -> memref<1x104x64xf32, #tpu.memory_space<vmem>>
    %dma_start3A_117 = tpu.memref_squeeze %dma_start3A_116 : memref<1x104x64xf32, #tpu.memory_space<vmem>> -> memref<104x64xf32, #tpu.memory_space<vmem>>
    %dma_start3A_118 = arith.constant 0 : i32
    %dma_start3A_119 = tpu.memref_slice %arg5[%rem3A_109, %rem3A_112, %dma_start3A_118] : memref<2x32x200xi32, #tpu.memory_space<vmem>> -> memref<1x1x104xi32, #tpu.memory_space<vmem>>
    %dma_start3A_120 = tpu.memref_squeeze %dma_start3A_119 : memref<1x1x104xi32, #tpu.memory_space<vmem>> -> memref<104xi32, #tpu.memory_space<vmem>>
    %dma_start3A_121 = arith.constant 0 : i32
    %dma_start3A_122 = arith.constant 0 : i32
    %dma_start3A_123 = tpu.memref_slice %arg3[%dma_start3A_121, %dma_start3A_122] : memref<1000000x64xf32, #tpu.memory_space<hbm>> -> memref<1000000x64xf32, #tpu.memory_space<hbm>>
    tpu.enqueue_indirect_dma source(%dma_start3A_123 : memref<1000000x64xf32, #tpu.memory_space<hbm>>) target(%dma_start3A_117 : memref<104x64xf32, #tpu.memory_space<vmem>>) offsets(%dma_start3A_120 : memref<104xi32, #tpu.memory_space<vmem>>) semaphore(%arg11 : memref<!tpu.dma_semaphore, #tpu.memory_space<semaphore_mem>>)
    %dma_start3A_124 = arith.constant 3 : i32
    %dma_start3A_125 = arith.constant 104 : i32
    %dma_start3A_126 = arith.constant 0 : i32
    %dma_start3A_127 = tpu.memref_slice %arg6[%dma_start3A_124, %dma_start3A_125, %dma_start3A_126] : memref<8x200x64xf32, #tpu.memory_space<vmem>> -> memref<1x96x64xf32, #tpu.memory_space<vmem>>
    %dma_start3A_128 = tpu.memref_squeeze %dma_start3A_127 : memref<1x96x64xf32, #tpu.memory_space<vmem>> -> memref<96x64xf32, #tpu.memory_space<vmem>>
    %dma_start3A_129 = arith.constant 104 : i32
    %dma_start3A_130 = tpu.memref_slice %arg5[%rem3A_109, %rem3A_112, %dma_start3A_129] : memref<2x32x200xi32, #tpu.memory_space<vmem>> -> memref<1x1x96xi32, #tpu.memory_space<vmem>>
    %dma_start3A_131 = tpu.memref_squeeze %dma_start3A_130 : memref<1x1x96xi32, #tpu.memory_space<vmem>> -> memref<96xi32, #tpu.memory_space<vmem>>
    %dma_start3A_132 = arith.constant 0 : i32
    %dma_start3A_133 = arith.constant 0 : i32
    %dma_start3A_134 = tpu.memref_slice %arg3[%dma_start3A_132, %dma_start3A_133] : memref<1000000x64xf32, #tpu.memory_space<hbm>> -> memref<1000000x64xf32, #tpu.memory_space<hbm>>
    tpu.enqueue_indirect_dma source(%dma_start3A_134 : memref<1000000x64xf32, #tpu.memory_space<hbm>>) target(%dma_start3A_128 : memref<96x64xf32, #tpu.memory_space<vmem>>) offsets(%dma_start3A_131 : memref<96xi32, #tpu.memory_space<vmem>>) semaphore(%arg11 : memref<!tpu.dma_semaphore, #tpu.memory_space<semaphore_mem>>)
    %div3A_135 = arith.constant 4 : i32
    %div3A_136 = arith.constant 32 : i32
    %div3A_137 = arith.divsi %div3A_135, %div3A_136 : i32
    %rem3A_138 = arith.constant 2 : i32
    %rem3A_139 = arith.remsi %div3A_137, %rem3A_138 : i32
    %rem3A_140 = arith.constant 4 : i32
    %rem3A_141 = arith.constant 32 : i32
    %rem3A_142 = arith.remsi %rem3A_140, %rem3A_141 : i32
    %dma_start3A_143 = arith.constant 4 : i32
    %dma_start3A_144 = arith.constant 0 : i32
    %dma_start3A_145 = arith.constant 0 : i32
    %dma_start3A_146 = tpu.memref_slice %arg6[%dma_start3A_143, %dma_start3A_144, %dma_start3A_145] : memref<8x200x64xf32, #tpu.memory_space<vmem>> -> memref<1x104x64xf32, #tpu.memory_space<vmem>>
    %dma_start3A_147 = tpu.memref_squeeze %dma_start3A_146 : memref<1x104x64xf32, #tpu.memory_space<vmem>> -> memref<104x64xf32, #tpu.memory_space<vmem>>
    %dma_start3A_148 = arith.constant 0 : i32
    %dma_start3A_149 = tpu.memref_slice %arg5[%rem3A_139, %rem3A_142, %dma_start3A_148] : memref<2x32x200xi32, #tpu.memory_space<vmem>> -> memref<1x1x104xi32, #tpu.memory_space<vmem>>
    %dma_start3A_150 = tpu.memref_squeeze %dma_start3A_149 : memref<1x1x104xi32, #tpu.memory_space<vmem>> -> memref<104xi32, #tpu.memory_space<vmem>>
    %dma_start3A_151 = arith.constant 0 : i32
    %dma_start3A_152 = arith.constant 0 : i32
    %dma_start3A_153 = tpu.memref_slice %arg3[%dma_start3A_151, %dma_start3A_152] : memref<1000000x64xf32, #tpu.memory_space<hbm>> -> memref<1000000x64xf32, #tpu.memory_space<hbm>>
    tpu.enqueue_indirect_dma source(%dma_start3A_153 : memref<1000000x64xf32, #tpu.memory_space<hbm>>) target(%dma_start3A_147 : memref<104x64xf32, #tpu.memory_space<vmem>>) offsets(%dma_start3A_150 : memref<104xi32, #tpu.memory_space<vmem>>) semaphore(%arg12 : memref<!tpu.dma_semaphore, #tpu.memory_space<semaphore_mem>>)
    %dma_start3A_154 = arith.constant 4 : i32
    %dma_start3A_155 = arith.constant 104 : i32
    %dma_start3A_156 = arith.constant 0 : i32
    %dma_start3A_157 = tpu.memref_slice %arg6[%dma_start3A_154, %dma_start3A_155, %dma_start3A_156] : memref<8x200x64xf32, #tpu.memory_space<vmem>> -> memref<1x96x64xf32, #tpu.memory_space<vmem>>
    %dma_start3A_158 = tpu.memref_squeeze %dma_start3A_157 : memref<1x96x64xf32, #tpu.memory_space<vmem>> -> memref<96x64xf32, #tpu.memory_space<vmem>>
    %dma_start3A_159 = arith.constant 104 : i32
    %dma_start3A_160 = tpu.memref_slice %arg5[%rem3A_139, %rem3A_142, %dma_start3A_159] : memref<2x32x200xi32, #tpu.memory_space<vmem>> -> memref<1x1x96xi32, #tpu.memory_space<vmem>>
    %dma_start3A_161 = tpu.memref_squeeze %dma_start3A_160 : memref<1x1x96xi32, #tpu.memory_space<vmem>> -> memref<96xi32, #tpu.memory_space<vmem>>
    %dma_start3A_162 = arith.constant 0 : i32
    %dma_start3A_163 = arith.constant 0 : i32
    %dma_start3A_164 = tpu.memref_slice %arg3[%dma_start3A_162, %dma_start3A_163] : memref<1000000x64xf32, #tpu.memory_space<hbm>> -> memref<1000000x64xf32, #tpu.memory_space<hbm>>
    tpu.enqueue_indirect_dma source(%dma_start3A_164 : memref<1000000x64xf32, #tpu.memory_space<hbm>>) target(%dma_start3A_158 : memref<96x64xf32, #tpu.memory_space<vmem>>) offsets(%dma_start3A_161 : memref<96xi32, #tpu.memory_space<vmem>>) semaphore(%arg12 : memref<!tpu.dma_semaphore, #tpu.memory_space<semaphore_mem>>)
    %div3A_165 = arith.constant 5 : i32
    %div3A_166 = arith.constant 32 : i32
    %div3A_167 = arith.divsi %div3A_165, %div3A_166 : i32
    %rem3A_168 = arith.constant 2 : i32
    %rem3A_169 = arith.remsi %div3A_167, %rem3A_168 : i32
    %rem3A_170 = arith.constant 5 : i32
    %rem3A_171 = arith.constant 32 : i32
    %rem3A_172 = arith.remsi %rem3A_170, %rem3A_171 : i32
    %dma_start3A_173 = arith.constant 5 : i32
    %dma_start3A_174 = arith.constant 0 : i32
    %dma_start3A_175 = arith.constant 0 : i32
    %dma_start3A_176 = tpu.memref_slice %arg6[%dma_start3A_173, %dma_start3A_174, %dma_start3A_175] : memref<8x200x64xf32, #tpu.memory_space<vmem>> -> memref<1x104x64xf32, #tpu.memory_space<vmem>>
    %dma_start3A_177 = tpu.memref_squeeze %dma_start3A_176 : memref<1x104x64xf32, #tpu.memory_space<vmem>> -> memref<104x64xf32, #tpu.memory_space<vmem>>
    %dma_start3A_178 = arith.constant 0 : i32
    %dma_start3A_179 = tpu.memref_slice %arg5[%rem3A_169, %rem3A_172, %dma_start3A_178] : memref<2x32x200xi32, #tpu.memory_space<vmem>> -> memref<1x1x104xi32, #tpu.memory_space<vmem>>
    %dma_start3A_180 = tpu.memref_squeeze %dma_start3A_179 : memref<1x1x104xi32, #tpu.memory_space<vmem>> -> memref<104xi32, #tpu.memory_space<vmem>>
    %dma_start3A_181 = arith.constant 0 : i32
    %dma_start3A_182 = arith.constant 0 : i32
    %dma_start3A_183 = tpu.memref_slice %arg3[%dma_start3A_181, %dma_start3A_182] : memref<1000000x64xf32, #tpu.memory_space<hbm>> -> memref<1000000x64xf32, #tpu.memory_space<hbm>>
    tpu.enqueue_indirect_dma source(%dma_start3A_183 : memref<1000000x64xf32, #tpu.memory_space<hbm>>) target(%dma_start3A_177 : memref<104x64xf32, #tpu.memory_space<vmem>>) offsets(%dma_start3A_180 : memref<104xi32, #tpu.memory_space<vmem>>) semaphore(%arg13 : memref<!tpu.dma_semaphore, #tpu.memory_space<semaphore_mem>>)
    %dma_start3A_184 = arith.constant 5 : i32
    %dma_start3A_185 = arith.constant 104 : i32
    %dma_start3A_186 = arith.constant 0 : i32
    %dma_start3A_187 = tpu.memref_slice %arg6[%dma_start3A_184, %dma_start3A_185, %dma_start3A_186] : memref<8x200x64xf32, #tpu.memory_space<vmem>> -> memref<1x96x64xf32, #tpu.memory_space<vmem>>
    %dma_start3A_188 = tpu.memref_squeeze %dma_start3A_187 : memref<1x96x64xf32, #tpu.memory_space<vmem>> -> memref<96x64xf32, #tpu.memory_space<vmem>>
    %dma_start3A_189 = arith.constant 104 : i32
    %dma_start3A_190 = tpu.memref_slice %arg5[%rem3A_169, %rem3A_172, %dma_start3A_189] : memref<2x32x200xi32, #tpu.memory_space<vmem>> -> memref<1x1x96xi32, #tpu.memory_space<vmem>>
    %dma_start3A_191 = tpu.memref_squeeze %dma_start3A_190 : memref<1x1x96xi32, #tpu.memory_space<vmem>> -> memref<96xi32, #tpu.memory_space<vmem>>
    %dma_start3A_192 = arith.constant 0 : i32
    %dma_start3A_193 = arith.constant 0 : i32
    %dma_start3A_194 = tpu.memref_slice %arg3[%dma_start3A_192, %dma_start3A_193] : memref<1000000x64xf32, #tpu.memory_space<hbm>> -> memref<1000000x64xf32, #tpu.memory_space<hbm>>
    tpu.enqueue_indirect_dma source(%dma_start3A_194 : memref<1000000x64xf32, #tpu.memory_space<hbm>>) target(%dma_start3A_188 : memref<96x64xf32, #tpu.memory_space<vmem>>) offsets(%dma_start3A_191 : memref<96xi32, #tpu.memory_space<vmem>>) semaphore(%arg13 : memref<!tpu.dma_semaphore, #tpu.memory_space<semaphore_mem>>)
    %div3A_195 = arith.constant 6 : i32
    %div3A_196 = arith.constant 32 : i32
    %div3A_197 = arith.divsi %div3A_195, %div3A_196 : i32
    %rem3A_198 = arith.constant 2 : i32
    %rem3A_199 = arith.remsi %div3A_197, %rem3A_198 : i32
    %rem3A_200 = arith.constant 6 : i32
    %rem3A_201 = arith.constant 32 : i32
    %rem3A_202 = arith.remsi %rem3A_200, %rem3A_201 : i32
    %dma_start3A_203 = arith.constant 6 : i32
    %dma_start3A_204 = arith.constant 0 : i32
    %dma_start3A_205 = arith.constant 0 : i32
    %dma_start3A_206 = tpu.memref_slice %arg6[%dma_start3A_203, %dma_start3A_204, %dma_start3A_205] : memref<8x200x64xf32, #tpu.memory_space<vmem>> -> memref<1x104x64xf32, #tpu.memory_space<vmem>>
    %dma_start3A_207 = tpu.memref_squeeze %dma_start3A_206 : memref<1x104x64xf32, #tpu.memory_space<vmem>> -> memref<104x64xf32, #tpu.memory_space<vmem>>
    %dma_start3A_208 = arith.constant 0 : i32
    %dma_start3A_209 = tpu.memref_slice %arg5[%rem3A_199, %rem3A_202, %dma_start3A_208] : memref<2x32x200xi32, #tpu.memory_space<vmem>> -> memref<1x1x104xi32, #tpu.memory_space<vmem>>
    %dma_start3A_210 = tpu.memref_squeeze %dma_start3A_209 : memref<1x1x104xi32, #tpu.memory_space<vmem>> -> memref<104xi32, #tpu.memory_space<vmem>>
    %dma_start3A_211 = arith.constant 0 : i32
    %dma_start3A_212 = arith.constant 0 : i32
    %dma_start3A_213 = tpu.memref_slice %arg3[%dma_start3A_211, %dma_start3A_212] : memref<1000000x64xf32, #tpu.memory_space<hbm>> -> memref<1000000x64xf32, #tpu.memory_space<hbm>>
    tpu.enqueue_indirect_dma source(%dma_start3A_213 : memref<1000000x64xf32, #tpu.memory_space<hbm>>) target(%dma_start3A_207 : memref<104x64xf32, #tpu.memory_space<vmem>>) offsets(%dma_start3A_210 : memref<104xi32, #tpu.memory_space<vmem>>) semaphore(%arg14 : memref<!tpu.dma_semaphore, #tpu.memory_space<semaphore_mem>>)
    %dma_start3A_214 = arith.constant 6 : i32
    %dma_start3A_215 = arith.constant 104 : i32
    %dma_start3A_216 = arith.constant 0 : i32
    %dma_start3A_217 = tpu.memref_slice %arg6[%dma_start3A_214, %dma_start3A_215, %dma_start3A_216] : memref<8x200x64xf32, #tpu.memory_space<vmem>> -> memref<1x96x64xf32, #tpu.memory_space<vmem>>
    %dma_start3A_218 = tpu.memref_squeeze %dma_start3A_217 : memref<1x96x64xf32, #tpu.memory_space<vmem>> -> memref<96x64xf32, #tpu.memory_space<vmem>>
    %dma_start3A_219 = arith.constant 104 : i32
    %dma_start3A_220 = tpu.memref_slice %arg5[%rem3A_199, %rem3A_202, %dma_start3A_219] : memref<2x32x200xi32, #tpu.memory_space<vmem>> -> memref<1x1x96xi32, #tpu.memory_space<vmem>>
    %dma_start3A_221 = tpu.memref_squeeze %dma_start3A_220 : memref<1x1x96xi32, #tpu.memory_space<vmem>> -> memref<96xi32, #tpu.memory_space<vmem>>
    %dma_start3A_222 = arith.constant 0 : i32
    %dma_start3A_223 = arith.constant 0 : i32
    %dma_start3A_224 = tpu.memref_slice %arg3[%dma_start3A_222, %dma_start3A_223] : memref<1000000x64xf32, #tpu.memory_space<hbm>> -> memref<1000000x64xf32, #tpu.memory_space<hbm>>
    tpu.enqueue_indirect_dma source(%dma_start3A_224 : memref<1000000x64xf32, #tpu.memory_space<hbm>>) target(%dma_start3A_218 : memref<96x64xf32, #tpu.memory_space<vmem>>) offsets(%dma_start3A_221 : memref<96xi32, #tpu.memory_space<vmem>>) semaphore(%arg14 : memref<!tpu.dma_semaphore, #tpu.memory_space<semaphore_mem>>)
    %div3A_225 = arith.constant 7 : i32
    %div3A_226 = arith.constant 32 : i32
    %div3A_227 = arith.divsi %div3A_225, %div3A_226 : i32
    %rem3A_228 = arith.constant 2 : i32
    %rem3A_229 = arith.remsi %div3A_227, %rem3A_228 : i32
    %rem3A_230 = arith.constant 7 : i32
    %rem3A_231 = arith.constant 32 : i32
    %rem3A_232 = arith.remsi %rem3A_230, %rem3A_231 : i32
    %dma_start3A_233 = arith.constant 7 : i32
    %dma_start3A_234 = arith.constant 0 : i32
    %dma_start3A_235 = arith.constant 0 : i32
    %dma_start3A_236 = tpu.memref_slice %arg6[%dma_start3A_233, %dma_start3A_234, %dma_start3A_235] : memref<8x200x64xf32, #tpu.memory_space<vmem>> -> memref<1x104x64xf32, #tpu.memory_space<vmem>>
    %dma_start3A_237 = tpu.memref_squeeze %dma_start3A_236 : memref<1x104x64xf32, #tpu.memory_space<vmem>> -> memref<104x64xf32, #tpu.memory_space<vmem>>
    %dma_start3A_238 = arith.constant 0 : i32
    %dma_start3A_239 = tpu.memref_slice %arg5[%rem3A_229, %rem3A_232, %dma_start3A_238] : memref<2x32x200xi32, #tpu.memory_space<vmem>> -> memref<1x1x104xi32, #tpu.memory_space<vmem>>
    %dma_start3A_240 = tpu.memref_squeeze %dma_start3A_239 : memref<1x1x104xi32, #tpu.memory_space<vmem>> -> memref<104xi32, #tpu.memory_space<vmem>>
    %dma_start3A_241 = arith.constant 0 : i32
    %dma_start3A_242 = arith.constant 0 : i32
    %dma_start3A_243 = tpu.memref_slice %arg3[%dma_start3A_241, %dma_start3A_242] : memref<1000000x64xf32, #tpu.memory_space<hbm>> -> memref<1000000x64xf32, #tpu.memory_space<hbm>>
    tpu.enqueue_indirect_dma source(%dma_start3A_243 : memref<1000000x64xf32, #tpu.memory_space<hbm>>) target(%dma_start3A_237 : memref<104x64xf32, #tpu.memory_space<vmem>>) offsets(%dma_start3A_240 : memref<104xi32, #tpu.memory_space<vmem>>) semaphore(%arg15 : memref<!tpu.dma_semaphore, #tpu.memory_space<semaphore_mem>>)
    %dma_start3A_244 = arith.constant 7 : i32
    %dma_start3A_245 = arith.constant 104 : i32
    %dma_start3A_246 = arith.constant 0 : i32
    %dma_start3A_247 = tpu.memref_slice %arg6[%dma_start3A_244, %dma_start3A_245, %dma_start3A_246] : memref<8x200x64xf32, #tpu.memory_space<vmem>> -> memref<1x96x64xf32, #tpu.memory_space<vmem>>
    %dma_start3A_248 = tpu.memref_squeeze %dma_start3A_247 : memref<1x96x64xf32, #tpu.memory_space<vmem>> -> memref<96x64xf32, #tpu.memory_space<vmem>>
    %dma_start3A_249 = arith.constant 104 : i32
    %dma_start3A_250 = tpu.memref_slice %arg5[%rem3A_229, %rem3A_232, %dma_start3A_249] : memref<2x32x200xi32, #tpu.memory_space<vmem>> -> memref<1x1x96xi32, #tpu.memory_space<vmem>>
    %dma_start3A_251 = tpu.memref_squeeze %dma_start3A_250 : memref<1x1x96xi32, #tpu.memory_space<vmem>> -> memref<96xi32, #tpu.memory_space<vmem>>
    %dma_start3A_252 = arith.constant 0 : i32
    %dma_start3A_253 = arith.constant 0 : i32
    %dma_start3A_254 = tpu.memref_slice %arg3[%dma_start3A_252, %dma_start3A_253] : memref<1000000x64xf32, #tpu.memory_space<hbm>> -> memref<1000000x64xf32, #tpu.memory_space<hbm>>
    tpu.enqueue_indirect_dma source(%dma_start3A_254 : memref<1000000x64xf32, #tpu.memory_space<hbm>>) target(%dma_start3A_248 : memref<96x64xf32, #tpu.memory_space<vmem>>) offsets(%dma_start3A_251 : memref<96xi32, #tpu.memory_space<vmem>>) semaphore(%arg15 : memref<!tpu.dma_semaphore, #tpu.memory_space<semaphore_mem>>)
    %scan3A = arith.constant 0 : i32
    %scan3A_255 = arith.constant 0 : i32
    %scan3A_256 = arith.constant 64 : i32
    %scan3A_257 = arith.addi %scan3A_255, %scan3A_256 : i32
    %scan3A_258 = arith.constant 1 : i32
    %scan3A_259 = scf.for %scan3A_273 = %scan3A_255 to %scan3A_257 step %scan3A_258 iter_args(%scan3A_274 = %scan3A) -> (i32)  : i32 {
      %mul3A_275 = arith.constant 8 : i32
      %mul3A_276 = arith.muli %scan3A_273, %mul3A_275 : i32
      %add3A_277 = arith.constant 0 : i32
      %add3A_278 = arith.addi %mul3A_276, %add3A_277 : i32
      %div3A_279 = arith.constant 32 : i32
      %div3A_280 = arith.divsi %add3A_278, %div3A_279 : i32
      %rem3A_281 = arith.constant 2 : i32
      %rem3A_282 = arith.remsi %div3A_280, %rem3A_281 : i32
      %rem3A_283 = arith.constant 32 : i32
      %rem3A_284 = arith.remsi %add3A_278, %rem3A_283 : i32
      %dma_wait3A_285 = arith.constant 0 : i32
      %dma_wait3A_286 = arith.constant 0 : i32
      %dma_wait3A_287 = arith.constant 0 : i32
      %dma_wait3A_288 = tpu.memref_slice %arg6[%dma_wait3A_285, %dma_wait3A_286, %dma_wait3A_287] : memref<8x200x64xf32, #tpu.memory_space<vmem>> -> memref<1x104x64xf32, #tpu.memory_space<vmem>>
      %dma_wait3A_289 = tpu.memref_squeeze %dma_wait3A_288 : memref<1x104x64xf32, #tpu.memory_space<vmem>> -> memref<104x64xf32, #tpu.memory_space<vmem>>
      %dma_wait3A_290 = arith.constant 0 : i32
      %dma_wait3A_291 = tpu.memref_slice %arg5[%rem3A_282, %rem3A_284, %dma_wait3A_290] : memref<2x32x200xi32, #tpu.memory_space<vmem>> -> memref<1x1x104xi32, #tpu.memory_space<vmem>>
      %dma_wait3A_292 = tpu.memref_squeeze %dma_wait3A_291 : memref<1x1x104xi32, #tpu.memory_space<vmem>> -> memref<104xi32, #tpu.memory_space<vmem>>
      %dma_wait3A_293 = arith.constant 0 : i32
      %dma_wait3A_294 = arith.constant 0 : i32
      %dma_wait3A_295 = tpu.memref_slice %arg3[%dma_wait3A_293, %dma_wait3A_294] : memref<1000000x64xf32, #tpu.memory_space<hbm>> -> memref<1000000x64xf32, #tpu.memory_space<hbm>>
      tpu.wait_indirect_dma semaphore(%arg8 : memref<!tpu.dma_semaphore, #tpu.memory_space<semaphore_mem>>) src(%dma_wait3A_295 : memref<1000000x64xf32, #tpu.memory_space<hbm>>) dst(%dma_wait3A_289 : memref<104x64xf32, #tpu.memory_space<vmem>>)
      %dma_wait3A_296 = arith.constant 0 : i32
      %dma_wait3A_297 = arith.constant 104 : i32
      %dma_wait3A_298 = arith.constant 0 : i32
      %dma_wait3A_299 = tpu.memref_slice %arg6[%dma_wait3A_296, %dma_wait3A_297, %dma_wait3A_298] : memref<8x200x64xf32, #tpu.memory_space<vmem>> -> memref<1x96x64xf32, #tpu.memory_space<vmem>>
      %dma_wait3A_300 = tpu.memref_squeeze %dma_wait3A_299 : memref<1x96x64xf32, #tpu.memory_space<vmem>> -> memref<96x64xf32, #tpu.memory_space<vmem>>
      %dma_wait3A_301 = arith.constant 104 : i32
      %dma_wait3A_302 = tpu.memref_slice %arg5[%rem3A_282, %rem3A_284, %dma_wait3A_301] : memref<2x32x200xi32, #tpu.memory_space<vmem>> -> memref<1x1x96xi32, #tpu.memory_space<vmem>>
      %dma_wait3A_303 = tpu.memref_squeeze %dma_wait3A_302 : memref<1x1x96xi32, #tpu.memory_space<vmem>> -> memref<96xi32, #tpu.memory_space<vmem>>
      %dma_wait3A_304 = arith.constant 0 : i32
      %dma_wait3A_305 = arith.constant 0 : i32
      %dma_wait3A_306 = tpu.memref_slice %arg3[%dma_wait3A_304, %dma_wait3A_305] : memref<1000000x64xf32, #tpu.memory_space<hbm>> -> memref<1000000x64xf32, #tpu.memory_space<hbm>>
      tpu.wait_indirect_dma semaphore(%arg8 : memref<!tpu.dma_semaphore, #tpu.memory_space<semaphore_mem>>) src(%dma_wait3A_306 : memref<1000000x64xf32, #tpu.memory_space<hbm>>) dst(%dma_wait3A_300 : memref<96x64xf32, #tpu.memory_space<vmem>>)
      %broadcast_in_dim3A = arith.constant 0.000000e+00 : f32
      %broadcast_in_dim3A_307 = vector.broadcast %broadcast_in_dim3A : f32 to vector<16xf32>
      %scan3A_308 = arith.constant 0 : i32
      %scan3A_309 = arith.constant 0 : i32
      %scan3A_310 = arith.constant 200 : i32
      %scan3A_311 = arith.addi %scan3A_309, %scan3A_310 : i32
      %scan3A_312 = arith.constant 8 : i32
      %scan3A_313:4 = scf.for %scan3A_1228 = %scan3A_309 to %scan3A_311 step %scan3A_312 iter_args(%scan3A_1229 = %broadcast_in_dim3A_307, %scan3A_1230 = %broadcast_in_dim3A_307, %scan3A_1231 = %broadcast_in_dim3A_307, %scan3A_1232 = %broadcast_in_dim3A_307) -> (vector<16xf32>, vector<16xf32>, vector<16xf32>, vector<16xf32>)  : i32 {
        %get3A = arith.constant 0 : i32
        %get3A_1233 = arith.constant 0 : i32
        %get3A_1234 = tpu.memref_slice %arg6[%scan3A_308, %get3A, %get3A_1233] : memref<8x200x64xf32, #tpu.memory_space<vmem>> -> memref<1x200x64xf32, #tpu.memory_space<vmem>>
        %get3A_1235 = tpu.memref_squeeze %get3A_1234 : memref<1x200x64xf32, #tpu.memory_space<vmem>> -> memref<200x64xf32, #tpu.memory_space<vmem>>
        %get3A_1236 = arith.index_cast %scan3A_1228 : i32 to index
        %get3A_1237 = arith.constant 0 : index
        %get3A_1238 = tpu.vector_load %get3A_1235[%get3A_1236, %get3A_1237] {strides = array<i32>} : memref<200x64xf32, #tpu.memory_space<vmem>>, vector<1x16xf32>,
        %get3A_1239 = vector.shape_cast %get3A_1238 : vector<1x16xf32> to vector<16xf32>
        %add3A_1240 = arith.addf %scan3A_1229, %get3A_1239 : vector<16xf32>
        %get3A_1241 = arith.constant 0 : i32
        %get3A_1242 = arith.constant 0 : i32
        %get3A_1243 = tpu.memref_slice %arg6[%scan3A_308, %get3A_1241, %get3A_1242] : memref<8x200x64xf32, #tpu.memory_space<vmem>> -> memref<1x200x64xf32, #tpu.memory_space<vmem>>
        %get3A_1244 = tpu.memref_squeeze %get3A_1243 : memref<1x200x64xf32, #tpu.memory_space<vmem>> -> memref<200x64xf32, #tpu.memory_space<vmem>>
        %get3A_1245 = arith.index_cast %scan3A_1228 : i32 to index
        %get3A_1246 = arith.constant 16 : index
        %get3A_1247 = tpu.vector_load %get3A_1244[%get3A_1245, %get3A_1246] {strides = array<i32>} : memref<200x64xf32, #tpu.memory_space<vmem>>, vector<1x16xf32>,
        %get3A_1248 = vector.shape_cast %get3A_1247 : vector<1x16xf32> to vector<16xf32>
        %add3A_1249 = arith.addf %scan3A_1230, %get3A_1248 : vector<16xf32>
        %get3A_1250 = arith.constant 0 : i32
        %get3A_1251 = arith.constant 0 : i32
        %get3A_1252 = tpu.memref_slice %arg6[%scan3A_308, %get3A_1250, %get3A_1251] : memref<8x200x64xf32, #tpu.memory_space<vmem>> -> memref<1x200x64xf32, #tpu.memory_space<vmem>>
        %get3A_1253 = tpu.memref_squeeze %get3A_1252 : memref<1x200x64xf32, #tpu.memory_space<vmem>> -> memref<200x64xf32, #tpu.memory_space<vmem>>
        %get3A_1254 = arith.index_cast %scan3A_1228 : i32 to index
        %get3A_1255 = arith.constant 32 : index
        %get3A_1256 = tpu.vector_load %get3A_1253[%get3A_1254, %get3A_1255] {strides = array<i32>} : memref<200x64xf32, #tpu.memory_space<vmem>>, vector<1x16xf32>,
        %get3A_1257 = vector.shape_cast %get3A_1256 : vector<1x16xf32> to vector<16xf32>
        %add3A_1258 = arith.addf %scan3A_1231, %get3A_1257 : vector<16xf32>
        %get3A_1259 = arith.constant 0 : i32
        %get3A_1260 = arith.constant 0 : i32
        %get3A_1261 = tpu.memref_slice %arg6[%scan3A_308, %get3A_1259, %get3A_1260] : memref<8x200x64xf32, #tpu.memory_space<vmem>> -> memref<1x200x64xf32, #tpu.memory_space<vmem>>
        %get3A_1262 = tpu.memref_squeeze %get3A_1261 : memref<1x200x64xf32, #tpu.memory_space<vmem>> -> memref<200x64xf32, #tpu.memory_space<vmem>>
        %get3A_1263 = arith.index_cast %scan3A_1228 : i32 to index
        %get3A_1264 = arith.constant 48 : index
        %get3A_1265 = tpu.vector_load %get3A_1262[%get3A_1263, %get3A_1264] {strides = array<i32>} : memref<200x64xf32, #tpu.memory_space<vmem>>, vector<1x16xf32>,
        %get3A_1266 = vector.shape_cast %get3A_1265 : vector<1x16xf32> to vector<16xf32>
        %add3A_1267 = arith.addf %scan3A_1232, %get3A_1266 : vector<16xf32>
        %scan3A_1268 = arith.constant 1 : i32
        %scan3A_1269 = arith.addi %scan3A_1228, %scan3A_1268 : i32
        %get3A_1270 = arith.constant 0 : i32
        %get3A_1271 = arith.constant 0 : i32
        %get3A_1272 = tpu.memref_slice %arg6[%scan3A_308, %get3A_1270, %get3A_1271] : memref<8x200x64xf32, #tpu.memory_space<vmem>> -> memref<1x200x64xf32, #tpu.memory_space<vmem>>
        %get3A_1273 = tpu.memref_squeeze %get3A_1272 : memref<1x200x64xf32, #tpu.memory_space<vmem>> -> memref<200x64xf32, #tpu.memory_space<vmem>>
        %get3A_1274 = arith.index_cast %scan3A_1269 : i32 to index
        %get3A_1275 = arith.constant 0 : index
        %get3A_1276 = tpu.vector_load %get3A_1273[%get3A_1274, %get3A_1275] {strides = array<i32>} : memref<200x64xf32, #tpu.memory_space<vmem>>, vector<1x16xf32>,
        %get3A_1277 = vector.shape_cast %get3A_1276 : vector<1x16xf32> to vector<16xf32>
        %add3A_1278 = arith.addf %add3A_1240, %get3A_1277 : vector<16xf32>
        %get3A_1279 = arith.constant 0 : i32
        %get3A_1280 = arith.constant 0 : i32
        %get3A_1281 = tpu.memref_slice %arg6[%scan3A_308, %get3A_1279, %get3A_1280] : memref<8x200x64xf32, #tpu.memory_space<vmem>> -> memref<1x200x64xf32, #tpu.memory_space<vmem>>
        %get3A_1282 = tpu.memref_squeeze %get3A_1281 : memref<1x200x64xf32, #tpu.memory_space<vmem>> -> memref<200x64xf32, #tpu.memory_space<vmem>>
        %get3A_1283 = arith.index_cast %scan3A_1269 : i32 to index
        %get3A_1284 = arith.constant 16 : index
        %get3A_1285 = tpu.vector_load %get3A_1282[%get3A_1283, %get3A_1284] {strides = array<i32>} : memref<200x64xf32, #tpu.memory_space<vmem>>, vector<1x16xf32>,
        %get3A_1286 = vector.shape_cast %get3A_1285 : vector<1x16xf32> to vector<16xf32>
        %add3A_1287 = arith.addf %add3A_1249, %get3A_1286 : vector<16xf32>
        %get3A_1288 = arith.constant 0 : i32
        %get3A_1289 = arith.constant 0 : i32
        %get3A_1290 = tpu.memref_slice %arg6[%scan3A_308, %get3A_1288, %get3A_1289] : memref<8x200x64xf32, #tpu.memory_space<vmem>> -> memref<1x200x64xf32, #tpu.memory_space<vmem>>
        %get3A_1291 = tpu.memref_squeeze %get3A_1290 : memref<1x200x64xf32, #tpu.memory_space<vmem>> -> memref<200x64xf32, #tpu.memory_space<vmem>>
        %get3A_1292 = arith.index_cast %scan3A_1269 : i32 to index
        %get3A_1293 = arith.constant 32 : index
        %get3A_1294 = tpu.vector_load %get3A_1291[%get3A_1292, %get3A_1293] {strides = array<i32>} : memref<200x64xf32, #tpu.memory_space<vmem>>, vector<1x16xf32>,
        %get3A_1295 = vector.shape_cast %get3A_1294 : vector<1x16xf32> to vector<16xf32>
        %add3A_1296 = arith.addf %add3A_1258, %get3A_1295 : vector<16xf32>
        %get3A_1297 = arith.constant 0 : i32
        %get3A_1298 = arith.constant 0 : i32
        %get3A_1299 = tpu.memref_slice %arg6[%scan3A_308, %get3A_1297, %get3A_1298] : memref<8x200x64xf32, #tpu.memory_space<vmem>> -> memref<1x200x64xf32, #tpu.memory_space<vmem>>
        %get3A_1300 = tpu.memref_squeeze %get3A_1299 : memref<1x200x64xf32, #tpu.memory_space<vmem>> -> memref<200x64xf32, #tpu.memory_space<vmem>>
        %get3A_1301 = arith.index_cast %scan3A_1269 : i32 to index
        %get3A_1302 = arith.constant 48 : index
        %get3A_1303 = tpu.vector_load %get3A_1300[%get3A_1301, %get3A_1302] {strides = array<i32>} : memref<200x64xf32, #tpu.memory_space<vmem>>, vector<1x16xf32>,
        %get3A_1304 = vector.shape_cast %get3A_1303 : vector<1x16xf32> to vector<16xf32>
        %add3A_1305 = arith.addf %add3A_1267, %get3A_1304 : vector<16xf32>
        %scan3A_1306 = arith.constant 2 : i32
        %scan3A_1307 = arith.addi %scan3A_1228, %scan3A_1306 : i32
        %get3A_1308 = arith.constant 0 : i32
        %get3A_1309 = arith.constant 0 : i32
        %get3A_1310 = tpu.memref_slice %arg6[%scan3A_308, %get3A_1308, %get3A_1309] : memref<8x200x64xf32, #tpu.memory_space<vmem>> -> memref<1x200x64xf32, #tpu.memory_space<vmem>>
        %get3A_1311 = tpu.memref_squeeze %get3A_1310 : memref<1x200x64xf32, #tpu.memory_space<vmem>> -> memref<200x64xf32, #tpu.memory_space<vmem>>
        %get3A_1312 = arith.index_cast %scan3A_1307 : i32 to index
        %get3A_1313 = arith.constant 0 : index
        %get3A_1314 = tpu.vector_load %get3A_1311[%get3A_1312, %get3A_1313] {strides = array<i32>} : memref<200x64xf32, #tpu.memory_space<vmem>>, vector<1x16xf32>,
        %get3A_1315 = vector.shape_cast %get3A_1314 : vector<1x16xf32> to vector<16xf32>
        %add3A_1316 = arith.addf %add3A_1278, %get3A_1315 : vector<16xf32>
        %get3A_1317 = arith.constant 0 : i32
        %get3A_1318 = arith.constant 0 : i32
        %get3A_1319 = tpu.memref_slice %arg6[%scan3A_308, %get3A_1317, %get3A_1318] : memref<8x200x64xf32, #tpu.memory_space<vmem>> -> memref<1x200x64xf32, #tpu.memory_space<vmem>>
        %get3A_1320 = tpu.memref_squeeze %get3A_1319 : memref<1x200x64xf32, #tpu.memory_space<vmem>> -> memref<200x64xf32, #tpu.memory_space<vmem>>
        %get3A_1321 = arith.index_cast %scan3A_1307 : i32 to index
        %get3A_1322 = arith.constant 16 : index
        %get3A_1323 = tpu.vector_load %get3A_1320[%get3A_1321, %get3A_1322] {strides = array<i32>} : memref<200x64xf32, #tpu.memory_space<vmem>>, vector<1x16xf32>,
        %get3A_1324 = vector.shape_cast %get3A_1323 : vector<1x16xf32> to vector<16xf32>
        %add3A_1325 = arith.addf %add3A_1287, %get3A_1324 : vector<16xf32>
        %get3A_1326 = arith.constant 0 : i32
        %get3A_1327 = arith.constant 0 : i32
        %get3A_1328 = tpu.memref_slice %arg6[%scan3A_308, %get3A_1326, %get3A_1327] : memref<8x200x64xf32, #tpu.memory_space<vmem>> -> memref<1x200x64xf32, #tpu.memory_space<vmem>>
        %get3A_1329 = tpu.memref_squeeze %get3A_1328 : memref<1x200x64xf32, #tpu.memory_space<vmem>> -> memref<200x64xf32, #tpu.memory_space<vmem>>
        %get3A_1330 = arith.index_cast %scan3A_1307 : i32 to index
        %get3A_1331 = arith.constant 32 : index
        %get3A_1332 = tpu.vector_load %get3A_1329[%get3A_1330, %get3A_1331] {strides = array<i32>} : memref<200x64xf32, #tpu.memory_space<vmem>>, vector<1x16xf32>,
        %get3A_1333 = vector.shape_cast %get3A_1332 : vector<1x16xf32> to vector<16xf32>
        %add3A_1334 = arith.addf %add3A_1296, %get3A_1333 : vector<16xf32>
        %get3A_1335 = arith.constant 0 : i32
        %get3A_1336 = arith.constant 0 : i32
        %get3A_1337 = tpu.memref_slice %arg6[%scan3A_308, %get3A_1335, %get3A_1336] : memref<8x200x64xf32, #tpu.memory_space<vmem>> -> memref<1x200x64xf32, #tpu.memory_space<vmem>>
        %get3A_1338 = tpu.memref_squeeze %get3A_1337 : memref<1x200x64xf32, #tpu.memory_space<vmem>> -> memref<200x64xf32, #tpu.memory_space<vmem>>
        %get3A_1339 = arith.index_cast %scan3A_1307 : i32 to index
        %get3A_1340 = arith.constant 48 : index
        %get3A_1341 = tpu.vector_load %get3A_1338[%get3A_1339, %get3A_1340] {strides = array<i32>} : memref<200x64xf32, #tpu.memory_space<vmem>>, vector<1x16xf32>,
        %get3A_1342 = vector.shape_cast %get3A_1341 : vector<1x16xf32> to vector<16xf32>
        %add3A_1343 = arith.addf %add3A_1305, %get3A_1342 : vector<16xf32>
        %scan3A_1344 = arith.constant 3 : i32
        %scan3A_1345 = arith.addi %scan3A_1228, %scan3A_1344 : i32
        %get3A_1346 = arith.constant 0 : i32
        %get3A_1347 = arith.constant 0 : i32
        %get3A_1348 = tpu.memref_slice %arg6[%scan3A_308, %get3A_1346, %get3A_1347] : memref<8x200x64xf32, #tpu.memory_space<vmem>> -> memref<1x200x64xf32, #tpu.memory_space<vmem>>
        %get3A_1349 = tpu.memref_squeeze %get3A_1348 : memref<1x200x64xf32, #tpu.memory_space<vmem>> -> memref<200x64xf32, #tpu.memory_space<vmem>>
        %get3A_1350 = arith.index_cast %scan3A_1345 : i32 to index
        %get3A_1351 = arith.constant 0 : index
        %get3A_1352 = tpu.vector_load %get3A_1349[%get3A_1350, %get3A_1351] {strides = array<i32>} : memref<200x64xf32, #tpu.memory_space<vmem>>, vector<1x16xf32>,
        %get3A_1353 = vector.shape_cast %get3A_1352 : vector<1x16xf32> to vector<16xf32>
        %add3A_1354 = arith.addf %add3A_1316, %get3A_1353 : vector<16xf32>
        %get3A_1355 = arith.constant 0 : i32
        %get3A_1356 = arith.constant 0 : i32
        %get3A_1357 = tpu.memref_slice %arg6[%scan3A_308, %get3A_1355, %get3A_1356] : memref<8x200x64xf32, #tpu.memory_space<vmem>> -> memref<1x200x64xf32, #tpu.memory_space<vmem>>
        %get3A_1358 = tpu.memref_squeeze %get3A_1357 : memref<1x200x64xf32, #tpu.memory_space<vmem>> -> memref<200x64xf32, #tpu.memory_space<vmem>>
        %get3A_1359 = arith.index_cast %scan3A_1345 : i32 to index
        %get3A_1360 = arith.constant 16 : index
        %get3A_1361 = tpu.vector_load %get3A_1358[%get3A_1359, %get3A_1360] {strides = array<i32>} : memref<200x64xf32, #tpu.memory_space<vmem>>, vector<1x16xf32>,
        %get3A_1362 = vector.shape_cast %get3A_1361 : vector<1x16xf32> to vector<16xf32>
        %add3A_1363 = arith.addf %add3A_1325, %get3A_1362 : vector<16xf32>
        %get3A_1364 = arith.constant 0 : i32
        %get3A_1365 = arith.constant 0 : i32
        %get3A_1366 = tpu.memref_slice %arg6[%scan3A_308, %get3A_1364, %get3A_1365] : memref<8x200x64xf32, #tpu.memory_space<vmem>> -> memref<1x200x64xf32, #tpu.memory_space<vmem>>
        %get3A_1367 = tpu.memref_squeeze %get3A_1366 : memref<1x200x64xf32, #tpu.memory_space<vmem>> -> memref<200x64xf32, #tpu.memory_space<vmem>>
        %get3A_1368 = arith.index_cast %scan3A_1345 : i32 to index
        %get3A_1369 = arith.constant 32 : index
        %get3A_1370 = tpu.vector_load %get3A_1367[%get3A_1368, %get3A_1369] {strides = array<i32>} : memref<200x64xf32, #tpu.memory_space<vmem>>, vector<1x16xf32>,
        %get3A_1371 = vector.shape_cast %get3A_1370 : vector<1x16xf32> to vector<16xf32>
        %add3A_1372 = arith.addf %add3A_1334, %get3A_1371 : vector<16xf32>
        %get3A_1373 = arith.constant 0 : i32
        %get3A_1374 = arith.constant 0 : i32
        %get3A_1375 = tpu.memref_slice %arg6[%scan3A_308, %get3A_1373, %get3A_1374] : memref<8x200x64xf32, #tpu.memory_space<vmem>> -> memref<1x200x64xf32, #tpu.memory_space<vmem>>
        %get3A_1376 = tpu.memref_squeeze %get3A_1375 : memref<1x200x64xf32, #tpu.memory_space<vmem>> -> memref<200x64xf32, #tpu.memory_space<vmem>>
        %get3A_1377 = arith.index_cast %scan3A_1345 : i32 to index
        %get3A_1378 = arith.constant 48 : index
        %get3A_1379 = tpu.vector_load %get3A_1376[%get3A_1377, %get3A_1378] {strides = array<i32>} : memref<200x64xf32, #tpu.memory_space<vmem>>, vector<1x16xf32>,
        %get3A_1380 = vector.shape_cast %get3A_1379 : vector<1x16xf32> to vector<16xf32>
        %add3A_1381 = arith.addf %add3A_1343, %get3A_1380 : vector<16xf32>
        %scan3A_1382 = arith.constant 4 : i32
        %scan3A_1383 = arith.addi %scan3A_1228, %scan3A_1382 : i32
        %get3A_1384 = arith.constant 0 : i32
        %get3A_1385 = arith.constant 0 : i32
        %get3A_1386 = tpu.memref_slice %arg6[%scan3A_308, %get3A_1384, %get3A_1385] : memref<8x200x64xf32, #tpu.memory_space<vmem>> -> memref<1x200x64xf32, #tpu.memory_space<vmem>>
        %get3A_1387 = tpu.memref_squeeze %get3A_1386 : memref<1x200x64xf32, #tpu.memory_space<vmem>> -> memref<200x64xf32, #tpu.memory_space<vmem>>
        %get3A_1388 = arith.index_cast %scan3A_1383 : i32 to index
        %get3A_1389 = arith.constant 0 : index
        %get3A_1390 = tpu.vector_load %get3A_1387[%get3A_1388, %get3A_1389] {strides = array<i32>} : memref<200x64xf32, #tpu.memory_space<vmem>>, vector<1x16xf32>,
        %get3A_1391 = vector.shape_cast %get3A_1390 : vector<1x16xf32> to vector<16xf32>
        %add3A_1392 = arith.addf %add3A_1354, %get3A_1391 : vector<16xf32>
        %get3A_1393 = arith.constant 0 : i32
        %get3A_1394 = arith.constant 0 : i32
        %get3A_1395 = tpu.memref_slice %arg6[%scan3A_308, %get3A_1393, %get3A_1394] : memref<8x200x64xf32, #tpu.memory_space<vmem>> -> memref<1x200x64xf32, #tpu.memory_space<vmem>>
        %get3A_1396 = tpu.memref_squeeze %get3A_1395 : memref<1x200x64xf32, #tpu.memory_space<vmem>> -> memref<200x64xf32, #tpu.memory_space<vmem>>
        %get3A_1397 = arith.index_cast %scan3A_1383 : i32 to index
        %get3A_1398 = arith.constant 16 : index
        %get3A_1399 = tpu.vector_load %get3A_1396[%get3A_1397, %get3A_1398] {strides = array<i32>} : memref<200x64xf32, #tpu.memory_space<vmem>>, vector<1x16xf32>,
        %get3A_1400 = vector.shape_cast %get3A_1399 : vector<1x16xf32> to vector<16xf32>
        %add3A_1401 = arith.addf %add3A_1363, %get3A_1400 : vector<16xf32>
        %get3A_1402 = arith.constant 0 : i32
        %get3A_1403 = arith.constant 0 : i32
        %get3A_1404 = tpu.memref_slice %arg6[%scan3A_308, %get3A_1402, %get3A_1403] : memref<8x200x64xf32, #tpu.memory_space<vmem>> -> memref<1x200x64xf32, #tpu.memory_space<vmem>>
        %get3A_1405 = tpu.memref_squeeze %get3A_1404 : memref<1x200x64xf32, #tpu.memory_space<vmem>> -> memref<200x64xf32, #tpu.memory_space<vmem>>
        %get3A_1406 = arith.index_cast %scan3A_1383 : i32 to index
        %get3A_1407 = arith.constant 32 : index
        %get3A_1408 = tpu.vector_load %get3A_1405[%get3A_1406, %get3A_1407] {strides = array<i32>} : memref<200x64xf32, #tpu.memory_space<vmem>>, vector<1x16xf32>,
        %get3A_1409 = vector.shape_cast %get3A_1408 : vector<1x16xf32> to vector<16xf32>
        %add3A_1410 = arith.addf %add3A_1372, %get3A_1409 : vector<16xf32>
        %get3A_1411 = arith.constant 0 : i32
        %get3A_1412 = arith.constant 0 : i32
        %get3A_1413 = tpu.memref_slice %arg6[%scan3A_308, %get3A_1411, %get3A_1412] : memref<8x200x64xf32, #tpu.memory_space<vmem>> -> memref<1x200x64xf32, #tpu.memory_space<vmem>>
        %get3A_1414 = tpu.memref_squeeze %get3A_1413 : memref<1x200x64xf32, #tpu.memory_space<vmem>> -> memref<200x64xf32, #tpu.memory_space<vmem>>
        %get3A_1415 = arith.index_cast %scan3A_1383 : i32 to index
        %get3A_1416 = arith.constant 48 : index
        %get3A_1417 = tpu.vector_load %get3A_1414[%get3A_1415, %get3A_1416] {strides = array<i32>} : memref<200x64xf32, #tpu.memory_space<vmem>>, vector<1x16xf32>,
        %get3A_1418 = vector.shape_cast %get3A_1417 : vector<1x16xf32> to vector<16xf32>
        %add3A_1419 = arith.addf %add3A_1381, %get3A_1418 : vector<16xf32>
        %scan3A_1420 = arith.constant 5 : i32
        %scan3A_1421 = arith.addi %scan3A_1228, %scan3A_1420 : i32
        %get3A_1422 = arith.constant 0 : i32
        %get3A_1423 = arith.constant 0 : i32
        %get3A_1424 = tpu.memref_slice %arg6[%scan3A_308, %get3A_1422, %get3A_1423] : memref<8x200x64xf32, #tpu.memory_space<vmem>> -> memref<1x200x64xf32, #tpu.memory_space<vmem>>
        %get3A_1425 = tpu.memref_squeeze %get3A_1424 : memref<1x200x64xf32, #tpu.memory_space<vmem>> -> memref<200x64xf32, #tpu.memory_space<vmem>>
        %get3A_1426 = arith.index_cast %scan3A_1421 : i32 to index
        %get3A_1427 = arith.constant 0 : index
        %get3A_1428 = tpu.vector_load %get3A_1425[%get3A_1426, %get3A_1427] {strides = array<i32>} : memref<200x64xf32, #tpu.memory_space<vmem>>, vector<1x16xf32>,
        %get3A_1429 = vector.shape_cast %get3A_1428 : vector<1x16xf32> to vector<16xf32>
        %add3A_1430 = arith.addf %add3A_1392, %get3A_1429 : vector<16xf32>
        %get3A_1431 = arith.constant 0 : i32
        %get3A_1432 = arith.constant 0 : i32
        %get3A_1433 = tpu.memref_slice %arg6[%scan3A_308, %get3A_1431, %get3A_1432] : memref<8x200x64xf32, #tpu.memory_space<vmem>> -> memref<1x200x64xf32, #tpu.memory_space<vmem>>
        %get3A_1434 = tpu.memref_squeeze %get3A_1433 : memref<1x200x64xf32, #tpu.memory_space<vmem>> -> memref<200x64xf32, #tpu.memory_space<vmem>>
        %get3A_1435 = arith.index_cast %scan3A_1421 : i32 to index
        %get3A_1436 = arith.constant 16 : index
        %get3A_1437 = tpu.vector_load %get3A_1434[%get3A_1435, %get3A_1436] {strides = array<i32>} : memref<200x64xf32, #tpu.memory_space<vmem>>, vector<1x16xf32>,
        %get3A_1438 = vector.shape_cast %get3A_1437 : vector<1x16xf32> to vector<16xf32>
        %add3A_1439 = arith.addf %add3A_1401, %get3A_1438 : vector<16xf32>
        %get3A_1440 = arith.constant 0 : i32
        %get3A_1441 = arith.constant 0 : i32
        %get3A_1442 = tpu.memref_slice %arg6[%scan3A_308, %get3A_1440, %get3A_1441] : memref<8x200x64xf32, #tpu.memory_space<vmem>> -> memref<1x200x64xf32, #tpu.memory_space<vmem>>
        %get3A_1443 = tpu.memref_squeeze %get3A_1442 : memref<1x200x64xf32, #tpu.memory_space<vmem>> -> memref<200x64xf32, #tpu.memory_space<vmem>>
        %get3A_1444 = arith.index_cast %scan3A_1421 : i32 to index
        %get3A_1445 = arith.constant 32 : index
        %get3A_1446 = tpu.vector_load %get3A_1443[%get3A_1444, %get3A_1445] {strides = array<i32>} : memref<200x64xf32, #tpu.memory_space<vmem>>, vector<1x16xf32>,
        %get3A_1447 = vector.shape_cast %get3A_1446 : vector<1x16xf32> to vector<16xf32>
        %add3A_1448 = arith.addf %add3A_1410, %get3A_1447 : vector<16xf32>
        %get3A_1449 = arith.constant 0 : i32
        %get3A_1450 = arith.constant 0 : i32
        %get3A_1451 = tpu.memref_slice %arg6[%scan3A_308, %get3A_1449, %get3A_1450] : memref<8x200x64xf32, #tpu.memory_space<vmem>> -> memref<1x200x64xf32, #tpu.memory_space<vmem>>
        %get3A_1452 = tpu.memref_squeeze %get3A_1451 : memref<1x200x64xf32, #tpu.memory_space<vmem>> -> memref<200x64xf32, #tpu.memory_space<vmem>>
        %get3A_1453 = arith.index_cast %scan3A_1421 : i32 to index
        %get3A_1454 = arith.constant 48 : index
        %get3A_1455 = tpu.vector_load %get3A_1452[%get3A_1453, %get3A_1454] {strides = array<i32>} : memref<200x64xf32, #tpu.memory_space<vmem>>, vector<1x16xf32>,
        %get3A_1456 = vector.shape_cast %get3A_1455 : vector<1x16xf32> to vector<16xf32>
        %add3A_1457 = arith.addf %add3A_1419, %get3A_1456 : vector<16xf32>
        %scan3A_1458 = arith.constant 6 : i32
        %scan3A_1459 = arith.addi %scan3A_1228, %scan3A_1458 : i32
        %get3A_1460 = arith.constant 0 : i32
        %get3A_1461 = arith.constant 0 : i32
        %get3A_1462 = tpu.memref_slice %arg6[%scan3A_308, %get3A_1460, %get3A_1461] : memref<8x200x64xf32, #tpu.memory_space<vmem>> -> memref<1x200x64xf32, #tpu.memory_space<vmem>>
        %get3A_1463 = tpu.memref_squeeze %get3A_1462 : memref<1x200x64xf32, #tpu.memory_space<vmem>> -> memref<200x64xf32, #tpu.memory_space<vmem>>
        %get3A_1464 = arith.index_cast %scan3A_1459 : i32 to index
        %get3A_1465 = arith.constant 0 : index
        %get3A_1466 = tpu.vector_load %get3A_1463[%get3A_1464, %get3A_1465] {strides = array<i32>} : memref<200x64xf32, #tpu.memory_space<vmem>>, vector<1x16xf32>,
        %get3A_1467 = vector.shape_cast %get3A_1466 : vector<1x16xf32> to vector<16xf32>
        %add3A_1468 = arith.addf %add3A_1430, %get3A_1467 : vector<16xf32>
        %get3A_1469 = arith.constant 0 : i32
        %get3A_1470 = arith.constant 0 : i32
        %get3A_1471 = tpu.memref_slice %arg6[%scan3A_308, %get3A_1469, %get3A_1470] : memref<8x200x64xf32, #tpu.memory_space<vmem>> -> memref<1x200x64xf32, #tpu.memory_space<vmem>>
        %get3A_1472 = tpu.memref_squeeze %get3A_1471 : memref<1x200x64xf32, #tpu.memory_space<vmem>> -> memref<200x64xf32, #tpu.memory_space<vmem>>
        %get3A_1473 = arith.index_cast %scan3A_1459 : i32 to index
        %get3A_1474 = arith.constant 16 : index
        %get3A_1475 = tpu.vector_load %get3A_1472[%get3A_1473, %get3A_1474] {strides = array<i32>} : memref<200x64xf32, #tpu.memory_space<vmem>>, vector<1x16xf32>,
        %get3A_1476 = vector.shape_cast %get3A_1475 : vector<1x16xf32> to vector<16xf32>
        %add3A_1477 = arith.addf %add3A_1439, %get3A_1476 : vector<16xf32>
        %get3A_1478 = arith.constant 0 : i32
        %get3A_1479 = arith.constant 0 : i32
        %get3A_1480 = tpu.memref_slice %arg6[%scan3A_308, %get3A_1478, %get3A_1479] : memref<8x200x64xf32, #tpu.memory_space<vmem>> -> memref<1x200x64xf32, #tpu.memory_space<vmem>>
        %get3A_1481 = tpu.memref_squeeze %get3A_1480 : memref<1x200x64xf32, #tpu.memory_space<vmem>> -> memref<200x64xf32, #tpu.memory_space<vmem>>
        %get3A_1482 = arith.index_cast %scan3A_1459 : i32 to index
        %get3A_1483 = arith.constant 32 : index
        %get3A_1484 = tpu.vector_load %get3A_1481[%get3A_1482, %get3A_1483] {strides = array<i32>} : memref<200x64xf32, #tpu.memory_space<vmem>>, vector<1x16xf32>,
        %get3A_1485 = vector.shape_cast %get3A_1484 : vector<1x16xf32> to vector<16xf32>
        %add3A_1486 = arith.addf %add3A_1448, %get3A_1485 : vector<16xf32>
        %get3A_1487 = arith.constant 0 : i32
        %get3A_1488 = arith.constant 0 : i32
        %get3A_1489 = tpu.memref_slice %arg6[%scan3A_308, %get3A_1487, %get3A_1488] : memref<8x200x64xf32, #tpu.memory_space<vmem>> -> memref<1x200x64xf32, #tpu.memory_space<vmem>>
        %get3A_1490 = tpu.memref_squeeze %get3A_1489 : memref<1x200x64xf32, #tpu.memory_space<vmem>> -> memref<200x64xf32, #tpu.memory_space<vmem>>
        %get3A_1491 = arith.index_cast %scan3A_1459 : i32 to index
        %get3A_1492 = arith.constant 48 : index
        %get3A_1493 = tpu.vector_load %get3A_1490[%get3A_1491, %get3A_1492] {strides = array<i32>} : memref<200x64xf32, #tpu.memory_space<vmem>>, vector<1x16xf32>,
        %get3A_1494 = vector.shape_cast %get3A_1493 : vector<1x16xf32> to vector<16xf32>
        %add3A_1495 = arith.addf %add3A_1457, %get3A_1494 : vector<16xf32>
        %scan3A_1496 = arith.constant 7 : i32
        %scan3A_1497 = arith.addi %scan3A_1228, %scan3A_1496 : i32
        %get3A_1498 = arith.constant 0 : i32
        %get3A_1499 = arith.constant 0 : i32
        %get3A_1500 = tpu.memref_slice %arg6[%scan3A_308, %get3A_1498, %get3A_1499] : memref<8x200x64xf32, #tpu.memory_space<vmem>> -> memref<1x200x64xf32, #tpu.memory_space<vmem>>
        %get3A_1501 = tpu.memref_squeeze %get3A_1500 : memref<1x200x64xf32, #tpu.memory_space<vmem>> -> memref<200x64xf32, #tpu.memory_space<vmem>>
        %get3A_1502 = arith.index_cast %scan3A_1497 : i32 to index
        %get3A_1503 = arith.constant 0 : index
        %get3A_1504 = tpu.vector_load %get3A_1501[%get3A_1502, %get3A_1503] {strides = array<i32>} : memref<200x64xf32, #tpu.memory_space<vmem>>, vector<1x16xf32>,
        %get3A_1505 = vector.shape_cast %get3A_1504 : vector<1x16xf32> to vector<16xf32>
        %add3A_1506 = arith.addf %add3A_1468, %get3A_1505 : vector<16xf32>
        %get3A_1507 = arith.constant 0 : i32
        %get3A_1508 = arith.constant 0 : i32
        %get3A_1509 = tpu.memref_slice %arg6[%scan3A_308, %get3A_1507, %get3A_1508] : memref<8x200x64xf32, #tpu.memory_space<vmem>> -> memref<1x200x64xf32, #tpu.memory_space<vmem>>
        %get3A_1510 = tpu.memref_squeeze %get3A_1509 : memref<1x200x64xf32, #tpu.memory_space<vmem>> -> memref<200x64xf32, #tpu.memory_space<vmem>>
        %get3A_1511 = arith.index_cast %scan3A_1497 : i32 to index
        %get3A_1512 = arith.constant 16 : index
        %get3A_1513 = tpu.vector_load %get3A_1510[%get3A_1511, %get3A_1512] {strides = array<i32>} : memref<200x64xf32, #tpu.memory_space<vmem>>, vector<1x16xf32>,
        %get3A_1514 = vector.shape_cast %get3A_1513 : vector<1x16xf32> to vector<16xf32>
        %add3A_1515 = arith.addf %add3A_1477, %get3A_1514 : vector<16xf32>
        %get3A_1516 = arith.constant 0 : i32
        %get3A_1517 = arith.constant 0 : i32
        %get3A_1518 = tpu.memref_slice %arg6[%scan3A_308, %get3A_1516, %get3A_1517] : memref<8x200x64xf32, #tpu.memory_space<vmem>> -> memref<1x200x64xf32, #tpu.memory_space<vmem>>
        %get3A_1519 = tpu.memref_squeeze %get3A_1518 : memref<1x200x64xf32, #tpu.memory_space<vmem>> -> memref<200x64xf32, #tpu.memory_space<vmem>>
        %get3A_1520 = arith.index_cast %scan3A_1497 : i32 to index
        %get3A_1521 = arith.constant 32 : index
        %get3A_1522 = tpu.vector_load %get3A_1519[%get3A_1520, %get3A_1521] {strides = array<i32>} : memref<200x64xf32, #tpu.memory_space<vmem>>, vector<1x16xf32>,
        %get3A_1523 = vector.shape_cast %get3A_1522 : vector<1x16xf32> to vector<16xf32>
        %add3A_1524 = arith.addf %add3A_1486, %get3A_1523 : vector<16xf32>
        %get3A_1525 = arith.constant 0 : i32
        %get3A_1526 = arith.constant 0 : i32
        %get3A_1527 = tpu.memref_slice %arg6[%scan3A_308, %get3A_1525, %get3A_1526] : memref<8x200x64xf32, #tpu.memory_space<vmem>> -> memref<1x200x64xf32, #tpu.memory_space<vmem>>
        %get3A_1528 = tpu.memref_squeeze %get3A_1527 : memref<1x200x64xf32, #tpu.memory_space<vmem>> -> memref<200x64xf32, #tpu.memory_space<vmem>>
        %get3A_1529 = arith.index_cast %scan3A_1497 : i32 to index
        %get3A_1530 = arith.constant 48 : index
        %get3A_1531 = tpu.vector_load %get3A_1528[%get3A_1529, %get3A_1530] {strides = array<i32>} : memref<200x64xf32, #tpu.memory_space<vmem>>, vector<1x16xf32>,
        %get3A_1532 = vector.shape_cast %get3A_1531 : vector<1x16xf32> to vector<16xf32>
        %add3A_1533 = arith.addf %add3A_1495, %get3A_1532 : vector<16xf32>
        scf.yield %add3A_1506, %add3A_1515, %add3A_1524, %add3A_1533 : vector<16xf32>, vector<16xf32>, vector<16xf32>, vector<16xf32>
      }
      %scan3A_314 = arith.constant 200 : i32
      %add3A_315 = arith.constant 8 : i32
      %add3A_316 = arith.addi %add3A_278, %add3A_315 : i32
      %lt3A = arith.constant 512 : i32
      %lt3A_317 = arith.cmpi slt, %add3A_316, %lt3A : i32
      %rem3A_318 = arith.constant 32 : i32
      %rem3A_319 = arith.remsi %add3A_316, %rem3A_318 : i32
      %eq3A = arith.constant 0 : i32
      %eq3A_320 = arith.cmpi eq, %rem3A_319, %eq3A : i32
      %and3A = arith.andi %lt3A_317, %eq3A_320 : i1
      %convert_element_type3A = arith.extui %and3A : i1 to i32
      %cond3A = arith.constant 0 : i32
      %cond3A_321 = arith.cmpi ne, %convert_element_type3A, %cond3A : i32
      scf.if %cond3A_321 {
        %dma_wait3A_1228 = arith.constant 0 : i32
        %dma_wait3A_1229 = arith.constant 0 : i32
        %dma_wait3A_1230 = arith.constant 0 : i32
        %dma_wait3A_1231 = tpu.memref_slice %arg5[%dma_wait3A_1228, %dma_wait3A_1229, %dma_wait3A_1230] : memref<2x32x200xi32, #tpu.memory_space<vmem>> -> memref<1x32x200xi32, #tpu.memory_space<vmem>>
        %dma_wait3A_1232 = tpu.memref_squeeze %dma_wait3A_1231 : memref<1x32x200xi32, #tpu.memory_space<vmem>> -> memref<32x200xi32, #tpu.memory_space<vmem>>
        %dma_wait3A_1233 = arith.constant 0 : i32
        %dma_wait3A_1234 = tpu.memref_slice %arg2[%mul3A_2, %dma_wait3A_1233] : memref<16384x200xi32, #tpu.memory_space<hbm>> -> memref<32x200xi32, #tpu.memory_space<hbm>>
        %dma_wait3A_1235 = arith.constant 0 : i32
        %dma_wait3A_1236 = arith.constant 0 : i32
        %dma_wait3A_1237 = tpu.memref_slice %arg5[%dma_wait3A_1228, %dma_wait3A_1235, %dma_wait3A_1236] : memref<2x32x200xi32, #tpu.memory_space<vmem>> -> memref<1x32x200xi32, #tpu.memory_space<vmem>>
        %dma_wait3A_1238 = tpu.memref_squeeze %dma_wait3A_1237 : memref<1x32x200xi32, #tpu.memory_space<vmem>> -> memref<32x200xi32, #tpu.memory_space<vmem>>
        %dma_wait3A_1239 = arith.constant 0 : i32
        %dma_wait3A_1240 = tpu.memref_slice %arg2[%mul3A_2, %dma_wait3A_1239] : memref<16384x200xi32, #tpu.memory_space<hbm>> -> memref<32x200xi32, #tpu.memory_space<hbm>>
        tpu.wait_dma2 semaphore(%arg16 : memref<!tpu.dma_semaphore, #tpu.memory_space<semaphore_mem>>) src(%dma_wait3A_1240 : memref<32x200xi32, #tpu.memory_space<hbm>>) dst(%dma_wait3A_1238 : memref<32x200xi32, #tpu.memory_space<vmem>>)
      } else {
      }
      %lt3A_322 = arith.constant 512 : i32
      %lt3A_323 = arith.cmpi slt, %add3A_316, %lt3A_322 : i32
      %convert_element_type3A_324 = arith.extui %lt3A_323 : i1 to i32
      %cond3A_325 = arith.constant 0 : i32
      %cond3A_326 = arith.cmpi ne, %convert_element_type3A_324, %cond3A_325 : i32
      scf.if %cond3A_326 {
        %div3A_1228 = arith.constant 32 : i32
        %div3A_1229 = arith.divsi %add3A_316, %div3A_1228 : i32
        %rem3A_1230 = arith.constant 2 : i32
        %rem3A_1231 = arith.remsi %div3A_1229, %rem3A_1230 : i32
        %rem3A_1232 = arith.constant 32 : i32
        %rem3A_1233 = arith.remsi %add3A_316, %rem3A_1232 : i32
        %dma_start3A_1234 = arith.constant 0 : i32
        %dma_start3A_1235 = arith.constant 0 : i32
        %dma_start3A_1236 = arith.constant 0 : i32
        %dma_start3A_1237 = tpu.memref_slice %arg6[%dma_start3A_1234, %dma_start3A_1235, %dma_start3A_1236] : memref<8x200x64xf32, #tpu.memory_space<vmem>> -> memref<1x104x64xf32, #tpu.memory_space<vmem>>
        %dma_start3A_1238 = tpu.memref_squeeze %dma_start3A_1237 : memref<1x104x64xf32, #tpu.memory_space<vmem>> -> memref<104x64xf32, #tpu.memory_space<vmem>>
        %dma_start3A_1239 = arith.constant 0 : i32
        %dma_start3A_1240 = tpu.memref_slice %arg5[%rem3A_1231, %rem3A_1233, %dma_start3A_1239] : memref<2x32x200xi32, #tpu.memory_space<vmem>> -> memref<1x1x104xi32, #tpu.memory_space<vmem>>
        %dma_start3A_1241 = tpu.memref_squeeze %dma_start3A_1240 : memref<1x1x104xi32, #tpu.memory_space<vmem>> -> memref<104xi32, #tpu.memory_space<vmem>>
        %dma_start3A_1242 = arith.constant 0 : i32
        %dma_start3A_1243 = arith.constant 0 : i32
        %dma_start3A_1244 = tpu.memref_slice %arg3[%dma_start3A_1242, %dma_start3A_1243] : memref<1000000x64xf32, #tpu.memory_space<hbm>> -> memref<1000000x64xf32, #tpu.memory_space<hbm>>
        tpu.enqueue_indirect_dma source(%dma_start3A_1244 : memref<1000000x64xf32, #tpu.memory_space<hbm>>) target(%dma_start3A_1238 : memref<104x64xf32, #tpu.memory_space<vmem>>) offsets(%dma_start3A_1241 : memref<104xi32, #tpu.memory_space<vmem>>) semaphore(%arg8 : memref<!tpu.dma_semaphore, #tpu.memory_space<semaphore_mem>>)
        %dma_start3A_1245 = arith.constant 0 : i32
        %dma_start3A_1246 = arith.constant 104 : i32
        %dma_start3A_1247 = arith.constant 0 : i32
        %dma_start3A_1248 = tpu.memref_slice %arg6[%dma_start3A_1245, %dma_start3A_1246, %dma_start3A_1247] : memref<8x200x64xf32, #tpu.memory_space<vmem>> -> memref<1x96x64xf32, #tpu.memory_space<vmem>>
        %dma_start3A_1249 = tpu.memref_squeeze %dma_start3A_1248 : memref<1x96x64xf32, #tpu.memory_space<vmem>> -> memref<96x64xf32, #tpu.memory_space<vmem>>
        %dma_start3A_1250 = arith.constant 104 : i32
        %dma_start3A_1251 = tpu.memref_slice %arg5[%rem3A_1231, %rem3A_1233, %dma_start3A_1250] : memref<2x32x200xi32, #tpu.memory_space<vmem>> -> memref<1x1x96xi32, #tpu.memory_space<vmem>>
        %dma_start3A_1252 = tpu.memref_squeeze %dma_start3A_1251 : memref<1x1x96xi32, #tpu.memory_space<vmem>> -> memref<96xi32, #tpu.memory_space<vmem>>
        %dma_start3A_1253 = arith.constant 0 : i32
        %dma_start3A_1254 = arith.constant 0 : i32
        %dma_start3A_1255 = tpu.memref_slice %arg3[%dma_start3A_1253, %dma_start3A_1254] : memref<1000000x64xf32, #tpu.memory_space<hbm>> -> memref<1000000x64xf32, #tpu.memory_space<hbm>>
        tpu.enqueue_indirect_dma source(%dma_start3A_1255 : memref<1000000x64xf32, #tpu.memory_space<hbm>>) target(%dma_start3A_1249 : memref<96x64xf32, #tpu.memory_space<vmem>>) offsets(%dma_start3A_1252 : memref<96xi32, #tpu.memory_space<vmem>>) semaphore(%arg8 : memref<!tpu.dma_semaphore, #tpu.memory_space<semaphore_mem>>)
      } else {
      }
      %rem3A_327 = arith.constant 32 : i32
      %rem3A_328 = arith.remsi %add3A_278, %rem3A_327 : i32
      %eq3A_329 = arith.constant 0 : i32
      %eq3A_330 = arith.cmpi eq, %rem3A_328, %eq3A_329 : i32
      %gt3A = arith.constant 0 : i32
      %gt3A_331 = arith.cmpi sgt, %add3A_278, %gt3A : i32
      %and3A_332 = arith.andi %eq3A_330, %gt3A_331 : i1
      %lt3A_333 = arith.constant 480 : i32
      %lt3A_334 = arith.cmpi slt, %add3A_278, %lt3A_333 : i32
      %and3A_335 = arith.andi %and3A_332, %lt3A_334 : i1
      %convert_element_type3A_336 = arith.extui %and3A_335 : i1 to i32
      %cond3A_337 = arith.constant 0 : i32
      %cond3A_338 = arith.cmpi ne, %convert_element_type3A_336, %cond3A_337 : i32
      scf.if %cond3A_338 {
        %div3A_1228 = arith.constant 32 : i32
        %div3A_1229 = arith.divsi %add3A_278, %div3A_1228 : i32
        %add3A_1230 = arith.constant 1 : i32
        %add3A_1231 = arith.addi %div3A_1229, %add3A_1230 : i32
        %mul3A_1232 = arith.constant 32 : i32
        %mul3A_1233 = arith.muli %add3A_1231, %mul3A_1232 : i32
        %add3A_1234 = arith.addi %mul3A_2, %mul3A_1233 : i32
        %rem3A_1235 = arith.constant 2 : i32
        %rem3A_1236 = arith.remsi %add3A_1231, %rem3A_1235 : i32
        %dma_start3A_1237 = arith.constant 0 : i32
        %dma_start3A_1238 = arith.constant 0 : i32
        %dma_start3A_1239 = tpu.memref_slice %arg5[%rem3A_1236, %dma_start3A_1237, %dma_start3A_1238] : memref<2x32x200xi32, #tpu.memory_space<vmem>> -> memref<1x32x200xi32, #tpu.memory_space<vmem>>
        %dma_start3A_1240 = tpu.memref_squeeze %dma_start3A_1239 : memref<1x32x200xi32, #tpu.memory_space<vmem>> -> memref<32x200xi32, #tpu.memory_space<vmem>>
        %dma_start3A_1241 = arith.constant 0 : i32
        %dma_start3A_1242 = tpu.memref_slice %arg2[%add3A_1234, %dma_start3A_1241] : memref<16384x200xi32, #tpu.memory_space<hbm>> -> memref<32x200xi32, #tpu.memory_space<hbm>>
        %dma_start3A_1243 = arith.constant 0 : i32
        %dma_start3A_1244 = arith.constant 0 : i32
        %dma_start3A_1245 = tpu.memref_slice %arg5[%rem3A_1236, %dma_start3A_1243, %dma_start3A_1244] : memref<2x32x200xi32, #tpu.memory_space<vmem>> -> memref<1x32x200xi32, #tpu.memory_space<vmem>>
        %dma_start3A_1246 = tpu.memref_squeeze %dma_start3A_1245 : memref<1x32x200xi32, #tpu.memory_space<vmem>> -> memref<32x200xi32, #tpu.memory_space<vmem>>
        %dma_start3A_1247 = arith.constant 0 : i32
        %dma_start3A_1248 = tpu.memref_slice %arg2[%add3A_1234, %dma_start3A_1247] : memref<16384x200xi32, #tpu.memory_space<hbm>> -> memref<32x200xi32, #tpu.memory_space<hbm>>
        tpu.enqueue_dma source(%dma_start3A_1248 : memref<32x200xi32, #tpu.memory_space<hbm>>) target(%dma_start3A_1246 : memref<32x200xi32, #tpu.memory_space<vmem>>) target_semaphore(%arg16 : memref<!tpu.dma_semaphore, #tpu.memory_space<semaphore_mem>>)
      } else {
      }
      %div3A_339 = arith.constant 64 : i32
      %div3A_340 = arith.divsi %add3A_278, %div3A_339 : i32
      %rem3A_341 = arith.constant 2 : i32
      %rem3A_342 = arith.remsi %div3A_340, %rem3A_341 : i32
      %rem3A_343 = arith.constant 64 : i32
      %rem3A_344 = arith.remsi %add3A_278, %rem3A_343 : i32
      %mul3A_345 = arith.constant 5.000000e-03 : f32
      %mul3A_346 = vector.broadcast %mul3A_345 : f32 to vector<16xf32>
      %mul3A_347 = arith.mulf %scan3A_313#0, %mul3A_346 : vector<16xf32>
      %swap3A = arith.index_cast %rem3A_342 : i32 to index
      %swap3A_348 = arith.index_cast %rem3A_344 : i32 to index
      %swap3A_349 = arith.constant 0 : index
      %swap3A_350 = tpu.vector_load %arg7[%swap3A, %swap3A_348, %swap3A_349] {strides = array<i32>} : memref<2x64x64xf32, #tpu.memory_space<vmem>>, vector<1x1x16xf32>,
      %swap3A_351 = vector.shape_cast %swap3A_350 : vector<1x1x16xf32> to vector<16xf32>
      %swap3A_352 = vector.shape_cast %mul3A_347 : vector<16xf32> to vector<1x1x16xf32>
      tpu.vector_store %arg7[%swap3A, %swap3A_348, %swap3A_349], %swap3A_352 {strides = array<i32>} : memref<2x64x64xf32, #tpu.memory_space<vmem>>, vector<1x1x16xf32>,
      %mul3A_353 = arith.constant 5.000000e-03 : f32
      %mul3A_354 = vector.broadcast %mul3A_353 : f32 to vector<16xf32>
      %mul3A_355 = arith.mulf %scan3A_313#1, %mul3A_354 : vector<16xf32>
      %swap3A_356 = arith.index_cast %rem3A_342 : i32 to index
      %swap3A_357 = arith.index_cast %rem3A_344 : i32 to index
      %swap3A_358 = arith.constant 16 : index
      %swap3A_359 = tpu.vector_load %arg7[%swap3A_356, %swap3A_357, %swap3A_358] {strides = array<i32>} : memref<2x64x64xf32, #tpu.memory_space<vmem>>, vector<1x1x16xf32>,
      %swap3A_360 = vector.shape_cast %swap3A_359 : vector<1x1x16xf32> to vector<16xf32>
      %swap3A_361 = vector.shape_cast %mul3A_355 : vector<16xf32> to vector<1x1x16xf32>
      tpu.vector_store %arg7[%swap3A_356, %swap3A_357, %swap3A_358], %swap3A_361 {strides = array<i32>} : memref<2x64x64xf32, #tpu.memory_space<vmem>>, vector<1x1x16xf32>,
      %mul3A_362 = arith.constant 5.000000e-03 : f32
      %mul3A_363 = vector.broadcast %mul3A_362 : f32 to vector<16xf32>
      %mul3A_364 = arith.mulf %scan3A_313#2, %mul3A_363 : vector<16xf32>
      %swap3A_365 = arith.index_cast %rem3A_342 : i32 to index
      %swap3A_366 = arith.index_cast %rem3A_344 : i32 to index
      %swap3A_367 = arith.constant 32 : index
      %swap3A_368 = tpu.vector_load %arg7[%swap3A_365, %swap3A_366, %swap3A_367] {strides = array<i32>} : memref<2x64x64xf32, #tpu.memory_space<vmem>>, vector<1x1x16xf32>,
      %swap3A_369 = vector.shape_cast %swap3A_368 : vector<1x1x16xf32> to vector<16xf32>
      %swap3A_370 = vector.shape_cast %mul3A_364 : vector<16xf32> to vector<1x1x16xf32>
      tpu.vector_store %arg7[%swap3A_365, %swap3A_366, %swap3A_367], %swap3A_370 {strides = array<i32>} : memref<2x64x64xf32, #tpu.memory_space<vmem>>, vector<1x1x16xf32>,
      %mul3A_371 = arith.constant 5.000000e-03 : f32
      %mul3A_372 = vector.broadcast %mul3A_371 : f32 to vector<16xf32>
      %mul3A_373 = arith.mulf %scan3A_313#3, %mul3A_372 : vector<16xf32>
      %swap3A_374 = arith.index_cast %rem3A_342 : i32 to index
      %swap3A_375 = arith.index_cast %rem3A_344 : i32 to index
      %swap3A_376 = arith.constant 48 : index
      %swap3A_377 = tpu.vector_load %arg7[%swap3A_374, %swap3A_375, %swap3A_376] {strides = array<i32>} : memref<2x64x64xf32, #tpu.memory_space<vmem>>, vector<1x1x16xf32>,
      %swap3A_378 = vector.shape_cast %swap3A_377 : vector<1x1x16xf32> to vector<16xf32>
      %swap3A_379 = vector.shape_cast %mul3A_373 : vector<16xf32> to vector<1x1x16xf32>
      tpu.vector_store %arg7[%swap3A_374, %swap3A_375, %swap3A_376], %swap3A_379 {strides = array<i32>} : memref<2x64x64xf32, #tpu.memory_space<vmem>>, vector<1x1x16xf32>,
      %rem3A_380 = arith.constant 64 : i32
      %rem3A_381 = arith.remsi %add3A_278, %rem3A_380 : i32
      %eq3A_382 = arith.constant 63 : i32
      %eq3A_383 = arith.cmpi eq, %rem3A_381, %eq3A_382 : i32
      %convert_element_type3A_384 = arith.extui %eq3A_383 : i1 to i32
      %cond3A_385 = arith.constant 0 : i32
      %cond3A_386 = arith.cmpi ne, %convert_element_type3A_384, %cond3A_385 : i32
      scf.if %cond3A_386 {
        %div3A_1228 = arith.constant 64 : i32
        %div3A_1229 = arith.divsi %add3A_278, %div3A_1228 : i32
        %gt3A_1230 = arith.constant 0 : i32
        %gt3A_1231 = arith.cmpi sgt, %div3A_1229, %gt3A_1230 : i32
        %convert_element_type3A_1232 = arith.extui %gt3A_1231 : i1 to i32
        %cond3A_1233 = arith.constant 0 : i32
        %cond3A_1234 = arith.cmpi ne, %convert_element_type3A_1232, %cond3A_1233 : i32
        scf.if %cond3A_1234 {
          %dma_wait3A_1250 = arith.constant 0 : i32
          %dma_wait3A_1251 = arith.constant 0 : i32
          %dma_wait3A_1252 = arith.constant 0 : i32
          %dma_wait3A_1253 = tpu.memref_slice %arg7[%dma_wait3A_1250, %dma_wait3A_1251, %dma_wait3A_1252] : memref<2x64x64xf32, #tpu.memory_space<vmem>> -> memref<1x64x64xf32, #tpu.memory_space<vmem>>
          %dma_wait3A_1254 = tpu.memref_squeeze %dma_wait3A_1253 : memref<1x64x64xf32, #tpu.memory_space<vmem>> -> memref<64x64xf32, #tpu.memory_space<vmem>>
          %dma_wait3A_1255 = arith.constant 0 : i32
          %dma_wait3A_1256 = tpu.memref_slice %arg4[%mul3A_2, %dma_wait3A_1255] : memref<16384x64xf32, #tpu.memory_space<hbm>> -> memref<64x64xf32, #tpu.memory_space<hbm>>
          %dma_wait3A_1257 = arith.constant 0 : i32
          %dma_wait3A_1258 = tpu.memref_slice %arg4[%mul3A_2, %dma_wait3A_1257] : memref<16384x64xf32, #tpu.memory_space<hbm>> -> memref<64x64xf32, #tpu.memory_space<hbm>>
          %dma_wait3A_1259 = arith.constant 0 : i32
          %dma_wait3A_1260 = arith.constant 0 : i32
          %dma_wait3A_1261 = tpu.memref_slice %arg7[%dma_wait3A_1250, %dma_wait3A_1259, %dma_wait3A_1260] : memref<2x64x64xf32, #tpu.memory_space<vmem>> -> memref<1x64x64xf32, #tpu.memory_space<vmem>>
          %dma_wait3A_1262 = tpu.memref_squeeze %dma_wait3A_1261 : memref<1x64x64xf32, #tpu.memory_space<vmem>> -> memref<64x64xf32, #tpu.memory_space<vmem>>
          tpu.wait_dma2 semaphore(%arg17 : memref<!tpu.dma_semaphore, #tpu.memory_space<semaphore_mem>>) src(%dma_wait3A_1262 : memref<64x64xf32, #tpu.memory_space<vmem>>) dst(%dma_wait3A_1258 : memref<64x64xf32, #tpu.memory_space<hbm>>)
        } else {
        }
        %mul3A_1235 = arith.constant 64 : i32
        %mul3A_1236 = arith.muli %div3A_1229, %mul3A_1235 : i32
        %add3A_1237 = arith.addi %mul3A_2, %mul3A_1236 : i32
        %dma_start3A_1238 = arith.constant 0 : i32
        %dma_start3A_1239 = arith.constant 0 : i32
        %dma_start3A_1240 = tpu.memref_slice %arg7[%rem3A_342, %dma_start3A_1238, %dma_start3A_1239] : memref<2x64x64xf32, #tpu.memory_space<vmem>> -> memref<1x64x64xf32, #tpu.memory_space<vmem>>
        %dma_start3A_1241 = tpu.memref_squeeze %dma_start3A_1240 : memref<1x64x64xf32, #tpu.memory_space<vmem>> -> memref<64x64xf32, #tpu.memory_space<vmem>>
        %dma_start3A_1242 = arith.constant 0 : i32
        %dma_start3A_1243 = tpu.memref_slice %arg4[%add3A_1237, %dma_start3A_1242] : memref<16384x64xf32, #tpu.memory_space<hbm>> -> memref<64x64xf32, #tpu.memory_space<hbm>>
        %dma_start3A_1244 = arith.constant 0 : i32
        %dma_start3A_1245 = tpu.memref_slice %arg4[%add3A_1237, %dma_start3A_1244] : memref<16384x64xf32, #tpu.memory_space<hbm>> -> memref<64x64xf32, #tpu.memory_space<hbm>>
        %dma_start3A_1246 = arith.constant 0 : i32
        %dma_start3A_1247 = arith.constant 0 : i32
        %dma_start3A_1248 = tpu.memref_slice %arg7[%rem3A_342, %dma_start3A_1246, %dma_start3A_1247] : memref<2x64x64xf32, #tpu.memory_space<vmem>> -> memref<1x64x64xf32, #tpu.memory_space<vmem>>
        %dma_start3A_1249 = tpu.memref_squeeze %dma_start3A_1248 : memref<1x64x64xf32, #tpu.memory_space<vmem>> -> memref<64x64xf32, #tpu.memory_space<vmem>>
        tpu.enqueue_dma source(%dma_start3A_1249 : memref<64x64xf32, #tpu.memory_space<vmem>>) target(%dma_start3A_1245 : memref<64x64xf32, #tpu.memory_space<hbm>>) target_semaphore(%arg17 : memref<!tpu.dma_semaphore, #tpu.memory_space<semaphore_mem>>)
      } else {
      }
      %mul3A_387 = arith.constant 8 : i32
      %mul3A_388 = arith.muli %scan3A_273, %mul3A_387 : i32
      %add3A_389 = arith.constant 1 : i32
      %add3A_390 = arith.addi %mul3A_388, %add3A_389 : i32
      %div3A_391 = arith.constant 32 : i32
      %div3A_392 = arith.divsi %add3A_390, %div3A_391 : i32
      %rem3A_393 = arith.constant 2 : i32
      %rem3A_394 = arith.remsi %div3A_392, %rem3A_393 : i32
      %rem3A_395 = arith.constant 32 : i32
      %rem3A_396 = arith.remsi %add3A_390, %rem3A_395 : i32
      %dma_wait3A_397 = arith.constant 1 : i32
      %dma_wait3A_398 = arith.constant 0 : i32
      %dma_wait3A_399 = arith.constant 0 : i32
      %dma_wait3A_400 = tpu.memref_slice %arg6[%dma_wait3A_397, %dma_wait3A_398, %dma_wait3A_399] : memref<8x200x64xf32, #tpu.memory_space<vmem>> -> memref<1x104x64xf32, #tpu.memory_space<vmem>>
      %dma_wait3A_401 = tpu.memref_squeeze %dma_wait3A_400 : memref<1x104x64xf32, #tpu.memory_space<vmem>> -> memref<104x64xf32, #tpu.memory_space<vmem>>
      %dma_wait3A_402 = arith.constant 0 : i32
      %dma_wait3A_403 = tpu.memref_slice %arg5[%rem3A_394, %rem3A_396, %dma_wait3A_402] : memref<2x32x200xi32, #tpu.memory_space<vmem>> -> memref<1x1x104xi32, #tpu.memory_space<vmem>>
      %dma_wait3A_404 = tpu.memref_squeeze %dma_wait3A_403 : memref<1x1x104xi32, #tpu.memory_space<vmem>> -> memref<104xi32, #tpu.memory_space<vmem>>
      %dma_wait3A_405 = arith.constant 0 : i32
      %dma_wait3A_406 = arith.constant 0 : i32
      %dma_wait3A_407 = tpu.memref_slice %arg3[%dma_wait3A_405, %dma_wait3A_406] : memref<1000000x64xf32, #tpu.memory_space<hbm>> -> memref<1000000x64xf32, #tpu.memory_space<hbm>>
      tpu.wait_indirect_dma semaphore(%arg9 : memref<!tpu.dma_semaphore, #tpu.memory_space<semaphore_mem>>) src(%dma_wait3A_407 : memref<1000000x64xf32, #tpu.memory_space<hbm>>) dst(%dma_wait3A_401 : memref<104x64xf32, #tpu.memory_space<vmem>>)
      %dma_wait3A_408 = arith.constant 1 : i32
      %dma_wait3A_409 = arith.constant 104 : i32
      %dma_wait3A_410 = arith.constant 0 : i32
      %dma_wait3A_411 = tpu.memref_slice %arg6[%dma_wait3A_408, %dma_wait3A_409, %dma_wait3A_410] : memref<8x200x64xf32, #tpu.memory_space<vmem>> -> memref<1x96x64xf32, #tpu.memory_space<vmem>>
      %dma_wait3A_412 = tpu.memref_squeeze %dma_wait3A_411 : memref<1x96x64xf32, #tpu.memory_space<vmem>> -> memref<96x64xf32, #tpu.memory_space<vmem>>
      %dma_wait3A_413 = arith.constant 104 : i32
      %dma_wait3A_414 = tpu.memref_slice %arg5[%rem3A_394, %rem3A_396, %dma_wait3A_413] : memref<2x32x200xi32, #tpu.memory_space<vmem>> -> memref<1x1x96xi32, #tpu.memory_space<vmem>>
      %dma_wait3A_415 = tpu.memref_squeeze %dma_wait3A_414 : memref<1x1x96xi32, #tpu.memory_space<vmem>> -> memref<96xi32, #tpu.memory_space<vmem>>
      %dma_wait3A_416 = arith.constant 0 : i32
      %dma_wait3A_417 = arith.constant 0 : i32
      %dma_wait3A_418 = tpu.memref_slice %arg3[%dma_wait3A_416, %dma_wait3A_417] : memref<1000000x64xf32, #tpu.memory_space<hbm>> -> memref<1000000x64xf32, #tpu.memory_space<hbm>>
      tpu.wait_indirect_dma semaphore(%arg9 : memref<!tpu.dma_semaphore, #tpu.memory_space<semaphore_mem>>) src(%dma_wait3A_418 : memref<1000000x64xf32, #tpu.memory_space<hbm>>) dst(%dma_wait3A_412 : memref<96x64xf32, #tpu.memory_space<vmem>>)
      %broadcast_in_dim3A_419 = arith.constant 0.000000e+00 : f32
      %broadcast_in_dim3A_420 = vector.broadcast %broadcast_in_dim3A_419 : f32 to vector<16xf32>
      %scan3A_421 = arith.constant 1 : i32
      %scan3A_422 = arith.constant 0 : i32
      %scan3A_423 = arith.constant 200 : i32
      %scan3A_424 = arith.addi %scan3A_422, %scan3A_423 : i32
      %scan3A_425 = arith.constant 8 : i32
      %scan3A_426:4 = scf.for %scan3A_1228 = %scan3A_422 to %scan3A_424 step %scan3A_425 iter_args(%scan3A_1229 = %broadcast_in_dim3A_420, %scan3A_1230 = %broadcast_in_dim3A_420, %scan3A_1231 = %broadcast_in_dim3A_420, %scan3A_1232 = %broadcast_in_dim3A_420) -> (vector<16xf32>, vector<16xf32>, vector<16xf32>, vector<16xf32>)  : i32 {
        %get3A = arith.constant 0 : i32
        %get3A_1233 = arith.constant 0 : i32
        %get3A_1234 = tpu.memref_slice %arg6[%scan3A_421, %get3A, %get3A_1233] : memref<8x200x64xf32, #tpu.memory_space<vmem>> -> memref<1x200x64xf32, #tpu.memory_space<vmem>>
        %get3A_1235 = tpu.memref_squeeze %get3A_1234 : memref<1x200x64xf32, #tpu.memory_space<vmem>> -> memref<200x64xf32, #tpu.memory_space<vmem>>
        %get3A_1236 = arith.index_cast %scan3A_1228 : i32 to index
        %get3A_1237 = arith.constant 0 : index
        %get3A_1238 = tpu.vector_load %get3A_1235[%get3A_1236, %get3A_1237] {strides = array<i32>} : memref<200x64xf32, #tpu.memory_space<vmem>>, vector<1x16xf32>,
        %get3A_1239 = vector.shape_cast %get3A_1238 : vector<1x16xf32> to vector<16xf32>
        %add3A_1240 = arith.addf %scan3A_1229, %get3A_1239 : vector<16xf32>
        %get3A_1241 = arith.constant 0 : i32
        %get3A_1242 = arith.constant 0 : i32
        %get3A_1243 = tpu.memref_slice %arg6[%scan3A_421, %get3A_1241, %get3A_1242] : memref<8x200x64xf32, #tpu.memory_space<vmem>> -> memref<1x200x64xf32, #tpu.memory_space<vmem>>
        %get3A_1244 = tpu.memref_squeeze %get3A_1243 : memref<1x200x64xf32, #tpu.memory_space<vmem>> -> memref<200x64xf32, #tpu.memory_space<vmem>>
        %get3A_1245 = arith.index_cast %scan3A_1228 : i32 to index
        %get3A_1246 = arith.constant 16 : index
        %get3A_1247 = tpu.vector_load %get3A_1244[%get3A_1245, %get3A_1246] {strides = array<i32>} : memref<200x64xf32, #tpu.memory_space<vmem>>, vector<1x16xf32>,
        %get3A_1248 = vector.shape_cast %get3A_1247 : vector<1x16xf32> to vector<16xf32>
        %add3A_1249 = arith.addf %scan3A_1230, %get3A_1248 : vector<16xf32>
        %get3A_1250 = arith.constant 0 : i32
        %get3A_1251 = arith.constant 0 : i32
        %get3A_1252 = tpu.memref_slice %arg6[%scan3A_421, %get3A_1250, %get3A_1251] : memref<8x200x64xf32, #tpu.memory_space<vmem>> -> memref<1x200x64xf32, #tpu.memory_space<vmem>>
        %get3A_1253 = tpu.memref_squeeze %get3A_1252 : memref<1x200x64xf32, #tpu.memory_space<vmem>> -> memref<200x64xf32, #tpu.memory_space<vmem>>
        %get3A_1254 = arith.index_cast %scan3A_1228 : i32 to index
        %get3A_1255 = arith.constant 32 : index
        %get3A_1256 = tpu.vector_load %get3A_1253[%get3A_1254, %get3A_1255] {strides = array<i32>} : memref<200x64xf32, #tpu.memory_space<vmem>>, vector<1x16xf32>,
        %get3A_1257 = vector.shape_cast %get3A_1256 : vector<1x16xf32> to vector<16xf32>
        %add3A_1258 = arith.addf %scan3A_1231, %get3A_1257 : vector<16xf32>
        %get3A_1259 = arith.constant 0 : i32
        %get3A_1260 = arith.constant 0 : i32
        %get3A_1261 = tpu.memref_slice %arg6[%scan3A_421, %get3A_1259, %get3A_1260] : memref<8x200x64xf32, #tpu.memory_space<vmem>> -> memref<1x200x64xf32, #tpu.memory_space<vmem>>
        %get3A_1262 = tpu.memref_squeeze %get3A_1261 : memref<1x200x64xf32, #tpu.memory_space<vmem>> -> memref<200x64xf32, #tpu.memory_space<vmem>>
        %get3A_1263 = arith.index_cast %scan3A_1228 : i32 to index
        %get3A_1264 = arith.constant 48 : index
        %get3A_1265 = tpu.vector_load %get3A_1262[%get3A_1263, %get3A_1264] {strides = array<i32>} : memref<200x64xf32, #tpu.memory_space<vmem>>, vector<1x16xf32>,
        %get3A_1266 = vector.shape_cast %get3A_1265 : vector<1x16xf32> to vector<16xf32>
        %add3A_1267 = arith.addf %scan3A_1232, %get3A_1266 : vector<16xf32>
        %scan3A_1268 = arith.constant 1 : i32
        %scan3A_1269 = arith.addi %scan3A_1228, %scan3A_1268 : i32
        %get3A_1270 = arith.constant 0 : i32
        %get3A_1271 = arith.constant 0 : i32
        %get3A_1272 = tpu.memref_slice %arg6[%scan3A_421, %get3A_1270, %get3A_1271] : memref<8x200x64xf32, #tpu.memory_space<vmem>> -> memref<1x200x64xf32, #tpu.memory_space<vmem>>
        %get3A_1273 = tpu.memref_squeeze %get3A_1272 : memref<1x200x64xf32, #tpu.memory_space<vmem>> -> memref<200x64xf32, #tpu.memory_space<vmem>>
        %get3A_1274 = arith.index_cast %scan3A_1269 : i32 to index
        %get3A_1275 = arith.constant 0 : index
        %get3A_1276 = tpu.vector_load %get3A_1273[%get3A_1274, %get3A_1275] {strides = array<i32>} : memref<200x64xf32, #tpu.memory_space<vmem>>, vector<1x16xf32>,
        %get3A_1277 = vector.shape_cast %get3A_1276 : vector<1x16xf32> to vector<16xf32>
        %add3A_1278 = arith.addf %add3A_1240, %get3A_1277 : vector<16xf32>
        %get3A_1279 = arith.constant 0 : i32
        %get3A_1280 = arith.constant 0 : i32
        %get3A_1281 = tpu.memref_slice %arg6[%scan3A_421, %get3A_1279, %get3A_1280] : memref<8x200x64xf32, #tpu.memory_space<vmem>> -> memref<1x200x64xf32, #tpu.memory_space<vmem>>
        %get3A_1282 = tpu.memref_squeeze %get3A_1281 : memref<1x200x64xf32, #tpu.memory_space<vmem>> -> memref<200x64xf32, #tpu.memory_space<vmem>>
        %get3A_1283 = arith.index_cast %scan3A_1269 : i32 to index
        %get3A_1284 = arith.constant 16 : index
        %get3A_1285 = tpu.vector_load %get3A_1282[%get3A_1283, %get3A_1284] {strides = array<i32>} : memref<200x64xf32, #tpu.memory_space<vmem>>, vector<1x16xf32>,
        %get3A_1286 = vector.shape_cast %get3A_1285 : vector<1x16xf32> to vector<16xf32>
        %add3A_1287 = arith.addf %add3A_1249, %get3A_1286 : vector<16xf32>
        %get3A_1288 = arith.constant 0 : i32
        %get3A_1289 = arith.constant 0 : i32
        %get3A_1290 = tpu.memref_slice %arg6[%scan3A_421, %get3A_1288, %get3A_1289] : memref<8x200x64xf32, #tpu.memory_space<vmem>> -> memref<1x200x64xf32, #tpu.memory_space<vmem>>
        %get3A_1291 = tpu.memref_squeeze %get3A_1290 : memref<1x200x64xf32, #tpu.memory_space<vmem>> -> memref<200x64xf32, #tpu.memory_space<vmem>>
        %get3A_1292 = arith.index_cast %scan3A_1269 : i32 to index
        %get3A_1293 = arith.constant 32 : index
        %get3A_1294 = tpu.vector_load %get3A_1291[%get3A_1292, %get3A_1293] {strides = array<i32>} : memref<200x64xf32, #tpu.memory_space<vmem>>, vector<1x16xf32>,
        %get3A_1295 = vector.shape_cast %get3A_1294 : vector<1x16xf32> to vector<16xf32>
        %add3A_1296 = arith.addf %add3A_1258, %get3A_1295 : vector<16xf32>
        %get3A_1297 = arith.constant 0 : i32
        %get3A_1298 = arith.constant 0 : i32
        %get3A_1299 = tpu.memref_slice %arg6[%scan3A_421, %get3A_1297, %get3A_1298] : memref<8x200x64xf32, #tpu.memory_space<vmem>> -> memref<1x200x64xf32, #tpu.memory_space<vmem>>
        %get3A_1300 = tpu.memref_squeeze %get3A_1299 : memref<1x200x64xf32, #tpu.memory_space<vmem>> -> memref<200x64xf32, #tpu.memory_space<vmem>>
        %get3A_1301 = arith.index_cast %scan3A_1269 : i32 to index
        %get3A_1302 = arith.constant 48 : index
        %get3A_1303 = tpu.vector_load %get3A_1300[%get3A_1301, %get3A_1302] {strides = array<i32>} : memref<200x64xf32, #tpu.memory_space<vmem>>, vector<1x16xf32>,
        %get3A_1304 = vector.shape_cast %get3A_1303 : vector<1x16xf32> to vector<16xf32>
        %add3A_1305 = arith.addf %add3A_1267, %get3A_1304 : vector<16xf32>
        %scan3A_1306 = arith.constant 2 : i32
        %scan3A_1307 = arith.addi %scan3A_1228, %scan3A_1306 : i32
        %get3A_1308 = arith.constant 0 : i32
        %get3A_1309 = arith.constant 0 : i32
        %get3A_1310 = tpu.memref_slice %arg6[%scan3A_421, %get3A_1308, %get3A_1309] : memref<8x200x64xf32, #tpu.memory_space<vmem>> -> memref<1x200x64xf32, #tpu.memory_space<vmem>>
        %get3A_1311 = tpu.memref_squeeze %get3A_1310 : memref<1x200x64xf32, #tpu.memory_space<vmem>> -> memref<200x64xf32, #tpu.memory_space<vmem>>
        %get3A_1312 = arith.index_cast %scan3A_1307 : i32 to index
        %get3A_1313 = arith.constant 0 : index
        %get3A_1314 = tpu.vector_load %get3A_1311[%get3A_1312, %get3A_1313] {strides = array<i32>} : memref<200x64xf32, #tpu.memory_space<vmem>>, vector<1x16xf32>,
        %get3A_1315 = vector.shape_cast %get3A_1314 : vector<1x16xf32> to vector<16xf32>
        %add3A_1316 = arith.addf %add3A_1278, %get3A_1315 : vector<16xf32>
        %get3A_1317 = arith.constant 0 : i32
        %get3A_1318 = arith.constant 0 : i32
        %get3A_1319 = tpu.memref_slice %arg6[%scan3A_421, %get3A_1317, %get3A_1318] : memref<8x200x64xf32, #tpu.memory_space<vmem>> -> memref<1x200x64xf32, #tpu.memory_space<vmem>>
        %get3A_1320 = tpu.memref_squeeze %get3A_1319 : memref<1x200x64xf32, #tpu.memory_space<vmem>> -> memref<200x64xf32, #tpu.memory_space<vmem>>
        %get3A_1321 = arith.index_cast %scan3A_1307 : i32 to index
        %get3A_1322 = arith.constant 16 : index
        %get3A_1323 = tpu.vector_load %get3A_1320[%get3A_1321, %get3A_1322] {strides = array<i32>} : memref<200x64xf32, #tpu.memory_space<vmem>>, vector<1x16xf32>,
        %get3A_1324 = vector.shape_cast %get3A_1323 : vector<1x16xf32> to vector<16xf32>
        %add3A_1325 = arith.addf %add3A_1287, %get3A_1324 : vector<16xf32>
        %get3A_1326 = arith.constant 0 : i32
        %get3A_1327 = arith.constant 0 : i32
        %get3A_1328 = tpu.memref_slice %arg6[%scan3A_421, %get3A_1326, %get3A_1327] : memref<8x200x64xf32, #tpu.memory_space<vmem>> -> memref<1x200x64xf32, #tpu.memory_space<vmem>>
        %get3A_1329 = tpu.memref_squeeze %get3A_1328 : memref<1x200x64xf32, #tpu.memory_space<vmem>> -> memref<200x64xf32, #tpu.memory_space<vmem>>
        %get3A_1330 = arith.index_cast %scan3A_1307 : i32 to index
        %get3A_1331 = arith.constant 32 : index
        %get3A_1332 = tpu.vector_load %get3A_1329[%get3A_1330, %get3A_1331] {strides = array<i32>} : memref<200x64xf32, #tpu.memory_space<vmem>>, vector<1x16xf32>,
        %get3A_1333 = vector.shape_cast %get3A_1332 : vector<1x16xf32> to vector<16xf32>
        %add3A_1334 = arith.addf %add3A_1296, %get3A_1333 : vector<16xf32>
        %get3A_1335 = arith.constant 0 : i32
        %get3A_1336 = arith.constant 0 : i32
        %get3A_1337 = tpu.memref_slice %arg6[%scan3A_421, %get3A_1335, %get3A_1336] : memref<8x200x64xf32, #tpu.memory_space<vmem>> -> memref<1x200x64xf32, #tpu.memory_space<vmem>>
        %get3A_1338 = tpu.memref_squeeze %get3A_1337 : memref<1x200x64xf32, #tpu.memory_space<vmem>> -> memref<200x64xf32, #tpu.memory_space<vmem>>
        %get3A_1339 = arith.index_cast %scan3A_1307 : i32 to index
        %get3A_1340 = arith.constant 48 : index
        %get3A_1341 = tpu.vector_load %get3A_1338[%get3A_1339, %get3A_1340] {strides = array<i32>} : memref<200x64xf32, #tpu.memory_space<vmem>>, vector<1x16xf32>,
        %get3A_1342 = vector.shape_cast %get3A_1341 : vector<1x16xf32> to vector<16xf32>
        %add3A_1343 = arith.addf %add3A_1305, %get3A_1342 : vector<16xf32>
        %scan3A_1344 = arith.constant 3 : i32
        %scan3A_1345 = arith.addi %scan3A_1228, %scan3A_1344 : i32
        %get3A_1346 = arith.constant 0 : i32
        %get3A_1347 = arith.constant 0 : i32
        %get3A_1348 = tpu.memref_slice %arg6[%scan3A_421, %get3A_1346, %get3A_1347] : memref<8x200x64xf32, #tpu.memory_space<vmem>> -> memref<1x200x64xf32, #tpu.memory_space<vmem>>
        %get3A_1349 = tpu.memref_squeeze %get3A_1348 : memref<1x200x64xf32, #tpu.memory_space<vmem>> -> memref<200x64xf32, #tpu.memory_space<vmem>>
        %get3A_1350 = arith.index_cast %scan3A_1345 : i32 to index
        %get3A_1351 = arith.constant 0 : index
        %get3A_1352 = tpu.vector_load %get3A_1349[%get3A_1350, %get3A_1351] {strides = array<i32>} : memref<200x64xf32, #tpu.memory_space<vmem>>, vector<1x16xf32>,
        %get3A_1353 = vector.shape_cast %get3A_1352 : vector<1x16xf32> to vector<16xf32>
        %add3A_1354 = arith.addf %add3A_1316, %get3A_1353 : vector<16xf32>
        %get3A_1355 = arith.constant 0 : i32
        %get3A_1356 = arith.constant 0 : i32
        %get3A_1357 = tpu.memref_slice %arg6[%scan3A_421, %get3A_1355, %get3A_1356] : memref<8x200x64xf32, #tpu.memory_space<vmem>> -> memref<1x200x64xf32, #tpu.memory_space<vmem>>
        %get3A_1358 = tpu.memref_squeeze %get3A_1357 : memref<1x200x64xf32, #tpu.memory_space<vmem>> -> memref<200x64xf32, #tpu.memory_space<vmem>>
        %get3A_1359 = arith.index_cast %scan3A_1345 : i32 to index
        %get3A_1360 = arith.constant 16 : index
        %get3A_1361 = tpu.vector_load %get3A_1358[%get3A_1359, %get3A_1360] {strides = array<i32>} : memref<200x64xf32, #tpu.memory_space<vmem>>, vector<1x16xf32>,
        %get3A_1362 = vector.shape_cast %get3A_1361 : vector<1x16xf32> to vector<16xf32>
        %add3A_1363 = arith.addf %add3A_1325, %get3A_1362 : vector<16xf32>
        %get3A_1364 = arith.constant 0 : i32
        %get3A_1365 = arith.constant 0 : i32
        %get3A_1366 = tpu.memref_slice %arg6[%scan3A_421, %get3A_1364, %get3A_1365] : memref<8x200x64xf32, #tpu.memory_space<vmem>> -> memref<1x200x64xf32, #tpu.memory_space<vmem>>
        %get3A_1367 = tpu.memref_squeeze %get3A_1366 : memref<1x200x64xf32, #tpu.memory_space<vmem>> -> memref<200x64xf32, #tpu.memory_space<vmem>>
        %get3A_1368 = arith.index_cast %scan3A_1345 : i32 to index
        %get3A_1369 = arith.constant 32 : index
        %get3A_1370 = tpu.vector_load %get3A_1367[%get3A_1368, %get3A_1369] {strides = array<i32>} : memref<200x64xf32, #tpu.memory_space<vmem>>, vector<1x16xf32>,
        %get3A_1371 = vector.shape_cast %get3A_1370 : vector<1x16xf32> to vector<16xf32>
        %add3A_1372 = arith.addf %add3A_1334, %get3A_1371 : vector<16xf32>
        %get3A_1373 = arith.constant 0 : i32
        %get3A_1374 = arith.constant 0 : i32
        %get3A_1375 = tpu.memref_slice %arg6[%scan3A_421, %get3A_1373, %get3A_1374] : memref<8x200x64xf32, #tpu.memory_space<vmem>> -> memref<1x200x64xf32, #tpu.memory_space<vmem>>
        %get3A_1376 = tpu.memref_squeeze %get3A_1375 : memref<1x200x64xf32, #tpu.memory_space<vmem>> -> memref<200x64xf32, #tpu.memory_space<vmem>>
        %get3A_1377 = arith.index_cast %scan3A_1345 : i32 to index
        %get3A_1378 = arith.constant 48 : index
        %get3A_1379 = tpu.vector_load %get3A_1376[%get3A_1377, %get3A_1378] {strides = array<i32>} : memref<200x64xf32, #tpu.memory_space<vmem>>, vector<1x16xf32>,
        %get3A_1380 = vector.shape_cast %get3A_1379 : vector<1x16xf32> to vector<16xf32>
        %add3A_1381 = arith.addf %add3A_1343, %get3A_1380 : vector<16xf32>
        %scan3A_1382 = arith.constant 4 : i32
        %scan3A_1383 = arith.addi %scan3A_1228, %scan3A_1382 : i32
        %get3A_1384 = arith.constant 0 : i32
        %get3A_1385 = arith.constant 0 : i32
        %get3A_1386 = tpu.memref_slice %arg6[%scan3A_421, %get3A_1384, %get3A_1385] : memref<8x200x64xf32, #tpu.memory_space<vmem>> -> memref<1x200x64xf32, #tpu.memory_space<vmem>>
        %get3A_1387 = tpu.memref_squeeze %get3A_1386 : memref<1x200x64xf32, #tpu.memory_space<vmem>> -> memref<200x64xf32, #tpu.memory_space<vmem>>
        %get3A_1388 = arith.index_cast %scan3A_1383 : i32 to index
        %get3A_1389 = arith.constant 0 : index
        %get3A_1390 = tpu.vector_load %get3A_1387[%get3A_1388, %get3A_1389] {strides = array<i32>} : memref<200x64xf32, #tpu.memory_space<vmem>>, vector<1x16xf32>,
        %get3A_1391 = vector.shape_cast %get3A_1390 : vector<1x16xf32> to vector<16xf32>
        %add3A_1392 = arith.addf %add3A_1354, %get3A_1391 : vector<16xf32>
        %get3A_1393 = arith.constant 0 : i32
        %get3A_1394 = arith.constant 0 : i32
        %get3A_1395 = tpu.memref_slice %arg6[%scan3A_421, %get3A_1393, %get3A_1394] : memref<8x200x64xf32, #tpu.memory_space<vmem>> -> memref<1x200x64xf32, #tpu.memory_space<vmem>>
        %get3A_1396 = tpu.memref_squeeze %get3A_1395 : memref<1x200x64xf32, #tpu.memory_space<vmem>> -> memref<200x64xf32, #tpu.memory_space<vmem>>
        %get3A_1397 = arith.index_cast %scan3A_1383 : i32 to index
        %get3A_1398 = arith.constant 16 : index
        %get3A_1399 = tpu.vector_load %get3A_1396[%get3A_1397, %get3A_1398] {strides = array<i32>} : memref<200x64xf32, #tpu.memory_space<vmem>>, vector<1x16xf32>,
        %get3A_1400 = vector.shape_cast %get3A_1399 : vector<1x16xf32> to vector<16xf32>
        %add3A_1401 = arith.addf %add3A_1363, %get3A_1400 : vector<16xf32>
        %get3A_1402 = arith.constant 0 : i32
        %get3A_1403 = arith.constant 0 : i32
        %get3A_1404 = tpu.memref_slice %arg6[%scan3A_421, %get3A_1402, %get3A_1403] : memref<8x200x64xf32, #tpu.memory_space<vmem>> -> memref<1x200x64xf32, #tpu.memory_space<vmem>>
        %get3A_1405 = tpu.memref_squeeze %get3A_1404 : memref<1x200x64xf32, #tpu.memory_space<vmem>> -> memref<200x64xf32, #tpu.memory_space<vmem>>
        %get3A_1406 = arith.index_cast %scan3A_1383 : i32 to index
        %get3A_1407 = arith.constant 32 : index
        %get3A_1408 = tpu.vector_load %get3A_1405[%get3A_1406, %get3A_1407] {strides = array<i32>} : memref<200x64xf32, #tpu.memory_space<vmem>>, vector<1x16xf32>,
        %get3A_1409 = vector.shape_cast %get3A_1408 : vector<1x16xf32> to vector<16xf32>
        %add3A_1410 = arith.addf %add3A_1372, %get3A_1409 : vector<16xf32>
        %get3A_1411 = arith.constant 0 : i32
        %get3A_1412 = arith.constant 0 : i32
        %get3A_1413 = tpu.memref_slice %arg6[%scan3A_421, %get3A_1411, %get3A_1412] : memref<8x200x64xf32, #tpu.memory_space<vmem>> -> memref<1x200x64xf32, #tpu.memory_space<vmem>>
        %get3A_1414 = tpu.memref_squeeze %get3A_1413 : memref<1x200x64xf32, #tpu.memory_space<vmem>> -> memref<200x64xf32, #tpu.memory_space<vmem>>
        %get3A_1415 = arith.index_cast %scan3A_1383 : i32 to index
        %get3A_1416 = arith.constant 48 : index
        %get3A_1417 = tpu.vector_load %get3A_1414[%get3A_1415, %get3A_1416] {strides = array<i32>} : memref<200x64xf32, #tpu.memory_space<vmem>>, vector<1x16xf32>,
        %get3A_1418 = vector.shape_cast %get3A_1417 : vector<1x16xf32> to vector<16xf32>
        %add3A_1419 = arith.addf %add3A_1381, %get3A_1418 : vector<16xf32>
        %scan3A_1420 = arith.constant 5 : i32
        %scan3A_1421 = arith.addi %scan3A_1228, %scan3A_1420 : i32
        %get3A_1422 = arith.constant 0 : i32
        %get3A_1423 = arith.constant 0 : i32
        %get3A_1424 = tpu.memref_slice %arg6[%scan3A_421, %get3A_1422, %get3A_1423] : memref<8x200x64xf32, #tpu.memory_space<vmem>> -> memref<1x200x64xf32, #tpu.memory_space<vmem>>
        %get3A_1425 = tpu.memref_squeeze %get3A_1424 : memref<1x200x64xf32, #tpu.memory_space<vmem>> -> memref<200x64xf32, #tpu.memory_space<vmem>>
        %get3A_1426 = arith.index_cast %scan3A_1421 : i32 to index
        %get3A_1427 = arith.constant 0 : index
        %get3A_1428 = tpu.vector_load %get3A_1425[%get3A_1426, %get3A_1427] {strides = array<i32>} : memref<200x64xf32, #tpu.memory_space<vmem>>, vector<1x16xf32>,
        %get3A_1429 = vector.shape_cast %get3A_1428 : vector<1x16xf32> to vector<16xf32>
        %add3A_1430 = arith.addf %add3A_1392, %get3A_1429 : vector<16xf32>
        %get3A_1431 = arith.constant 0 : i32
        %get3A_1432 = arith.constant 0 : i32
        %get3A_1433 = tpu.memref_slice %arg6[%scan3A_421, %get3A_1431, %get3A_1432] : memref<8x200x64xf32, #tpu.memory_space<vmem>> -> memref<1x200x64xf32, #tpu.memory_space<vmem>>
        %get3A_1434 = tpu.memref_squeeze %get3A_1433 : memref<1x200x64xf32, #tpu.memory_space<vmem>> -> memref<200x64xf32, #tpu.memory_space<vmem>>
        %get3A_1435 = arith.index_cast %scan3A_1421 : i32 to index
        %get3A_1436 = arith.constant 16 : index
        %get3A_1437 = tpu.vector_load %get3A_1434[%get3A_1435, %get3A_1436] {strides = array<i32>} : memref<200x64xf32, #tpu.memory_space<vmem>>, vector<1x16xf32>,
        %get3A_1438 = vector.shape_cast %get3A_1437 : vector<1x16xf32> to vector<16xf32>
        %add3A_1439 = arith.addf %add3A_1401, %get3A_1438 : vector<16xf32>
        %get3A_1440 = arith.constant 0 : i32
        %get3A_1441 = arith.constant 0 : i32
        %get3A_1442 = tpu.memref_slice %arg6[%scan3A_421, %get3A_1440, %get3A_1441] : memref<8x200x64xf32, #tpu.memory_space<vmem>> -> memref<1x200x64xf32, #tpu.memory_space<vmem>>
        %get3A_1443 = tpu.memref_squeeze %get3A_1442 : memref<1x200x64xf32, #tpu.memory_space<vmem>> -> memref<200x64xf32, #tpu.memory_space<vmem>>
        %get3A_1444 = arith.index_cast %scan3A_1421 : i32 to index
        %get3A_1445 = arith.constant 32 : index
        %get3A_1446 = tpu.vector_load %get3A_1443[%get3A_1444, %get3A_1445] {strides = array<i32>} : memref<200x64xf32, #tpu.memory_space<vmem>>, vector<1x16xf32>,
        %get3A_1447 = vector.shape_cast %get3A_1446 : vector<1x16xf32> to vector<16xf32>
        %add3A_1448 = arith.addf %add3A_1410, %get3A_1447 : vector<16xf32>
        %get3A_1449 = arith.constant 0 : i32
        %get3A_1450 = arith.constant 0 : i32
        %get3A_1451 = tpu.memref_slice %arg6[%scan3A_421, %get3A_1449, %get3A_1450] : memref<8x200x64xf32, #tpu.memory_space<vmem>> -> memref<1x200x64xf32, #tpu.memory_space<vmem>>
        %get3A_1452 = tpu.memref_squeeze %get3A_1451 : memref<1x200x64xf32, #tpu.memory_space<vmem>> -> memref<200x64xf32, #tpu.memory_space<vmem>>
        %get3A_1453 = arith.index_cast %scan3A_1421 : i32 to index
        %get3A_1454 = arith.constant 48 : index
        %get3A_1455 = tpu.vector_load %get3A_1452[%get3A_1453, %get3A_1454] {strides = array<i32>} : memref<200x64xf32, #tpu.memory_space<vmem>>, vector<1x16xf32>,
        %get3A_1456 = vector.shape_cast %get3A_1455 : vector<1x16xf32> to vector<16xf32>
        %add3A_1457 = arith.addf %add3A_1419, %get3A_1456 : vector<16xf32>
        %scan3A_1458 = arith.constant 6 : i32
        %scan3A_1459 = arith.addi %scan3A_1228, %scan3A_1458 : i32
        %get3A_1460 = arith.constant 0 : i32
        %get3A_1461 = arith.constant 0 : i32
        %get3A_1462 = tpu.memref_slice %arg6[%scan3A_421, %get3A_1460, %get3A_1461] : memref<8x200x64xf32, #tpu.memory_space<vmem>> -> memref<1x200x64xf32, #tpu.memory_space<vmem>>
        %get3A_1463 = tpu.memref_squeeze %get3A_1462 : memref<1x200x64xf32, #tpu.memory_space<vmem>> -> memref<200x64xf32, #tpu.memory_space<vmem>>
        %get3A_1464 = arith.index_cast %scan3A_1459 : i32 to index
        %get3A_1465 = arith.constant 0 : index
        %get3A_1466 = tpu.vector_load %get3A_1463[%get3A_1464, %get3A_1465] {strides = array<i32>} : memref<200x64xf32, #tpu.memory_space<vmem>>, vector<1x16xf32>,
        %get3A_1467 = vector.shape_cast %get3A_1466 : vector<1x16xf32> to vector<16xf32>
        %add3A_1468 = arith.addf %add3A_1430, %get3A_1467 : vector<16xf32>
        %get3A_1469 = arith.constant 0 : i32
        %get3A_1470 = arith.constant 0 : i32
        %get3A_1471 = tpu.memref_slice %arg6[%scan3A_421, %get3A_1469, %get3A_1470] : memref<8x200x64xf32, #tpu.memory_space<vmem>> -> memref<1x200x64xf32, #tpu.memory_space<vmem>>
        %get3A_1472 = tpu.memref_squeeze %get3A_1471 : memref<1x200x64xf32, #tpu.memory_space<vmem>> -> memref<200x64xf32, #tpu.memory_space<vmem>>
        %get3A_1473 = arith.index_cast %scan3A_1459 : i32 to index
        %get3A_1474 = arith.constant 16 : index
        %get3A_1475 = tpu.vector_load %get3A_1472[%get3A_1473, %get3A_1474] {strides = array<i32>} : memref<200x64xf32, #tpu.memory_space<vmem>>, vector<1x16xf32>,
        %get3A_1476 = vector.shape_cast %get3A_1475 : vector<1x16xf32> to vector<16xf32>
        %add3A_1477 = arith.addf %add3A_1439, %get3A_1476 : vector<16xf32>
        %get3A_1478 = arith.constant 0 : i32
        %get3A_1479 = arith.constant 0 : i32
        %get3A_1480 = tpu.memref_slice %arg6[%scan3A_421, %get3A_1478, %get3A_1479] : memref<8x200x64xf32, #tpu.memory_space<vmem>> -> memref<1x200x64xf32, #tpu.memory_space<vmem>>
        %get3A_1481 = tpu.memref_squeeze %get3A_1480 : memref<1x200x64xf32, #tpu.memory_space<vmem>> -> memref<200x64xf32, #tpu.memory_space<vmem>>
        %get3A_1482 = arith.index_cast %scan3A_1459 : i32 to index
        %get3A_1483 = arith.constant 32 : index
        %get3A_1484 = tpu.vector_load %get3A_1481[%get3A_1482, %get3A_1483] {strides = array<i32>} : memref<200x64xf32, #tpu.memory_space<vmem>>, vector<1x16xf32>,
        %get3A_1485 = vector.shape_cast %get3A_1484 : vector<1x16xf32> to vector<16xf32>
        %add3A_1486 = arith.addf %add3A_1448, %get3A_1485 : vector<16xf32>
        %get3A_1487 = arith.constant 0 : i32
        %get3A_1488 = arith.constant 0 : i32
        %get3A_1489 = tpu.memref_slice %arg6[%scan3A_421, %get3A_1487, %get3A_1488] : memref<8x200x64xf32, #tpu.memory_space<vmem>> -> memref<1x200x64xf32, #tpu.memory_space<vmem>>
        %get3A_1490 = tpu.memref_squeeze %get3A_1489 : memref<1x200x64xf32, #tpu.memory_space<vmem>> -> memref<200x64xf32, #tpu.memory_space<vmem>>
        %get3A_1491 = arith.index_cast %scan3A_1459 : i32 to index
        %get3A_1492 = arith.constant 48 : index
        %get3A_1493 = tpu.vector_load %get3A_1490[%get3A_1491, %get3A_1492] {strides = array<i32>} : memref<200x64xf32, #tpu.memory_space<vmem>>, vector<1x16xf32>,
        %get3A_1494 = vector.shape_cast %get3A_1493 : vector<1x16xf32> to vector<16xf32>
        %add3A_1495 = arith.addf %add3A_1457, %get3A_1494 : vector<16xf32>
        %scan3A_1496 = arith.constant 7 : i32
        %scan3A_1497 = arith.addi %scan3A_1228, %scan3A_1496 : i32
        %get3A_1498 = arith.constant 0 : i32
        %get3A_1499 = arith.constant 0 : i32
        %get3A_1500 = tpu.memref_slice %arg6[%scan3A_421, %get3A_1498, %get3A_1499] : memref<8x200x64xf32, #tpu.memory_space<vmem>> -> memref<1x200x64xf32, #tpu.memory_space<vmem>>
        %get3A_1501 = tpu.memref_squeeze %get3A_1500 : memref<1x200x64xf32, #tpu.memory_space<vmem>> -> memref<200x64xf32, #tpu.memory_space<vmem>>
        %get3A_1502 = arith.index_cast %scan3A_1497 : i32 to index
        %get3A_1503 = arith.constant 0 : index
        %get3A_1504 = tpu.vector_load %get3A_1501[%get3A_1502, %get3A_1503] {strides = array<i32>} : memref<200x64xf32, #tpu.memory_space<vmem>>, vector<1x16xf32>,
        %get3A_1505 = vector.shape_cast %get3A_1504 : vector<1x16xf32> to vector<16xf32>
        %add3A_1506 = arith.addf %add3A_1468, %get3A_1505 : vector<16xf32>
        %get3A_1507 = arith.constant 0 : i32
        %get3A_1508 = arith.constant 0 : i32
        %get3A_1509 = tpu.memref_slice %arg6[%scan3A_421, %get3A_1507, %get3A_1508] : memref<8x200x64xf32, #tpu.memory_space<vmem>> -> memref<1x200x64xf32, #tpu.memory_space<vmem>>
        %get3A_1510 = tpu.memref_squeeze %get3A_1509 : memref<1x200x64xf32, #tpu.memory_space<vmem>> -> memref<200x64xf32, #tpu.memory_space<vmem>>
        %get3A_1511 = arith.index_cast %scan3A_1497 : i32 to index
        %get3A_1512 = arith.constant 16 : index
        %get3A_1513 = tpu.vector_load %get3A_1510[%get3A_1511, %get3A_1512] {strides = array<i32>} : memref<200x64xf32, #tpu.memory_space<vmem>>, vector<1x16xf32>,
        %get3A_1514 = vector.shape_cast %get3A_1513 : vector<1x16xf32> to vector<16xf32>
        %add3A_1515 = arith.addf %add3A_1477, %get3A_1514 : vector<16xf32>
        %get3A_1516 = arith.constant 0 : i32
        %get3A_1517 = arith.constant 0 : i32
        %get3A_1518 = tpu.memref_slice %arg6[%scan3A_421, %get3A_1516, %get3A_1517] : memref<8x200x64xf32, #tpu.memory_space<vmem>> -> memref<1x200x64xf32, #tpu.memory_space<vmem>>
        %get3A_1519 = tpu.memref_squeeze %get3A_1518 : memref<1x200x64xf32, #tpu.memory_space<vmem>> -> memref<200x64xf32, #tpu.memory_space<vmem>>
        %get3A_1520 = arith.index_cast %scan3A_1497 : i32 to index
        %get3A_1521 = arith.constant 32 : index
        %get3A_1522 = tpu.vector_load %get3A_1519[%get3A_1520, %get3A_1521] {strides = array<i32>} : memref<200x64xf32, #tpu.memory_space<vmem>>, vector<1x16xf32>,
        %get3A_1523 = vector.shape_cast %get3A_1522 : vector<1x16xf32> to vector<16xf32>
        %add3A_1524 = arith.addf %add3A_1486, %get3A_1523 : vector<16xf32>
        %get3A_1525 = arith.constant 0 : i32
        %get3A_1526 = arith.constant 0 : i32
        %get3A_1527 = tpu.memref_slice %arg6[%scan3A_421, %get3A_1525, %get3A_1526] : memref<8x200x64xf32, #tpu.memory_space<vmem>> -> memref<1x200x64xf32, #tpu.memory_space<vmem>>
        %get3A_1528 = tpu.memref_squeeze %get3A_1527 : memref<1x200x64xf32, #tpu.memory_space<vmem>> -> memref<200x64xf32, #tpu.memory_space<vmem>>
        %get3A_1529 = arith.index_cast %scan3A_1497 : i32 to index
        %get3A_1530 = arith.constant 48 : index
        %get3A_1531 = tpu.vector_load %get3A_1528[%get3A_1529, %get3A_1530] {strides = array<i32>} : memref<200x64xf32, #tpu.memory_space<vmem>>, vector<1x16xf32>,
        %get3A_1532 = vector.shape_cast %get3A_1531 : vector<1x16xf32> to vector<16xf32>
        %add3A_1533 = arith.addf %add3A_1495, %get3A_1532 : vector<16xf32>
        scf.yield %add3A_1506, %add3A_1515, %add3A_1524, %add3A_1533 : vector<16xf32>, vector<16xf32>, vector<16xf32>, vector<16xf32>
      }
      %scan3A_427 = arith.constant 200 : i32
      %add3A_428 = arith.constant 8 : i32
      %add3A_429 = arith.addi %add3A_390, %add3A_428 : i32
      %lt3A_430 = arith.constant 512 : i32
      %lt3A_431 = arith.cmpi slt, %add3A_429, %lt3A_430 : i32
      %rem3A_432 = arith.constant 32 : i32
      %rem3A_433 = arith.remsi %add3A_429, %rem3A_432 : i32
      %eq3A_434 = arith.constant 0 : i32
      %eq3A_435 = arith.cmpi eq, %rem3A_433, %eq3A_434 : i32
      %and3A_436 = arith.andi %lt3A_431, %eq3A_435 : i1
      %convert_element_type3A_437 = arith.extui %and3A_436 : i1 to i32
      %cond3A_438 = arith.constant 0 : i32
      %cond3A_439 = arith.cmpi ne, %convert_element_type3A_437, %cond3A_438 : i32
      scf.if %cond3A_439 {
        %dma_wait3A_1228 = arith.constant 0 : i32
        %dma_wait3A_1229 = arith.constant 0 : i32
        %dma_wait3A_1230 = arith.constant 0 : i32
        %dma_wait3A_1231 = tpu.memref_slice %arg5[%dma_wait3A_1228, %dma_wait3A_1229, %dma_wait3A_1230] : memref<2x32x200xi32, #tpu.memory_space<vmem>> -> memref<1x32x200xi32, #tpu.memory_space<vmem>>
        %dma_wait3A_1232 = tpu.memref_squeeze %dma_wait3A_1231 : memref<1x32x200xi32, #tpu.memory_space<vmem>> -> memref<32x200xi32, #tpu.memory_space<vmem>>
        %dma_wait3A_1233 = arith.constant 0 : i32
        %dma_wait3A_1234 = tpu.memref_slice %arg2[%mul3A_2, %dma_wait3A_1233] : memref<16384x200xi32, #tpu.memory_space<hbm>> -> memref<32x200xi32, #tpu.memory_space<hbm>>
        %dma_wait3A_1235 = arith.constant 0 : i32
        %dma_wait3A_1236 = arith.constant 0 : i32
        %dma_wait3A_1237 = tpu.memref_slice %arg5[%dma_wait3A_1228, %dma_wait3A_1235, %dma_wait3A_1236] : memref<2x32x200xi32, #tpu.memory_space<vmem>> -> memref<1x32x200xi32, #tpu.memory_space<vmem>>
        %dma_wait3A_1238 = tpu.memref_squeeze %dma_wait3A_1237 : memref<1x32x200xi32, #tpu.memory_space<vmem>> -> memref<32x200xi32, #tpu.memory_space<vmem>>
        %dma_wait3A_1239 = arith.constant 0 : i32
        %dma_wait3A_1240 = tpu.memref_slice %arg2[%mul3A_2, %dma_wait3A_1239] : memref<16384x200xi32, #tpu.memory_space<hbm>> -> memref<32x200xi32, #tpu.memory_space<hbm>>
        tpu.wait_dma2 semaphore(%arg16 : memref<!tpu.dma_semaphore, #tpu.memory_space<semaphore_mem>>) src(%dma_wait3A_1240 : memref<32x200xi32, #tpu.memory_space<hbm>>) dst(%dma_wait3A_1238 : memref<32x200xi32, #tpu.memory_space<vmem>>)
      } else {
      }
      %lt3A_440 = arith.constant 512 : i32
      %lt3A_441 = arith.cmpi slt, %add3A_429, %lt3A_440 : i32
      %convert_element_type3A_442 = arith.extui %lt3A_441 : i1 to i32
      %cond3A_443 = arith.constant 0 : i32
      %cond3A_444 = arith.cmpi ne, %convert_element_type3A_442, %cond3A_443 : i32
      scf.if %cond3A_444 {
        %div3A_1228 = arith.constant 32 : i32
        %div3A_1229 = arith.divsi %add3A_429, %div3A_1228 : i32
        %rem3A_1230 = arith.constant 2 : i32
        %rem3A_1231 = arith.remsi %div3A_1229, %rem3A_1230 : i32
        %rem3A_1232 = arith.constant 32 : i32
        %rem3A_1233 = arith.remsi %add3A_429, %rem3A_1232 : i32
        %dma_start3A_1234 = arith.constant 1 : i32
        %dma_start3A_1235 = arith.constant 0 : i32
        %dma_start3A_1236 = arith.constant 0 : i32
        %dma_start3A_1237 = tpu.memref_slice %arg6[%dma_start3A_1234, %dma_start3A_1235, %dma_start3A_1236] : memref<8x200x64xf32, #tpu.memory_space<vmem>> -> memref<1x104x64xf32, #tpu.memory_space<vmem>>
        %dma_start3A_1238 = tpu.memref_squeeze %dma_start3A_1237 : memref<1x104x64xf32, #tpu.memory_space<vmem>> -> memref<104x64xf32, #tpu.memory_space<vmem>>
        %dma_start3A_1239 = arith.constant 0 : i32
        %dma_start3A_1240 = tpu.memref_slice %arg5[%rem3A_1231, %rem3A_1233, %dma_start3A_1239] : memref<2x32x200xi32, #tpu.memory_space<vmem>> -> memref<1x1x104xi32, #tpu.memory_space<vmem>>
        %dma_start3A_1241 = tpu.memref_squeeze %dma_start3A_1240 : memref<1x1x104xi32, #tpu.memory_space<vmem>> -> memref<104xi32, #tpu.memory_space<vmem>>
        %dma_start3A_1242 = arith.constant 0 : i32
        %dma_start3A_1243 = arith.constant 0 : i32
        %dma_start3A_1244 = tpu.memref_slice %arg3[%dma_start3A_1242, %dma_start3A_1243] : memref<1000000x64xf32, #tpu.memory_space<hbm>> -> memref<1000000x64xf32, #tpu.memory_space<hbm>>
        tpu.enqueue_indirect_dma source(%dma_start3A_1244 : memref<1000000x64xf32, #tpu.memory_space<hbm>>) target(%dma_start3A_1238 : memref<104x64xf32, #tpu.memory_space<vmem>>) offsets(%dma_start3A_1241 : memref<104xi32, #tpu.memory_space<vmem>>) semaphore(%arg9 : memref<!tpu.dma_semaphore, #tpu.memory_space<semaphore_mem>>)
        %dma_start3A_1245 = arith.constant 1 : i32
        %dma_start3A_1246 = arith.constant 104 : i32
        %dma_start3A_1247 = arith.constant 0 : i32
        %dma_start3A_1248 = tpu.memref_slice %arg6[%dma_start3A_1245, %dma_start3A_1246, %dma_start3A_1247] : memref<8x200x64xf32, #tpu.memory_space<vmem>> -> memref<1x96x64xf32, #tpu.memory_space<vmem>>
        %dma_start3A_1249 = tpu.memref_squeeze %dma_start3A_1248 : memref<1x96x64xf32, #tpu.memory_space<vmem>> -> memref<96x64xf32, #tpu.memory_space<vmem>>
        %dma_start3A_1250 = arith.constant 104 : i32
        %dma_start3A_1251 = tpu.memref_slice %arg5[%rem3A_1231, %rem3A_1233, %dma_start3A_1250] : memref<2x32x200xi32, #tpu.memory_space<vmem>> -> memref<1x1x96xi32, #tpu.memory_space<vmem>>
        %dma_start3A_1252 = tpu.memref_squeeze %dma_start3A_1251 : memref<1x1x96xi32, #tpu.memory_space<vmem>> -> memref<96xi32, #tpu.memory_space<vmem>>
        %dma_start3A_1253 = arith.constant 0 : i32
        %dma_start3A_1254 = arith.constant 0 : i32
        %dma_start3A_1255 = tpu.memref_slice %arg3[%dma_start3A_1253, %dma_start3A_1254] : memref<1000000x64xf32, #tpu.memory_space<hbm>> -> memref<1000000x64xf32, #tpu.memory_space<hbm>>
        tpu.enqueue_indirect_dma source(%dma_start3A_1255 : memref<1000000x64xf32, #tpu.memory_space<hbm>>) target(%dma_start3A_1249 : memref<96x64xf32, #tpu.memory_space<vmem>>) offsets(%dma_start3A_1252 : memref<96xi32, #tpu.memory_space<vmem>>) semaphore(%arg9 : memref<!tpu.dma_semaphore, #tpu.memory_space<semaphore_mem>>)
      } else {
      }
      %rem3A_445 = arith.constant 32 : i32
      %rem3A_446 = arith.remsi %add3A_390, %rem3A_445 : i32
      %eq3A_447 = arith.constant 0 : i32
      %eq3A_448 = arith.cmpi eq, %rem3A_446, %eq3A_447 : i32
      %gt3A_449 = arith.constant 0 : i32
      %gt3A_450 = arith.cmpi sgt, %add3A_390, %gt3A_449 : i32
      %and3A_451 = arith.andi %eq3A_448, %gt3A_450 : i1
      %lt3A_452 = arith.constant 480 : i32
      %lt3A_453 = arith.cmpi slt, %add3A_390, %lt3A_452 : i32
      %and3A_454 = arith.andi %and3A_451, %lt3A_453 : i1
      %convert_element_type3A_455 = arith.extui %and3A_454 : i1 to i32
      %cond3A_456 = arith.constant 0 : i32
      %cond3A_457 = arith.cmpi ne, %convert_element_type3A_455, %cond3A_456 : i32
      scf.if %cond3A_457 {
        %div3A_1228 = arith.constant 32 : i32
        %div3A_1229 = arith.divsi %add3A_390, %div3A_1228 : i32
        %add3A_1230 = arith.constant 1 : i32
        %add3A_1231 = arith.addi %div3A_1229, %add3A_1230 : i32
        %mul3A_1232 = arith.constant 32 : i32
        %mul3A_1233 = arith.muli %add3A_1231, %mul3A_1232 : i32
        %add3A_1234 = arith.addi %mul3A_2, %mul3A_1233 : i32
        %rem3A_1235 = arith.constant 2 : i32
        %rem3A_1236 = arith.remsi %add3A_1231, %rem3A_1235 : i32
        %dma_start3A_1237 = arith.constant 0 : i32
        %dma_start3A_1238 = arith.constant 0 : i32
        %dma_start3A_1239 = tpu.memref_slice %arg5[%rem3A_1236, %dma_start3A_1237, %dma_start3A_1238] : memref<2x32x200xi32, #tpu.memory_space<vmem>> -> memref<1x32x200xi32, #tpu.memory_space<vmem>>
        %dma_start3A_1240 = tpu.memref_squeeze %dma_start3A_1239 : memref<1x32x200xi32, #tpu.memory_space<vmem>> -> memref<32x200xi32, #tpu.memory_space<vmem>>
        %dma_start3A_1241 = arith.constant 0 : i32
        %dma_start3A_1242 = tpu.memref_slice %arg2[%add3A_1234, %dma_start3A_1241] : memref<16384x200xi32, #tpu.memory_space<hbm>> -> memref<32x200xi32, #tpu.memory_space<hbm>>
        %dma_start3A_1243 = arith.constant 0 : i32
        %dma_start3A_1244 = arith.constant 0 : i32
        %dma_start3A_1245 = tpu.memref_slice %arg5[%rem3A_1236, %dma_start3A_1243, %dma_start3A_1244] : memref<2x32x200xi32, #tpu.memory_space<vmem>> -> memref<1x32x200xi32, #tpu.memory_space<vmem>>
        %dma_start3A_1246 = tpu.memref_squeeze %dma_start3A_1245 : memref<1x32x200xi32, #tpu.memory_space<vmem>> -> memref<32x200xi32, #tpu.memory_space<vmem>>
        %dma_start3A_1247 = arith.constant 0 : i32
        %dma_start3A_1248 = tpu.memref_slice %arg2[%add3A_1234, %dma_start3A_1247] : memref<16384x200xi32, #tpu.memory_space<hbm>> -> memref<32x200xi32, #tpu.memory_space<hbm>>
        tpu.enqueue_dma source(%dma_start3A_1248 : memref<32x200xi32, #tpu.memory_space<hbm>>) target(%dma_start3A_1246 : memref<32x200xi32, #tpu.memory_space<vmem>>) target_semaphore(%arg16 : memref<!tpu.dma_semaphore, #tpu.memory_space<semaphore_mem>>)
      } else {
      }
      %div3A_458 = arith.constant 64 : i32
      %div3A_459 = arith.divsi %add3A_390, %div3A_458 : i32
      %rem3A_460 = arith.constant 2 : i32
      %rem3A_461 = arith.remsi %div3A_459, %rem3A_460 : i32
      %rem3A_462 = arith.constant 64 : i32
      %rem3A_463 = arith.remsi %add3A_390, %rem3A_462 : i32
      %mul3A_464 = arith.constant 5.000000e-03 : f32
      %mul3A_465 = vector.broadcast %mul3A_464 : f32 to vector<16xf32>
      %mul3A_466 = arith.mulf %scan3A_426#0, %mul3A_465 : vector<16xf32>
      %swap3A_467 = arith.index_cast %rem3A_461 : i32 to index
      %swap3A_468 = arith.index_cast %rem3A_463 : i32 to index
      %swap3A_469 = arith.constant 0 : index
      %swap3A_470 = tpu.vector_load %arg7[%swap3A_467, %swap3A_468, %swap3A_469] {strides = array<i32>} : memref<2x64x64xf32, #tpu.memory_space<vmem>>, vector<1x1x16xf32>,
      %swap3A_471 = vector.shape_cast %swap3A_470 : vector<1x1x16xf32> to vector<16xf32>
      %swap3A_472 = vector.shape_cast %mul3A_466 : vector<16xf32> to vector<1x1x16xf32>
      tpu.vector_store %arg7[%swap3A_467, %swap3A_468, %swap3A_469], %swap3A_472 {strides = array<i32>} : memref<2x64x64xf32, #tpu.memory_space<vmem>>, vector<1x1x16xf32>,
      %mul3A_473 = arith.constant 5.000000e-03 : f32
      %mul3A_474 = vector.broadcast %mul3A_473 : f32 to vector<16xf32>
      %mul3A_475 = arith.mulf %scan3A_426#1, %mul3A_474 : vector<16xf32>
      %swap3A_476 = arith.index_cast %rem3A_461 : i32 to index
      %swap3A_477 = arith.index_cast %rem3A_463 : i32 to index
      %swap3A_478 = arith.constant 16 : index
      %swap3A_479 = tpu.vector_load %arg7[%swap3A_476, %swap3A_477, %swap3A_478] {strides = array<i32>} : memref<2x64x64xf32, #tpu.memory_space<vmem>>, vector<1x1x16xf32>,
      %swap3A_480 = vector.shape_cast %swap3A_479 : vector<1x1x16xf32> to vector<16xf32>
      %swap3A_481 = vector.shape_cast %mul3A_475 : vector<16xf32> to vector<1x1x16xf32>
      tpu.vector_store %arg7[%swap3A_476, %swap3A_477, %swap3A_478], %swap3A_481 {strides = array<i32>} : memref<2x64x64xf32, #tpu.memory_space<vmem>>, vector<1x1x16xf32>,
      %mul3A_482 = arith.constant 5.000000e-03 : f32
      %mul3A_483 = vector.broadcast %mul3A_482 : f32 to vector<16xf32>
      %mul3A_484 = arith.mulf %scan3A_426#2, %mul3A_483 : vector<16xf32>
      %swap3A_485 = arith.index_cast %rem3A_461 : i32 to index
      %swap3A_486 = arith.index_cast %rem3A_463 : i32 to index
      %swap3A_487 = arith.constant 32 : index
      %swap3A_488 = tpu.vector_load %arg7[%swap3A_485, %swap3A_486, %swap3A_487] {strides = array<i32>} : memref<2x64x64xf32, #tpu.memory_space<vmem>>, vector<1x1x16xf32>,
      %swap3A_489 = vector.shape_cast %swap3A_488 : vector<1x1x16xf32> to vector<16xf32>
      %swap3A_490 = vector.shape_cast %mul3A_484 : vector<16xf32> to vector<1x1x16xf32>
      tpu.vector_store %arg7[%swap3A_485, %swap3A_486, %swap3A_487], %swap3A_490 {strides = array<i32>} : memref<2x64x64xf32, #tpu.memory_space<vmem>>, vector<1x1x16xf32>,
      %mul3A_491 = arith.constant 5.000000e-03 : f32
      %mul3A_492 = vector.broadcast %mul3A_491 : f32 to vector<16xf32>
      %mul3A_493 = arith.mulf %scan3A_426#3, %mul3A_492 : vector<16xf32>
      %swap3A_494 = arith.index_cast %rem3A_461 : i32 to index
      %swap3A_495 = arith.index_cast %rem3A_463 : i32 to index
      %swap3A_496 = arith.constant 48 : index
      %swap3A_497 = tpu.vector_load %arg7[%swap3A_494, %swap3A_495, %swap3A_496] {strides = array<i32>} : memref<2x64x64xf32, #tpu.memory_space<vmem>>, vector<1x1x16xf32>,
      %swap3A_498 = vector.shape_cast %swap3A_497 : vector<1x1x16xf32> to vector<16xf32>
      %swap3A_499 = vector.shape_cast %mul3A_493 : vector<16xf32> to vector<1x1x16xf32>
      tpu.vector_store %arg7[%swap3A_494, %swap3A_495, %swap3A_496], %swap3A_499 {strides = array<i32>} : memref<2x64x64xf32, #tpu.memory_space<vmem>>, vector<1x1x16xf32>,
      %rem3A_500 = arith.constant 64 : i32
      %rem3A_501 = arith.remsi %add3A_390, %rem3A_500 : i32
      %eq3A_502 = arith.constant 63 : i32
      %eq3A_503 = arith.cmpi eq, %rem3A_501, %eq3A_502 : i32
      %convert_element_type3A_504 = arith.extui %eq3A_503 : i1 to i32
      %cond3A_505 = arith.constant 0 : i32
      %cond3A_506 = arith.cmpi ne, %convert_element_type3A_504, %cond3A_505 : i32
      scf.if %cond3A_506 {
        %div3A_1228 = arith.constant 64 : i32
        %div3A_1229 = arith.divsi %add3A_390, %div3A_1228 : i32
        %gt3A_1230 = arith.constant 0 : i32
        %gt3A_1231 = arith.cmpi sgt, %div3A_1229, %gt3A_1230 : i32
        %convert_element_type3A_1232 = arith.extui %gt3A_1231 : i1 to i32
        %cond3A_1233 = arith.constant 0 : i32
        %cond3A_1234 = arith.cmpi ne, %convert_element_type3A_1232, %cond3A_1233 : i32
        scf.if %cond3A_1234 {
          %dma_wait3A_1250 = arith.constant 0 : i32
          %dma_wait3A_1251 = arith.constant 0 : i32
          %dma_wait3A_1252 = arith.constant 0 : i32
          %dma_wait3A_1253 = tpu.memref_slice %arg7[%dma_wait3A_1250, %dma_wait3A_1251, %dma_wait3A_1252] : memref<2x64x64xf32, #tpu.memory_space<vmem>> -> memref<1x64x64xf32, #tpu.memory_space<vmem>>
          %dma_wait3A_1254 = tpu.memref_squeeze %dma_wait3A_1253 : memref<1x64x64xf32, #tpu.memory_space<vmem>> -> memref<64x64xf32, #tpu.memory_space<vmem>>
          %dma_wait3A_1255 = arith.constant 0 : i32
          %dma_wait3A_1256 = tpu.memref_slice %arg4[%mul3A_2, %dma_wait3A_1255] : memref<16384x64xf32, #tpu.memory_space<hbm>> -> memref<64x64xf32, #tpu.memory_space<hbm>>
          %dma_wait3A_1257 = arith.constant 0 : i32
          %dma_wait3A_1258 = tpu.memref_slice %arg4[%mul3A_2, %dma_wait3A_1257] : memref<16384x64xf32, #tpu.memory_space<hbm>> -> memref<64x64xf32, #tpu.memory_space<hbm>>
          %dma_wait3A_1259 = arith.constant 0 : i32
          %dma_wait3A_1260 = arith.constant 0 : i32
          %dma_wait3A_1261 = tpu.memref_slice %arg7[%dma_wait3A_1250, %dma_wait3A_1259, %dma_wait3A_1260] : memref<2x64x64xf32, #tpu.memory_space<vmem>> -> memref<1x64x64xf32, #tpu.memory_space<vmem>>
          %dma_wait3A_1262 = tpu.memref_squeeze %dma_wait3A_1261 : memref<1x64x64xf32, #tpu.memory_space<vmem>> -> memref<64x64xf32, #tpu.memory_space<vmem>>
          tpu.wait_dma2 semaphore(%arg17 : memref<!tpu.dma_semaphore, #tpu.memory_space<semaphore_mem>>) src(%dma_wait3A_1262 : memref<64x64xf32, #tpu.memory_space<vmem>>) dst(%dma_wait3A_1258 : memref<64x64xf32, #tpu.memory_space<hbm>>)
        } else {
        }
        %mul3A_1235 = arith.constant 64 : i32
        %mul3A_1236 = arith.muli %div3A_1229, %mul3A_1235 : i32
        %add3A_1237 = arith.addi %mul3A_2, %mul3A_1236 : i32
        %dma_start3A_1238 = arith.constant 0 : i32
        %dma_start3A_1239 = arith.constant 0 : i32
        %dma_start3A_1240 = tpu.memref_slice %arg7[%rem3A_461, %dma_start3A_1238, %dma_start3A_1239] : memref<2x64x64xf32, #tpu.memory_space<vmem>> -> memref<1x64x64xf32, #tpu.memory_space<vmem>>
        %dma_start3A_1241 = tpu.memref_squeeze %dma_start3A_1240 : memref<1x64x64xf32, #tpu.memory_space<vmem>> -> memref<64x64xf32, #tpu.memory_space<vmem>>
        %dma_start3A_1242 = arith.constant 0 : i32
        %dma_start3A_1243 = tpu.memref_slice %arg4[%add3A_1237, %dma_start3A_1242] : memref<16384x64xf32, #tpu.memory_space<hbm>> -> memref<64x64xf32, #tpu.memory_space<hbm>>
        %dma_start3A_1244 = arith.constant 0 : i32
        %dma_start3A_1245 = tpu.memref_slice %arg4[%add3A_1237, %dma_start3A_1244] : memref<16384x64xf32, #tpu.memory_space<hbm>> -> memref<64x64xf32, #tpu.memory_space<hbm>>
        %dma_start3A_1246 = arith.constant 0 : i32
        %dma_start3A_1247 = arith.constant 0 : i32
        %dma_start3A_1248 = tpu.memref_slice %arg7[%rem3A_461, %dma_start3A_1246, %dma_start3A_1247] : memref<2x64x64xf32, #tpu.memory_space<vmem>> -> memref<1x64x64xf32, #tpu.memory_space<vmem>>
        %dma_start3A_1249 = tpu.memref_squeeze %dma_start3A_1248 : memref<1x64x64xf32, #tpu.memory_space<vmem>> -> memref<64x64xf32, #tpu.memory_space<vmem>>
        tpu.enqueue_dma source(%dma_start3A_1249 : memref<64x64xf32, #tpu.memory_space<vmem>>) target(%dma_start3A_1245 : memref<64x64xf32, #tpu.memory_space<hbm>>) target_semaphore(%arg17 : memref<!tpu.dma_semaphore, #tpu.memory_space<semaphore_mem>>)
      } else {
      }
      %mul3A_507 = arith.constant 8 : i32
      %mul3A_508 = arith.muli %scan3A_273, %mul3A_507 : i32
      %add3A_509 = arith.constant 2 : i32
      %add3A_510 = arith.addi %mul3A_508, %add3A_509 : i32
      %div3A_511 = arith.constant 32 : i32
      %div3A_512 = arith.divsi %add3A_510, %div3A_511 : i32
      %rem3A_513 = arith.constant 2 : i32
      %rem3A_514 = arith.remsi %div3A_512, %rem3A_513 : i32
      %rem3A_515 = arith.constant 32 : i32
      %rem3A_516 = arith.remsi %add3A_510, %rem3A_515 : i32
      %dma_wait3A_517 = arith.constant 2 : i32
      %dma_wait3A_518 = arith.constant 0 : i32
      %dma_wait3A_519 = arith.constant 0 : i32
      %dma_wait3A_520 = tpu.memref_slice %arg6[%dma_wait3A_517, %dma_wait3A_518, %dma_wait3A_519] : memref<8x200x64xf32, #tpu.memory_space<vmem>> -> memref<1x104x64xf32, #tpu.memory_space<vmem>>
      %dma_wait3A_521 = tpu.memref_squeeze %dma_wait3A_520 : memref<1x104x64xf32, #tpu.memory_space<vmem>> -> memref<104x64xf32, #tpu.memory_space<vmem>>
      %dma_wait3A_522 = arith.constant 0 : i32
      %dma_wait3A_523 = tpu.memref_slice %arg5[%rem3A_514, %rem3A_516, %dma_wait3A_522] : memref<2x32x200xi32, #tpu.memory_space<vmem>> -> memref<1x1x104xi32, #tpu.memory_space<vmem>>
      %dma_wait3A_524 = tpu.memref_squeeze %dma_wait3A_523 : memref<1x1x104xi32, #tpu.memory_space<vmem>> -> memref<104xi32, #tpu.memory_space<vmem>>
      %dma_wait3A_525 = arith.constant 0 : i32
      %dma_wait3A_526 = arith.constant 0 : i32
      %dma_wait3A_527 = tpu.memref_slice %arg3[%dma_wait3A_525, %dma_wait3A_526] : memref<1000000x64xf32, #tpu.memory_space<hbm>> -> memref<1000000x64xf32, #tpu.memory_space<hbm>>
      tpu.wait_indirect_dma semaphore(%arg10 : memref<!tpu.dma_semaphore, #tpu.memory_space<semaphore_mem>>) src(%dma_wait3A_527 : memref<1000000x64xf32, #tpu.memory_space<hbm>>) dst(%dma_wait3A_521 : memref<104x64xf32, #tpu.memory_space<vmem>>)
      %dma_wait3A_528 = arith.constant 2 : i32
      %dma_wait3A_529 = arith.constant 104 : i32
      %dma_wait3A_530 = arith.constant 0 : i32
      %dma_wait3A_531 = tpu.memref_slice %arg6[%dma_wait3A_528, %dma_wait3A_529, %dma_wait3A_530] : memref<8x200x64xf32, #tpu.memory_space<vmem>> -> memref<1x96x64xf32, #tpu.memory_space<vmem>>
      %dma_wait3A_532 = tpu.memref_squeeze %dma_wait3A_531 : memref<1x96x64xf32, #tpu.memory_space<vmem>> -> memref<96x64xf32, #tpu.memory_space<vmem>>
      %dma_wait3A_533 = arith.constant 104 : i32
      %dma_wait3A_534 = tpu.memref_slice %arg5[%rem3A_514, %rem3A_516, %dma_wait3A_533] : memref<2x32x200xi32, #tpu.memory_space<vmem>> -> memref<1x1x96xi32, #tpu.memory_space<vmem>>
      %dma_wait3A_535 = tpu.memref_squeeze %dma_wait3A_534 : memref<1x1x96xi32, #tpu.memory_space<vmem>> -> memref<96xi32, #tpu.memory_space<vmem>>
      %dma_wait3A_536 = arith.constant 0 : i32
      %dma_wait3A_537 = arith.constant 0 : i32
      %dma_wait3A_538 = tpu.memref_slice %arg3[%dma_wait3A_536, %dma_wait3A_537] : memref<1000000x64xf32, #tpu.memory_space<hbm>> -> memref<1000000x64xf32, #tpu.memory_space<hbm>>
      tpu.wait_indirect_dma semaphore(%arg10 : memref<!tpu.dma_semaphore, #tpu.memory_space<semaphore_mem>>) src(%dma_wait3A_538 : memref<1000000x64xf32, #tpu.memory_space<hbm>>) dst(%dma_wait3A_532 : memref<96x64xf32, #tpu.memory_space<vmem>>)
      %broadcast_in_dim3A_539 = arith.constant 0.000000e+00 : f32
      %broadcast_in_dim3A_540 = vector.broadcast %broadcast_in_dim3A_539 : f32 to vector<16xf32>
      %scan3A_541 = arith.constant 2 : i32
      %scan3A_542 = arith.constant 0 : i32
      %scan3A_543 = arith.constant 200 : i32
      %scan3A_544 = arith.addi %scan3A_542, %scan3A_543 : i32
      %scan3A_545 = arith.constant 8 : i32
      %scan3A_546:4 = scf.for %scan3A_1228 = %scan3A_542 to %scan3A_544 step %scan3A_545 iter_args(%scan3A_1229 = %broadcast_in_dim3A_540, %scan3A_1230 = %broadcast_in_dim3A_540, %scan3A_1231 = %broadcast_in_dim3A_540, %scan3A_1232 = %broadcast_in_dim3A_540) -> (vector<16xf32>, vector<16xf32>, vector<16xf32>, vector<16xf32>)  : i32 {
        %get3A = arith.constant 0 : i32
        %get3A_1233 = arith.constant 0 : i32
        %get3A_1234 = tpu.memref_slice %arg6[%scan3A_541, %get3A, %get3A_1233] : memref<8x200x64xf32, #tpu.memory_space<vmem>> -> memref<1x200x64xf32, #tpu.memory_space<vmem>>
        %get3A_1235 = tpu.memref_squeeze %get3A_1234 : memref<1x200x64xf32, #tpu.memory_space<vmem>> -> memref<200x64xf32, #tpu.memory_space<vmem>>
        %get3A_1236 = arith.index_cast %scan3A_1228 : i32 to index
        %get3A_1237 = arith.constant 0 : index
        %get3A_1238 = tpu.vector_load %get3A_1235[%get3A_1236, %get3A_1237] {strides = array<i32>} : memref<200x64xf32, #tpu.memory_space<vmem>>, vector<1x16xf32>,
        %get3A_1239 = vector.shape_cast %get3A_1238 : vector<1x16xf32> to vector<16xf32>
        %add3A_1240 = arith.addf %scan3A_1229, %get3A_1239 : vector<16xf32>
        %get3A_1241 = arith.constant 0 : i32
        %get3A_1242 = arith.constant 0 : i32
        %get3A_1243 = tpu.memref_slice %arg6[%scan3A_541, %get3A_1241, %get3A_1242] : memref<8x200x64xf32, #tpu.memory_space<vmem>> -> memref<1x200x64xf32, #tpu.memory_space<vmem>>
        %get3A_1244 = tpu.memref_squeeze %get3A_1243 : memref<1x200x64xf32, #tpu.memory_space<vmem>> -> memref<200x64xf32, #tpu.memory_space<vmem>>
        %get3A_1245 = arith.index_cast %scan3A_1228 : i32 to index
        %get3A_1246 = arith.constant 16 : index
        %get3A_1247 = tpu.vector_load %get3A_1244[%get3A_1245, %get3A_1246] {strides = array<i32>} : memref<200x64xf32, #tpu.memory_space<vmem>>, vector<1x16xf32>,
        %get3A_1248 = vector.shape_cast %get3A_1247 : vector<1x16xf32> to vector<16xf32>
        %add3A_1249 = arith.addf %scan3A_1230, %get3A_1248 : vector<16xf32>
        %get3A_1250 = arith.constant 0 : i32
        %get3A_1251 = arith.constant 0 : i32
        %get3A_1252 = tpu.memref_slice %arg6[%scan3A_541, %get3A_1250, %get3A_1251] : memref<8x200x64xf32, #tpu.memory_space<vmem>> -> memref<1x200x64xf32, #tpu.memory_space<vmem>>
        %get3A_1253 = tpu.memref_squeeze %get3A_1252 : memref<1x200x64xf32, #tpu.memory_space<vmem>> -> memref<200x64xf32, #tpu.memory_space<vmem>>
        %get3A_1254 = arith.index_cast %scan3A_1228 : i32 to index
        %get3A_1255 = arith.constant 32 : index
        %get3A_1256 = tpu.vector_load %get3A_1253[%get3A_1254, %get3A_1255] {strides = array<i32>} : memref<200x64xf32, #tpu.memory_space<vmem>>, vector<1x16xf32>,
        %get3A_1257 = vector.shape_cast %get3A_1256 : vector<1x16xf32> to vector<16xf32>
        %add3A_1258 = arith.addf %scan3A_1231, %get3A_1257 : vector<16xf32>
        %get3A_1259 = arith.constant 0 : i32
        %get3A_1260 = arith.constant 0 : i32
        %get3A_1261 = tpu.memref_slice %arg6[%scan3A_541, %get3A_1259, %get3A_1260] : memref<8x200x64xf32, #tpu.memory_space<vmem>> -> memref<1x200x64xf32, #tpu.memory_space<vmem>>
        %get3A_1262 = tpu.memref_squeeze %get3A_1261 : memref<1x200x64xf32, #tpu.memory_space<vmem>> -> memref<200x64xf32, #tpu.memory_space<vmem>>
        %get3A_1263 = arith.index_cast %scan3A_1228 : i32 to index
        %get3A_1264 = arith.constant 48 : index
        %get3A_1265 = tpu.vector_load %get3A_1262[%get3A_1263, %get3A_1264] {strides = array<i32>} : memref<200x64xf32, #tpu.memory_space<vmem>>, vector<1x16xf32>,
        %get3A_1266 = vector.shape_cast %get3A_1265 : vector<1x16xf32> to vector<16xf32>
        %add3A_1267 = arith.addf %scan3A_1232, %get3A_1266 : vector<16xf32>
        %scan3A_1268 = arith.constant 1 : i32
        %scan3A_1269 = arith.addi %scan3A_1228, %scan3A_1268 : i32
        %get3A_1270 = arith.constant 0 : i32
        %get3A_1271 = arith.constant 0 : i32
        %get3A_1272 = tpu.memref_slice %arg6[%scan3A_541, %get3A_1270, %get3A_1271] : memref<8x200x64xf32, #tpu.memory_space<vmem>> -> memref<1x200x64xf32, #tpu.memory_space<vmem>>
        %get3A_1273 = tpu.memref_squeeze %get3A_1272 : memref<1x200x64xf32, #tpu.memory_space<vmem>> -> memref<200x64xf32, #tpu.memory_space<vmem>>
        %get3A_1274 = arith.index_cast %scan3A_1269 : i32 to index
        %get3A_1275 = arith.constant 0 : index
        %get3A_1276 = tpu.vector_load %get3A_1273[%get3A_1274, %get3A_1275] {strides = array<i32>} : memref<200x64xf32, #tpu.memory_space<vmem>>, vector<1x16xf32>,
        %get3A_1277 = vector.shape_cast %get3A_1276 : vector<1x16xf32> to vector<16xf32>
        %add3A_1278 = arith.addf %add3A_1240, %get3A_1277 : vector<16xf32>
        %get3A_1279 = arith.constant 0 : i32
        %get3A_1280 = arith.constant 0 : i32
        %get3A_1281 = tpu.memref_slice %arg6[%scan3A_541, %get3A_1279, %get3A_1280] : memref<8x200x64xf32, #tpu.memory_space<vmem>> -> memref<1x200x64xf32, #tpu.memory_space<vmem>>
        %get3A_1282 = tpu.memref_squeeze %get3A_1281 : memref<1x200x64xf32, #tpu.memory_space<vmem>> -> memref<200x64xf32, #tpu.memory_space<vmem>>
        %get3A_1283 = arith.index_cast %scan3A_1269 : i32 to index
        %get3A_1284 = arith.constant 16 : index
        %get3A_1285 = tpu.vector_load %get3A_1282[%get3A_1283, %get3A_1284] {strides = array<i32>} : memref<200x64xf32, #tpu.memory_space<vmem>>, vector<1x16xf32>,
        %get3A_1286 = vector.shape_cast %get3A_1285 : vector<1x16xf32> to vector<16xf32>
        %add3A_1287 = arith.addf %add3A_1249, %get3A_1286 : vector<16xf32>
        %get3A_1288 = arith.constant 0 : i32
        %get3A_1289 = arith.constant 0 : i32
        %get3A_1290 = tpu.memref_slice %arg6[%scan3A_541, %get3A_1288, %get3A_1289] : memref<8x200x64xf32, #tpu.memory_space<vmem>> -> memref<1x200x64xf32, #tpu.memory_space<vmem>>
        %get3A_1291 = tpu.memref_squeeze %get3A_1290 : memref<1x200x64xf32, #tpu.memory_space<vmem>> -> memref<200x64xf32, #tpu.memory_space<vmem>>
        %get3A_1292 = arith.index_cast %scan3A_1269 : i32 to index
        %get3A_1293 = arith.constant 32 : index
        %get3A_1294 = tpu.vector_load %get3A_1291[%get3A_1292, %get3A_1293] {strides = array<i32>} : memref<200x64xf32, #tpu.memory_space<vmem>>, vector<1x16xf32>,
        %get3A_1295 = vector.shape_cast %get3A_1294 : vector<1x16xf32> to vector<16xf32>
        %add3A_1296 = arith.addf %add3A_1258, %get3A_1295 : vector<16xf32>
        %get3A_1297 = arith.constant 0 : i32
        %get3A_1298 = arith.constant 0 : i32
        %get3A_1299 = tpu.memref_slice %arg6[%scan3A_541, %get3A_1297, %get3A_1298] : memref<8x200x64xf32, #tpu.memory_space<vmem>> -> memref<1x200x64xf32, #tpu.memory_space<vmem>>
        %get3A_1300 = tpu.memref_squeeze %get3A_1299 : memref<1x200x64xf32, #tpu.memory_space<vmem>> -> memref<200x64xf32, #tpu.memory_space<vmem>>
        %get3A_1301 = arith.index_cast %scan3A_1269 : i32 to index
        %get3A_1302 = arith.constant 48 : index
        %get3A_1303 = tpu.vector_load %get3A_1300[%get3A_1301, %get3A_1302] {strides = array<i32>} : memref<200x64xf32, #tpu.memory_space<vmem>>, vector<1x16xf32>,
        %get3A_1304 = vector.shape_cast %get3A_1303 : vector<1x16xf32> to vector<16xf32>
        %add3A_1305 = arith.addf %add3A_1267, %get3A_1304 : vector<16xf32>
        %scan3A_1306 = arith.constant 2 : i32
        %scan3A_1307 = arith.addi %scan3A_1228, %scan3A_1306 : i32
        %get3A_1308 = arith.constant 0 : i32
        %get3A_1309 = arith.constant 0 : i32
        %get3A_1310 = tpu.memref_slice %arg6[%scan3A_541, %get3A_1308, %get3A_1309] : memref<8x200x64xf32, #tpu.memory_space<vmem>> -> memref<1x200x64xf32, #tpu.memory_space<vmem>>
        %get3A_1311 = tpu.memref_squeeze %get3A_1310 : memref<1x200x64xf32, #tpu.memory_space<vmem>> -> memref<200x64xf32, #tpu.memory_space<vmem>>
        %get3A_1312 = arith.index_cast %scan3A_1307 : i32 to index
        %get3A_1313 = arith.constant 0 : index
        %get3A_1314 = tpu.vector_load %get3A_1311[%get3A_1312, %get3A_1313] {strides = array<i32>} : memref<200x64xf32, #tpu.memory_space<vmem>>, vector<1x16xf32>,
        %get3A_1315 = vector.shape_cast %get3A_1314 : vector<1x16xf32> to vector<16xf32>
        %add3A_1316 = arith.addf %add3A_1278, %get3A_1315 : vector<16xf32>
        %get3A_1317 = arith.constant 0 : i32
        %get3A_1318 = arith.constant 0 : i32
        %get3A_1319 = tpu.memref_slice %arg6[%scan3A_541, %get3A_1317, %get3A_1318] : memref<8x200x64xf32, #tpu.memory_space<vmem>> -> memref<1x200x64xf32, #tpu.memory_space<vmem>>
        %get3A_1320 = tpu.memref_squeeze %get3A_1319 : memref<1x200x64xf32, #tpu.memory_space<vmem>> -> memref<200x64xf32, #tpu.memory_space<vmem>>
        %get3A_1321 = arith.index_cast %scan3A_1307 : i32 to index
        %get3A_1322 = arith.constant 16 : index
        %get3A_1323 = tpu.vector_load %get3A_1320[%get3A_1321, %get3A_1322] {strides = array<i32>} : memref<200x64xf32, #tpu.memory_space<vmem>>, vector<1x16xf32>,
        %get3A_1324 = vector.shape_cast %get3A_1323 : vector<1x16xf32> to vector<16xf32>
        %add3A_1325 = arith.addf %add3A_1287, %get3A_1324 : vector<16xf32>
        %get3A_1326 = arith.constant 0 : i32
        %get3A_1327 = arith.constant 0 : i32
        %get3A_1328 = tpu.memref_slice %arg6[%scan3A_541, %get3A_1326, %get3A_1327] : memref<8x200x64xf32, #tpu.memory_space<vmem>> -> memref<1x200x64xf32, #tpu.memory_space<vmem>>
        %get3A_1329 = tpu.memref_squeeze %get3A_1328 : memref<1x200x64xf32, #tpu.memory_space<vmem>> -> memref<200x64xf32, #tpu.memory_space<vmem>>
        %get3A_1330 = arith.index_cast %scan3A_1307 : i32 to index
        %get3A_1331 = arith.constant 32 : index
        %get3A_1332 = tpu.vector_load %get3A_1329[%get3A_1330, %get3A_1331] {strides = array<i32>} : memref<200x64xf32, #tpu.memory_space<vmem>>, vector<1x16xf32>,
        %get3A_1333 = vector.shape_cast %get3A_1332 : vector<1x16xf32> to vector<16xf32>
        %add3A_1334 = arith.addf %add3A_1296, %get3A_1333 : vector<16xf32>
        %get3A_1335 = arith.constant 0 : i32
        %get3A_1336 = arith.constant 0 : i32
        %get3A_1337 = tpu.memref_slice %arg6[%scan3A_541, %get3A_1335, %get3A_1336] : memref<8x200x64xf32, #tpu.memory_space<vmem>> -> memref<1x200x64xf32, #tpu.memory_space<vmem>>
        %get3A_1338 = tpu.memref_squeeze %get3A_1337 : memref<1x200x64xf32, #tpu.memory_space<vmem>> -> memref<200x64xf32, #tpu.memory_space<vmem>>
        %get3A_1339 = arith.index_cast %scan3A_1307 : i32 to index
        %get3A_1340 = arith.constant 48 : index
        %get3A_1341 = tpu.vector_load %get3A_1338[%get3A_1339, %get3A_1340] {strides = array<i32>} : memref<200x64xf32, #tpu.memory_space<vmem>>, vector<1x16xf32>,
        %get3A_1342 = vector.shape_cast %get3A_1341 : vector<1x16xf32> to vector<16xf32>
        %add3A_1343 = arith.addf %add3A_1305, %get3A_1342 : vector<16xf32>
        %scan3A_1344 = arith.constant 3 : i32
        %scan3A_1345 = arith.addi %scan3A_1228, %scan3A_1344 : i32
        %get3A_1346 = arith.constant 0 : i32
        %get3A_1347 = arith.constant 0 : i32
        %get3A_1348 = tpu.memref_slice %arg6[%scan3A_541, %get3A_1346, %get3A_1347] : memref<8x200x64xf32, #tpu.memory_space<vmem>> -> memref<1x200x64xf32, #tpu.memory_space<vmem>>
        %get3A_1349 = tpu.memref_squeeze %get3A_1348 : memref<1x200x64xf32, #tpu.memory_space<vmem>> -> memref<200x64xf32, #tpu.memory_space<vmem>>
        %get3A_1350 = arith.index_cast %scan3A_1345 : i32 to index
        %get3A_1351 = arith.constant 0 : index
        %get3A_1352 = tpu.vector_load %get3A_1349[%get3A_1350, %get3A_1351] {strides = array<i32>} : memref<200x64xf32, #tpu.memory_space<vmem>>, vector<1x16xf32>,
        %get3A_1353 = vector.shape_cast %get3A_1352 : vector<1x16xf32> to vector<16xf32>
        %add3A_1354 = arith.addf %add3A_1316, %get3A_1353 : vector<16xf32>
        %get3A_1355 = arith.constant 0 : i32
        %get3A_1356 = arith.constant 0 : i32
        %get3A_1357 = tpu.memref_slice %arg6[%scan3A_541, %get3A_1355, %get3A_1356] : memref<8x200x64xf32, #tpu.memory_space<vmem>> -> memref<1x200x64xf32, #tpu.memory_space<vmem>>
        %get3A_1358 = tpu.memref_squeeze %get3A_1357 : memref<1x200x64xf32, #tpu.memory_space<vmem>> -> memref<200x64xf32, #tpu.memory_space<vmem>>
        %get3A_1359 = arith.index_cast %scan3A_1345 : i32 to index
        %get3A_1360 = arith.constant 16 : index
        %get3A_1361 = tpu.vector_load %get3A_1358[%get3A_1359, %get3A_1360] {strides = array<i32>} : memref<200x64xf32, #tpu.memory_space<vmem>>, vector<1x16xf32>,
        %get3A_1362 = vector.shape_cast %get3A_1361 : vector<1x16xf32> to vector<16xf32>
        %add3A_1363 = arith.addf %add3A_1325, %get3A_1362 : vector<16xf32>
        %get3A_1364 = arith.constant 0 : i32
        %get3A_1365 = arith.constant 0 : i32
        %get3A_1366 = tpu.memref_slice %arg6[%scan3A_541, %get3A_1364, %get3A_1365] : memref<8x200x64xf32, #tpu.memory_space<vmem>> -> memref<1x200x64xf32, #tpu.memory_space<vmem>>
        %get3A_1367 = tpu.memref_squeeze %get3A_1366 : memref<1x200x64xf32, #tpu.memory_space<vmem>> -> memref<200x64xf32, #tpu.memory_space<vmem>>
        %get3A_1368 = arith.index_cast %scan3A_1345 : i32 to index
        %get3A_1369 = arith.constant 32 : index
        %get3A_1370 = tpu.vector_load %get3A_1367[%get3A_1368, %get3A_1369] {strides = array<i32>} : memref<200x64xf32, #tpu.memory_space<vmem>>, vector<1x16xf32>,
        %get3A_1371 = vector.shape_cast %get3A_1370 : vector<1x16xf32> to vector<16xf32>
        %add3A_1372 = arith.addf %add3A_1334, %get3A_1371 : vector<16xf32>
        %get3A_1373 = arith.constant 0 : i32
        %get3A_1374 = arith.constant 0 : i32
        %get3A_1375 = tpu.memref_slice %arg6[%scan3A_541, %get3A_1373, %get3A_1374] : memref<8x200x64xf32, #tpu.memory_space<vmem>> -> memref<1x200x64xf32, #tpu.memory_space<vmem>>
        %get3A_1376 = tpu.memref_squeeze %get3A_1375 : memref<1x200x64xf32, #tpu.memory_space<vmem>> -> memref<200x64xf32, #tpu.memory_space<vmem>>
        %get3A_1377 = arith.index_cast %scan3A_1345 : i32 to index
        %get3A_1378 = arith.constant 48 : index
        %get3A_1379 = tpu.vector_load %get3A_1376[%get3A_1377, %get3A_1378] {strides = array<i32>} : memref<200x64xf32, #tpu.memory_space<vmem>>, vector<1x16xf32>,
        %get3A_1380 = vector.shape_cast %get3A_1379 : vector<1x16xf32> to vector<16xf32>
        %add3A_1381 = arith.addf %add3A_1343, %get3A_1380 : vector<16xf32>
        %scan3A_1382 = arith.constant 4 : i32
        %scan3A_1383 = arith.addi %scan3A_1228, %scan3A_1382 : i32
        %get3A_1384 = arith.constant 0 : i32
        %get3A_1385 = arith.constant 0 : i32
        %get3A_1386 = tpu.memref_slice %arg6[%scan3A_541, %get3A_1384, %get3A_1385] : memref<8x200x64xf32, #tpu.memory_space<vmem>> -> memref<1x200x64xf32, #tpu.memory_space<vmem>>
        %get3A_1387 = tpu.memref_squeeze %get3A_1386 : memref<1x200x64xf32, #tpu.memory_space<vmem>> -> memref<200x64xf32, #tpu.memory_space<vmem>>
        %get3A_1388 = arith.index_cast %scan3A_1383 : i32 to index
        %get3A_1389 = arith.constant 0 : index
        %get3A_1390 = tpu.vector_load %get3A_1387[%get3A_1388, %get3A_1389] {strides = array<i32>} : memref<200x64xf32, #tpu.memory_space<vmem>>, vector<1x16xf32>,
        %get3A_1391 = vector.shape_cast %get3A_1390 : vector<1x16xf32> to vector<16xf32>
        %add3A_1392 = arith.addf %add3A_1354, %get3A_1391 : vector<16xf32>
        %get3A_1393 = arith.constant 0 : i32
        %get3A_1394 = arith.constant 0 : i32
        %get3A_1395 = tpu.memref_slice %arg6[%scan3A_541, %get3A_1393, %get3A_1394] : memref<8x200x64xf32, #tpu.memory_space<vmem>> -> memref<1x200x64xf32, #tpu.memory_space<vmem>>
        %get3A_1396 = tpu.memref_squeeze %get3A_1395 : memref<1x200x64xf32, #tpu.memory_space<vmem>> -> memref<200x64xf32, #tpu.memory_space<vmem>>
        %get3A_1397 = arith.index_cast %scan3A_1383 : i32 to index
        %get3A_1398 = arith.constant 16 : index
        %get3A_1399 = tpu.vector_load %get3A_1396[%get3A_1397, %get3A_1398] {strides = array<i32>} : memref<200x64xf32, #tpu.memory_space<vmem>>, vector<1x16xf32>,
        %get3A_1400 = vector.shape_cast %get3A_1399 : vector<1x16xf32> to vector<16xf32>
        %add3A_1401 = arith.addf %add3A_1363, %get3A_1400 : vector<16xf32>
        %get3A_1402 = arith.constant 0 : i32
        %get3A_1403 = arith.constant 0 : i32
        %get3A_1404 = tpu.memref_slice %arg6[%scan3A_541, %get3A_1402, %get3A_1403] : memref<8x200x64xf32, #tpu.memory_space<vmem>> -> memref<1x200x64xf32, #tpu.memory_space<vmem>>
        %get3A_1405 = tpu.memref_squeeze %get3A_1404 : memref<1x200x64xf32, #tpu.memory_space<vmem>> -> memref<200x64xf32, #tpu.memory_space<vmem>>
        %get3A_1406 = arith.index_cast %scan3A_1383 : i32 to index
        %get3A_1407 = arith.constant 32 : index
        %get3A_1408 = tpu.vector_load %get3A_1405[%get3A_1406, %get3A_1407] {strides = array<i32>} : memref<200x64xf32, #tpu.memory_space<vmem>>, vector<1x16xf32>,
        %get3A_1409 = vector.shape_cast %get3A_1408 : vector<1x16xf32> to vector<16xf32>
        %add3A_1410 = arith.addf %add3A_1372, %get3A_1409 : vector<16xf32>
        %get3A_1411 = arith.constant 0 : i32
        %get3A_1412 = arith.constant 0 : i32
        %get3A_1413 = tpu.memref_slice %arg6[%scan3A_541, %get3A_1411, %get3A_1412] : memref<8x200x64xf32, #tpu.memory_space<vmem>> -> memref<1x200x64xf32, #tpu.memory_space<vmem>>
        %get3A_1414 = tpu.memref_squeeze %get3A_1413 : memref<1x200x64xf32, #tpu.memory_space<vmem>> -> memref<200x64xf32, #tpu.memory_space<vmem>>
        %get3A_1415 = arith.index_cast %scan3A_1383 : i32 to index
        %get3A_1416 = arith.constant 48 : index
        %get3A_1417 = tpu.vector_load %get3A_1414[%get3A_1415, %get3A_1416] {strides = array<i32>} : memref<200x64xf32, #tpu.memory_space<vmem>>, vector<1x16xf32>,
        %get3A_1418 = vector.shape_cast %get3A_1417 : vector<1x16xf32> to vector<16xf32>
        %add3A_1419 = arith.addf %add3A_1381, %get3A_1418 : vector<16xf32>
        %scan3A_1420 = arith.constant 5 : i32
        %scan3A_1421 = arith.addi %scan3A_1228, %scan3A_1420 : i32
        %get3A_1422 = arith.constant 0 : i32
        %get3A_1423 = arith.constant 0 : i32
        %get3A_1424 = tpu.memref_slice %arg6[%scan3A_541, %get3A_1422, %get3A_1423] : memref<8x200x64xf32, #tpu.memory_space<vmem>> -> memref<1x200x64xf32, #tpu.memory_space<vmem>>
        %get3A_1425 = tpu.memref_squeeze %get3A_1424 : memref<1x200x64xf32, #tpu.memory_space<vmem>> -> memref<200x64xf32, #tpu.memory_space<vmem>>
        %get3A_1426 = arith.index_cast %scan3A_1421 : i32 to index
        %get3A_1427 = arith.constant 0 : index
        %get3A_1428 = tpu.vector_load %get3A_1425[%get3A_1426, %get3A_1427] {strides = array<i32>} : memref<200x64xf32, #tpu.memory_space<vmem>>, vector<1x16xf32>,
        %get3A_1429 = vector.shape_cast %get3A_1428 : vector<1x16xf32> to vector<16xf32>
        %add3A_1430 = arith.addf %add3A_1392, %get3A_1429 : vector<16xf32>
        %get3A_1431 = arith.constant 0 : i32
        %get3A_1432 = arith.constant 0 : i32
        %get3A_1433 = tpu.memref_slice %arg6[%scan3A_541, %get3A_1431, %get3A_1432] : memref<8x200x64xf32, #tpu.memory_space<vmem>> -> memref<1x200x64xf32, #tpu.memory_space<vmem>>
        %get3A_1434 = tpu.memref_squeeze %get3A_1433 : memref<1x200x64xf32, #tpu.memory_space<vmem>> -> memref<200x64xf32, #tpu.memory_space<vmem>>
        %get3A_1435 = arith.index_cast %scan3A_1421 : i32 to index
        %get3A_1436 = arith.constant 16 : index
        %get3A_1437 = tpu.vector_load %get3A_1434[%get3A_1435, %get3A_1436] {strides = array<i32>} : memref<200x64xf32, #tpu.memory_space<vmem>>, vector<1x16xf32>,
        %get3A_1438 = vector.shape_cast %get3A_1437 : vector<1x16xf32> to vector<16xf32>
        %add3A_1439 = arith.addf %add3A_1401, %get3A_1438 : vector<16xf32>
        %get3A_1440 = arith.constant 0 : i32
        %get3A_1441 = arith.constant 0 : i32
        %get3A_1442 = tpu.memref_slice %arg6[%scan3A_541, %get3A_1440, %get3A_1441] : memref<8x200x64xf32, #tpu.memory_space<vmem>> -> memref<1x200x64xf32, #tpu.memory_space<vmem>>
        %get3A_1443 = tpu.memref_squeeze %get3A_1442 : memref<1x200x64xf32, #tpu.memory_space<vmem>> -> memref<200x64xf32, #tpu.memory_space<vmem>>
        %get3A_1444 = arith.index_cast %scan3A_1421 : i32 to index
        %get3A_1445 = arith.constant 32 : index
        %get3A_1446 = tpu.vector_load %get3A_1443[%get3A_1444, %get3A_1445] {strides = array<i32>} : memref<200x64xf32, #tpu.memory_space<vmem>>, vector<1x16xf32>,
        %get3A_1447 = vector.shape_cast %get3A_1446 : vector<1x16xf32> to vector<16xf32>
        %add3A_1448 = arith.addf %add3A_1410, %get3A_1447 : vector<16xf32>
        %get3A_1449 = arith.constant 0 : i32
        %get3A_1450 = arith.constant 0 : i32
        %get3A_1451 = tpu.memref_slice %arg6[%scan3A_541, %get3A_1449, %get3A_1450] : memref<8x200x64xf32, #tpu.memory_space<vmem>> -> memref<1x200x64xf32, #tpu.memory_space<vmem>>
        %get3A_1452 = tpu.memref_squeeze %get3A_1451 : memref<1x200x64xf32, #tpu.memory_space<vmem>> -> memref<200x64xf32, #tpu.memory_space<vmem>>
        %get3A_1453 = arith.index_cast %scan3A_1421 : i32 to index
        %get3A_1454 = arith.constant 48 : index
        %get3A_1455 = tpu.vector_load %get3A_1452[%get3A_1453, %get3A_1454] {strides = array<i32>} : memref<200x64xf32, #tpu.memory_space<vmem>>, vector<1x16xf32>,
        %get3A_1456 = vector.shape_cast %get3A_1455 : vector<1x16xf32> to vector<16xf32>
        %add3A_1457 = arith.addf %add3A_1419, %get3A_1456 : vector<16xf32>
        %scan3A_1458 = arith.constant 6 : i32
        %scan3A_1459 = arith.addi %scan3A_1228, %scan3A_1458 : i32
        %get3A_1460 = arith.constant 0 : i32
        %get3A_1461 = arith.constant 0 : i32
        %get3A_1462 = tpu.memref_slice %arg6[%scan3A_541, %get3A_1460, %get3A_1461] : memref<8x200x64xf32, #tpu.memory_space<vmem>> -> memref<1x200x64xf32, #tpu.memory_space<vmem>>
        %get3A_1463 = tpu.memref_squeeze %get3A_1462 : memref<1x200x64xf32, #tpu.memory_space<vmem>> -> memref<200x64xf32, #tpu.memory_space<vmem>>
        %get3A_1464 = arith.index_cast %scan3A_1459 : i32 to index
        %get3A_1465 = arith.constant 0 : index
        %get3A_1466 = tpu.vector_load %get3A_1463[%get3A_1464, %get3A_1465] {strides = array<i32>} : memref<200x64xf32, #tpu.memory_space<vmem>>, vector<1x16xf32>,
        %get3A_1467 = vector.shape_cast %get3A_1466 : vector<1x16xf32> to vector<16xf32>
        %add3A_1468 = arith.addf %add3A_1430, %get3A_1467 : vector<16xf32>
        %get3A_1469 = arith.constant 0 : i32
        %get3A_1470 = arith.constant 0 : i32
        %get3A_1471 = tpu.memref_slice %arg6[%scan3A_541, %get3A_1469, %get3A_1470] : memref<8x200x64xf32, #tpu.memory_space<vmem>> -> memref<1x200x64xf32, #tpu.memory_space<vmem>>
        %get3A_1472 = tpu.memref_squeeze %get3A_1471 : memref<1x200x64xf32, #tpu.memory_space<vmem>> -> memref<200x64xf32, #tpu.memory_space<vmem>>
        %get3A_1473 = arith.index_cast %scan3A_1459 : i32 to index
        %get3A_1474 = arith.constant 16 : index
        %get3A_1475 = tpu.vector_load %get3A_1472[%get3A_1473, %get3A_1474] {strides = array<i32>} : memref<200x64xf32, #tpu.memory_space<vmem>>, vector<1x16xf32>,
        %get3A_1476 = vector.shape_cast %get3A_1475 : vector<1x16xf32> to vector<16xf32>
        %add3A_1477 = arith.addf %add3A_1439, %get3A_1476 : vector<16xf32>
        %get3A_1478 = arith.constant 0 : i32
        %get3A_1479 = arith.constant 0 : i32
        %get3A_1480 = tpu.memref_slice %arg6[%scan3A_541, %get3A_1478, %get3A_1479] : memref<8x200x64xf32, #tpu.memory_space<vmem>> -> memref<1x200x64xf32, #tpu.memory_space<vmem>>
        %get3A_1481 = tpu.memref_squeeze %get3A_1480 : memref<1x200x64xf32, #tpu.memory_space<vmem>> -> memref<200x64xf32, #tpu.memory_space<vmem>>
        %get3A_1482 = arith.index_cast %scan3A_1459 : i32 to index
        %get3A_1483 = arith.constant 32 : index
        %get3A_1484 = tpu.vector_load %get3A_1481[%get3A_1482, %get3A_1483] {strides = array<i32>} : memref<200x64xf32, #tpu.memory_space<vmem>>, vector<1x16xf32>,
        %get3A_1485 = vector.shape_cast %get3A_1484 : vector<1x16xf32> to vector<16xf32>
        %add3A_1486 = arith.addf %add3A_1448, %get3A_1485 : vector<16xf32>
        %get3A_1487 = arith.constant 0 : i32
        %get3A_1488 = arith.constant 0 : i32
        %get3A_1489 = tpu.memref_slice %arg6[%scan3A_541, %get3A_1487, %get3A_1488] : memref<8x200x64xf32, #tpu.memory_space<vmem>> -> memref<1x200x64xf32, #tpu.memory_space<vmem>>
        %get3A_1490 = tpu.memref_squeeze %get3A_1489 : memref<1x200x64xf32, #tpu.memory_space<vmem>> -> memref<200x64xf32, #tpu.memory_space<vmem>>
        %get3A_1491 = arith.index_cast %scan3A_1459 : i32 to index
        %get3A_1492 = arith.constant 48 : index
        %get3A_1493 = tpu.vector_load %get3A_1490[%get3A_1491, %get3A_1492] {strides = array<i32>} : memref<200x64xf32, #tpu.memory_space<vmem>>, vector<1x16xf32>,
        %get3A_1494 = vector.shape_cast %get3A_1493 : vector<1x16xf32> to vector<16xf32>
        %add3A_1495 = arith.addf %add3A_1457, %get3A_1494 : vector<16xf32>
        %scan3A_1496 = arith.constant 7 : i32
        %scan3A_1497 = arith.addi %scan3A_1228, %scan3A_1496 : i32
        %get3A_1498 = arith.constant 0 : i32
        %get3A_1499 = arith.constant 0 : i32
        %get3A_1500 = tpu.memref_slice %arg6[%scan3A_541, %get3A_1498, %get3A_1499] : memref<8x200x64xf32, #tpu.memory_space<vmem>> -> memref<1x200x64xf32, #tpu.memory_space<vmem>>
        %get3A_1501 = tpu.memref_squeeze %get3A_1500 : memref<1x200x64xf32, #tpu.memory_space<vmem>> -> memref<200x64xf32, #tpu.memory_space<vmem>>
        %get3A_1502 = arith.index_cast %scan3A_1497 : i32 to index
        %get3A_1503 = arith.constant 0 : index
        %get3A_1504 = tpu.vector_load %get3A_1501[%get3A_1502, %get3A_1503] {strides = array<i32>} : memref<200x64xf32, #tpu.memory_space<vmem>>, vector<1x16xf32>,
        %get3A_1505 = vector.shape_cast %get3A_1504 : vector<1x16xf32> to vector<16xf32>
        %add3A_1506 = arith.addf %add3A_1468, %get3A_1505 : vector<16xf32>
        %get3A_1507 = arith.constant 0 : i32
        %get3A_1508 = arith.constant 0 : i32
        %get3A_1509 = tpu.memref_slice %arg6[%scan3A_541, %get3A_1507, %get3A_1508] : memref<8x200x64xf32, #tpu.memory_space<vmem>> -> memref<1x200x64xf32, #tpu.memory_space<vmem>>
        %get3A_1510 = tpu.memref_squeeze %get3A_1509 : memref<1x200x64xf32, #tpu.memory_space<vmem>> -> memref<200x64xf32, #tpu.memory_space<vmem>>
        %get3A_1511 = arith.index_cast %scan3A_1497 : i32 to index
        %get3A_1512 = arith.constant 16 : index
        %get3A_1513 = tpu.vector_load %get3A_1510[%get3A_1511, %get3A_1512] {strides = array<i32>} : memref<200x64xf32, #tpu.memory_space<vmem>>, vector<1x16xf32>,
        %get3A_1514 = vector.shape_cast %get3A_1513 : vector<1x16xf32> to vector<16xf32>
        %add3A_1515 = arith.addf %add3A_1477, %get3A_1514 : vector<16xf32>
        %get3A_1516 = arith.constant 0 : i32
        %get3A_1517 = arith.constant 0 : i32
        %get3A_1518 = tpu.memref_slice %arg6[%scan3A_541, %get3A_1516, %get3A_1517] : memref<8x200x64xf32, #tpu.memory_space<vmem>> -> memref<1x200x64xf32, #tpu.memory_space<vmem>>
        %get3A_1519 = tpu.memref_squeeze %get3A_1518 : memref<1x200x64xf32, #tpu.memory_space<vmem>> -> memref<200x64xf32, #tpu.memory_space<vmem>>
        %get3A_1520 = arith.index_cast %scan3A_1497 : i32 to index
        %get3A_1521 = arith.constant 32 : index
        %get3A_1522 = tpu.vector_load %get3A_1519[%get3A_1520, %get3A_1521] {strides = array<i32>} : memref<200x64xf32, #tpu.memory_space<vmem>>, vector<1x16xf32>,
        %get3A_1523 = vector.shape_cast %get3A_1522 : vector<1x16xf32> to vector<16xf32>
        %add3A_1524 = arith.addf %add3A_1486, %get3A_1523 : vector<16xf32>
        %get3A_1525 = arith.constant 0 : i32
        %get3A_1526 = arith.constant 0 : i32
        %get3A_1527 = tpu.memref_slice %arg6[%scan3A_541, %get3A_1525, %get3A_1526] : memref<8x200x64xf32, #tpu.memory_space<vmem>> -> memref<1x200x64xf32, #tpu.memory_space<vmem>>
        %get3A_1528 = tpu.memref_squeeze %get3A_1527 : memref<1x200x64xf32, #tpu.memory_space<vmem>> -> memref<200x64xf32, #tpu.memory_space<vmem>>
        %get3A_1529 = arith.index_cast %scan3A_1497 : i32 to index
        %get3A_1530 = arith.constant 48 : index
        %get3A_1531 = tpu.vector_load %get3A_1528[%get3A_1529, %get3A_1530] {strides = array<i32>} : memref<200x64xf32, #tpu.memory_space<vmem>>, vector<1x16xf32>,
        %get3A_1532 = vector.shape_cast %get3A_1531 : vector<1x16xf32> to vector<16xf32>
        %add3A_1533 = arith.addf %add3A_1495, %get3A_1532 : vector<16xf32>
        scf.yield %add3A_1506, %add3A_1515, %add3A_1524, %add3A_1533 : vector<16xf32>, vector<16xf32>, vector<16xf32>, vector<16xf32>
      }
      %scan3A_547 = arith.constant 200 : i32
      %add3A_548 = arith.constant 8 : i32
      %add3A_549 = arith.addi %add3A_510, %add3A_548 : i32
      %lt3A_550 = arith.constant 512 : i32
      %lt3A_551 = arith.cmpi slt, %add3A_549, %lt3A_550 : i32
      %rem3A_552 = arith.constant 32 : i32
      %rem3A_553 = arith.remsi %add3A_549, %rem3A_552 : i32
      %eq3A_554 = arith.constant 0 : i32
      %eq3A_555 = arith.cmpi eq, %rem3A_553, %eq3A_554 : i32
      %and3A_556 = arith.andi %lt3A_551, %eq3A_555 : i1
      %convert_element_type3A_557 = arith.extui %and3A_556 : i1 to i32
      %cond3A_558 = arith.constant 0 : i32
      %cond3A_559 = arith.cmpi ne, %convert_element_type3A_557, %cond3A_558 : i32
      scf.if %cond3A_559 {
        %dma_wait3A_1228 = arith.constant 0 : i32
        %dma_wait3A_1229 = arith.constant 0 : i32
        %dma_wait3A_1230 = arith.constant 0 : i32
        %dma_wait3A_1231 = tpu.memref_slice %arg5[%dma_wait3A_1228, %dma_wait3A_1229, %dma_wait3A_1230] : memref<2x32x200xi32, #tpu.memory_space<vmem>> -> memref<1x32x200xi32, #tpu.memory_space<vmem>>
        %dma_wait3A_1232 = tpu.memref_squeeze %dma_wait3A_1231 : memref<1x32x200xi32, #tpu.memory_space<vmem>> -> memref<32x200xi32, #tpu.memory_space<vmem>>
        %dma_wait3A_1233 = arith.constant 0 : i32
        %dma_wait3A_1234 = tpu.memref_slice %arg2[%mul3A_2, %dma_wait3A_1233] : memref<16384x200xi32, #tpu.memory_space<hbm>> -> memref<32x200xi32, #tpu.memory_space<hbm>>
        %dma_wait3A_1235 = arith.constant 0 : i32
        %dma_wait3A_1236 = arith.constant 0 : i32
        %dma_wait3A_1237 = tpu.memref_slice %arg5[%dma_wait3A_1228, %dma_wait3A_1235, %dma_wait3A_1236] : memref<2x32x200xi32, #tpu.memory_space<vmem>> -> memref<1x32x200xi32, #tpu.memory_space<vmem>>
        %dma_wait3A_1238 = tpu.memref_squeeze %dma_wait3A_1237 : memref<1x32x200xi32, #tpu.memory_space<vmem>> -> memref<32x200xi32, #tpu.memory_space<vmem>>
        %dma_wait3A_1239 = arith.constant 0 : i32
        %dma_wait3A_1240 = tpu.memref_slice %arg2[%mul3A_2, %dma_wait3A_1239] : memref<16384x200xi32, #tpu.memory_space<hbm>> -> memref<32x200xi32, #tpu.memory_space<hbm>>
        tpu.wait_dma2 semaphore(%arg16 : memref<!tpu.dma_semaphore, #tpu.memory_space<semaphore_mem>>) src(%dma_wait3A_1240 : memref<32x200xi32, #tpu.memory_space<hbm>>) dst(%dma_wait3A_1238 : memref<32x200xi32, #tpu.memory_space<vmem>>)
      } else {
      }
      %lt3A_560 = arith.constant 512 : i32
      %lt3A_561 = arith.cmpi slt, %add3A_549, %lt3A_560 : i32
      %convert_element_type3A_562 = arith.extui %lt3A_561 : i1 to i32
      %cond3A_563 = arith.constant 0 : i32
      %cond3A_564 = arith.cmpi ne, %convert_element_type3A_562, %cond3A_563 : i32
      scf.if %cond3A_564 {
        %div3A_1228 = arith.constant 32 : i32
        %div3A_1229 = arith.divsi %add3A_549, %div3A_1228 : i32
        %rem3A_1230 = arith.constant 2 : i32
        %rem3A_1231 = arith.remsi %div3A_1229, %rem3A_1230 : i32
        %rem3A_1232 = arith.constant 32 : i32
        %rem3A_1233 = arith.remsi %add3A_549, %rem3A_1232 : i32
        %dma_start3A_1234 = arith.constant 2 : i32
        %dma_start3A_1235 = arith.constant 0 : i32
        %dma_start3A_1236 = arith.constant 0 : i32
        %dma_start3A_1237 = tpu.memref_slice %arg6[%dma_start3A_1234, %dma_start3A_1235, %dma_start3A_1236] : memref<8x200x64xf32, #tpu.memory_space<vmem>> -> memref<1x104x64xf32, #tpu.memory_space<vmem>>
        %dma_start3A_1238 = tpu.memref_squeeze %dma_start3A_1237 : memref<1x104x64xf32, #tpu.memory_space<vmem>> -> memref<104x64xf32, #tpu.memory_space<vmem>>
        %dma_start3A_1239 = arith.constant 0 : i32
        %dma_start3A_1240 = tpu.memref_slice %arg5[%rem3A_1231, %rem3A_1233, %dma_start3A_1239] : memref<2x32x200xi32, #tpu.memory_space<vmem>> -> memref<1x1x104xi32, #tpu.memory_space<vmem>>
        %dma_start3A_1241 = tpu.memref_squeeze %dma_start3A_1240 : memref<1x1x104xi32, #tpu.memory_space<vmem>> -> memref<104xi32, #tpu.memory_space<vmem>>
        %dma_start3A_1242 = arith.constant 0 : i32
        %dma_start3A_1243 = arith.constant 0 : i32
        %dma_start3A_1244 = tpu.memref_slice %arg3[%dma_start3A_1242, %dma_start3A_1243] : memref<1000000x64xf32, #tpu.memory_space<hbm>> -> memref<1000000x64xf32, #tpu.memory_space<hbm>>
        tpu.enqueue_indirect_dma source(%dma_start3A_1244 : memref<1000000x64xf32, #tpu.memory_space<hbm>>) target(%dma_start3A_1238 : memref<104x64xf32, #tpu.memory_space<vmem>>) offsets(%dma_start3A_1241 : memref<104xi32, #tpu.memory_space<vmem>>) semaphore(%arg10 : memref<!tpu.dma_semaphore, #tpu.memory_space<semaphore_mem>>)
        %dma_start3A_1245 = arith.constant 2 : i32
        %dma_start3A_1246 = arith.constant 104 : i32
        %dma_start3A_1247 = arith.constant 0 : i32
        %dma_start3A_1248 = tpu.memref_slice %arg6[%dma_start3A_1245, %dma_start3A_1246, %dma_start3A_1247] : memref<8x200x64xf32, #tpu.memory_space<vmem>> -> memref<1x96x64xf32, #tpu.memory_space<vmem>>
        %dma_start3A_1249 = tpu.memref_squeeze %dma_start3A_1248 : memref<1x96x64xf32, #tpu.memory_space<vmem>> -> memref<96x64xf32, #tpu.memory_space<vmem>>
        %dma_start3A_1250 = arith.constant 104 : i32
        %dma_start3A_1251 = tpu.memref_slice %arg5[%rem3A_1231, %rem3A_1233, %dma_start3A_1250] : memref<2x32x200xi32, #tpu.memory_space<vmem>> -> memref<1x1x96xi32, #tpu.memory_space<vmem>>
        %dma_start3A_1252 = tpu.memref_squeeze %dma_start3A_1251 : memref<1x1x96xi32, #tpu.memory_space<vmem>> -> memref<96xi32, #tpu.memory_space<vmem>>
        %dma_start3A_1253 = arith.constant 0 : i32
        %dma_start3A_1254 = arith.constant 0 : i32
        %dma_start3A_1255 = tpu.memref_slice %arg3[%dma_start3A_1253, %dma_start3A_1254] : memref<1000000x64xf32, #tpu.memory_space<hbm>> -> memref<1000000x64xf32, #tpu.memory_space<hbm>>
        tpu.enqueue_indirect_dma source(%dma_start3A_1255 : memref<1000000x64xf32, #tpu.memory_space<hbm>>) target(%dma_start3A_1249 : memref<96x64xf32, #tpu.memory_space<vmem>>) offsets(%dma_start3A_1252 : memref<96xi32, #tpu.memory_space<vmem>>) semaphore(%arg10 : memref<!tpu.dma_semaphore, #tpu.memory_space<semaphore_mem>>)
      } else {
      }
      %rem3A_565 = arith.constant 32 : i32
      %rem3A_566 = arith.remsi %add3A_510, %rem3A_565 : i32
      %eq3A_567 = arith.constant 0 : i32
      %eq3A_568 = arith.cmpi eq, %rem3A_566, %eq3A_567 : i32
      %gt3A_569 = arith.constant 0 : i32
      %gt3A_570 = arith.cmpi sgt, %add3A_510, %gt3A_569 : i32
      %and3A_571 = arith.andi %eq3A_568, %gt3A_570 : i1
      %lt3A_572 = arith.constant 480 : i32
      %lt3A_573 = arith.cmpi slt, %add3A_510, %lt3A_572 : i32
      %and3A_574 = arith.andi %and3A_571, %lt3A_573 : i1
      %convert_element_type3A_575 = arith.extui %and3A_574 : i1 to i32
      %cond3A_576 = arith.constant 0 : i32
      %cond3A_577 = arith.cmpi ne, %convert_element_type3A_575, %cond3A_576 : i32
      scf.if %cond3A_577 {
        %div3A_1228 = arith.constant 32 : i32
        %div3A_1229 = arith.divsi %add3A_510, %div3A_1228 : i32
        %add3A_1230 = arith.constant 1 : i32
        %add3A_1231 = arith.addi %div3A_1229, %add3A_1230 : i32
        %mul3A_1232 = arith.constant 32 : i32
        %mul3A_1233 = arith.muli %add3A_1231, %mul3A_1232 : i32
        %add3A_1234 = arith.addi %mul3A_2, %mul3A_1233 : i32
        %rem3A_1235 = arith.constant 2 : i32
        %rem3A_1236 = arith.remsi %add3A_1231, %rem3A_1235 : i32
        %dma_start3A_1237 = arith.constant 0 : i32
        %dma_start3A_1238 = arith.constant 0 : i32
        %dma_start3A_1239 = tpu.memref_slice %arg5[%rem3A_1236, %dma_start3A_1237, %dma_start3A_1238] : memref<2x32x200xi32, #tpu.memory_space<vmem>> -> memref<1x32x200xi32, #tpu.memory_space<vmem>>
        %dma_start3A_1240 = tpu.memref_squeeze %dma_start3A_1239 : memref<1x32x200xi32, #tpu.memory_space<vmem>> -> memref<32x200xi32, #tpu.memory_space<vmem>>
        %dma_start3A_1241 = arith.constant 0 : i32
        %dma_start3A_1242 = tpu.memref_slice %arg2[%add3A_1234, %dma_start3A_1241] : memref<16384x200xi32, #tpu.memory_space<hbm>> -> memref<32x200xi32, #tpu.memory_space<hbm>>
        %dma_start3A_1243 = arith.constant 0 : i32
        %dma_start3A_1244 = arith.constant 0 : i32
        %dma_start3A_1245 = tpu.memref_slice %arg5[%rem3A_1236, %dma_start3A_1243, %dma_start3A_1244] : memref<2x32x200xi32, #tpu.memory_space<vmem>> -> memref<1x32x200xi32, #tpu.memory_space<vmem>>
        %dma_start3A_1246 = tpu.memref_squeeze %dma_start3A_1245 : memref<1x32x200xi32, #tpu.memory_space<vmem>> -> memref<32x200xi32, #tpu.memory_space<vmem>>
        %dma_start3A_1247 = arith.constant 0 : i32
        %dma_start3A_1248 = tpu.memref_slice %arg2[%add3A_1234, %dma_start3A_1247] : memref<16384x200xi32, #tpu.memory_space<hbm>> -> memref<32x200xi32, #tpu.memory_space<hbm>>
        tpu.enqueue_dma source(%dma_start3A_1248 : memref<32x200xi32, #tpu.memory_space<hbm>>) target(%dma_start3A_1246 : memref<32x200xi32, #tpu.memory_space<vmem>>) target_semaphore(%arg16 : memref<!tpu.dma_semaphore, #tpu.memory_space<semaphore_mem>>)
      } else {
      }
      %div3A_578 = arith.constant 64 : i32
      %div3A_579 = arith.divsi %add3A_510, %div3A_578 : i32
      %rem3A_580 = arith.constant 2 : i32
      %rem3A_581 = arith.remsi %div3A_579, %rem3A_580 : i32
      %rem3A_582 = arith.constant 64 : i32
      %rem3A_583 = arith.remsi %add3A_510, %rem3A_582 : i32
      %mul3A_584 = arith.constant 5.000000e-03 : f32
      %mul3A_585 = vector.broadcast %mul3A_584 : f32 to vector<16xf32>
      %mul3A_586 = arith.mulf %scan3A_546#0, %mul3A_585 : vector<16xf32>
      %swap3A_587 = arith.index_cast %rem3A_581 : i32 to index
      %swap3A_588 = arith.index_cast %rem3A_583 : i32 to index
      %swap3A_589 = arith.constant 0 : index
      %swap3A_590 = tpu.vector_load %arg7[%swap3A_587, %swap3A_588, %swap3A_589] {strides = array<i32>} : memref<2x64x64xf32, #tpu.memory_space<vmem>>, vector<1x1x16xf32>,
      %swap3A_591 = vector.shape_cast %swap3A_590 : vector<1x1x16xf32> to vector<16xf32>
      %swap3A_592 = vector.shape_cast %mul3A_586 : vector<16xf32> to vector<1x1x16xf32>
      tpu.vector_store %arg7[%swap3A_587, %swap3A_588, %swap3A_589], %swap3A_592 {strides = array<i32>} : memref<2x64x64xf32, #tpu.memory_space<vmem>>, vector<1x1x16xf32>,
      %mul3A_593 = arith.constant 5.000000e-03 : f32
      %mul3A_594 = vector.broadcast %mul3A_593 : f32 to vector<16xf32>
      %mul3A_595 = arith.mulf %scan3A_546#1, %mul3A_594 : vector<16xf32>
      %swap3A_596 = arith.index_cast %rem3A_581 : i32 to index
      %swap3A_597 = arith.index_cast %rem3A_583 : i32 to index
      %swap3A_598 = arith.constant 16 : index
      %swap3A_599 = tpu.vector_load %arg7[%swap3A_596, %swap3A_597, %swap3A_598] {strides = array<i32>} : memref<2x64x64xf32, #tpu.memory_space<vmem>>, vector<1x1x16xf32>,
      %swap3A_600 = vector.shape_cast %swap3A_599 : vector<1x1x16xf32> to vector<16xf32>
      %swap3A_601 = vector.shape_cast %mul3A_595 : vector<16xf32> to vector<1x1x16xf32>
      tpu.vector_store %arg7[%swap3A_596, %swap3A_597, %swap3A_598], %swap3A_601 {strides = array<i32>} : memref<2x64x64xf32, #tpu.memory_space<vmem>>, vector<1x1x16xf32>,
      %mul3A_602 = arith.constant 5.000000e-03 : f32
      %mul3A_603 = vector.broadcast %mul3A_602 : f32 to vector<16xf32>
      %mul3A_604 = arith.mulf %scan3A_546#2, %mul3A_603 : vector<16xf32>
      %swap3A_605 = arith.index_cast %rem3A_581 : i32 to index
      %swap3A_606 = arith.index_cast %rem3A_583 : i32 to index
      %swap3A_607 = arith.constant 32 : index
      %swap3A_608 = tpu.vector_load %arg7[%swap3A_605, %swap3A_606, %swap3A_607] {strides = array<i32>} : memref<2x64x64xf32, #tpu.memory_space<vmem>>, vector<1x1x16xf32>,
      %swap3A_609 = vector.shape_cast %swap3A_608 : vector<1x1x16xf32> to vector<16xf32>
      %swap3A_610 = vector.shape_cast %mul3A_604 : vector<16xf32> to vector<1x1x16xf32>
      tpu.vector_store %arg7[%swap3A_605, %swap3A_606, %swap3A_607], %swap3A_610 {strides = array<i32>} : memref<2x64x64xf32, #tpu.memory_space<vmem>>, vector<1x1x16xf32>,
      %mul3A_611 = arith.constant 5.000000e-03 : f32
      %mul3A_612 = vector.broadcast %mul3A_611 : f32 to vector<16xf32>
      %mul3A_613 = arith.mulf %scan3A_546#3, %mul3A_612 : vector<16xf32>
      %swap3A_614 = arith.index_cast %rem3A_581 : i32 to index
      %swap3A_615 = arith.index_cast %rem3A_583 : i32 to index
      %swap3A_616 = arith.constant 48 : index
      %swap3A_617 = tpu.vector_load %arg7[%swap3A_614, %swap3A_615, %swap3A_616] {strides = array<i32>} : memref<2x64x64xf32, #tpu.memory_space<vmem>>, vector<1x1x16xf32>,
      %swap3A_618 = vector.shape_cast %swap3A_617 : vector<1x1x16xf32> to vector<16xf32>
      %swap3A_619 = vector.shape_cast %mul3A_613 : vector<16xf32> to vector<1x1x16xf32>
      tpu.vector_store %arg7[%swap3A_614, %swap3A_615, %swap3A_616], %swap3A_619 {strides = array<i32>} : memref<2x64x64xf32, #tpu.memory_space<vmem>>, vector<1x1x16xf32>,
      %rem3A_620 = arith.constant 64 : i32
      %rem3A_621 = arith.remsi %add3A_510, %rem3A_620 : i32
      %eq3A_622 = arith.constant 63 : i32
      %eq3A_623 = arith.cmpi eq, %rem3A_621, %eq3A_622 : i32
      %convert_element_type3A_624 = arith.extui %eq3A_623 : i1 to i32
      %cond3A_625 = arith.constant 0 : i32
      %cond3A_626 = arith.cmpi ne, %convert_element_type3A_624, %cond3A_625 : i32
      scf.if %cond3A_626 {
        %div3A_1228 = arith.constant 64 : i32
        %div3A_1229 = arith.divsi %add3A_510, %div3A_1228 : i32
        %gt3A_1230 = arith.constant 0 : i32
        %gt3A_1231 = arith.cmpi sgt, %div3A_1229, %gt3A_1230 : i32
        %convert_element_type3A_1232 = arith.extui %gt3A_1231 : i1 to i32
        %cond3A_1233 = arith.constant 0 : i32
        %cond3A_1234 = arith.cmpi ne, %convert_element_type3A_1232, %cond3A_1233 : i32
        scf.if %cond3A_1234 {
          %dma_wait3A_1250 = arith.constant 0 : i32
          %dma_wait3A_1251 = arith.constant 0 : i32
          %dma_wait3A_1252 = arith.constant 0 : i32
          %dma_wait3A_1253 = tpu.memref_slice %arg7[%dma_wait3A_1250, %dma_wait3A_1251, %dma_wait3A_1252] : memref<2x64x64xf32, #tpu.memory_space<vmem>> -> memref<1x64x64xf32, #tpu.memory_space<vmem>>
          %dma_wait3A_1254 = tpu.memref_squeeze %dma_wait3A_1253 : memref<1x64x64xf32, #tpu.memory_space<vmem>> -> memref<64x64xf32, #tpu.memory_space<vmem>>
          %dma_wait3A_1255 = arith.constant 0 : i32
          %dma_wait3A_1256 = tpu.memref_slice %arg4[%mul3A_2, %dma_wait3A_1255] : memref<16384x64xf32, #tpu.memory_space<hbm>> -> memref<64x64xf32, #tpu.memory_space<hbm>>
          %dma_wait3A_1257 = arith.constant 0 : i32
          %dma_wait3A_1258 = tpu.memref_slice %arg4[%mul3A_2, %dma_wait3A_1257] : memref<16384x64xf32, #tpu.memory_space<hbm>> -> memref<64x64xf32, #tpu.memory_space<hbm>>
          %dma_wait3A_1259 = arith.constant 0 : i32
          %dma_wait3A_1260 = arith.constant 0 : i32
          %dma_wait3A_1261 = tpu.memref_slice %arg7[%dma_wait3A_1250, %dma_wait3A_1259, %dma_wait3A_1260] : memref<2x64x64xf32, #tpu.memory_space<vmem>> -> memref<1x64x64xf32, #tpu.memory_space<vmem>>
          %dma_wait3A_1262 = tpu.memref_squeeze %dma_wait3A_1261 : memref<1x64x64xf32, #tpu.memory_space<vmem>> -> memref<64x64xf32, #tpu.memory_space<vmem>>
          tpu.wait_dma2 semaphore(%arg17 : memref<!tpu.dma_semaphore, #tpu.memory_space<semaphore_mem>>) src(%dma_wait3A_1262 : memref<64x64xf32, #tpu.memory_space<vmem>>) dst(%dma_wait3A_1258 : memref<64x64xf32, #tpu.memory_space<hbm>>)
        } else {
        }
        %mul3A_1235 = arith.constant 64 : i32
        %mul3A_1236 = arith.muli %div3A_1229, %mul3A_1235 : i32
        %add3A_1237 = arith.addi %mul3A_2, %mul3A_1236 : i32
        %dma_start3A_1238 = arith.constant 0 : i32
        %dma_start3A_1239 = arith.constant 0 : i32
        %dma_start3A_1240 = tpu.memref_slice %arg7[%rem3A_581, %dma_start3A_1238, %dma_start3A_1239] : memref<2x64x64xf32, #tpu.memory_space<vmem>> -> memref<1x64x64xf32, #tpu.memory_space<vmem>>
        %dma_start3A_1241 = tpu.memref_squeeze %dma_start3A_1240 : memref<1x64x64xf32, #tpu.memory_space<vmem>> -> memref<64x64xf32, #tpu.memory_space<vmem>>
        %dma_start3A_1242 = arith.constant 0 : i32
        %dma_start3A_1243 = tpu.memref_slice %arg4[%add3A_1237, %dma_start3A_1242] : memref<16384x64xf32, #tpu.memory_space<hbm>> -> memref<64x64xf32, #tpu.memory_space<hbm>>
        %dma_start3A_1244 = arith.constant 0 : i32
        %dma_start3A_1245 = tpu.memref_slice %arg4[%add3A_1237, %dma_start3A_1244] : memref<16384x64xf32, #tpu.memory_space<hbm>> -> memref<64x64xf32, #tpu.memory_space<hbm>>
        %dma_start3A_1246 = arith.constant 0 : i32
        %dma_start3A_1247 = arith.constant 0 : i32
        %dma_start3A_1248 = tpu.memref_slice %arg7[%rem3A_581, %dma_start3A_1246, %dma_start3A_1247] : memref<2x64x64xf32, #tpu.memory_space<vmem>> -> memref<1x64x64xf32, #tpu.memory_space<vmem>>
        %dma_start3A_1249 = tpu.memref_squeeze %dma_start3A_1248 : memref<1x64x64xf32, #tpu.memory_space<vmem>> -> memref<64x64xf32, #tpu.memory_space<vmem>>
        tpu.enqueue_dma source(%dma_start3A_1249 : memref<64x64xf32, #tpu.memory_space<vmem>>) target(%dma_start3A_1245 : memref<64x64xf32, #tpu.memory_space<hbm>>) target_semaphore(%arg17 : memref<!tpu.dma_semaphore, #tpu.memory_space<semaphore_mem>>)
      } else {
      }
      %mul3A_627 = arith.constant 8 : i32
      %mul3A_628 = arith.muli %scan3A_273, %mul3A_627 : i32
      %add3A_629 = arith.constant 3 : i32
      %add3A_630 = arith.addi %mul3A_628, %add3A_629 : i32
      %div3A_631 = arith.constant 32 : i32
      %div3A_632 = arith.divsi %add3A_630, %div3A_631 : i32
      %rem3A_633 = arith.constant 2 : i32
      %rem3A_634 = arith.remsi %div3A_632, %rem3A_633 : i32
      %rem3A_635 = arith.constant 32 : i32
      %rem3A_636 = arith.remsi %add3A_630, %rem3A_635 : i32
      %dma_wait3A_637 = arith.constant 3 : i32
      %dma_wait3A_638 = arith.constant 0 : i32
      %dma_wait3A_639 = arith.constant 0 : i32
      %dma_wait3A_640 = tpu.memref_slice %arg6[%dma_wait3A_637, %dma_wait3A_638, %dma_wait3A_639] : memref<8x200x64xf32, #tpu.memory_space<vmem>> -> memref<1x104x64xf32, #tpu.memory_space<vmem>>
      %dma_wait3A_641 = tpu.memref_squeeze %dma_wait3A_640 : memref<1x104x64xf32, #tpu.memory_space<vmem>> -> memref<104x64xf32, #tpu.memory_space<vmem>>
      %dma_wait3A_642 = arith.constant 0 : i32
      %dma_wait3A_643 = tpu.memref_slice %arg5[%rem3A_634, %rem3A_636, %dma_wait3A_642] : memref<2x32x200xi32, #tpu.memory_space<vmem>> -> memref<1x1x104xi32, #tpu.memory_space<vmem>>
      %dma_wait3A_644 = tpu.memref_squeeze %dma_wait3A_643 : memref<1x1x104xi32, #tpu.memory_space<vmem>> -> memref<104xi32, #tpu.memory_space<vmem>>
      %dma_wait3A_645 = arith.constant 0 : i32
      %dma_wait3A_646 = arith.constant 0 : i32
      %dma_wait3A_647 = tpu.memref_slice %arg3[%dma_wait3A_645, %dma_wait3A_646] : memref<1000000x64xf32, #tpu.memory_space<hbm>> -> memref<1000000x64xf32, #tpu.memory_space<hbm>>
      tpu.wait_indirect_dma semaphore(%arg11 : memref<!tpu.dma_semaphore, #tpu.memory_space<semaphore_mem>>) src(%dma_wait3A_647 : memref<1000000x64xf32, #tpu.memory_space<hbm>>) dst(%dma_wait3A_641 : memref<104x64xf32, #tpu.memory_space<vmem>>)
      %dma_wait3A_648 = arith.constant 3 : i32
      %dma_wait3A_649 = arith.constant 104 : i32
      %dma_wait3A_650 = arith.constant 0 : i32
      %dma_wait3A_651 = tpu.memref_slice %arg6[%dma_wait3A_648, %dma_wait3A_649, %dma_wait3A_650] : memref<8x200x64xf32, #tpu.memory_space<vmem>> -> memref<1x96x64xf32, #tpu.memory_space<vmem>>
      %dma_wait3A_652 = tpu.memref_squeeze %dma_wait3A_651 : memref<1x96x64xf32, #tpu.memory_space<vmem>> -> memref<96x64xf32, #tpu.memory_space<vmem>>
      %dma_wait3A_653 = arith.constant 104 : i32
      %dma_wait3A_654 = tpu.memref_slice %arg5[%rem3A_634, %rem3A_636, %dma_wait3A_653] : memref<2x32x200xi32, #tpu.memory_space<vmem>> -> memref<1x1x96xi32, #tpu.memory_space<vmem>>
      %dma_wait3A_655 = tpu.memref_squeeze %dma_wait3A_654 : memref<1x1x96xi32, #tpu.memory_space<vmem>> -> memref<96xi32, #tpu.memory_space<vmem>>
      %dma_wait3A_656 = arith.constant 0 : i32
      %dma_wait3A_657 = arith.constant 0 : i32
      %dma_wait3A_658 = tpu.memref_slice %arg3[%dma_wait3A_656, %dma_wait3A_657] : memref<1000000x64xf32, #tpu.memory_space<hbm>> -> memref<1000000x64xf32, #tpu.memory_space<hbm>>
      tpu.wait_indirect_dma semaphore(%arg11 : memref<!tpu.dma_semaphore, #tpu.memory_space<semaphore_mem>>) src(%dma_wait3A_658 : memref<1000000x64xf32, #tpu.memory_space<hbm>>) dst(%dma_wait3A_652 : memref<96x64xf32, #tpu.memory_space<vmem>>)
      %broadcast_in_dim3A_659 = arith.constant 0.000000e+00 : f32
      %broadcast_in_dim3A_660 = vector.broadcast %broadcast_in_dim3A_659 : f32 to vector<16xf32>
      %scan3A_661 = arith.constant 3 : i32
      %scan3A_662 = arith.constant 0 : i32
      %scan3A_663 = arith.constant 200 : i32
      %scan3A_664 = arith.addi %scan3A_662, %scan3A_663 : i32
      %scan3A_665 = arith.constant 8 : i32
      %scan3A_666:4 = scf.for %scan3A_1228 = %scan3A_662 to %scan3A_664 step %scan3A_665 iter_args(%scan3A_1229 = %broadcast_in_dim3A_660, %scan3A_1230 = %broadcast_in_dim3A_660, %scan3A_1231 = %broadcast_in_dim3A_660, %scan3A_1232 = %broadcast_in_dim3A_660) -> (vector<16xf32>, vector<16xf32>, vector<16xf32>, vector<16xf32>)  : i32 {
        %get3A = arith.constant 0 : i32
        %get3A_1233 = arith.constant 0 : i32
        %get3A_1234 = tpu.memref_slice %arg6[%scan3A_661, %get3A, %get3A_1233] : memref<8x200x64xf32, #tpu.memory_space<vmem>> -> memref<1x200x64xf32, #tpu.memory_space<vmem>>
        %get3A_1235 = tpu.memref_squeeze %get3A_1234 : memref<1x200x64xf32, #tpu.memory_space<vmem>> -> memref<200x64xf32, #tpu.memory_space<vmem>>
        %get3A_1236 = arith.index_cast %scan3A_1228 : i32 to index
        %get3A_1237 = arith.constant 0 : index
        %get3A_1238 = tpu.vector_load %get3A_1235[%get3A_1236, %get3A_1237] {strides = array<i32>} : memref<200x64xf32, #tpu.memory_space<vmem>>, vector<1x16xf32>,
        %get3A_1239 = vector.shape_cast %get3A_1238 : vector<1x16xf32> to vector<16xf32>
        %add3A_1240 = arith.addf %scan3A_1229, %get3A_1239 : vector<16xf32>
        %get3A_1241 = arith.constant 0 : i32
        %get3A_1242 = arith.constant 0 : i32
        %get3A_1243 = tpu.memref_slice %arg6[%scan3A_661, %get3A_1241, %get3A_1242] : memref<8x200x64xf32, #tpu.memory_space<vmem>> -> memref<1x200x64xf32, #tpu.memory_space<vmem>>
        %get3A_1244 = tpu.memref_squeeze %get3A_1243 : memref<1x200x64xf32, #tpu.memory_space<vmem>> -> memref<200x64xf32, #tpu.memory_space<vmem>>
        %get3A_1245 = arith.index_cast %scan3A_1228 : i32 to index
        %get3A_1246 = arith.constant 16 : index
        %get3A_1247 = tpu.vector_load %get3A_1244[%get3A_1245, %get3A_1246] {strides = array<i32>} : memref<200x64xf32, #tpu.memory_space<vmem>>, vector<1x16xf32>,
        %get3A_1248 = vector.shape_cast %get3A_1247 : vector<1x16xf32> to vector<16xf32>
        %add3A_1249 = arith.addf %scan3A_1230, %get3A_1248 : vector<16xf32>
        %get3A_1250 = arith.constant 0 : i32
        %get3A_1251 = arith.constant 0 : i32
        %get3A_1252 = tpu.memref_slice %arg6[%scan3A_661, %get3A_1250, %get3A_1251] : memref<8x200x64xf32, #tpu.memory_space<vmem>> -> memref<1x200x64xf32, #tpu.memory_space<vmem>>
        %get3A_1253 = tpu.memref_squeeze %get3A_1252 : memref<1x200x64xf32, #tpu.memory_space<vmem>> -> memref<200x64xf32, #tpu.memory_space<vmem>>
        %get3A_1254 = arith.index_cast %scan3A_1228 : i32 to index
        %get3A_1255 = arith.constant 32 : index
        %get3A_1256 = tpu.vector_load %get3A_1253[%get3A_1254, %get3A_1255] {strides = array<i32>} : memref<200x64xf32, #tpu.memory_space<vmem>>, vector<1x16xf32>,
        %get3A_1257 = vector.shape_cast %get3A_1256 : vector<1x16xf32> to vector<16xf32>
        %add3A_1258 = arith.addf %scan3A_1231, %get3A_1257 : vector<16xf32>
        %get3A_1259 = arith.constant 0 : i32
        %get3A_1260 = arith.constant 0 : i32
        %get3A_1261 = tpu.memref_slice %arg6[%scan3A_661, %get3A_1259, %get3A_1260] : memref<8x200x64xf32, #tpu.memory_space<vmem>> -> memref<1x200x64xf32, #tpu.memory_space<vmem>>
        %get3A_1262 = tpu.memref_squeeze %get3A_1261 : memref<1x200x64xf32, #tpu.memory_space<vmem>> -> memref<200x64xf32, #tpu.memory_space<vmem>>
        %get3A_1263 = arith.index_cast %scan3A_1228 : i32 to index
        %get3A_1264 = arith.constant 48 : index
        %get3A_1265 = tpu.vector_load %get3A_1262[%get3A_1263, %get3A_1264] {strides = array<i32>} : memref<200x64xf32, #tpu.memory_space<vmem>>, vector<1x16xf32>,
        %get3A_1266 = vector.shape_cast %get3A_1265 : vector<1x16xf32> to vector<16xf32>
        %add3A_1267 = arith.addf %scan3A_1232, %get3A_1266 : vector<16xf32>
        %scan3A_1268 = arith.constant 1 : i32
        %scan3A_1269 = arith.addi %scan3A_1228, %scan3A_1268 : i32
        %get3A_1270 = arith.constant 0 : i32
        %get3A_1271 = arith.constant 0 : i32
        %get3A_1272 = tpu.memref_slice %arg6[%scan3A_661, %get3A_1270, %get3A_1271] : memref<8x200x64xf32, #tpu.memory_space<vmem>> -> memref<1x200x64xf32, #tpu.memory_space<vmem>>
        %get3A_1273 = tpu.memref_squeeze %get3A_1272 : memref<1x200x64xf32, #tpu.memory_space<vmem>> -> memref<200x64xf32, #tpu.memory_space<vmem>>
        %get3A_1274 = arith.index_cast %scan3A_1269 : i32 to index
        %get3A_1275 = arith.constant 0 : index
        %get3A_1276 = tpu.vector_load %get3A_1273[%get3A_1274, %get3A_1275] {strides = array<i32>} : memref<200x64xf32, #tpu.memory_space<vmem>>, vector<1x16xf32>,
        %get3A_1277 = vector.shape_cast %get3A_1276 : vector<1x16xf32> to vector<16xf32>
        %add3A_1278 = arith.addf %add3A_1240, %get3A_1277 : vector<16xf32>
        %get3A_1279 = arith.constant 0 : i32
        %get3A_1280 = arith.constant 0 : i32
        %get3A_1281 = tpu.memref_slice %arg6[%scan3A_661, %get3A_1279, %get3A_1280] : memref<8x200x64xf32, #tpu.memory_space<vmem>> -> memref<1x200x64xf32, #tpu.memory_space<vmem>>
        %get3A_1282 = tpu.memref_squeeze %get3A_1281 : memref<1x200x64xf32, #tpu.memory_space<vmem>> -> memref<200x64xf32, #tpu.memory_space<vmem>>
        %get3A_1283 = arith.index_cast %scan3A_1269 : i32 to index
        %get3A_1284 = arith.constant 16 : index
        %get3A_1285 = tpu.vector_load %get3A_1282[%get3A_1283, %get3A_1284] {strides = array<i32>} : memref<200x64xf32, #tpu.memory_space<vmem>>, vector<1x16xf32>,
        %get3A_1286 = vector.shape_cast %get3A_1285 : vector<1x16xf32> to vector<16xf32>
        %add3A_1287 = arith.addf %add3A_1249, %get3A_1286 : vector<16xf32>
        %get3A_1288 = arith.constant 0 : i32
        %get3A_1289 = arith.constant 0 : i32
        %get3A_1290 = tpu.memref_slice %arg6[%scan3A_661, %get3A_1288, %get3A_1289] : memref<8x200x64xf32, #tpu.memory_space<vmem>> -> memref<1x200x64xf32, #tpu.memory_space<vmem>>
        %get3A_1291 = tpu.memref_squeeze %get3A_1290 : memref<1x200x64xf32, #tpu.memory_space<vmem>> -> memref<200x64xf32, #tpu.memory_space<vmem>>
        %get3A_1292 = arith.index_cast %scan3A_1269 : i32 to index
        %get3A_1293 = arith.constant 32 : index
        %get3A_1294 = tpu.vector_load %get3A_1291[%get3A_1292, %get3A_1293] {strides = array<i32>} : memref<200x64xf32, #tpu.memory_space<vmem>>, vector<1x16xf32>,
        %get3A_1295 = vector.shape_cast %get3A_1294 : vector<1x16xf32> to vector<16xf32>
        %add3A_1296 = arith.addf %add3A_1258, %get3A_1295 : vector<16xf32>
        %get3A_1297 = arith.constant 0 : i32
        %get3A_1298 = arith.constant 0 : i32
        %get3A_1299 = tpu.memref_slice %arg6[%scan3A_661, %get3A_1297, %get3A_1298] : memref<8x200x64xf32, #tpu.memory_space<vmem>> -> memref<1x200x64xf32, #tpu.memory_space<vmem>>
        %get3A_1300 = tpu.memref_squeeze %get3A_1299 : memref<1x200x64xf32, #tpu.memory_space<vmem>> -> memref<200x64xf32, #tpu.memory_space<vmem>>
        %get3A_1301 = arith.index_cast %scan3A_1269 : i32 to index
        %get3A_1302 = arith.constant 48 : index
        %get3A_1303 = tpu.vector_load %get3A_1300[%get3A_1301, %get3A_1302] {strides = array<i32>} : memref<200x64xf32, #tpu.memory_space<vmem>>, vector<1x16xf32>,
        %get3A_1304 = vector.shape_cast %get3A_1303 : vector<1x16xf32> to vector<16xf32>
        %add3A_1305 = arith.addf %add3A_1267, %get3A_1304 : vector<16xf32>
        %scan3A_1306 = arith.constant 2 : i32
        %scan3A_1307 = arith.addi %scan3A_1228, %scan3A_1306 : i32
        %get3A_1308 = arith.constant 0 : i32
        %get3A_1309 = arith.constant 0 : i32
        %get3A_1310 = tpu.memref_slice %arg6[%scan3A_661, %get3A_1308, %get3A_1309] : memref<8x200x64xf32, #tpu.memory_space<vmem>> -> memref<1x200x64xf32, #tpu.memory_space<vmem>>
        %get3A_1311 = tpu.memref_squeeze %get3A_1310 : memref<1x200x64xf32, #tpu.memory_space<vmem>> -> memref<200x64xf32, #tpu.memory_space<vmem>>
        %get3A_1312 = arith.index_cast %scan3A_1307 : i32 to index
        %get3A_1313 = arith.constant 0 : index
        %get3A_1314 = tpu.vector_load %get3A_1311[%get3A_1312, %get3A_1313] {strides = array<i32>} : memref<200x64xf32, #tpu.memory_space<vmem>>, vector<1x16xf32>,
        %get3A_1315 = vector.shape_cast %get3A_1314 : vector<1x16xf32> to vector<16xf32>
        %add3A_1316 = arith.addf %add3A_1278, %get3A_1315 : vector<16xf32>
        %get3A_1317 = arith.constant 0 : i32
        %get3A_1318 = arith.constant 0 : i32
        %get3A_1319 = tpu.memref_slice %arg6[%scan3A_661, %get3A_1317, %get3A_1318] : memref<8x200x64xf32, #tpu.memory_space<vmem>> -> memref<1x200x64xf32, #tpu.memory_space<vmem>>
        %get3A_1320 = tpu.memref_squeeze %get3A_1319 : memref<1x200x64xf32, #tpu.memory_space<vmem>> -> memref<200x64xf32, #tpu.memory_space<vmem>>
        %get3A_1321 = arith.index_cast %scan3A_1307 : i32 to index
        %get3A_1322 = arith.constant 16 : index
        %get3A_1323 = tpu.vector_load %get3A_1320[%get3A_1321, %get3A_1322] {strides = array<i32>} : memref<200x64xf32, #tpu.memory_space<vmem>>, vector<1x16xf32>,
        %get3A_1324 = vector.shape_cast %get3A_1323 : vector<1x16xf32> to vector<16xf32>
        %add3A_1325 = arith.addf %add3A_1287, %get3A_1324 : vector<16xf32>
        %get3A_1326 = arith.constant 0 : i32
        %get3A_1327 = arith.constant 0 : i32
        %get3A_1328 = tpu.memref_slice %arg6[%scan3A_661, %get3A_1326, %get3A_1327] : memref<8x200x64xf32, #tpu.memory_space<vmem>> -> memref<1x200x64xf32, #tpu.memory_space<vmem>>
        %get3A_1329 = tpu.memref_squeeze %get3A_1328 : memref<1x200x64xf32, #tpu.memory_space<vmem>> -> memref<200x64xf32, #tpu.memory_space<vmem>>
        %get3A_1330 = arith.index_cast %scan3A_1307 : i32 to index
        %get3A_1331 = arith.constant 32 : index
        %get3A_1332 = tpu.vector_load %get3A_1329[%get3A_1330, %get3A_1331] {strides = array<i32>} : memref<200x64xf32, #tpu.memory_space<vmem>>, vector<1x16xf32>,
        %get3A_1333 = vector.shape_cast %get3A_1332 : vector<1x16xf32> to vector<16xf32>
        %add3A_1334 = arith.addf %add3A_1296, %get3A_1333 : vector<16xf32>
        %get3A_1335 = arith.constant 0 : i32
        %get3A_1336 = arith.constant 0 : i32
        %get3A_1337 = tpu.memref_slice %arg6[%scan3A_661, %get3A_1335, %get3A_1336] : memref<8x200x64xf32, #tpu.memory_space<vmem>> -> memref<1x200x64xf32, #tpu.memory_space<vmem>>
        %get3A_1338 = tpu.memref_squeeze %get3A_1337 : memref<1x200x64xf32, #tpu.memory_space<vmem>> -> memref<200x64xf32, #tpu.memory_space<vmem>>
        %get3A_1339 = arith.index_cast %scan3A_1307 : i32 to index
        %get3A_1340 = arith.constant 48 : index
        %get3A_1341 = tpu.vector_load %get3A_1338[%get3A_1339, %get3A_1340] {strides = array<i32>} : memref<200x64xf32, #tpu.memory_space<vmem>>, vector<1x16xf32>,
        %get3A_1342 = vector.shape_cast %get3A_1341 : vector<1x16xf32> to vector<16xf32>
        %add3A_1343 = arith.addf %add3A_1305, %get3A_1342 : vector<16xf32>
        %scan3A_1344 = arith.constant 3 : i32
        %scan3A_1345 = arith.addi %scan3A_1228, %scan3A_1344 : i32
        %get3A_1346 = arith.constant 0 : i32
        %get3A_1347 = arith.constant 0 : i32
        %get3A_1348 = tpu.memref_slice %arg6[%scan3A_661, %get3A_1346, %get3A_1347] : memref<8x200x64xf32, #tpu.memory_space<vmem>> -> memref<1x200x64xf32, #tpu.memory_space<vmem>>
        %get3A_1349 = tpu.memref_squeeze %get3A_1348 : memref<1x200x64xf32, #tpu.memory_space<vmem>> -> memref<200x64xf32, #tpu.memory_space<vmem>>
        %get3A_1350 = arith.index_cast %scan3A_1345 : i32 to index
        %get3A_1351 = arith.constant 0 : index
        %get3A_1352 = tpu.vector_load %get3A_1349[%get3A_1350, %get3A_1351] {strides = array<i32>} : memref<200x64xf32, #tpu.memory_space<vmem>>, vector<1x16xf32>,
        %get3A_1353 = vector.shape_cast %get3A_1352 : vector<1x16xf32> to vector<16xf32>
        %add3A_1354 = arith.addf %add3A_1316, %get3A_1353 : vector<16xf32>
        %get3A_1355 = arith.constant 0 : i32
        %get3A_1356 = arith.constant 0 : i32
        %get3A_1357 = tpu.memref_slice %arg6[%scan3A_661, %get3A_1355, %get3A_1356] : memref<8x200x64xf32, #tpu.memory_space<vmem>> -> memref<1x200x64xf32, #tpu.memory_space<vmem>>
        %get3A_1358 = tpu.memref_squeeze %get3A_1357 : memref<1x200x64xf32, #tpu.memory_space<vmem>> -> memref<200x64xf32, #tpu.memory_space<vmem>>
        %get3A_1359 = arith.index_cast %scan3A_1345 : i32 to index
        %get3A_1360 = arith.constant 16 : index
        %get3A_1361 = tpu.vector_load %get3A_1358[%get3A_1359, %get3A_1360] {strides = array<i32>} : memref<200x64xf32, #tpu.memory_space<vmem>>, vector<1x16xf32>,
        %get3A_1362 = vector.shape_cast %get3A_1361 : vector<1x16xf32> to vector<16xf32>
        %add3A_1363 = arith.addf %add3A_1325, %get3A_1362 : vector<16xf32>
        %get3A_1364 = arith.constant 0 : i32
        %get3A_1365 = arith.constant 0 : i32
        %get3A_1366 = tpu.memref_slice %arg6[%scan3A_661, %get3A_1364, %get3A_1365] : memref<8x200x64xf32, #tpu.memory_space<vmem>> -> memref<1x200x64xf32, #tpu.memory_space<vmem>>
        %get3A_1367 = tpu.memref_squeeze %get3A_1366 : memref<1x200x64xf32, #tpu.memory_space<vmem>> -> memref<200x64xf32, #tpu.memory_space<vmem>>
        %get3A_1368 = arith.index_cast %scan3A_1345 : i32 to index
        %get3A_1369 = arith.constant 32 : index
        %get3A_1370 = tpu.vector_load %get3A_1367[%get3A_1368, %get3A_1369] {strides = array<i32>} : memref<200x64xf32, #tpu.memory_space<vmem>>, vector<1x16xf32>,
        %get3A_1371 = vector.shape_cast %get3A_1370 : vector<1x16xf32> to vector<16xf32>
        %add3A_1372 = arith.addf %add3A_1334, %get3A_1371 : vector<16xf32>
        %get3A_1373 = arith.constant 0 : i32
        %get3A_1374 = arith.constant 0 : i32
        %get3A_1375 = tpu.memref_slice %arg6[%scan3A_661, %get3A_1373, %get3A_1374] : memref<8x200x64xf32, #tpu.memory_space<vmem>> -> memref<1x200x64xf32, #tpu.memory_space<vmem>>
        %get3A_1376 = tpu.memref_squeeze %get3A_1375 : memref<1x200x64xf32, #tpu.memory_space<vmem>> -> memref<200x64xf32, #tpu.memory_space<vmem>>
        %get3A_1377 = arith.index_cast %scan3A_1345 : i32 to index
        %get3A_1378 = arith.constant 48 : index
        %get3A_1379 = tpu.vector_load %get3A_1376[%get3A_1377, %get3A_1378] {strides = array<i32>} : memref<200x64xf32, #tpu.memory_space<vmem>>, vector<1x16xf32>,
        %get3A_1380 = vector.shape_cast %get3A_1379 : vector<1x16xf32> to vector<16xf32>
        %add3A_1381 = arith.addf %add3A_1343, %get3A_1380 : vector<16xf32>
        %scan3A_1382 = arith.constant 4 : i32
        %scan3A_1383 = arith.addi %scan3A_1228, %scan3A_1382 : i32
        %get3A_1384 = arith.constant 0 : i32
        %get3A_1385 = arith.constant 0 : i32
        %get3A_1386 = tpu.memref_slice %arg6[%scan3A_661, %get3A_1384, %get3A_1385] : memref<8x200x64xf32, #tpu.memory_space<vmem>> -> memref<1x200x64xf32, #tpu.memory_space<vmem>>
        %get3A_1387 = tpu.memref_squeeze %get3A_1386 : memref<1x200x64xf32, #tpu.memory_space<vmem>> -> memref<200x64xf32, #tpu.memory_space<vmem>>
        %get3A_1388 = arith.index_cast %scan3A_1383 : i32 to index
        %get3A_1389 = arith.constant 0 : index
        %get3A_1390 = tpu.vector_load %get3A_1387[%get3A_1388, %get3A_1389] {strides = array<i32>} : memref<200x64xf32, #tpu.memory_space<vmem>>, vector<1x16xf32>,
        %get3A_1391 = vector.shape_cast %get3A_1390 : vector<1x16xf32> to vector<16xf32>
        %add3A_1392 = arith.addf %add3A_1354, %get3A_1391 : vector<16xf32>
        %get3A_1393 = arith.constant 0 : i32
        %get3A_1394 = arith.constant 0 : i32
        %get3A_1395 = tpu.memref_slice %arg6[%scan3A_661, %get3A_1393, %get3A_1394] : memref<8x200x64xf32, #tpu.memory_space<vmem>> -> memref<1x200x64xf32, #tpu.memory_space<vmem>>
        %get3A_1396 = tpu.memref_squeeze %get3A_1395 : memref<1x200x64xf32, #tpu.memory_space<vmem>> -> memref<200x64xf32, #tpu.memory_space<vmem>>
        %get3A_1397 = arith.index_cast %scan3A_1383 : i32 to index
        %get3A_1398 = arith.constant 16 : index
        %get3A_1399 = tpu.vector_load %get3A_1396[%get3A_1397, %get3A_1398] {strides = array<i32>} : memref<200x64xf32, #tpu.memory_space<vmem>>, vector<1x16xf32>,
        %get3A_1400 = vector.shape_cast %get3A_1399 : vector<1x16xf32> to vector<16xf32>
        %add3A_1401 = arith.addf %add3A_1363, %get3A_1400 : vector<16xf32>
        %get3A_1402 = arith.constant 0 : i32
        %get3A_1403 = arith.constant 0 : i32
        %get3A_1404 = tpu.memref_slice %arg6[%scan3A_661, %get3A_1402, %get3A_1403] : memref<8x200x64xf32, #tpu.memory_space<vmem>> -> memref<1x200x64xf32, #tpu.memory_space<vmem>>
        %get3A_1405 = tpu.memref_squeeze %get3A_1404 : memref<1x200x64xf32, #tpu.memory_space<vmem>> -> memref<200x64xf32, #tpu.memory_space<vmem>>
        %get3A_1406 = arith.index_cast %scan3A_1383 : i32 to index
        %get3A_1407 = arith.constant 32 : index
        %get3A_1408 = tpu.vector_load %get3A_1405[%get3A_1406, %get3A_1407] {strides = array<i32>} : memref<200x64xf32, #tpu.memory_space<vmem>>, vector<1x16xf32>,
        %get3A_1409 = vector.shape_cast %get3A_1408 : vector<1x16xf32> to vector<16xf32>
        %add3A_1410 = arith.addf %add3A_1372, %get3A_1409 : vector<16xf32>
        %get3A_1411 = arith.constant 0 : i32
        %get3A_1412 = arith.constant 0 : i32
        %get3A_1413 = tpu.memref_slice %arg6[%scan3A_661, %get3A_1411, %get3A_1412] : memref<8x200x64xf32, #tpu.memory_space<vmem>> -> memref<1x200x64xf32, #tpu.memory_space<vmem>>
        %get3A_1414 = tpu.memref_squeeze %get3A_1413 : memref<1x200x64xf32, #tpu.memory_space<vmem>> -> memref<200x64xf32, #tpu.memory_space<vmem>>
        %get3A_1415 = arith.index_cast %scan3A_1383 : i32 to index
        %get3A_1416 = arith.constant 48 : index
        %get3A_1417 = tpu.vector_load %get3A_1414[%get3A_1415, %get3A_1416] {strides = array<i32>} : memref<200x64xf32, #tpu.memory_space<vmem>>, vector<1x16xf32>,
        %get3A_1418 = vector.shape_cast %get3A_1417 : vector<1x16xf32> to vector<16xf32>
        %add3A_1419 = arith.addf %add3A_1381, %get3A_1418 : vector<16xf32>
        %scan3A_1420 = arith.constant 5 : i32
        %scan3A_1421 = arith.addi %scan3A_1228, %scan3A_1420 : i32
        %get3A_1422 = arith.constant 0 : i32
        %get3A_1423 = arith.constant 0 : i32
        %get3A_1424 = tpu.memref_slice %arg6[%scan3A_661, %get3A_1422, %get3A_1423] : memref<8x200x64xf32, #tpu.memory_space<vmem>> -> memref<1x200x64xf32, #tpu.memory_space<vmem>>
        %get3A_1425 = tpu.memref_squeeze %get3A_1424 : memref<1x200x64xf32, #tpu.memory_space<vmem>> -> memref<200x64xf32, #tpu.memory_space<vmem>>
        %get3A_1426 = arith.index_cast %scan3A_1421 : i32 to index
        %get3A_1427 = arith.constant 0 : index
        %get3A_1428 = tpu.vector_load %get3A_1425[%get3A_1426, %get3A_1427] {strides = array<i32>} : memref<200x64xf32, #tpu.memory_space<vmem>>, vector<1x16xf32>,
        %get3A_1429 = vector.shape_cast %get3A_1428 : vector<1x16xf32> to vector<16xf32>
        %add3A_1430 = arith.addf %add3A_1392, %get3A_1429 : vector<16xf32>
        %get3A_1431 = arith.constant 0 : i32
        %get3A_1432 = arith.constant 0 : i32
        %get3A_1433 = tpu.memref_slice %arg6[%scan3A_661, %get3A_1431, %get3A_1432] : memref<8x200x64xf32, #tpu.memory_space<vmem>> -> memref<1x200x64xf32, #tpu.memory_space<vmem>>
        %get3A_1434 = tpu.memref_squeeze %get3A_1433 : memref<1x200x64xf32, #tpu.memory_space<vmem>> -> memref<200x64xf32, #tpu.memory_space<vmem>>
        %get3A_1435 = arith.index_cast %scan3A_1421 : i32 to index
        %get3A_1436 = arith.constant 16 : index
        %get3A_1437 = tpu.vector_load %get3A_1434[%get3A_1435, %get3A_1436] {strides = array<i32>} : memref<200x64xf32, #tpu.memory_space<vmem>>, vector<1x16xf32>,
        %get3A_1438 = vector.shape_cast %get3A_1437 : vector<1x16xf32> to vector<16xf32>
        %add3A_1439 = arith.addf %add3A_1401, %get3A_1438 : vector<16xf32>
        %get3A_1440 = arith.constant 0 : i32
        %get3A_1441 = arith.constant 0 : i32
        %get3A_1442 = tpu.memref_slice %arg6[%scan3A_661, %get3A_1440, %get3A_1441] : memref<8x200x64xf32, #tpu.memory_space<vmem>> -> memref<1x200x64xf32, #tpu.memory_space<vmem>>
        %get3A_1443 = tpu.memref_squeeze %get3A_1442 : memref<1x200x64xf32, #tpu.memory_space<vmem>> -> memref<200x64xf32, #tpu.memory_space<vmem>>
        %get3A_1444 = arith.index_cast %scan3A_1421 : i32 to index
        %get3A_1445 = arith.constant 32 : index
        %get3A_1446 = tpu.vector_load %get3A_1443[%get3A_1444, %get3A_1445] {strides = array<i32>} : memref<200x64xf32, #tpu.memory_space<vmem>>, vector<1x16xf32>,
        %get3A_1447 = vector.shape_cast %get3A_1446 : vector<1x16xf32> to vector<16xf32>
        %add3A_1448 = arith.addf %add3A_1410, %get3A_1447 : vector<16xf32>
        %get3A_1449 = arith.constant 0 : i32
        %get3A_1450 = arith.constant 0 : i32
        %get3A_1451 = tpu.memref_slice %arg6[%scan3A_661, %get3A_1449, %get3A_1450] : memref<8x200x64xf32, #tpu.memory_space<vmem>> -> memref<1x200x64xf32, #tpu.memory_space<vmem>>
        %get3A_1452 = tpu.memref_squeeze %get3A_1451 : memref<1x200x64xf32, #tpu.memory_space<vmem>> -> memref<200x64xf32, #tpu.memory_space<vmem>>
        %get3A_1453 = arith.index_cast %scan3A_1421 : i32 to index
        %get3A_1454 = arith.constant 48 : index
        %get3A_1455 = tpu.vector_load %get3A_1452[%get3A_1453, %get3A_1454] {strides = array<i32>} : memref<200x64xf32, #tpu.memory_space<vmem>>, vector<1x16xf32>,
        %get3A_1456 = vector.shape_cast %get3A_1455 : vector<1x16xf32> to vector<16xf32>
        %add3A_1457 = arith.addf %add3A_1419, %get3A_1456 : vector<16xf32>
        %scan3A_1458 = arith.constant 6 : i32
        %scan3A_1459 = arith.addi %scan3A_1228, %scan3A_1458 : i32
        %get3A_1460 = arith.constant 0 : i32
        %get3A_1461 = arith.constant 0 : i32
        %get3A_1462 = tpu.memref_slice %arg6[%scan3A_661, %get3A_1460, %get3A_1461] : memref<8x200x64xf32, #tpu.memory_space<vmem>> -> memref<1x200x64xf32, #tpu.memory_space<vmem>>
        %get3A_1463 = tpu.memref_squeeze %get3A_1462 : memref<1x200x64xf32, #tpu.memory_space<vmem>> -> memref<200x64xf32, #tpu.memory_space<vmem>>
        %get3A_1464 = arith.index_cast %scan3A_1459 : i32 to index
        %get3A_1465 = arith.constant 0 : index
        %get3A_1466 = tpu.vector_load %get3A_1463[%get3A_1464, %get3A_1465] {strides = array<i32>} : memref<200x64xf32, #tpu.memory_space<vmem>>, vector<1x16xf32>,
        %get3A_1467 = vector.shape_cast %get3A_1466 : vector<1x16xf32> to vector<16xf32>
        %add3A_1468 = arith.addf %add3A_1430, %get3A_1467 : vector<16xf32>
        %get3A_1469 = arith.constant 0 : i32
        %get3A_1470 = arith.constant 0 : i32
        %get3A_1471 = tpu.memref_slice %arg6[%scan3A_661, %get3A_1469, %get3A_1470] : memref<8x200x64xf32, #tpu.memory_space<vmem>> -> memref<1x200x64xf32, #tpu.memory_space<vmem>>
        %get3A_1472 = tpu.memref_squeeze %get3A_1471 : memref<1x200x64xf32, #tpu.memory_space<vmem>> -> memref<200x64xf32, #tpu.memory_space<vmem>>
        %get3A_1473 = arith.index_cast %scan3A_1459 : i32 to index
        %get3A_1474 = arith.constant 16 : index
        %get3A_1475 = tpu.vector_load %get3A_1472[%get3A_1473, %get3A_1474] {strides = array<i32>} : memref<200x64xf32, #tpu.memory_space<vmem>>, vector<1x16xf32>,
        %get3A_1476 = vector.shape_cast %get3A_1475 : vector<1x16xf32> to vector<16xf32>
        %add3A_1477 = arith.addf %add3A_1439, %get3A_1476 : vector<16xf32>
        %get3A_1478 = arith.constant 0 : i32
        %get3A_1479 = arith.constant 0 : i32
        %get3A_1480 = tpu.memref_slice %arg6[%scan3A_661, %get3A_1478, %get3A_1479] : memref<8x200x64xf32, #tpu.memory_space<vmem>> -> memref<1x200x64xf32, #tpu.memory_space<vmem>>
        %get3A_1481 = tpu.memref_squeeze %get3A_1480 : memref<1x200x64xf32, #tpu.memory_space<vmem>> -> memref<200x64xf32, #tpu.memory_space<vmem>>
        %get3A_1482 = arith.index_cast %scan3A_1459 : i32 to index
        %get3A_1483 = arith.constant 32 : index
        %get3A_1484 = tpu.vector_load %get3A_1481[%get3A_1482, %get3A_1483] {strides = array<i32>} : memref<200x64xf32, #tpu.memory_space<vmem>>, vector<1x16xf32>,
        %get3A_1485 = vector.shape_cast %get3A_1484 : vector<1x16xf32> to vector<16xf32>
        %add3A_1486 = arith.addf %add3A_1448, %get3A_1485 : vector<16xf32>
        %get3A_1487 = arith.constant 0 : i32
        %get3A_1488 = arith.constant 0 : i32
        %get3A_1489 = tpu.memref_slice %arg6[%scan3A_661, %get3A_1487, %get3A_1488] : memref<8x200x64xf32, #tpu.memory_space<vmem>> -> memref<1x200x64xf32, #tpu.memory_space<vmem>>
        %get3A_1490 = tpu.memref_squeeze %get3A_1489 : memref<1x200x64xf32, #tpu.memory_space<vmem>> -> memref<200x64xf32, #tpu.memory_space<vmem>>
        %get3A_1491 = arith.index_cast %scan3A_1459 : i32 to index
        %get3A_1492 = arith.constant 48 : index
        %get3A_1493 = tpu.vector_load %get3A_1490[%get3A_1491, %get3A_1492] {strides = array<i32>} : memref<200x64xf32, #tpu.memory_space<vmem>>, vector<1x16xf32>,
        %get3A_1494 = vector.shape_cast %get3A_1493 : vector<1x16xf32> to vector<16xf32>
        %add3A_1495 = arith.addf %add3A_1457, %get3A_1494 : vector<16xf32>
        %scan3A_1496 = arith.constant 7 : i32
        %scan3A_1497 = arith.addi %scan3A_1228, %scan3A_1496 : i32
        %get3A_1498 = arith.constant 0 : i32
        %get3A_1499 = arith.constant 0 : i32
        %get3A_1500 = tpu.memref_slice %arg6[%scan3A_661, %get3A_1498, %get3A_1499] : memref<8x200x64xf32, #tpu.memory_space<vmem>> -> memref<1x200x64xf32, #tpu.memory_space<vmem>>
        %get3A_1501 = tpu.memref_squeeze %get3A_1500 : memref<1x200x64xf32, #tpu.memory_space<vmem>> -> memref<200x64xf32, #tpu.memory_space<vmem>>
        %get3A_1502 = arith.index_cast %scan3A_1497 : i32 to index
        %get3A_1503 = arith.constant 0 : index
        %get3A_1504 = tpu.vector_load %get3A_1501[%get3A_1502, %get3A_1503] {strides = array<i32>} : memref<200x64xf32, #tpu.memory_space<vmem>>, vector<1x16xf32>,
        %get3A_1505 = vector.shape_cast %get3A_1504 : vector<1x16xf32> to vector<16xf32>
        %add3A_1506 = arith.addf %add3A_1468, %get3A_1505 : vector<16xf32>
        %get3A_1507 = arith.constant 0 : i32
        %get3A_1508 = arith.constant 0 : i32
        %get3A_1509 = tpu.memref_slice %arg6[%scan3A_661, %get3A_1507, %get3A_1508] : memref<8x200x64xf32, #tpu.memory_space<vmem>> -> memref<1x200x64xf32, #tpu.memory_space<vmem>>
        %get3A_1510 = tpu.memref_squeeze %get3A_1509 : memref<1x200x64xf32, #tpu.memory_space<vmem>> -> memref<200x64xf32, #tpu.memory_space<vmem>>
        %get3A_1511 = arith.index_cast %scan3A_1497 : i32 to index
        %get3A_1512 = arith.constant 16 : index
        %get3A_1513 = tpu.vector_load %get3A_1510[%get3A_1511, %get3A_1512] {strides = array<i32>} : memref<200x64xf32, #tpu.memory_space<vmem>>, vector<1x16xf32>,
        %get3A_1514 = vector.shape_cast %get3A_1513 : vector<1x16xf32> to vector<16xf32>
        %add3A_1515 = arith.addf %add3A_1477, %get3A_1514 : vector<16xf32>
        %get3A_1516 = arith.constant 0 : i32
        %get3A_1517 = arith.constant 0 : i32
        %get3A_1518 = tpu.memref_slice %arg6[%scan3A_661, %get3A_1516, %get3A_1517] : memref<8x200x64xf32, #tpu.memory_space<vmem>> -> memref<1x200x64xf32, #tpu.memory_space<vmem>>
        %get3A_1519 = tpu.memref_squeeze %get3A_1518 : memref<1x200x64xf32, #tpu.memory_space<vmem>> -> memref<200x64xf32, #tpu.memory_space<vmem>>
        %get3A_1520 = arith.index_cast %scan3A_1497 : i32 to index
        %get3A_1521 = arith.constant 32 : index
        %get3A_1522 = tpu.vector_load %get3A_1519[%get3A_1520, %get3A_1521] {strides = array<i32>} : memref<200x64xf32, #tpu.memory_space<vmem>>, vector<1x16xf32>,
        %get3A_1523 = vector.shape_cast %get3A_1522 : vector<1x16xf32> to vector<16xf32>
        %add3A_1524 = arith.addf %add3A_1486, %get3A_1523 : vector<16xf32>
        %get3A_1525 = arith.constant 0 : i32
        %get3A_1526 = arith.constant 0 : i32
        %get3A_1527 = tpu.memref_slice %arg6[%scan3A_661, %get3A_1525, %get3A_1526] : memref<8x200x64xf32, #tpu.memory_space<vmem>> -> memref<1x200x64xf32, #tpu.memory_space<vmem>>
        %get3A_1528 = tpu.memref_squeeze %get3A_1527 : memref<1x200x64xf32, #tpu.memory_space<vmem>> -> memref<200x64xf32, #tpu.memory_space<vmem>>
        %get3A_1529 = arith.index_cast %scan3A_1497 : i32 to index
        %get3A_1530 = arith.constant 48 : index
        %get3A_1531 = tpu.vector_load %get3A_1528[%get3A_1529, %get3A_1530] {strides = array<i32>} : memref<200x64xf32, #tpu.memory_space<vmem>>, vector<1x16xf32>,
        %get3A_1532 = vector.shape_cast %get3A_1531 : vector<1x16xf32> to vector<16xf32>
        %add3A_1533 = arith.addf %add3A_1495, %get3A_1532 : vector<16xf32>
        scf.yield %add3A_1506, %add3A_1515, %add3A_1524, %add3A_1533 : vector<16xf32>, vector<16xf32>, vector<16xf32>, vector<16xf32>
      }
      %scan3A_667 = arith.constant 200 : i32
      %add3A_668 = arith.constant 8 : i32
      %add3A_669 = arith.addi %add3A_630, %add3A_668 : i32
      %lt3A_670 = arith.constant 512 : i32
      %lt3A_671 = arith.cmpi slt, %add3A_669, %lt3A_670 : i32
      %rem3A_672 = arith.constant 32 : i32
      %rem3A_673 = arith.remsi %add3A_669, %rem3A_672 : i32
      %eq3A_674 = arith.constant 0 : i32
      %eq3A_675 = arith.cmpi eq, %rem3A_673, %eq3A_674 : i32
      %and3A_676 = arith.andi %lt3A_671, %eq3A_675 : i1
      %convert_element_type3A_677 = arith.extui %and3A_676 : i1 to i32
      %cond3A_678 = arith.constant 0 : i32
      %cond3A_679 = arith.cmpi ne, %convert_element_type3A_677, %cond3A_678 : i32
      scf.if %cond3A_679 {
        %dma_wait3A_1228 = arith.constant 0 : i32
        %dma_wait3A_1229 = arith.constant 0 : i32
        %dma_wait3A_1230 = arith.constant 0 : i32
        %dma_wait3A_1231 = tpu.memref_slice %arg5[%dma_wait3A_1228, %dma_wait3A_1229, %dma_wait3A_1230] : memref<2x32x200xi32, #tpu.memory_space<vmem>> -> memref<1x32x200xi32, #tpu.memory_space<vmem>>
        %dma_wait3A_1232 = tpu.memref_squeeze %dma_wait3A_1231 : memref<1x32x200xi32, #tpu.memory_space<vmem>> -> memref<32x200xi32, #tpu.memory_space<vmem>>
        %dma_wait3A_1233 = arith.constant 0 : i32
        %dma_wait3A_1234 = tpu.memref_slice %arg2[%mul3A_2, %dma_wait3A_1233] : memref<16384x200xi32, #tpu.memory_space<hbm>> -> memref<32x200xi32, #tpu.memory_space<hbm>>
        %dma_wait3A_1235 = arith.constant 0 : i32
        %dma_wait3A_1236 = arith.constant 0 : i32
        %dma_wait3A_1237 = tpu.memref_slice %arg5[%dma_wait3A_1228, %dma_wait3A_1235, %dma_wait3A_1236] : memref<2x32x200xi32, #tpu.memory_space<vmem>> -> memref<1x32x200xi32, #tpu.memory_space<vmem>>
        %dma_wait3A_1238 = tpu.memref_squeeze %dma_wait3A_1237 : memref<1x32x200xi32, #tpu.memory_space<vmem>> -> memref<32x200xi32, #tpu.memory_space<vmem>>
        %dma_wait3A_1239 = arith.constant 0 : i32
        %dma_wait3A_1240 = tpu.memref_slice %arg2[%mul3A_2, %dma_wait3A_1239] : memref<16384x200xi32, #tpu.memory_space<hbm>> -> memref<32x200xi32, #tpu.memory_space<hbm>>
        tpu.wait_dma2 semaphore(%arg16 : memref<!tpu.dma_semaphore, #tpu.memory_space<semaphore_mem>>) src(%dma_wait3A_1240 : memref<32x200xi32, #tpu.memory_space<hbm>>) dst(%dma_wait3A_1238 : memref<32x200xi32, #tpu.memory_space<vmem>>)
      } else {
      }
      %lt3A_680 = arith.constant 512 : i32
      %lt3A_681 = arith.cmpi slt, %add3A_669, %lt3A_680 : i32
      %convert_element_type3A_682 = arith.extui %lt3A_681 : i1 to i32
      %cond3A_683 = arith.constant 0 : i32
      %cond3A_684 = arith.cmpi ne, %convert_element_type3A_682, %cond3A_683 : i32
      scf.if %cond3A_684 {
        %div3A_1228 = arith.constant 32 : i32
        %div3A_1229 = arith.divsi %add3A_669, %div3A_1228 : i32
        %rem3A_1230 = arith.constant 2 : i32
        %rem3A_1231 = arith.remsi %div3A_1229, %rem3A_1230 : i32
        %rem3A_1232 = arith.constant 32 : i32
        %rem3A_1233 = arith.remsi %add3A_669, %rem3A_1232 : i32
        %dma_start3A_1234 = arith.constant 3 : i32
        %dma_start3A_1235 = arith.constant 0 : i32
        %dma_start3A_1236 = arith.constant 0 : i32
        %dma_start3A_1237 = tpu.memref_slice %arg6[%dma_start3A_1234, %dma_start3A_1235, %dma_start3A_1236] : memref<8x200x64xf32, #tpu.memory_space<vmem>> -> memref<1x104x64xf32, #tpu.memory_space<vmem>>
        %dma_start3A_1238 = tpu.memref_squeeze %dma_start3A_1237 : memref<1x104x64xf32, #tpu.memory_space<vmem>> -> memref<104x64xf32, #tpu.memory_space<vmem>>
        %dma_start3A_1239 = arith.constant 0 : i32
        %dma_start3A_1240 = tpu.memref_slice %arg5[%rem3A_1231, %rem3A_1233, %dma_start3A_1239] : memref<2x32x200xi32, #tpu.memory_space<vmem>> -> memref<1x1x104xi32, #tpu.memory_space<vmem>>
        %dma_start3A_1241 = tpu.memref_squeeze %dma_start3A_1240 : memref<1x1x104xi32, #tpu.memory_space<vmem>> -> memref<104xi32, #tpu.memory_space<vmem>>
        %dma_start3A_1242 = arith.constant 0 : i32
        %dma_start3A_1243 = arith.constant 0 : i32
        %dma_start3A_1244 = tpu.memref_slice %arg3[%dma_start3A_1242, %dma_start3A_1243] : memref<1000000x64xf32, #tpu.memory_space<hbm>> -> memref<1000000x64xf32, #tpu.memory_space<hbm>>
        tpu.enqueue_indirect_dma source(%dma_start3A_1244 : memref<1000000x64xf32, #tpu.memory_space<hbm>>) target(%dma_start3A_1238 : memref<104x64xf32, #tpu.memory_space<vmem>>) offsets(%dma_start3A_1241 : memref<104xi32, #tpu.memory_space<vmem>>) semaphore(%arg11 : memref<!tpu.dma_semaphore, #tpu.memory_space<semaphore_mem>>)
        %dma_start3A_1245 = arith.constant 3 : i32
        %dma_start3A_1246 = arith.constant 104 : i32
        %dma_start3A_1247 = arith.constant 0 : i32
        %dma_start3A_1248 = tpu.memref_slice %arg6[%dma_start3A_1245, %dma_start3A_1246, %dma_start3A_1247] : memref<8x200x64xf32, #tpu.memory_space<vmem>> -> memref<1x96x64xf32, #tpu.memory_space<vmem>>
        %dma_start3A_1249 = tpu.memref_squeeze %dma_start3A_1248 : memref<1x96x64xf32, #tpu.memory_space<vmem>> -> memref<96x64xf32, #tpu.memory_space<vmem>>
        %dma_start3A_1250 = arith.constant 104 : i32
        %dma_start3A_1251 = tpu.memref_slice %arg5[%rem3A_1231, %rem3A_1233, %dma_start3A_1250] : memref<2x32x200xi32, #tpu.memory_space<vmem>> -> memref<1x1x96xi32, #tpu.memory_space<vmem>>
        %dma_start3A_1252 = tpu.memref_squeeze %dma_start3A_1251 : memref<1x1x96xi32, #tpu.memory_space<vmem>> -> memref<96xi32, #tpu.memory_space<vmem>>
        %dma_start3A_1253 = arith.constant 0 : i32
        %dma_start3A_1254 = arith.constant 0 : i32
        %dma_start3A_1255 = tpu.memref_slice %arg3[%dma_start3A_1253, %dma_start3A_1254] : memref<1000000x64xf32, #tpu.memory_space<hbm>> -> memref<1000000x64xf32, #tpu.memory_space<hbm>>
        tpu.enqueue_indirect_dma source(%dma_start3A_1255 : memref<1000000x64xf32, #tpu.memory_space<hbm>>) target(%dma_start3A_1249 : memref<96x64xf32, #tpu.memory_space<vmem>>) offsets(%dma_start3A_1252 : memref<96xi32, #tpu.memory_space<vmem>>) semaphore(%arg11 : memref<!tpu.dma_semaphore, #tpu.memory_space<semaphore_mem>>)
      } else {
      }
      %rem3A_685 = arith.constant 32 : i32
      %rem3A_686 = arith.remsi %add3A_630, %rem3A_685 : i32
      %eq3A_687 = arith.constant 0 : i32
      %eq3A_688 = arith.cmpi eq, %rem3A_686, %eq3A_687 : i32
      %gt3A_689 = arith.constant 0 : i32
      %gt3A_690 = arith.cmpi sgt, %add3A_630, %gt3A_689 : i32
      %and3A_691 = arith.andi %eq3A_688, %gt3A_690 : i1
      %lt3A_692 = arith.constant 480 : i32
      %lt3A_693 = arith.cmpi slt, %add3A_630, %lt3A_692 : i32
      %and3A_694 = arith.andi %and3A_691, %lt3A_693 : i1
      %convert_element_type3A_695 = arith.extui %and3A_694 : i1 to i32
      %cond3A_696 = arith.constant 0 : i32
      %cond3A_697 = arith.cmpi ne, %convert_element_type3A_695, %cond3A_696 : i32
      scf.if %cond3A_697 {
        %div3A_1228 = arith.constant 32 : i32
        %div3A_1229 = arith.divsi %add3A_630, %div3A_1228 : i32
        %add3A_1230 = arith.constant 1 : i32
        %add3A_1231 = arith.addi %div3A_1229, %add3A_1230 : i32
        %mul3A_1232 = arith.constant 32 : i32
        %mul3A_1233 = arith.muli %add3A_1231, %mul3A_1232 : i32
        %add3A_1234 = arith.addi %mul3A_2, %mul3A_1233 : i32
        %rem3A_1235 = arith.constant 2 : i32
        %rem3A_1236 = arith.remsi %add3A_1231, %rem3A_1235 : i32
        %dma_start3A_1237 = arith.constant 0 : i32
        %dma_start3A_1238 = arith.constant 0 : i32
        %dma_start3A_1239 = tpu.memref_slice %arg5[%rem3A_1236, %dma_start3A_1237, %dma_start3A_1238] : memref<2x32x200xi32, #tpu.memory_space<vmem>> -> memref<1x32x200xi32, #tpu.memory_space<vmem>>
        %dma_start3A_1240 = tpu.memref_squeeze %dma_start3A_1239 : memref<1x32x200xi32, #tpu.memory_space<vmem>> -> memref<32x200xi32, #tpu.memory_space<vmem>>
        %dma_start3A_1241 = arith.constant 0 : i32
        %dma_start3A_1242 = tpu.memref_slice %arg2[%add3A_1234, %dma_start3A_1241] : memref<16384x200xi32, #tpu.memory_space<hbm>> -> memref<32x200xi32, #tpu.memory_space<hbm>>
        %dma_start3A_1243 = arith.constant 0 : i32
        %dma_start3A_1244 = arith.constant 0 : i32
        %dma_start3A_1245 = tpu.memref_slice %arg5[%rem3A_1236, %dma_start3A_1243, %dma_start3A_1244] : memref<2x32x200xi32, #tpu.memory_space<vmem>> -> memref<1x32x200xi32, #tpu.memory_space<vmem>>
        %dma_start3A_1246 = tpu.memref_squeeze %dma_start3A_1245 : memref<1x32x200xi32, #tpu.memory_space<vmem>> -> memref<32x200xi32, #tpu.memory_space<vmem>>
        %dma_start3A_1247 = arith.constant 0 : i32
        %dma_start3A_1248 = tpu.memref_slice %arg2[%add3A_1234, %dma_start3A_1247] : memref<16384x200xi32, #tpu.memory_space<hbm>> -> memref<32x200xi32, #tpu.memory_space<hbm>>
        tpu.enqueue_dma source(%dma_start3A_1248 : memref<32x200xi32, #tpu.memory_space<hbm>>) target(%dma_start3A_1246 : memref<32x200xi32, #tpu.memory_space<vmem>>) target_semaphore(%arg16 : memref<!tpu.dma_semaphore, #tpu.memory_space<semaphore_mem>>)
      } else {
      }
      %div3A_698 = arith.constant 64 : i32
      %div3A_699 = arith.divsi %add3A_630, %div3A_698 : i32
      %rem3A_700 = arith.constant 2 : i32
      %rem3A_701 = arith.remsi %div3A_699, %rem3A_700 : i32
      %rem3A_702 = arith.constant 64 : i32
      %rem3A_703 = arith.remsi %add3A_630, %rem3A_702 : i32
      %mul3A_704 = arith.constant 5.000000e-03 : f32
      %mul3A_705 = vector.broadcast %mul3A_704 : f32 to vector<16xf32>
      %mul3A_706 = arith.mulf %scan3A_666#0, %mul3A_705 : vector<16xf32>
      %swap3A_707 = arith.index_cast %rem3A_701 : i32 to index
      %swap3A_708 = arith.index_cast %rem3A_703 : i32 to index
      %swap3A_709 = arith.constant 0 : index
      %swap3A_710 = tpu.vector_load %arg7[%swap3A_707, %swap3A_708, %swap3A_709] {strides = array<i32>} : memref<2x64x64xf32, #tpu.memory_space<vmem>>, vector<1x1x16xf32>,
      %swap3A_711 = vector.shape_cast %swap3A_710 : vector<1x1x16xf32> to vector<16xf32>
      %swap3A_712 = vector.shape_cast %mul3A_706 : vector<16xf32> to vector<1x1x16xf32>
      tpu.vector_store %arg7[%swap3A_707, %swap3A_708, %swap3A_709], %swap3A_712 {strides = array<i32>} : memref<2x64x64xf32, #tpu.memory_space<vmem>>, vector<1x1x16xf32>,
      %mul3A_713 = arith.constant 5.000000e-03 : f32
      %mul3A_714 = vector.broadcast %mul3A_713 : f32 to vector<16xf32>
      %mul3A_715 = arith.mulf %scan3A_666#1, %mul3A_714 : vector<16xf32>
      %swap3A_716 = arith.index_cast %rem3A_701 : i32 to index
      %swap3A_717 = arith.index_cast %rem3A_703 : i32 to index
      %swap3A_718 = arith.constant 16 : index
      %swap3A_719 = tpu.vector_load %arg7[%swap3A_716, %swap3A_717, %swap3A_718] {strides = array<i32>} : memref<2x64x64xf32, #tpu.memory_space<vmem>>, vector<1x1x16xf32>,
      %swap3A_720 = vector.shape_cast %swap3A_719 : vector<1x1x16xf32> to vector<16xf32>
      %swap3A_721 = vector.shape_cast %mul3A_715 : vector<16xf32> to vector<1x1x16xf32>
      tpu.vector_store %arg7[%swap3A_716, %swap3A_717, %swap3A_718], %swap3A_721 {strides = array<i32>} : memref<2x64x64xf32, #tpu.memory_space<vmem>>, vector<1x1x16xf32>,
      %mul3A_722 = arith.constant 5.000000e-03 : f32
      %mul3A_723 = vector.broadcast %mul3A_722 : f32 to vector<16xf32>
      %mul3A_724 = arith.mulf %scan3A_666#2, %mul3A_723 : vector<16xf32>
      %swap3A_725 = arith.index_cast %rem3A_701 : i32 to index
      %swap3A_726 = arith.index_cast %rem3A_703 : i32 to index
      %swap3A_727 = arith.constant 32 : index
      %swap3A_728 = tpu.vector_load %arg7[%swap3A_725, %swap3A_726, %swap3A_727] {strides = array<i32>} : memref<2x64x64xf32, #tpu.memory_space<vmem>>, vector<1x1x16xf32>,
      %swap3A_729 = vector.shape_cast %swap3A_728 : vector<1x1x16xf32> to vector<16xf32>
      %swap3A_730 = vector.shape_cast %mul3A_724 : vector<16xf32> to vector<1x1x16xf32>
      tpu.vector_store %arg7[%swap3A_725, %swap3A_726, %swap3A_727], %swap3A_730 {strides = array<i32>} : memref<2x64x64xf32, #tpu.memory_space<vmem>>, vector<1x1x16xf32>,
      %mul3A_731 = arith.constant 5.000000e-03 : f32
      %mul3A_732 = vector.broadcast %mul3A_731 : f32 to vector<16xf32>
      %mul3A_733 = arith.mulf %scan3A_666#3, %mul3A_732 : vector<16xf32>
      %swap3A_734 = arith.index_cast %rem3A_701 : i32 to index
      %swap3A_735 = arith.index_cast %rem3A_703 : i32 to index
      %swap3A_736 = arith.constant 48 : index
      %swap3A_737 = tpu.vector_load %arg7[%swap3A_734, %swap3A_735, %swap3A_736] {strides = array<i32>} : memref<2x64x64xf32, #tpu.memory_space<vmem>>, vector<1x1x16xf32>,
      %swap3A_738 = vector.shape_cast %swap3A_737 : vector<1x1x16xf32> to vector<16xf32>
      %swap3A_739 = vector.shape_cast %mul3A_733 : vector<16xf32> to vector<1x1x16xf32>
      tpu.vector_store %arg7[%swap3A_734, %swap3A_735, %swap3A_736], %swap3A_739 {strides = array<i32>} : memref<2x64x64xf32, #tpu.memory_space<vmem>>, vector<1x1x16xf32>,
      %rem3A_740 = arith.constant 64 : i32
      %rem3A_741 = arith.remsi %add3A_630, %rem3A_740 : i32
      %eq3A_742 = arith.constant 63 : i32
      %eq3A_743 = arith.cmpi eq, %rem3A_741, %eq3A_742 : i32
      %convert_element_type3A_744 = arith.extui %eq3A_743 : i1 to i32
      %cond3A_745 = arith.constant 0 : i32
      %cond3A_746 = arith.cmpi ne, %convert_element_type3A_744, %cond3A_745 : i32
      scf.if %cond3A_746 {
        %div3A_1228 = arith.constant 64 : i32
        %div3A_1229 = arith.divsi %add3A_630, %div3A_1228 : i32
        %gt3A_1230 = arith.constant 0 : i32
        %gt3A_1231 = arith.cmpi sgt, %div3A_1229, %gt3A_1230 : i32
        %convert_element_type3A_1232 = arith.extui %gt3A_1231 : i1 to i32
        %cond3A_1233 = arith.constant 0 : i32
        %cond3A_1234 = arith.cmpi ne, %convert_element_type3A_1232, %cond3A_1233 : i32
        scf.if %cond3A_1234 {
          %dma_wait3A_1250 = arith.constant 0 : i32
          %dma_wait3A_1251 = arith.constant 0 : i32
          %dma_wait3A_1252 = arith.constant 0 : i32
          %dma_wait3A_1253 = tpu.memref_slice %arg7[%dma_wait3A_1250, %dma_wait3A_1251, %dma_wait3A_1252] : memref<2x64x64xf32, #tpu.memory_space<vmem>> -> memref<1x64x64xf32, #tpu.memory_space<vmem>>
          %dma_wait3A_1254 = tpu.memref_squeeze %dma_wait3A_1253 : memref<1x64x64xf32, #tpu.memory_space<vmem>> -> memref<64x64xf32, #tpu.memory_space<vmem>>
          %dma_wait3A_1255 = arith.constant 0 : i32
          %dma_wait3A_1256 = tpu.memref_slice %arg4[%mul3A_2, %dma_wait3A_1255] : memref<16384x64xf32, #tpu.memory_space<hbm>> -> memref<64x64xf32, #tpu.memory_space<hbm>>
          %dma_wait3A_1257 = arith.constant 0 : i32
          %dma_wait3A_1258 = tpu.memref_slice %arg4[%mul3A_2, %dma_wait3A_1257] : memref<16384x64xf32, #tpu.memory_space<hbm>> -> memref<64x64xf32, #tpu.memory_space<hbm>>
          %dma_wait3A_1259 = arith.constant 0 : i32
          %dma_wait3A_1260 = arith.constant 0 : i32
          %dma_wait3A_1261 = tpu.memref_slice %arg7[%dma_wait3A_1250, %dma_wait3A_1259, %dma_wait3A_1260] : memref<2x64x64xf32, #tpu.memory_space<vmem>> -> memref<1x64x64xf32, #tpu.memory_space<vmem>>
          %dma_wait3A_1262 = tpu.memref_squeeze %dma_wait3A_1261 : memref<1x64x64xf32, #tpu.memory_space<vmem>> -> memref<64x64xf32, #tpu.memory_space<vmem>>
          tpu.wait_dma2 semaphore(%arg17 : memref<!tpu.dma_semaphore, #tpu.memory_space<semaphore_mem>>) src(%dma_wait3A_1262 : memref<64x64xf32, #tpu.memory_space<vmem>>) dst(%dma_wait3A_1258 : memref<64x64xf32, #tpu.memory_space<hbm>>)
        } else {
        }
        %mul3A_1235 = arith.constant 64 : i32
        %mul3A_1236 = arith.muli %div3A_1229, %mul3A_1235 : i32
        %add3A_1237 = arith.addi %mul3A_2, %mul3A_1236 : i32
        %dma_start3A_1238 = arith.constant 0 : i32
        %dma_start3A_1239 = arith.constant 0 : i32
        %dma_start3A_1240 = tpu.memref_slice %arg7[%rem3A_701, %dma_start3A_1238, %dma_start3A_1239] : memref<2x64x64xf32, #tpu.memory_space<vmem>> -> memref<1x64x64xf32, #tpu.memory_space<vmem>>
        %dma_start3A_1241 = tpu.memref_squeeze %dma_start3A_1240 : memref<1x64x64xf32, #tpu.memory_space<vmem>> -> memref<64x64xf32, #tpu.memory_space<vmem>>
        %dma_start3A_1242 = arith.constant 0 : i32
        %dma_start3A_1243 = tpu.memref_slice %arg4[%add3A_1237, %dma_start3A_1242] : memref<16384x64xf32, #tpu.memory_space<hbm>> -> memref<64x64xf32, #tpu.memory_space<hbm>>
        %dma_start3A_1244 = arith.constant 0 : i32
        %dma_start3A_1245 = tpu.memref_slice %arg4[%add3A_1237, %dma_start3A_1244] : memref<16384x64xf32, #tpu.memory_space<hbm>> -> memref<64x64xf32, #tpu.memory_space<hbm>>
        %dma_start3A_1246 = arith.constant 0 : i32
        %dma_start3A_1247 = arith.constant 0 : i32
        %dma_start3A_1248 = tpu.memref_slice %arg7[%rem3A_701, %dma_start3A_1246, %dma_start3A_1247] : memref<2x64x64xf32, #tpu.memory_space<vmem>> -> memref<1x64x64xf32, #tpu.memory_space<vmem>>
        %dma_start3A_1249 = tpu.memref_squeeze %dma_start3A_1248 : memref<1x64x64xf32, #tpu.memory_space<vmem>> -> memref<64x64xf32, #tpu.memory_space<vmem>>
        tpu.enqueue_dma source(%dma_start3A_1249 : memref<64x64xf32, #tpu.memory_space<vmem>>) target(%dma_start3A_1245 : memref<64x64xf32, #tpu.memory_space<hbm>>) target_semaphore(%arg17 : memref<!tpu.dma_semaphore, #tpu.memory_space<semaphore_mem>>)
      } else {
      }
      %mul3A_747 = arith.constant 8 : i32
      %mul3A_748 = arith.muli %scan3A_273, %mul3A_747 : i32
      %add3A_749 = arith.constant 4 : i32
      %add3A_750 = arith.addi %mul3A_748, %add3A_749 : i32
      %div3A_751 = arith.constant 32 : i32
      %div3A_752 = arith.divsi %add3A_750, %div3A_751 : i32
      %rem3A_753 = arith.constant 2 : i32
      %rem3A_754 = arith.remsi %div3A_752, %rem3A_753 : i32
      %rem3A_755 = arith.constant 32 : i32
      %rem3A_756 = arith.remsi %add3A_750, %rem3A_755 : i32
      %dma_wait3A_757 = arith.constant 4 : i32
      %dma_wait3A_758 = arith.constant 0 : i32
      %dma_wait3A_759 = arith.constant 0 : i32
      %dma_wait3A_760 = tpu.memref_slice %arg6[%dma_wait3A_757, %dma_wait3A_758, %dma_wait3A_759] : memref<8x200x64xf32, #tpu.memory_space<vmem>> -> memref<1x104x64xf32, #tpu.memory_space<vmem>>
      %dma_wait3A_761 = tpu.memref_squeeze %dma_wait3A_760 : memref<1x104x64xf32, #tpu.memory_space<vmem>> -> memref<104x64xf32, #tpu.memory_space<vmem>>
      %dma_wait3A_762 = arith.constant 0 : i32
      %dma_wait3A_763 = tpu.memref_slice %arg5[%rem3A_754, %rem3A_756, %dma_wait3A_762] : memref<2x32x200xi32, #tpu.memory_space<vmem>> -> memref<1x1x104xi32, #tpu.memory_space<vmem>>
      %dma_wait3A_764 = tpu.memref_squeeze %dma_wait3A_763 : memref<1x1x104xi32, #tpu.memory_space<vmem>> -> memref<104xi32, #tpu.memory_space<vmem>>
      %dma_wait3A_765 = arith.constant 0 : i32
      %dma_wait3A_766 = arith.constant 0 : i32
      %dma_wait3A_767 = tpu.memref_slice %arg3[%dma_wait3A_765, %dma_wait3A_766] : memref<1000000x64xf32, #tpu.memory_space<hbm>> -> memref<1000000x64xf32, #tpu.memory_space<hbm>>
      tpu.wait_indirect_dma semaphore(%arg12 : memref<!tpu.dma_semaphore, #tpu.memory_space<semaphore_mem>>) src(%dma_wait3A_767 : memref<1000000x64xf32, #tpu.memory_space<hbm>>) dst(%dma_wait3A_761 : memref<104x64xf32, #tpu.memory_space<vmem>>)
      %dma_wait3A_768 = arith.constant 4 : i32
      %dma_wait3A_769 = arith.constant 104 : i32
      %dma_wait3A_770 = arith.constant 0 : i32
      %dma_wait3A_771 = tpu.memref_slice %arg6[%dma_wait3A_768, %dma_wait3A_769, %dma_wait3A_770] : memref<8x200x64xf32, #tpu.memory_space<vmem>> -> memref<1x96x64xf32, #tpu.memory_space<vmem>>
      %dma_wait3A_772 = tpu.memref_squeeze %dma_wait3A_771 : memref<1x96x64xf32, #tpu.memory_space<vmem>> -> memref<96x64xf32, #tpu.memory_space<vmem>>
      %dma_wait3A_773 = arith.constant 104 : i32
      %dma_wait3A_774 = tpu.memref_slice %arg5[%rem3A_754, %rem3A_756, %dma_wait3A_773] : memref<2x32x200xi32, #tpu.memory_space<vmem>> -> memref<1x1x96xi32, #tpu.memory_space<vmem>>
      %dma_wait3A_775 = tpu.memref_squeeze %dma_wait3A_774 : memref<1x1x96xi32, #tpu.memory_space<vmem>> -> memref<96xi32, #tpu.memory_space<vmem>>
      %dma_wait3A_776 = arith.constant 0 : i32
      %dma_wait3A_777 = arith.constant 0 : i32
      %dma_wait3A_778 = tpu.memref_slice %arg3[%dma_wait3A_776, %dma_wait3A_777] : memref<1000000x64xf32, #tpu.memory_space<hbm>> -> memref<1000000x64xf32, #tpu.memory_space<hbm>>
      tpu.wait_indirect_dma semaphore(%arg12 : memref<!tpu.dma_semaphore, #tpu.memory_space<semaphore_mem>>) src(%dma_wait3A_778 : memref<1000000x64xf32, #tpu.memory_space<hbm>>) dst(%dma_wait3A_772 : memref<96x64xf32, #tpu.memory_space<vmem>>)
      %broadcast_in_dim3A_779 = arith.constant 0.000000e+00 : f32
      %broadcast_in_dim3A_780 = vector.broadcast %broadcast_in_dim3A_779 : f32 to vector<16xf32>
      %scan3A_781 = arith.constant 4 : i32
      %scan3A_782 = arith.constant 0 : i32
      %scan3A_783 = arith.constant 200 : i32
      %scan3A_784 = arith.addi %scan3A_782, %scan3A_783 : i32
      %scan3A_785 = arith.constant 8 : i32
      %scan3A_786:4 = scf.for %scan3A_1228 = %scan3A_782 to %scan3A_784 step %scan3A_785 iter_args(%scan3A_1229 = %broadcast_in_dim3A_780, %scan3A_1230 = %broadcast_in_dim3A_780, %scan3A_1231 = %broadcast_in_dim3A_780, %scan3A_1232 = %broadcast_in_dim3A_780) -> (vector<16xf32>, vector<16xf32>, vector<16xf32>, vector<16xf32>)  : i32 {
        %get3A = arith.constant 0 : i32
        %get3A_1233 = arith.constant 0 : i32
        %get3A_1234 = tpu.memref_slice %arg6[%scan3A_781, %get3A, %get3A_1233] : memref<8x200x64xf32, #tpu.memory_space<vmem>> -> memref<1x200x64xf32, #tpu.memory_space<vmem>>
        %get3A_1235 = tpu.memref_squeeze %get3A_1234 : memref<1x200x64xf32, #tpu.memory_space<vmem>> -> memref<200x64xf32, #tpu.memory_space<vmem>>
        %get3A_1236 = arith.index_cast %scan3A_1228 : i32 to index
        %get3A_1237 = arith.constant 0 : index
        %get3A_1238 = tpu.vector_load %get3A_1235[%get3A_1236, %get3A_1237] {strides = array<i32>} : memref<200x64xf32, #tpu.memory_space<vmem>>, vector<1x16xf32>,
        %get3A_1239 = vector.shape_cast %get3A_1238 : vector<1x16xf32> to vector<16xf32>
        %add3A_1240 = arith.addf %scan3A_1229, %get3A_1239 : vector<16xf32>
        %get3A_1241 = arith.constant 0 : i32
        %get3A_1242 = arith.constant 0 : i32
        %get3A_1243 = tpu.memref_slice %arg6[%scan3A_781, %get3A_1241, %get3A_1242] : memref<8x200x64xf32, #tpu.memory_space<vmem>> -> memref<1x200x64xf32, #tpu.memory_space<vmem>>
        %get3A_1244 = tpu.memref_squeeze %get3A_1243 : memref<1x200x64xf32, #tpu.memory_space<vmem>> -> memref<200x64xf32, #tpu.memory_space<vmem>>
        %get3A_1245 = arith.index_cast %scan3A_1228 : i32 to index
        %get3A_1246 = arith.constant 16 : index
        %get3A_1247 = tpu.vector_load %get3A_1244[%get3A_1245, %get3A_1246] {strides = array<i32>} : memref<200x64xf32, #tpu.memory_space<vmem>>, vector<1x16xf32>,
        %get3A_1248 = vector.shape_cast %get3A_1247 : vector<1x16xf32> to vector<16xf32>
        %add3A_1249 = arith.addf %scan3A_1230, %get3A_1248 : vector<16xf32>
        %get3A_1250 = arith.constant 0 : i32
        %get3A_1251 = arith.constant 0 : i32
        %get3A_1252 = tpu.memref_slice %arg6[%scan3A_781, %get3A_1250, %get3A_1251] : memref<8x200x64xf32, #tpu.memory_space<vmem>> -> memref<1x200x64xf32, #tpu.memory_space<vmem>>
        %get3A_1253 = tpu.memref_squeeze %get3A_1252 : memref<1x200x64xf32, #tpu.memory_space<vmem>> -> memref<200x64xf32, #tpu.memory_space<vmem>>
        %get3A_1254 = arith.index_cast %scan3A_1228 : i32 to index
        %get3A_1255 = arith.constant 32 : index
        %get3A_1256 = tpu.vector_load %get3A_1253[%get3A_1254, %get3A_1255] {strides = array<i32>} : memref<200x64xf32, #tpu.memory_space<vmem>>, vector<1x16xf32>,
        %get3A_1257 = vector.shape_cast %get3A_1256 : vector<1x16xf32> to vector<16xf32>
        %add3A_1258 = arith.addf %scan3A_1231, %get3A_1257 : vector<16xf32>
        %get3A_1259 = arith.constant 0 : i32
        %get3A_1260 = arith.constant 0 : i32
        %get3A_1261 = tpu.memref_slice %arg6[%scan3A_781, %get3A_1259, %get3A_1260] : memref<8x200x64xf32, #tpu.memory_space<vmem>> -> memref<1x200x64xf32, #tpu.memory_space<vmem>>
        %get3A_1262 = tpu.memref_squeeze %get3A_1261 : memref<1x200x64xf32, #tpu.memory_space<vmem>> -> memref<200x64xf32, #tpu.memory_space<vmem>>
        %get3A_1263 = arith.index_cast %scan3A_1228 : i32 to index
        %get3A_1264 = arith.constant 48 : index
        %get3A_1265 = tpu.vector_load %get3A_1262[%get3A_1263, %get3A_1264] {strides = array<i32>} : memref<200x64xf32, #tpu.memory_space<vmem>>, vector<1x16xf32>,
        %get3A_1266 = vector.shape_cast %get3A_1265 : vector<1x16xf32> to vector<16xf32>
        %add3A_1267 = arith.addf %scan3A_1232, %get3A_1266 : vector<16xf32>
        %scan3A_1268 = arith.constant 1 : i32
        %scan3A_1269 = arith.addi %scan3A_1228, %scan3A_1268 : i32
        %get3A_1270 = arith.constant 0 : i32
        %get3A_1271 = arith.constant 0 : i32
        %get3A_1272 = tpu.memref_slice %arg6[%scan3A_781, %get3A_1270, %get3A_1271] : memref<8x200x64xf32, #tpu.memory_space<vmem>> -> memref<1x200x64xf32, #tpu.memory_space<vmem>>
        %get3A_1273 = tpu.memref_squeeze %get3A_1272 : memref<1x200x64xf32, #tpu.memory_space<vmem>> -> memref<200x64xf32, #tpu.memory_space<vmem>>
        %get3A_1274 = arith.index_cast %scan3A_1269 : i32 to index
        %get3A_1275 = arith.constant 0 : index
        %get3A_1276 = tpu.vector_load %get3A_1273[%get3A_1274, %get3A_1275] {strides = array<i32>} : memref<200x64xf32, #tpu.memory_space<vmem>>, vector<1x16xf32>,
        %get3A_1277 = vector.shape_cast %get3A_1276 : vector<1x16xf32> to vector<16xf32>
        %add3A_1278 = arith.addf %add3A_1240, %get3A_1277 : vector<16xf32>
        %get3A_1279 = arith.constant 0 : i32
        %get3A_1280 = arith.constant 0 : i32
        %get3A_1281 = tpu.memref_slice %arg6[%scan3A_781, %get3A_1279, %get3A_1280] : memref<8x200x64xf32, #tpu.memory_space<vmem>> -> memref<1x200x64xf32, #tpu.memory_space<vmem>>
        %get3A_1282 = tpu.memref_squeeze %get3A_1281 : memref<1x200x64xf32, #tpu.memory_space<vmem>> -> memref<200x64xf32, #tpu.memory_space<vmem>>
        %get3A_1283 = arith.index_cast %scan3A_1269 : i32 to index
        %get3A_1284 = arith.constant 16 : index
        %get3A_1285 = tpu.vector_load %get3A_1282[%get3A_1283, %get3A_1284] {strides = array<i32>} : memref<200x64xf32, #tpu.memory_space<vmem>>, vector<1x16xf32>,
        %get3A_1286 = vector.shape_cast %get3A_1285 : vector<1x16xf32> to vector<16xf32>
        %add3A_1287 = arith.addf %add3A_1249, %get3A_1286 : vector<16xf32>
        %get3A_1288 = arith.constant 0 : i32
        %get3A_1289 = arith.constant 0 : i32
        %get3A_1290 = tpu.memref_slice %arg6[%scan3A_781, %get3A_1288, %get3A_1289] : memref<8x200x64xf32, #tpu.memory_space<vmem>> -> memref<1x200x64xf32, #tpu.memory_space<vmem>>
        %get3A_1291 = tpu.memref_squeeze %get3A_1290 : memref<1x200x64xf32, #tpu.memory_space<vmem>> -> memref<200x64xf32, #tpu.memory_space<vmem>>
        %get3A_1292 = arith.index_cast %scan3A_1269 : i32 to index
        %get3A_1293 = arith.constant 32 : index
        %get3A_1294 = tpu.vector_load %get3A_1291[%get3A_1292, %get3A_1293] {strides = array<i32>} : memref<200x64xf32, #tpu.memory_space<vmem>>, vector<1x16xf32>,
        %get3A_1295 = vector.shape_cast %get3A_1294 : vector<1x16xf32> to vector<16xf32>
        %add3A_1296 = arith.addf %add3A_1258, %get3A_1295 : vector<16xf32>
        %get3A_1297 = arith.constant 0 : i32
        %get3A_1298 = arith.constant 0 : i32
        %get3A_1299 = tpu.memref_slice %arg6[%scan3A_781, %get3A_1297, %get3A_1298] : memref<8x200x64xf32, #tpu.memory_space<vmem>> -> memref<1x200x64xf32, #tpu.memory_space<vmem>>
        %get3A_1300 = tpu.memref_squeeze %get3A_1299 : memref<1x200x64xf32, #tpu.memory_space<vmem>> -> memref<200x64xf32, #tpu.memory_space<vmem>>
        %get3A_1301 = arith.index_cast %scan3A_1269 : i32 to index
        %get3A_1302 = arith.constant 48 : index
        %get3A_1303 = tpu.vector_load %get3A_1300[%get3A_1301, %get3A_1302] {strides = array<i32>} : memref<200x64xf32, #tpu.memory_space<vmem>>, vector<1x16xf32>,
        %get3A_1304 = vector.shape_cast %get3A_1303 : vector<1x16xf32> to vector<16xf32>
        %add3A_1305 = arith.addf %add3A_1267, %get3A_1304 : vector<16xf32>
        %scan3A_1306 = arith.constant 2 : i32
        %scan3A_1307 = arith.addi %scan3A_1228, %scan3A_1306 : i32
        %get3A_1308 = arith.constant 0 : i32
        %get3A_1309 = arith.constant 0 : i32
        %get3A_1310 = tpu.memref_slice %arg6[%scan3A_781, %get3A_1308, %get3A_1309] : memref<8x200x64xf32, #tpu.memory_space<vmem>> -> memref<1x200x64xf32, #tpu.memory_space<vmem>>
        %get3A_1311 = tpu.memref_squeeze %get3A_1310 : memref<1x200x64xf32, #tpu.memory_space<vmem>> -> memref<200x64xf32, #tpu.memory_space<vmem>>
        %get3A_1312 = arith.index_cast %scan3A_1307 : i32 to index
        %get3A_1313 = arith.constant 0 : index
        %get3A_1314 = tpu.vector_load %get3A_1311[%get3A_1312, %get3A_1313] {strides = array<i32>} : memref<200x64xf32, #tpu.memory_space<vmem>>, vector<1x16xf32>,
        %get3A_1315 = vector.shape_cast %get3A_1314 : vector<1x16xf32> to vector<16xf32>
        %add3A_1316 = arith.addf %add3A_1278, %get3A_1315 : vector<16xf32>
        %get3A_1317 = arith.constant 0 : i32
        %get3A_1318 = arith.constant 0 : i32
        %get3A_1319 = tpu.memref_slice %arg6[%scan3A_781, %get3A_1317, %get3A_1318] : memref<8x200x64xf32, #tpu.memory_space<vmem>> -> memref<1x200x64xf32, #tpu.memory_space<vmem>>
        %get3A_1320 = tpu.memref_squeeze %get3A_1319 : memref<1x200x64xf32, #tpu.memory_space<vmem>> -> memref<200x64xf32, #tpu.memory_space<vmem>>
        %get3A_1321 = arith.index_cast %scan3A_1307 : i32 to index
        %get3A_1322 = arith.constant 16 : index
        %get3A_1323 = tpu.vector_load %get3A_1320[%get3A_1321, %get3A_1322] {strides = array<i32>} : memref<200x64xf32, #tpu.memory_space<vmem>>, vector<1x16xf32>,
        %get3A_1324 = vector.shape_cast %get3A_1323 : vector<1x16xf32> to vector<16xf32>
        %add3A_1325 = arith.addf %add3A_1287, %get3A_1324 : vector<16xf32>
        %get3A_1326 = arith.constant 0 : i32
        %get3A_1327 = arith.constant 0 : i32
        %get3A_1328 = tpu.memref_slice %arg6[%scan3A_781, %get3A_1326, %get3A_1327] : memref<8x200x64xf32, #tpu.memory_space<vmem>> -> memref<1x200x64xf32, #tpu.memory_space<vmem>>
        %get3A_1329 = tpu.memref_squeeze %get3A_1328 : memref<1x200x64xf32, #tpu.memory_space<vmem>> -> memref<200x64xf32, #tpu.memory_space<vmem>>
        %get3A_1330 = arith.index_cast %scan3A_1307 : i32 to index
        %get3A_1331 = arith.constant 32 : index
        %get3A_1332 = tpu.vector_load %get3A_1329[%get3A_1330, %get3A_1331] {strides = array<i32>} : memref<200x64xf32, #tpu.memory_space<vmem>>, vector<1x16xf32>,
        %get3A_1333 = vector.shape_cast %get3A_1332 : vector<1x16xf32> to vector<16xf32>
        %add3A_1334 = arith.addf %add3A_1296, %get3A_1333 : vector<16xf32>
        %get3A_1335 = arith.constant 0 : i32
        %get3A_1336 = arith.constant 0 : i32
        %get3A_1337 = tpu.memref_slice %arg6[%scan3A_781, %get3A_1335, %get3A_1336] : memref<8x200x64xf32, #tpu.memory_space<vmem>> -> memref<1x200x64xf32, #tpu.memory_space<vmem>>
        %get3A_1338 = tpu.memref_squeeze %get3A_1337 : memref<1x200x64xf32, #tpu.memory_space<vmem>> -> memref<200x64xf32, #tpu.memory_space<vmem>>
        %get3A_1339 = arith.index_cast %scan3A_1307 : i32 to index
        %get3A_1340 = arith.constant 48 : index
        %get3A_1341 = tpu.vector_load %get3A_1338[%get3A_1339, %get3A_1340] {strides = array<i32>} : memref<200x64xf32, #tpu.memory_space<vmem>>, vector<1x16xf32>,
        %get3A_1342 = vector.shape_cast %get3A_1341 : vector<1x16xf32> to vector<16xf32>
        %add3A_1343 = arith.addf %add3A_1305, %get3A_1342 : vector<16xf32>
        %scan3A_1344 = arith.constant 3 : i32
        %scan3A_1345 = arith.addi %scan3A_1228, %scan3A_1344 : i32
        %get3A_1346 = arith.constant 0 : i32
        %get3A_1347 = arith.constant 0 : i32
        %get3A_1348 = tpu.memref_slice %arg6[%scan3A_781, %get3A_1346, %get3A_1347] : memref<8x200x64xf32, #tpu.memory_space<vmem>> -> memref<1x200x64xf32, #tpu.memory_space<vmem>>
        %get3A_1349 = tpu.memref_squeeze %get3A_1348 : memref<1x200x64xf32, #tpu.memory_space<vmem>> -> memref<200x64xf32, #tpu.memory_space<vmem>>
        %get3A_1350 = arith.index_cast %scan3A_1345 : i32 to index
        %get3A_1351 = arith.constant 0 : index
        %get3A_1352 = tpu.vector_load %get3A_1349[%get3A_1350, %get3A_1351] {strides = array<i32>} : memref<200x64xf32, #tpu.memory_space<vmem>>, vector<1x16xf32>,
        %get3A_1353 = vector.shape_cast %get3A_1352 : vector<1x16xf32> to vector<16xf32>
        %add3A_1354 = arith.addf %add3A_1316, %get3A_1353 : vector<16xf32>
        %get3A_1355 = arith.constant 0 : i32
        %get3A_1356 = arith.constant 0 : i32
        %get3A_1357 = tpu.memref_slice %arg6[%scan3A_781, %get3A_1355, %get3A_1356] : memref<8x200x64xf32, #tpu.memory_space<vmem>> -> memref<1x200x64xf32, #tpu.memory_space<vmem>>
        %get3A_1358 = tpu.memref_squeeze %get3A_1357 : memref<1x200x64xf32, #tpu.memory_space<vmem>> -> memref<200x64xf32, #tpu.memory_space<vmem>>
        %get3A_1359 = arith.index_cast %scan3A_1345 : i32 to index
        %get3A_1360 = arith.constant 16 : index
        %get3A_1361 = tpu.vector_load %get3A_1358[%get3A_1359, %get3A_1360] {strides = array<i32>} : memref<200x64xf32, #tpu.memory_space<vmem>>, vector<1x16xf32>,
        %get3A_1362 = vector.shape_cast %get3A_1361 : vector<1x16xf32> to vector<16xf32>
        %add3A_1363 = arith.addf %add3A_1325, %get3A_1362 : vector<16xf32>
        %get3A_1364 = arith.constant 0 : i32
        %get3A_1365 = arith.constant 0 : i32
        %get3A_1366 = tpu.memref_slice %arg6[%scan3A_781, %get3A_1364, %get3A_1365] : memref<8x200x64xf32, #tpu.memory_space<vmem>> -> memref<1x200x64xf32, #tpu.memory_space<vmem>>
        %get3A_1367 = tpu.memref_squeeze %get3A_1366 : memref<1x200x64xf32, #tpu.memory_space<vmem>> -> memref<200x64xf32, #tpu.memory_space<vmem>>
        %get3A_1368 = arith.index_cast %scan3A_1345 : i32 to index
        %get3A_1369 = arith.constant 32 : index
        %get3A_1370 = tpu.vector_load %get3A_1367[%get3A_1368, %get3A_1369] {strides = array<i32>} : memref<200x64xf32, #tpu.memory_space<vmem>>, vector<1x16xf32>,
        %get3A_1371 = vector.shape_cast %get3A_1370 : vector<1x16xf32> to vector<16xf32>
        %add3A_1372 = arith.addf %add3A_1334, %get3A_1371 : vector<16xf32>
        %get3A_1373 = arith.constant 0 : i32
        %get3A_1374 = arith.constant 0 : i32
        %get3A_1375 = tpu.memref_slice %arg6[%scan3A_781, %get3A_1373, %get3A_1374] : memref<8x200x64xf32, #tpu.memory_space<vmem>> -> memref<1x200x64xf32, #tpu.memory_space<vmem>>
        %get3A_1376 = tpu.memref_squeeze %get3A_1375 : memref<1x200x64xf32, #tpu.memory_space<vmem>> -> memref<200x64xf32, #tpu.memory_space<vmem>>
        %get3A_1377 = arith.index_cast %scan3A_1345 : i32 to index
        %get3A_1378 = arith.constant 48 : index
        %get3A_1379 = tpu.vector_load %get3A_1376[%get3A_1377, %get3A_1378] {strides = array<i32>} : memref<200x64xf32, #tpu.memory_space<vmem>>, vector<1x16xf32>,
        %get3A_1380 = vector.shape_cast %get3A_1379 : vector<1x16xf32> to vector<16xf32>
        %add3A_1381 = arith.addf %add3A_1343, %get3A_1380 : vector<16xf32>
        %scan3A_1382 = arith.constant 4 : i32
        %scan3A_1383 = arith.addi %scan3A_1228, %scan3A_1382 : i32
        %get3A_1384 = arith.constant 0 : i32
        %get3A_1385 = arith.constant 0 : i32
        %get3A_1386 = tpu.memref_slice %arg6[%scan3A_781, %get3A_1384, %get3A_1385] : memref<8x200x64xf32, #tpu.memory_space<vmem>> -> memref<1x200x64xf32, #tpu.memory_space<vmem>>
        %get3A_1387 = tpu.memref_squeeze %get3A_1386 : memref<1x200x64xf32, #tpu.memory_space<vmem>> -> memref<200x64xf32, #tpu.memory_space<vmem>>
        %get3A_1388 = arith.index_cast %scan3A_1383 : i32 to index
        %get3A_1389 = arith.constant 0 : index
        %get3A_1390 = tpu.vector_load %get3A_1387[%get3A_1388, %get3A_1389] {strides = array<i32>} : memref<200x64xf32, #tpu.memory_space<vmem>>, vector<1x16xf32>,
        %get3A_1391 = vector.shape_cast %get3A_1390 : vector<1x16xf32> to vector<16xf32>
        %add3A_1392 = arith.addf %add3A_1354, %get3A_1391 : vector<16xf32>
        %get3A_1393 = arith.constant 0 : i32
        %get3A_1394 = arith.constant 0 : i32
        %get3A_1395 = tpu.memref_slice %arg6[%scan3A_781, %get3A_1393, %get3A_1394] : memref<8x200x64xf32, #tpu.memory_space<vmem>> -> memref<1x200x64xf32, #tpu.memory_space<vmem>>
        %get3A_1396 = tpu.memref_squeeze %get3A_1395 : memref<1x200x64xf32, #tpu.memory_space<vmem>> -> memref<200x64xf32, #tpu.memory_space<vmem>>
        %get3A_1397 = arith.index_cast %scan3A_1383 : i32 to index
        %get3A_1398 = arith.constant 16 : index
        %get3A_1399 = tpu.vector_load %get3A_1396[%get3A_1397, %get3A_1398] {strides = array<i32>} : memref<200x64xf32, #tpu.memory_space<vmem>>, vector<1x16xf32>,
        %get3A_1400 = vector.shape_cast %get3A_1399 : vector<1x16xf32> to vector<16xf32>
        %add3A_1401 = arith.addf %add3A_1363, %get3A_1400 : vector<16xf32>
        %get3A_1402 = arith.constant 0 : i32
        %get3A_1403 = arith.constant 0 : i32
        %get3A_1404 = tpu.memref_slice %arg6[%scan3A_781, %get3A_1402, %get3A_1403] : memref<8x200x64xf32, #tpu.memory_space<vmem>> -> memref<1x200x64xf32, #tpu.memory_space<vmem>>
        %get3A_1405 = tpu.memref_squeeze %get3A_1404 : memref<1x200x64xf32, #tpu.memory_space<vmem>> -> memref<200x64xf32, #tpu.memory_space<vmem>>
        %get3A_1406 = arith.index_cast %scan3A_1383 : i32 to index
        %get3A_1407 = arith.constant 32 : index
        %get3A_1408 = tpu.vector_load %get3A_1405[%get3A_1406, %get3A_1407] {strides = array<i32>} : memref<200x64xf32, #tpu.memory_space<vmem>>, vector<1x16xf32>,
        %get3A_1409 = vector.shape_cast %get3A_1408 : vector<1x16xf32> to vector<16xf32>
        %add3A_1410 = arith.addf %add3A_1372, %get3A_1409 : vector<16xf32>
        %get3A_1411 = arith.constant 0 : i32
        %get3A_1412 = arith.constant 0 : i32
        %get3A_1413 = tpu.memref_slice %arg6[%scan3A_781, %get3A_1411, %get3A_1412] : memref<8x200x64xf32, #tpu.memory_space<vmem>> -> memref<1x200x64xf32, #tpu.memory_space<vmem>>
        %get3A_1414 = tpu.memref_squeeze %get3A_1413 : memref<1x200x64xf32, #tpu.memory_space<vmem>> -> memref<200x64xf32, #tpu.memory_space<vmem>>
        %get3A_1415 = arith.index_cast %scan3A_1383 : i32 to index
        %get3A_1416 = arith.constant 48 : index
        %get3A_1417 = tpu.vector_load %get3A_1414[%get3A_1415, %get3A_1416] {strides = array<i32>} : memref<200x64xf32, #tpu.memory_space<vmem>>, vector<1x16xf32>,
        %get3A_1418 = vector.shape_cast %get3A_1417 : vector<1x16xf32> to vector<16xf32>
        %add3A_1419 = arith.addf %add3A_1381, %get3A_1418 : vector<16xf32>
        %scan3A_1420 = arith.constant 5 : i32
        %scan3A_1421 = arith.addi %scan3A_1228, %scan3A_1420 : i32
        %get3A_1422 = arith.constant 0 : i32
        %get3A_1423 = arith.constant 0 : i32
        %get3A_1424 = tpu.memref_slice %arg6[%scan3A_781, %get3A_1422, %get3A_1423] : memref<8x200x64xf32, #tpu.memory_space<vmem>> -> memref<1x200x64xf32, #tpu.memory_space<vmem>>
        %get3A_1425 = tpu.memref_squeeze %get3A_1424 : memref<1x200x64xf32, #tpu.memory_space<vmem>> -> memref<200x64xf32, #tpu.memory_space<vmem>>
        %get3A_1426 = arith.index_cast %scan3A_1421 : i32 to index
        %get3A_1427 = arith.constant 0 : index
        %get3A_1428 = tpu.vector_load %get3A_1425[%get3A_1426, %get3A_1427] {strides = array<i32>} : memref<200x64xf32, #tpu.memory_space<vmem>>, vector<1x16xf32>,
        %get3A_1429 = vector.shape_cast %get3A_1428 : vector<1x16xf32> to vector<16xf32>
        %add3A_1430 = arith.addf %add3A_1392, %get3A_1429 : vector<16xf32>
        %get3A_1431 = arith.constant 0 : i32
        %get3A_1432 = arith.constant 0 : i32
        %get3A_1433 = tpu.memref_slice %arg6[%scan3A_781, %get3A_1431, %get3A_1432] : memref<8x200x64xf32, #tpu.memory_space<vmem>> -> memref<1x200x64xf32, #tpu.memory_space<vmem>>
        %get3A_1434 = tpu.memref_squeeze %get3A_1433 : memref<1x200x64xf32, #tpu.memory_space<vmem>> -> memref<200x64xf32, #tpu.memory_space<vmem>>
        %get3A_1435 = arith.index_cast %scan3A_1421 : i32 to index
        %get3A_1436 = arith.constant 16 : index
        %get3A_1437 = tpu.vector_load %get3A_1434[%get3A_1435, %get3A_1436] {strides = array<i32>} : memref<200x64xf32, #tpu.memory_space<vmem>>, vector<1x16xf32>,
        %get3A_1438 = vector.shape_cast %get3A_1437 : vector<1x16xf32> to vector<16xf32>
        %add3A_1439 = arith.addf %add3A_1401, %get3A_1438 : vector<16xf32>
        %get3A_1440 = arith.constant 0 : i32
        %get3A_1441 = arith.constant 0 : i32
        %get3A_1442 = tpu.memref_slice %arg6[%scan3A_781, %get3A_1440, %get3A_1441] : memref<8x200x64xf32, #tpu.memory_space<vmem>> -> memref<1x200x64xf32, #tpu.memory_space<vmem>>
        %get3A_1443 = tpu.memref_squeeze %get3A_1442 : memref<1x200x64xf32, #tpu.memory_space<vmem>> -> memref<200x64xf32, #tpu.memory_space<vmem>>
        %get3A_1444 = arith.index_cast %scan3A_1421 : i32 to index
        %get3A_1445 = arith.constant 32 : index
        %get3A_1446 = tpu.vector_load %get3A_1443[%get3A_1444, %get3A_1445] {strides = array<i32>} : memref<200x64xf32, #tpu.memory_space<vmem>>, vector<1x16xf32>,
        %get3A_1447 = vector.shape_cast %get3A_1446 : vector<1x16xf32> to vector<16xf32>
        %add3A_1448 = arith.addf %add3A_1410, %get3A_1447 : vector<16xf32>
        %get3A_1449 = arith.constant 0 : i32
        %get3A_1450 = arith.constant 0 : i32
        %get3A_1451 = tpu.memref_slice %arg6[%scan3A_781, %get3A_1449, %get3A_1450] : memref<8x200x64xf32, #tpu.memory_space<vmem>> -> memref<1x200x64xf32, #tpu.memory_space<vmem>>
        %get3A_1452 = tpu.memref_squeeze %get3A_1451 : memref<1x200x64xf32, #tpu.memory_space<vmem>> -> memref<200x64xf32, #tpu.memory_space<vmem>>
        %get3A_1453 = arith.index_cast %scan3A_1421 : i32 to index
        %get3A_1454 = arith.constant 48 : index
        %get3A_1455 = tpu.vector_load %get3A_1452[%get3A_1453, %get3A_1454] {strides = array<i32>} : memref<200x64xf32, #tpu.memory_space<vmem>>, vector<1x16xf32>,
        %get3A_1456 = vector.shape_cast %get3A_1455 : vector<1x16xf32> to vector<16xf32>
        %add3A_1457 = arith.addf %add3A_1419, %get3A_1456 : vector<16xf32>
        %scan3A_1458 = arith.constant 6 : i32
        %scan3A_1459 = arith.addi %scan3A_1228, %scan3A_1458 : i32
        %get3A_1460 = arith.constant 0 : i32
        %get3A_1461 = arith.constant 0 : i32
        %get3A_1462 = tpu.memref_slice %arg6[%scan3A_781, %get3A_1460, %get3A_1461] : memref<8x200x64xf32, #tpu.memory_space<vmem>> -> memref<1x200x64xf32, #tpu.memory_space<vmem>>
        %get3A_1463 = tpu.memref_squeeze %get3A_1462 : memref<1x200x64xf32, #tpu.memory_space<vmem>> -> memref<200x64xf32, #tpu.memory_space<vmem>>
        %get3A_1464 = arith.index_cast %scan3A_1459 : i32 to index
        %get3A_1465 = arith.constant 0 : index
        %get3A_1466 = tpu.vector_load %get3A_1463[%get3A_1464, %get3A_1465] {strides = array<i32>} : memref<200x64xf32, #tpu.memory_space<vmem>>, vector<1x16xf32>,
        %get3A_1467 = vector.shape_cast %get3A_1466 : vector<1x16xf32> to vector<16xf32>
        %add3A_1468 = arith.addf %add3A_1430, %get3A_1467 : vector<16xf32>
        %get3A_1469 = arith.constant 0 : i32
        %get3A_1470 = arith.constant 0 : i32
        %get3A_1471 = tpu.memref_slice %arg6[%scan3A_781, %get3A_1469, %get3A_1470] : memref<8x200x64xf32, #tpu.memory_space<vmem>> -> memref<1x200x64xf32, #tpu.memory_space<vmem>>
        %get3A_1472 = tpu.memref_squeeze %get3A_1471 : memref<1x200x64xf32, #tpu.memory_space<vmem>> -> memref<200x64xf32, #tpu.memory_space<vmem>>
        %get3A_1473 = arith.index_cast %scan3A_1459 : i32 to index
        %get3A_1474 = arith.constant 16 : index
        %get3A_1475 = tpu.vector_load %get3A_1472[%get3A_1473, %get3A_1474] {strides = array<i32>} : memref<200x64xf32, #tpu.memory_space<vmem>>, vector<1x16xf32>,
        %get3A_1476 = vector.shape_cast %get3A_1475 : vector<1x16xf32> to vector<16xf32>
        %add3A_1477 = arith.addf %add3A_1439, %get3A_1476 : vector<16xf32>
        %get3A_1478 = arith.constant 0 : i32
        %get3A_1479 = arith.constant 0 : i32
        %get3A_1480 = tpu.memref_slice %arg6[%scan3A_781, %get3A_1478, %get3A_1479] : memref<8x200x64xf32, #tpu.memory_space<vmem>> -> memref<1x200x64xf32, #tpu.memory_space<vmem>>
        %get3A_1481 = tpu.memref_squeeze %get3A_1480 : memref<1x200x64xf32, #tpu.memory_space<vmem>> -> memref<200x64xf32, #tpu.memory_space<vmem>>
        %get3A_1482 = arith.index_cast %scan3A_1459 : i32 to index
        %get3A_1483 = arith.constant 32 : index
        %get3A_1484 = tpu.vector_load %get3A_1481[%get3A_1482, %get3A_1483] {strides = array<i32>} : memref<200x64xf32, #tpu.memory_space<vmem>>, vector<1x16xf32>,
        %get3A_1485 = vector.shape_cast %get3A_1484 : vector<1x16xf32> to vector<16xf32>
        %add3A_1486 = arith.addf %add3A_1448, %get3A_1485 : vector<16xf32>
        %get3A_1487 = arith.constant 0 : i32
        %get3A_1488 = arith.constant 0 : i32
        %get3A_1489 = tpu.memref_slice %arg6[%scan3A_781, %get3A_1487, %get3A_1488] : memref<8x200x64xf32, #tpu.memory_space<vmem>> -> memref<1x200x64xf32, #tpu.memory_space<vmem>>
        %get3A_1490 = tpu.memref_squeeze %get3A_1489 : memref<1x200x64xf32, #tpu.memory_space<vmem>> -> memref<200x64xf32, #tpu.memory_space<vmem>>
        %get3A_1491 = arith.index_cast %scan3A_1459 : i32 to index
        %get3A_1492 = arith.constant 48 : index
        %get3A_1493 = tpu.vector_load %get3A_1490[%get3A_1491, %get3A_1492] {strides = array<i32>} : memref<200x64xf32, #tpu.memory_space<vmem>>, vector<1x16xf32>,
        %get3A_1494 = vector.shape_cast %get3A_1493 : vector<1x16xf32> to vector<16xf32>
        %add3A_1495 = arith.addf %add3A_1457, %get3A_1494 : vector<16xf32>
        %scan3A_1496 = arith.constant 7 : i32
        %scan3A_1497 = arith.addi %scan3A_1228, %scan3A_1496 : i32
        %get3A_1498 = arith.constant 0 : i32
        %get3A_1499 = arith.constant 0 : i32
        %get3A_1500 = tpu.memref_slice %arg6[%scan3A_781, %get3A_1498, %get3A_1499] : memref<8x200x64xf32, #tpu.memory_space<vmem>> -> memref<1x200x64xf32, #tpu.memory_space<vmem>>
        %get3A_1501 = tpu.memref_squeeze %get3A_1500 : memref<1x200x64xf32, #tpu.memory_space<vmem>> -> memref<200x64xf32, #tpu.memory_space<vmem>>
        %get3A_1502 = arith.index_cast %scan3A_1497 : i32 to index
        %get3A_1503 = arith.constant 0 : index
        %get3A_1504 = tpu.vector_load %get3A_1501[%get3A_1502, %get3A_1503] {strides = array<i32>} : memref<200x64xf32, #tpu.memory_space<vmem>>, vector<1x16xf32>,
        %get3A_1505 = vector.shape_cast %get3A_1504 : vector<1x16xf32> to vector<16xf32>
        %add3A_1506 = arith.addf %add3A_1468, %get3A_1505 : vector<16xf32>
        %get3A_1507 = arith.constant 0 : i32
        %get3A_1508 = arith.constant 0 : i32
        %get3A_1509 = tpu.memref_slice %arg6[%scan3A_781, %get3A_1507, %get3A_1508] : memref<8x200x64xf32, #tpu.memory_space<vmem>> -> memref<1x200x64xf32, #tpu.memory_space<vmem>>
        %get3A_1510 = tpu.memref_squeeze %get3A_1509 : memref<1x200x64xf32, #tpu.memory_space<vmem>> -> memref<200x64xf32, #tpu.memory_space<vmem>>
        %get3A_1511 = arith.index_cast %scan3A_1497 : i32 to index
        %get3A_1512 = arith.constant 16 : index
        %get3A_1513 = tpu.vector_load %get3A_1510[%get3A_1511, %get3A_1512] {strides = array<i32>} : memref<200x64xf32, #tpu.memory_space<vmem>>, vector<1x16xf32>,
        %get3A_1514 = vector.shape_cast %get3A_1513 : vector<1x16xf32> to vector<16xf32>
        %add3A_1515 = arith.addf %add3A_1477, %get3A_1514 : vector<16xf32>
        %get3A_1516 = arith.constant 0 : i32
        %get3A_1517 = arith.constant 0 : i32
        %get3A_1518 = tpu.memref_slice %arg6[%scan3A_781, %get3A_1516, %get3A_1517] : memref<8x200x64xf32, #tpu.memory_space<vmem>> -> memref<1x200x64xf32, #tpu.memory_space<vmem>>
        %get3A_1519 = tpu.memref_squeeze %get3A_1518 : memref<1x200x64xf32, #tpu.memory_space<vmem>> -> memref<200x64xf32, #tpu.memory_space<vmem>>
        %get3A_1520 = arith.index_cast %scan3A_1497 : i32 to index
        %get3A_1521 = arith.constant 32 : index
        %get3A_1522 = tpu.vector_load %get3A_1519[%get3A_1520, %get3A_1521] {strides = array<i32>} : memref<200x64xf32, #tpu.memory_space<vmem>>, vector<1x16xf32>,
        %get3A_1523 = vector.shape_cast %get3A_1522 : vector<1x16xf32> to vector<16xf32>
        %add3A_1524 = arith.addf %add3A_1486, %get3A_1523 : vector<16xf32>
        %get3A_1525 = arith.constant 0 : i32
        %get3A_1526 = arith.constant 0 : i32
        %get3A_1527 = tpu.memref_slice %arg6[%scan3A_781, %get3A_1525, %get3A_1526] : memref<8x200x64xf32, #tpu.memory_space<vmem>> -> memref<1x200x64xf32, #tpu.memory_space<vmem>>
        %get3A_1528 = tpu.memref_squeeze %get3A_1527 : memref<1x200x64xf32, #tpu.memory_space<vmem>> -> memref<200x64xf32, #tpu.memory_space<vmem>>
        %get3A_1529 = arith.index_cast %scan3A_1497 : i32 to index
        %get3A_1530 = arith.constant 48 : index
        %get3A_1531 = tpu.vector_load %get3A_1528[%get3A_1529, %get3A_1530] {strides = array<i32>} : memref<200x64xf32, #tpu.memory_space<vmem>>, vector<1x16xf32>,
        %get3A_1532 = vector.shape_cast %get3A_1531 : vector<1x16xf32> to vector<16xf32>
        %add3A_1533 = arith.addf %add3A_1495, %get3A_1532 : vector<16xf32>
        scf.yield %add3A_1506, %add3A_1515, %add3A_1524, %add3A_1533 : vector<16xf32>, vector<16xf32>, vector<16xf32>, vector<16xf32>
      }
      %scan3A_787 = arith.constant 200 : i32
      %add3A_788 = arith.constant 8 : i32
      %add3A_789 = arith.addi %add3A_750, %add3A_788 : i32
      %lt3A_790 = arith.constant 512 : i32
      %lt3A_791 = arith.cmpi slt, %add3A_789, %lt3A_790 : i32
      %rem3A_792 = arith.constant 32 : i32
      %rem3A_793 = arith.remsi %add3A_789, %rem3A_792 : i32
      %eq3A_794 = arith.constant 0 : i32
      %eq3A_795 = arith.cmpi eq, %rem3A_793, %eq3A_794 : i32
      %and3A_796 = arith.andi %lt3A_791, %eq3A_795 : i1
      %convert_element_type3A_797 = arith.extui %and3A_796 : i1 to i32
      %cond3A_798 = arith.constant 0 : i32
      %cond3A_799 = arith.cmpi ne, %convert_element_type3A_797, %cond3A_798 : i32
      scf.if %cond3A_799 {
        %dma_wait3A_1228 = arith.constant 0 : i32
        %dma_wait3A_1229 = arith.constant 0 : i32
        %dma_wait3A_1230 = arith.constant 0 : i32
        %dma_wait3A_1231 = tpu.memref_slice %arg5[%dma_wait3A_1228, %dma_wait3A_1229, %dma_wait3A_1230] : memref<2x32x200xi32, #tpu.memory_space<vmem>> -> memref<1x32x200xi32, #tpu.memory_space<vmem>>
        %dma_wait3A_1232 = tpu.memref_squeeze %dma_wait3A_1231 : memref<1x32x200xi32, #tpu.memory_space<vmem>> -> memref<32x200xi32, #tpu.memory_space<vmem>>
        %dma_wait3A_1233 = arith.constant 0 : i32
        %dma_wait3A_1234 = tpu.memref_slice %arg2[%mul3A_2, %dma_wait3A_1233] : memref<16384x200xi32, #tpu.memory_space<hbm>> -> memref<32x200xi32, #tpu.memory_space<hbm>>
        %dma_wait3A_1235 = arith.constant 0 : i32
        %dma_wait3A_1236 = arith.constant 0 : i32
        %dma_wait3A_1237 = tpu.memref_slice %arg5[%dma_wait3A_1228, %dma_wait3A_1235, %dma_wait3A_1236] : memref<2x32x200xi32, #tpu.memory_space<vmem>> -> memref<1x32x200xi32, #tpu.memory_space<vmem>>
        %dma_wait3A_1238 = tpu.memref_squeeze %dma_wait3A_1237 : memref<1x32x200xi32, #tpu.memory_space<vmem>> -> memref<32x200xi32, #tpu.memory_space<vmem>>
        %dma_wait3A_1239 = arith.constant 0 : i32
        %dma_wait3A_1240 = tpu.memref_slice %arg2[%mul3A_2, %dma_wait3A_1239] : memref<16384x200xi32, #tpu.memory_space<hbm>> -> memref<32x200xi32, #tpu.memory_space<hbm>>
        tpu.wait_dma2 semaphore(%arg16 : memref<!tpu.dma_semaphore, #tpu.memory_space<semaphore_mem>>) src(%dma_wait3A_1240 : memref<32x200xi32, #tpu.memory_space<hbm>>) dst(%dma_wait3A_1238 : memref<32x200xi32, #tpu.memory_space<vmem>>)
      } else {
      }
      %lt3A_800 = arith.constant 512 : i32
      %lt3A_801 = arith.cmpi slt, %add3A_789, %lt3A_800 : i32
      %convert_element_type3A_802 = arith.extui %lt3A_801 : i1 to i32
      %cond3A_803 = arith.constant 0 : i32
      %cond3A_804 = arith.cmpi ne, %convert_element_type3A_802, %cond3A_803 : i32
      scf.if %cond3A_804 {
        %div3A_1228 = arith.constant 32 : i32
        %div3A_1229 = arith.divsi %add3A_789, %div3A_1228 : i32
        %rem3A_1230 = arith.constant 2 : i32
        %rem3A_1231 = arith.remsi %div3A_1229, %rem3A_1230 : i32
        %rem3A_1232 = arith.constant 32 : i32
        %rem3A_1233 = arith.remsi %add3A_789, %rem3A_1232 : i32
        %dma_start3A_1234 = arith.constant 4 : i32
        %dma_start3A_1235 = arith.constant 0 : i32
        %dma_start3A_1236 = arith.constant 0 : i32
        %dma_start3A_1237 = tpu.memref_slice %arg6[%dma_start3A_1234, %dma_start3A_1235, %dma_start3A_1236] : memref<8x200x64xf32, #tpu.memory_space<vmem>> -> memref<1x104x64xf32, #tpu.memory_space<vmem>>
        %dma_start3A_1238 = tpu.memref_squeeze %dma_start3A_1237 : memref<1x104x64xf32, #tpu.memory_space<vmem>> -> memref<104x64xf32, #tpu.memory_space<vmem>>
        %dma_start3A_1239 = arith.constant 0 : i32
        %dma_start3A_1240 = tpu.memref_slice %arg5[%rem3A_1231, %rem3A_1233, %dma_start3A_1239] : memref<2x32x200xi32, #tpu.memory_space<vmem>> -> memref<1x1x104xi32, #tpu.memory_space<vmem>>
        %dma_start3A_1241 = tpu.memref_squeeze %dma_start3A_1240 : memref<1x1x104xi32, #tpu.memory_space<vmem>> -> memref<104xi32, #tpu.memory_space<vmem>>
        %dma_start3A_1242 = arith.constant 0 : i32
        %dma_start3A_1243 = arith.constant 0 : i32
        %dma_start3A_1244 = tpu.memref_slice %arg3[%dma_start3A_1242, %dma_start3A_1243] : memref<1000000x64xf32, #tpu.memory_space<hbm>> -> memref<1000000x64xf32, #tpu.memory_space<hbm>>
        tpu.enqueue_indirect_dma source(%dma_start3A_1244 : memref<1000000x64xf32, #tpu.memory_space<hbm>>) target(%dma_start3A_1238 : memref<104x64xf32, #tpu.memory_space<vmem>>) offsets(%dma_start3A_1241 : memref<104xi32, #tpu.memory_space<vmem>>) semaphore(%arg12 : memref<!tpu.dma_semaphore, #tpu.memory_space<semaphore_mem>>)
        %dma_start3A_1245 = arith.constant 4 : i32
        %dma_start3A_1246 = arith.constant 104 : i32
        %dma_start3A_1247 = arith.constant 0 : i32
        %dma_start3A_1248 = tpu.memref_slice %arg6[%dma_start3A_1245, %dma_start3A_1246, %dma_start3A_1247] : memref<8x200x64xf32, #tpu.memory_space<vmem>> -> memref<1x96x64xf32, #tpu.memory_space<vmem>>
        %dma_start3A_1249 = tpu.memref_squeeze %dma_start3A_1248 : memref<1x96x64xf32, #tpu.memory_space<vmem>> -> memref<96x64xf32, #tpu.memory_space<vmem>>
        %dma_start3A_1250 = arith.constant 104 : i32
        %dma_start3A_1251 = tpu.memref_slice %arg5[%rem3A_1231, %rem3A_1233, %dma_start3A_1250] : memref<2x32x200xi32, #tpu.memory_space<vmem>> -> memref<1x1x96xi32, #tpu.memory_space<vmem>>
        %dma_start3A_1252 = tpu.memref_squeeze %dma_start3A_1251 : memref<1x1x96xi32, #tpu.memory_space<vmem>> -> memref<96xi32, #tpu.memory_space<vmem>>
        %dma_start3A_1253 = arith.constant 0 : i32
        %dma_start3A_1254 = arith.constant 0 : i32
        %dma_start3A_1255 = tpu.memref_slice %arg3[%dma_start3A_1253, %dma_start3A_1254] : memref<1000000x64xf32, #tpu.memory_space<hbm>> -> memref<1000000x64xf32, #tpu.memory_space<hbm>>
        tpu.enqueue_indirect_dma source(%dma_start3A_1255 : memref<1000000x64xf32, #tpu.memory_space<hbm>>) target(%dma_start3A_1249 : memref<96x64xf32, #tpu.memory_space<vmem>>) offsets(%dma_start3A_1252 : memref<96xi32, #tpu.memory_space<vmem>>) semaphore(%arg12 : memref<!tpu.dma_semaphore, #tpu.memory_space<semaphore_mem>>)
      } else {
      }
      %rem3A_805 = arith.constant 32 : i32
      %rem3A_806 = arith.remsi %add3A_750, %rem3A_805 : i32
      %eq3A_807 = arith.constant 0 : i32
      %eq3A_808 = arith.cmpi eq, %rem3A_806, %eq3A_807 : i32
      %gt3A_809 = arith.constant 0 : i32
      %gt3A_810 = arith.cmpi sgt, %add3A_750, %gt3A_809 : i32
      %and3A_811 = arith.andi %eq3A_808, %gt3A_810 : i1
      %lt3A_812 = arith.constant 480 : i32
      %lt3A_813 = arith.cmpi slt, %add3A_750, %lt3A_812 : i32
      %and3A_814 = arith.andi %and3A_811, %lt3A_813 : i1
      %convert_element_type3A_815 = arith.extui %and3A_814 : i1 to i32
      %cond3A_816 = arith.constant 0 : i32
      %cond3A_817 = arith.cmpi ne, %convert_element_type3A_815, %cond3A_816 : i32
      scf.if %cond3A_817 {
        %div3A_1228 = arith.constant 32 : i32
        %div3A_1229 = arith.divsi %add3A_750, %div3A_1228 : i32
        %add3A_1230 = arith.constant 1 : i32
        %add3A_1231 = arith.addi %div3A_1229, %add3A_1230 : i32
        %mul3A_1232 = arith.constant 32 : i32
        %mul3A_1233 = arith.muli %add3A_1231, %mul3A_1232 : i32
        %add3A_1234 = arith.addi %mul3A_2, %mul3A_1233 : i32
        %rem3A_1235 = arith.constant 2 : i32
        %rem3A_1236 = arith.remsi %add3A_1231, %rem3A_1235 : i32
        %dma_start3A_1237 = arith.constant 0 : i32
        %dma_start3A_1238 = arith.constant 0 : i32
        %dma_start3A_1239 = tpu.memref_slice %arg5[%rem3A_1236, %dma_start3A_1237, %dma_start3A_1238] : memref<2x32x200xi32, #tpu.memory_space<vmem>> -> memref<1x32x200xi32, #tpu.memory_space<vmem>>
        %dma_start3A_1240 = tpu.memref_squeeze %dma_start3A_1239 : memref<1x32x200xi32, #tpu.memory_space<vmem>> -> memref<32x200xi32, #tpu.memory_space<vmem>>
        %dma_start3A_1241 = arith.constant 0 : i32
        %dma_start3A_1242 = tpu.memref_slice %arg2[%add3A_1234, %dma_start3A_1241] : memref<16384x200xi32, #tpu.memory_space<hbm>> -> memref<32x200xi32, #tpu.memory_space<hbm>>
        %dma_start3A_1243 = arith.constant 0 : i32
        %dma_start3A_1244 = arith.constant 0 : i32
        %dma_start3A_1245 = tpu.memref_slice %arg5[%rem3A_1236, %dma_start3A_1243, %dma_start3A_1244] : memref<2x32x200xi32, #tpu.memory_space<vmem>> -> memref<1x32x200xi32, #tpu.memory_space<vmem>>
        %dma_start3A_1246 = tpu.memref_squeeze %dma_start3A_1245 : memref<1x32x200xi32, #tpu.memory_space<vmem>> -> memref<32x200xi32, #tpu.memory_space<vmem>>
        %dma_start3A_1247 = arith.constant 0 : i32
        %dma_start3A_1248 = tpu.memref_slice %arg2[%add3A_1234, %dma_start3A_1247] : memref<16384x200xi32, #tpu.memory_space<hbm>> -> memref<32x200xi32, #tpu.memory_space<hbm>>
        tpu.enqueue_dma source(%dma_start3A_1248 : memref<32x200xi32, #tpu.memory_space<hbm>>) target(%dma_start3A_1246 : memref<32x200xi32, #tpu.memory_space<vmem>>) target_semaphore(%arg16 : memref<!tpu.dma_semaphore, #tpu.memory_space<semaphore_mem>>)
      } else {
      }
      %div3A_818 = arith.constant 64 : i32
      %div3A_819 = arith.divsi %add3A_750, %div3A_818 : i32
      %rem3A_820 = arith.constant 2 : i32
      %rem3A_821 = arith.remsi %div3A_819, %rem3A_820 : i32
      %rem3A_822 = arith.constant 64 : i32
      %rem3A_823 = arith.remsi %add3A_750, %rem3A_822 : i32
      %mul3A_824 = arith.constant 5.000000e-03 : f32
      %mul3A_825 = vector.broadcast %mul3A_824 : f32 to vector<16xf32>
      %mul3A_826 = arith.mulf %scan3A_786#0, %mul3A_825 : vector<16xf32>
      %swap3A_827 = arith.index_cast %rem3A_821 : i32 to index
      %swap3A_828 = arith.index_cast %rem3A_823 : i32 to index
      %swap3A_829 = arith.constant 0 : index
      %swap3A_830 = tpu.vector_load %arg7[%swap3A_827, %swap3A_828, %swap3A_829] {strides = array<i32>} : memref<2x64x64xf32, #tpu.memory_space<vmem>>, vector<1x1x16xf32>,
      %swap3A_831 = vector.shape_cast %swap3A_830 : vector<1x1x16xf32> to vector<16xf32>
      %swap3A_832 = vector.shape_cast %mul3A_826 : vector<16xf32> to vector<1x1x16xf32>
      tpu.vector_store %arg7[%swap3A_827, %swap3A_828, %swap3A_829], %swap3A_832 {strides = array<i32>} : memref<2x64x64xf32, #tpu.memory_space<vmem>>, vector<1x1x16xf32>,
      %mul3A_833 = arith.constant 5.000000e-03 : f32
      %mul3A_834 = vector.broadcast %mul3A_833 : f32 to vector<16xf32>
      %mul3A_835 = arith.mulf %scan3A_786#1, %mul3A_834 : vector<16xf32>
      %swap3A_836 = arith.index_cast %rem3A_821 : i32 to index
      %swap3A_837 = arith.index_cast %rem3A_823 : i32 to index
      %swap3A_838 = arith.constant 16 : index
      %swap3A_839 = tpu.vector_load %arg7[%swap3A_836, %swap3A_837, %swap3A_838] {strides = array<i32>} : memref<2x64x64xf32, #tpu.memory_space<vmem>>, vector<1x1x16xf32>,
      %swap3A_840 = vector.shape_cast %swap3A_839 : vector<1x1x16xf32> to vector<16xf32>
      %swap3A_841 = vector.shape_cast %mul3A_835 : vector<16xf32> to vector<1x1x16xf32>
      tpu.vector_store %arg7[%swap3A_836, %swap3A_837, %swap3A_838], %swap3A_841 {strides = array<i32>} : memref<2x64x64xf32, #tpu.memory_space<vmem>>, vector<1x1x16xf32>,
      %mul3A_842 = arith.constant 5.000000e-03 : f32
      %mul3A_843 = vector.broadcast %mul3A_842 : f32 to vector<16xf32>
      %mul3A_844 = arith.mulf %scan3A_786#2, %mul3A_843 : vector<16xf32>
      %swap3A_845 = arith.index_cast %rem3A_821 : i32 to index
      %swap3A_846 = arith.index_cast %rem3A_823 : i32 to index
      %swap3A_847 = arith.constant 32 : index
      %swap3A_848 = tpu.vector_load %arg7[%swap3A_845, %swap3A_846, %swap3A_847] {strides = array<i32>} : memref<2x64x64xf32, #tpu.memory_space<vmem>>, vector<1x1x16xf32>,
      %swap3A_849 = vector.shape_cast %swap3A_848 : vector<1x1x16xf32> to vector<16xf32>
      %swap3A_850 = vector.shape_cast %mul3A_844 : vector<16xf32> to vector<1x1x16xf32>
      tpu.vector_store %arg7[%swap3A_845, %swap3A_846, %swap3A_847], %swap3A_850 {strides = array<i32>} : memref<2x64x64xf32, #tpu.memory_space<vmem>>, vector<1x1x16xf32>,
      %mul3A_851 = arith.constant 5.000000e-03 : f32
      %mul3A_852 = vector.broadcast %mul3A_851 : f32 to vector<16xf32>
      %mul3A_853 = arith.mulf %scan3A_786#3, %mul3A_852 : vector<16xf32>
      %swap3A_854 = arith.index_cast %rem3A_821 : i32 to index
      %swap3A_855 = arith.index_cast %rem3A_823 : i32 to index
      %swap3A_856 = arith.constant 48 : index
      %swap3A_857 = tpu.vector_load %arg7[%swap3A_854, %swap3A_855, %swap3A_856] {strides = array<i32>} : memref<2x64x64xf32, #tpu.memory_space<vmem>>, vector<1x1x16xf32>,
      %swap3A_858 = vector.shape_cast %swap3A_857 : vector<1x1x16xf32> to vector<16xf32>
      %swap3A_859 = vector.shape_cast %mul3A_853 : vector<16xf32> to vector<1x1x16xf32>
      tpu.vector_store %arg7[%swap3A_854, %swap3A_855, %swap3A_856], %swap3A_859 {strides = array<i32>} : memref<2x64x64xf32, #tpu.memory_space<vmem>>, vector<1x1x16xf32>,
      %rem3A_860 = arith.constant 64 : i32
      %rem3A_861 = arith.remsi %add3A_750, %rem3A_860 : i32
      %eq3A_862 = arith.constant 63 : i32
      %eq3A_863 = arith.cmpi eq, %rem3A_861, %eq3A_862 : i32
      %convert_element_type3A_864 = arith.extui %eq3A_863 : i1 to i32
      %cond3A_865 = arith.constant 0 : i32
      %cond3A_866 = arith.cmpi ne, %convert_element_type3A_864, %cond3A_865 : i32
      scf.if %cond3A_866 {
        %div3A_1228 = arith.constant 64 : i32
        %div3A_1229 = arith.divsi %add3A_750, %div3A_1228 : i32
        %gt3A_1230 = arith.constant 0 : i32
        %gt3A_1231 = arith.cmpi sgt, %div3A_1229, %gt3A_1230 : i32
        %convert_element_type3A_1232 = arith.extui %gt3A_1231 : i1 to i32
        %cond3A_1233 = arith.constant 0 : i32
        %cond3A_1234 = arith.cmpi ne, %convert_element_type3A_1232, %cond3A_1233 : i32
        scf.if %cond3A_1234 {
          %dma_wait3A_1250 = arith.constant 0 : i32
          %dma_wait3A_1251 = arith.constant 0 : i32
          %dma_wait3A_1252 = arith.constant 0 : i32
          %dma_wait3A_1253 = tpu.memref_slice %arg7[%dma_wait3A_1250, %dma_wait3A_1251, %dma_wait3A_1252] : memref<2x64x64xf32, #tpu.memory_space<vmem>> -> memref<1x64x64xf32, #tpu.memory_space<vmem>>
          %dma_wait3A_1254 = tpu.memref_squeeze %dma_wait3A_1253 : memref<1x64x64xf32, #tpu.memory_space<vmem>> -> memref<64x64xf32, #tpu.memory_space<vmem>>
          %dma_wait3A_1255 = arith.constant 0 : i32
          %dma_wait3A_1256 = tpu.memref_slice %arg4[%mul3A_2, %dma_wait3A_1255] : memref<16384x64xf32, #tpu.memory_space<hbm>> -> memref<64x64xf32, #tpu.memory_space<hbm>>
          %dma_wait3A_1257 = arith.constant 0 : i32
          %dma_wait3A_1258 = tpu.memref_slice %arg4[%mul3A_2, %dma_wait3A_1257] : memref<16384x64xf32, #tpu.memory_space<hbm>> -> memref<64x64xf32, #tpu.memory_space<hbm>>
          %dma_wait3A_1259 = arith.constant 0 : i32
          %dma_wait3A_1260 = arith.constant 0 : i32
          %dma_wait3A_1261 = tpu.memref_slice %arg7[%dma_wait3A_1250, %dma_wait3A_1259, %dma_wait3A_1260] : memref<2x64x64xf32, #tpu.memory_space<vmem>> -> memref<1x64x64xf32, #tpu.memory_space<vmem>>
          %dma_wait3A_1262 = tpu.memref_squeeze %dma_wait3A_1261 : memref<1x64x64xf32, #tpu.memory_space<vmem>> -> memref<64x64xf32, #tpu.memory_space<vmem>>
          tpu.wait_dma2 semaphore(%arg17 : memref<!tpu.dma_semaphore, #tpu.memory_space<semaphore_mem>>) src(%dma_wait3A_1262 : memref<64x64xf32, #tpu.memory_space<vmem>>) dst(%dma_wait3A_1258 : memref<64x64xf32, #tpu.memory_space<hbm>>)
        } else {
        }
        %mul3A_1235 = arith.constant 64 : i32
        %mul3A_1236 = arith.muli %div3A_1229, %mul3A_1235 : i32
        %add3A_1237 = arith.addi %mul3A_2, %mul3A_1236 : i32
        %dma_start3A_1238 = arith.constant 0 : i32
        %dma_start3A_1239 = arith.constant 0 : i32
        %dma_start3A_1240 = tpu.memref_slice %arg7[%rem3A_821, %dma_start3A_1238, %dma_start3A_1239] : memref<2x64x64xf32, #tpu.memory_space<vmem>> -> memref<1x64x64xf32, #tpu.memory_space<vmem>>
        %dma_start3A_1241 = tpu.memref_squeeze %dma_start3A_1240 : memref<1x64x64xf32, #tpu.memory_space<vmem>> -> memref<64x64xf32, #tpu.memory_space<vmem>>
        %dma_start3A_1242 = arith.constant 0 : i32
        %dma_start3A_1243 = tpu.memref_slice %arg4[%add3A_1237, %dma_start3A_1242] : memref<16384x64xf32, #tpu.memory_space<hbm>> -> memref<64x64xf32, #tpu.memory_space<hbm>>
        %dma_start3A_1244 = arith.constant 0 : i32
        %dma_start3A_1245 = tpu.memref_slice %arg4[%add3A_1237, %dma_start3A_1244] : memref<16384x64xf32, #tpu.memory_space<hbm>> -> memref<64x64xf32, #tpu.memory_space<hbm>>
        %dma_start3A_1246 = arith.constant 0 : i32
        %dma_start3A_1247 = arith.constant 0 : i32
        %dma_start3A_1248 = tpu.memref_slice %arg7[%rem3A_821, %dma_start3A_1246, %dma_start3A_1247] : memref<2x64x64xf32, #tpu.memory_space<vmem>> -> memref<1x64x64xf32, #tpu.memory_space<vmem>>
        %dma_start3A_1249 = tpu.memref_squeeze %dma_start3A_1248 : memref<1x64x64xf32, #tpu.memory_space<vmem>> -> memref<64x64xf32, #tpu.memory_space<vmem>>
        tpu.enqueue_dma source(%dma_start3A_1249 : memref<64x64xf32, #tpu.memory_space<vmem>>) target(%dma_start3A_1245 : memref<64x64xf32, #tpu.memory_space<hbm>>) target_semaphore(%arg17 : memref<!tpu.dma_semaphore, #tpu.memory_space<semaphore_mem>>)
      } else {
      }
      %mul3A_867 = arith.constant 8 : i32
      %mul3A_868 = arith.muli %scan3A_273, %mul3A_867 : i32
      %add3A_869 = arith.constant 5 : i32
      %add3A_870 = arith.addi %mul3A_868, %add3A_869 : i32
      %div3A_871 = arith.constant 32 : i32
      %div3A_872 = arith.divsi %add3A_870, %div3A_871 : i32
      %rem3A_873 = arith.constant 2 : i32
      %rem3A_874 = arith.remsi %div3A_872, %rem3A_873 : i32
      %rem3A_875 = arith.constant 32 : i32
      %rem3A_876 = arith.remsi %add3A_870, %rem3A_875 : i32
      %dma_wait3A_877 = arith.constant 5 : i32
      %dma_wait3A_878 = arith.constant 0 : i32
      %dma_wait3A_879 = arith.constant 0 : i32
      %dma_wait3A_880 = tpu.memref_slice %arg6[%dma_wait3A_877, %dma_wait3A_878, %dma_wait3A_879] : memref<8x200x64xf32, #tpu.memory_space<vmem>> -> memref<1x104x64xf32, #tpu.memory_space<vmem>>
      %dma_wait3A_881 = tpu.memref_squeeze %dma_wait3A_880 : memref<1x104x64xf32, #tpu.memory_space<vmem>> -> memref<104x64xf32, #tpu.memory_space<vmem>>
      %dma_wait3A_882 = arith.constant 0 : i32
      %dma_wait3A_883 = tpu.memref_slice %arg5[%rem3A_874, %rem3A_876, %dma_wait3A_882] : memref<2x32x200xi32, #tpu.memory_space<vmem>> -> memref<1x1x104xi32, #tpu.memory_space<vmem>>
      %dma_wait3A_884 = tpu.memref_squeeze %dma_wait3A_883 : memref<1x1x104xi32, #tpu.memory_space<vmem>> -> memref<104xi32, #tpu.memory_space<vmem>>
      %dma_wait3A_885 = arith.constant 0 : i32
      %dma_wait3A_886 = arith.constant 0 : i32
      %dma_wait3A_887 = tpu.memref_slice %arg3[%dma_wait3A_885, %dma_wait3A_886] : memref<1000000x64xf32, #tpu.memory_space<hbm>> -> memref<1000000x64xf32, #tpu.memory_space<hbm>>
      tpu.wait_indirect_dma semaphore(%arg13 : memref<!tpu.dma_semaphore, #tpu.memory_space<semaphore_mem>>) src(%dma_wait3A_887 : memref<1000000x64xf32, #tpu.memory_space<hbm>>) dst(%dma_wait3A_881 : memref<104x64xf32, #tpu.memory_space<vmem>>)
      %dma_wait3A_888 = arith.constant 5 : i32
      %dma_wait3A_889 = arith.constant 104 : i32
      %dma_wait3A_890 = arith.constant 0 : i32
      %dma_wait3A_891 = tpu.memref_slice %arg6[%dma_wait3A_888, %dma_wait3A_889, %dma_wait3A_890] : memref<8x200x64xf32, #tpu.memory_space<vmem>> -> memref<1x96x64xf32, #tpu.memory_space<vmem>>
      %dma_wait3A_892 = tpu.memref_squeeze %dma_wait3A_891 : memref<1x96x64xf32, #tpu.memory_space<vmem>> -> memref<96x64xf32, #tpu.memory_space<vmem>>
      %dma_wait3A_893 = arith.constant 104 : i32
      %dma_wait3A_894 = tpu.memref_slice %arg5[%rem3A_874, %rem3A_876, %dma_wait3A_893] : memref<2x32x200xi32, #tpu.memory_space<vmem>> -> memref<1x1x96xi32, #tpu.memory_space<vmem>>
      %dma_wait3A_895 = tpu.memref_squeeze %dma_wait3A_894 : memref<1x1x96xi32, #tpu.memory_space<vmem>> -> memref<96xi32, #tpu.memory_space<vmem>>
      %dma_wait3A_896 = arith.constant 0 : i32
      %dma_wait3A_897 = arith.constant 0 : i32
      %dma_wait3A_898 = tpu.memref_slice %arg3[%dma_wait3A_896, %dma_wait3A_897] : memref<1000000x64xf32, #tpu.memory_space<hbm>> -> memref<1000000x64xf32, #tpu.memory_space<hbm>>
      tpu.wait_indirect_dma semaphore(%arg13 : memref<!tpu.dma_semaphore, #tpu.memory_space<semaphore_mem>>) src(%dma_wait3A_898 : memref<1000000x64xf32, #tpu.memory_space<hbm>>) dst(%dma_wait3A_892 : memref<96x64xf32, #tpu.memory_space<vmem>>)
      %broadcast_in_dim3A_899 = arith.constant 0.000000e+00 : f32
      %broadcast_in_dim3A_900 = vector.broadcast %broadcast_in_dim3A_899 : f32 to vector<16xf32>
      %scan3A_901 = arith.constant 5 : i32
      %scan3A_902 = arith.constant 0 : i32
      %scan3A_903 = arith.constant 200 : i32
      %scan3A_904 = arith.addi %scan3A_902, %scan3A_903 : i32
      %scan3A_905 = arith.constant 8 : i32
      %scan3A_906:4 = scf.for %scan3A_1228 = %scan3A_902 to %scan3A_904 step %scan3A_905 iter_args(%scan3A_1229 = %broadcast_in_dim3A_900, %scan3A_1230 = %broadcast_in_dim3A_900, %scan3A_1231 = %broadcast_in_dim3A_900, %scan3A_1232 = %broadcast_in_dim3A_900) -> (vector<16xf32>, vector<16xf32>, vector<16xf32>, vector<16xf32>)  : i32 {
        %get3A = arith.constant 0 : i32
        %get3A_1233 = arith.constant 0 : i32
        %get3A_1234 = tpu.memref_slice %arg6[%scan3A_901, %get3A, %get3A_1233] : memref<8x200x64xf32, #tpu.memory_space<vmem>> -> memref<1x200x64xf32, #tpu.memory_space<vmem>>
        %get3A_1235 = tpu.memref_squeeze %get3A_1234 : memref<1x200x64xf32, #tpu.memory_space<vmem>> -> memref<200x64xf32, #tpu.memory_space<vmem>>
        %get3A_1236 = arith.index_cast %scan3A_1228 : i32 to index
        %get3A_1237 = arith.constant 0 : index
        %get3A_1238 = tpu.vector_load %get3A_1235[%get3A_1236, %get3A_1237] {strides = array<i32>} : memref<200x64xf32, #tpu.memory_space<vmem>>, vector<1x16xf32>,
        %get3A_1239 = vector.shape_cast %get3A_1238 : vector<1x16xf32> to vector<16xf32>
        %add3A_1240 = arith.addf %scan3A_1229, %get3A_1239 : vector<16xf32>
        %get3A_1241 = arith.constant 0 : i32
        %get3A_1242 = arith.constant 0 : i32
        %get3A_1243 = tpu.memref_slice %arg6[%scan3A_901, %get3A_1241, %get3A_1242] : memref<8x200x64xf32, #tpu.memory_space<vmem>> -> memref<1x200x64xf32, #tpu.memory_space<vmem>>
        %get3A_1244 = tpu.memref_squeeze %get3A_1243 : memref<1x200x64xf32, #tpu.memory_space<vmem>> -> memref<200x64xf32, #tpu.memory_space<vmem>>
        %get3A_1245 = arith.index_cast %scan3A_1228 : i32 to index
        %get3A_1246 = arith.constant 16 : index
        %get3A_1247 = tpu.vector_load %get3A_1244[%get3A_1245, %get3A_1246] {strides = array<i32>} : memref<200x64xf32, #tpu.memory_space<vmem>>, vector<1x16xf32>,
        %get3A_1248 = vector.shape_cast %get3A_1247 : vector<1x16xf32> to vector<16xf32>
        %add3A_1249 = arith.addf %scan3A_1230, %get3A_1248 : vector<16xf32>
        %get3A_1250 = arith.constant 0 : i32
        %get3A_1251 = arith.constant 0 : i32
        %get3A_1252 = tpu.memref_slice %arg6[%scan3A_901, %get3A_1250, %get3A_1251] : memref<8x200x64xf32, #tpu.memory_space<vmem>> -> memref<1x200x64xf32, #tpu.memory_space<vmem>>
        %get3A_1253 = tpu.memref_squeeze %get3A_1252 : memref<1x200x64xf32, #tpu.memory_space<vmem>> -> memref<200x64xf32, #tpu.memory_space<vmem>>
        %get3A_1254 = arith.index_cast %scan3A_1228 : i32 to index
        %get3A_1255 = arith.constant 32 : index
        %get3A_1256 = tpu.vector_load %get3A_1253[%get3A_1254, %get3A_1255] {strides = array<i32>} : memref<200x64xf32, #tpu.memory_space<vmem>>, vector<1x16xf32>,
        %get3A_1257 = vector.shape_cast %get3A_1256 : vector<1x16xf32> to vector<16xf32>
        %add3A_1258 = arith.addf %scan3A_1231, %get3A_1257 : vector<16xf32>
        %get3A_1259 = arith.constant 0 : i32
        %get3A_1260 = arith.constant 0 : i32
        %get3A_1261 = tpu.memref_slice %arg6[%scan3A_901, %get3A_1259, %get3A_1260] : memref<8x200x64xf32, #tpu.memory_space<vmem>> -> memref<1x200x64xf32, #tpu.memory_space<vmem>>
        %get3A_1262 = tpu.memref_squeeze %get3A_1261 : memref<1x200x64xf32, #tpu.memory_space<vmem>> -> memref<200x64xf32, #tpu.memory_space<vmem>>
        %get3A_1263 = arith.index_cast %scan3A_1228 : i32 to index
        %get3A_1264 = arith.constant 48 : index
        %get3A_1265 = tpu.vector_load %get3A_1262[%get3A_1263, %get3A_1264] {strides = array<i32>} : memref<200x64xf32, #tpu.memory_space<vmem>>, vector<1x16xf32>,
        %get3A_1266 = vector.shape_cast %get3A_1265 : vector<1x16xf32> to vector<16xf32>
        %add3A_1267 = arith.addf %scan3A_1232, %get3A_1266 : vector<16xf32>
        %scan3A_1268 = arith.constant 1 : i32
        %scan3A_1269 = arith.addi %scan3A_1228, %scan3A_1268 : i32
        %get3A_1270 = arith.constant 0 : i32
        %get3A_1271 = arith.constant 0 : i32
        %get3A_1272 = tpu.memref_slice %arg6[%scan3A_901, %get3A_1270, %get3A_1271] : memref<8x200x64xf32, #tpu.memory_space<vmem>> -> memref<1x200x64xf32, #tpu.memory_space<vmem>>
        %get3A_1273 = tpu.memref_squeeze %get3A_1272 : memref<1x200x64xf32, #tpu.memory_space<vmem>> -> memref<200x64xf32, #tpu.memory_space<vmem>>
        %get3A_1274 = arith.index_cast %scan3A_1269 : i32 to index
        %get3A_1275 = arith.constant 0 : index
        %get3A_1276 = tpu.vector_load %get3A_1273[%get3A_1274, %get3A_1275] {strides = array<i32>} : memref<200x64xf32, #tpu.memory_space<vmem>>, vector<1x16xf32>,
        %get3A_1277 = vector.shape_cast %get3A_1276 : vector<1x16xf32> to vector<16xf32>
        %add3A_1278 = arith.addf %add3A_1240, %get3A_1277 : vector<16xf32>
        %get3A_1279 = arith.constant 0 : i32
        %get3A_1280 = arith.constant 0 : i32
        %get3A_1281 = tpu.memref_slice %arg6[%scan3A_901, %get3A_1279, %get3A_1280] : memref<8x200x64xf32, #tpu.memory_space<vmem>> -> memref<1x200x64xf32, #tpu.memory_space<vmem>>
        %get3A_1282 = tpu.memref_squeeze %get3A_1281 : memref<1x200x64xf32, #tpu.memory_space<vmem>> -> memref<200x64xf32, #tpu.memory_space<vmem>>
        %get3A_1283 = arith.index_cast %scan3A_1269 : i32 to index
        %get3A_1284 = arith.constant 16 : index
        %get3A_1285 = tpu.vector_load %get3A_1282[%get3A_1283, %get3A_1284] {strides = array<i32>} : memref<200x64xf32, #tpu.memory_space<vmem>>, vector<1x16xf32>,
        %get3A_1286 = vector.shape_cast %get3A_1285 : vector<1x16xf32> to vector<16xf32>
        %add3A_1287 = arith.addf %add3A_1249, %get3A_1286 : vector<16xf32>
        %get3A_1288 = arith.constant 0 : i32
        %get3A_1289 = arith.constant 0 : i32
        %get3A_1290 = tpu.memref_slice %arg6[%scan3A_901, %get3A_1288, %get3A_1289] : memref<8x200x64xf32, #tpu.memory_space<vmem>> -> memref<1x200x64xf32, #tpu.memory_space<vmem>>
        %get3A_1291 = tpu.memref_squeeze %get3A_1290 : memref<1x200x64xf32, #tpu.memory_space<vmem>> -> memref<200x64xf32, #tpu.memory_space<vmem>>
        %get3A_1292 = arith.index_cast %scan3A_1269 : i32 to index
        %get3A_1293 = arith.constant 32 : index
        %get3A_1294 = tpu.vector_load %get3A_1291[%get3A_1292, %get3A_1293] {strides = array<i32>} : memref<200x64xf32, #tpu.memory_space<vmem>>, vector<1x16xf32>,
        %get3A_1295 = vector.shape_cast %get3A_1294 : vector<1x16xf32> to vector<16xf32>
        %add3A_1296 = arith.addf %add3A_1258, %get3A_1295 : vector<16xf32>
        %get3A_1297 = arith.constant 0 : i32
        %get3A_1298 = arith.constant 0 : i32
        %get3A_1299 = tpu.memref_slice %arg6[%scan3A_901, %get3A_1297, %get3A_1298] : memref<8x200x64xf32, #tpu.memory_space<vmem>> -> memref<1x200x64xf32, #tpu.memory_space<vmem>>
        %get3A_1300 = tpu.memref_squeeze %get3A_1299 : memref<1x200x64xf32, #tpu.memory_space<vmem>> -> memref<200x64xf32, #tpu.memory_space<vmem>>
        %get3A_1301 = arith.index_cast %scan3A_1269 : i32 to index
        %get3A_1302 = arith.constant 48 : index
        %get3A_1303 = tpu.vector_load %get3A_1300[%get3A_1301, %get3A_1302] {strides = array<i32>} : memref<200x64xf32, #tpu.memory_space<vmem>>, vector<1x16xf32>,
        %get3A_1304 = vector.shape_cast %get3A_1303 : vector<1x16xf32> to vector<16xf32>
        %add3A_1305 = arith.addf %add3A_1267, %get3A_1304 : vector<16xf32>
        %scan3A_1306 = arith.constant 2 : i32
        %scan3A_1307 = arith.addi %scan3A_1228, %scan3A_1306 : i32
        %get3A_1308 = arith.constant 0 : i32
        %get3A_1309 = arith.constant 0 : i32
        %get3A_1310 = tpu.memref_slice %arg6[%scan3A_901, %get3A_1308, %get3A_1309] : memref<8x200x64xf32, #tpu.memory_space<vmem>> -> memref<1x200x64xf32, #tpu.memory_space<vmem>>
        %get3A_1311 = tpu.memref_squeeze %get3A_1310 : memref<1x200x64xf32, #tpu.memory_space<vmem>> -> memref<200x64xf32, #tpu.memory_space<vmem>>
        %get3A_1312 = arith.index_cast %scan3A_1307 : i32 to index
        %get3A_1313 = arith.constant 0 : index
        %get3A_1314 = tpu.vector_load %get3A_1311[%get3A_1312, %get3A_1313] {strides = array<i32>} : memref<200x64xf32, #tpu.memory_space<vmem>>, vector<1x16xf32>,
        %get3A_1315 = vector.shape_cast %get3A_1314 : vector<1x16xf32> to vector<16xf32>
        %add3A_1316 = arith.addf %add3A_1278, %get3A_1315 : vector<16xf32>
        %get3A_1317 = arith.constant 0 : i32
        %get3A_1318 = arith.constant 0 : i32
        %get3A_1319 = tpu.memref_slice %arg6[%scan3A_901, %get3A_1317, %get3A_1318] : memref<8x200x64xf32, #tpu.memory_space<vmem>> -> memref<1x200x64xf32, #tpu.memory_space<vmem>>
        %get3A_1320 = tpu.memref_squeeze %get3A_1319 : memref<1x200x64xf32, #tpu.memory_space<vmem>> -> memref<200x64xf32, #tpu.memory_space<vmem>>
        %get3A_1321 = arith.index_cast %scan3A_1307 : i32 to index
        %get3A_1322 = arith.constant 16 : index
        %get3A_1323 = tpu.vector_load %get3A_1320[%get3A_1321, %get3A_1322] {strides = array<i32>} : memref<200x64xf32, #tpu.memory_space<vmem>>, vector<1x16xf32>,
        %get3A_1324 = vector.shape_cast %get3A_1323 : vector<1x16xf32> to vector<16xf32>
        %add3A_1325 = arith.addf %add3A_1287, %get3A_1324 : vector<16xf32>
        %get3A_1326 = arith.constant 0 : i32
        %get3A_1327 = arith.constant 0 : i32
        %get3A_1328 = tpu.memref_slice %arg6[%scan3A_901, %get3A_1326, %get3A_1327] : memref<8x200x64xf32, #tpu.memory_space<vmem>> -> memref<1x200x64xf32, #tpu.memory_space<vmem>>
        %get3A_1329 = tpu.memref_squeeze %get3A_1328 : memref<1x200x64xf32, #tpu.memory_space<vmem>> -> memref<200x64xf32, #tpu.memory_space<vmem>>
        %get3A_1330 = arith.index_cast %scan3A_1307 : i32 to index
        %get3A_1331 = arith.constant 32 : index
        %get3A_1332 = tpu.vector_load %get3A_1329[%get3A_1330, %get3A_1331] {strides = array<i32>} : memref<200x64xf32, #tpu.memory_space<vmem>>, vector<1x16xf32>,
        %get3A_1333 = vector.shape_cast %get3A_1332 : vector<1x16xf32> to vector<16xf32>
        %add3A_1334 = arith.addf %add3A_1296, %get3A_1333 : vector<16xf32>
        %get3A_1335 = arith.constant 0 : i32
        %get3A_1336 = arith.constant 0 : i32
        %get3A_1337 = tpu.memref_slice %arg6[%scan3A_901, %get3A_1335, %get3A_1336] : memref<8x200x64xf32, #tpu.memory_space<vmem>> -> memref<1x200x64xf32, #tpu.memory_space<vmem>>
        %get3A_1338 = tpu.memref_squeeze %get3A_1337 : memref<1x200x64xf32, #tpu.memory_space<vmem>> -> memref<200x64xf32, #tpu.memory_space<vmem>>
        %get3A_1339 = arith.index_cast %scan3A_1307 : i32 to index
        %get3A_1340 = arith.constant 48 : index
        %get3A_1341 = tpu.vector_load %get3A_1338[%get3A_1339, %get3A_1340] {strides = array<i32>} : memref<200x64xf32, #tpu.memory_space<vmem>>, vector<1x16xf32>,
        %get3A_1342 = vector.shape_cast %get3A_1341 : vector<1x16xf32> to vector<16xf32>
        %add3A_1343 = arith.addf %add3A_1305, %get3A_1342 : vector<16xf32>
        %scan3A_1344 = arith.constant 3 : i32
        %scan3A_1345 = arith.addi %scan3A_1228, %scan3A_1344 : i32
        %get3A_1346 = arith.constant 0 : i32
        %get3A_1347 = arith.constant 0 : i32
        %get3A_1348 = tpu.memref_slice %arg6[%scan3A_901, %get3A_1346, %get3A_1347] : memref<8x200x64xf32, #tpu.memory_space<vmem>> -> memref<1x200x64xf32, #tpu.memory_space<vmem>>
        %get3A_1349 = tpu.memref_squeeze %get3A_1348 : memref<1x200x64xf32, #tpu.memory_space<vmem>> -> memref<200x64xf32, #tpu.memory_space<vmem>>
        %get3A_1350 = arith.index_cast %scan3A_1345 : i32 to index
        %get3A_1351 = arith.constant 0 : index
        %get3A_1352 = tpu.vector_load %get3A_1349[%get3A_1350, %get3A_1351] {strides = array<i32>} : memref<200x64xf32, #tpu.memory_space<vmem>>, vector<1x16xf32>,
        %get3A_1353 = vector.shape_cast %get3A_1352 : vector<1x16xf32> to vector<16xf32>
        %add3A_1354 = arith.addf %add3A_1316, %get3A_1353 : vector<16xf32>
        %get3A_1355 = arith.constant 0 : i32
        %get3A_1356 = arith.constant 0 : i32
        %get3A_1357 = tpu.memref_slice %arg6[%scan3A_901, %get3A_1355, %get3A_1356] : memref<8x200x64xf32, #tpu.memory_space<vmem>> -> memref<1x200x64xf32, #tpu.memory_space<vmem>>
        %get3A_1358 = tpu.memref_squeeze %get3A_1357 : memref<1x200x64xf32, #tpu.memory_space<vmem>> -> memref<200x64xf32, #tpu.memory_space<vmem>>
        %get3A_1359 = arith.index_cast %scan3A_1345 : i32 to index
        %get3A_1360 = arith.constant 16 : index
        %get3A_1361 = tpu.vector_load %get3A_1358[%get3A_1359, %get3A_1360] {strides = array<i32>} : memref<200x64xf32, #tpu.memory_space<vmem>>, vector<1x16xf32>,
        %get3A_1362 = vector.shape_cast %get3A_1361 : vector<1x16xf32> to vector<16xf32>
        %add3A_1363 = arith.addf %add3A_1325, %get3A_1362 : vector<16xf32>
        %get3A_1364 = arith.constant 0 : i32
        %get3A_1365 = arith.constant 0 : i32
        %get3A_1366 = tpu.memref_slice %arg6[%scan3A_901, %get3A_1364, %get3A_1365] : memref<8x200x64xf32, #tpu.memory_space<vmem>> -> memref<1x200x64xf32, #tpu.memory_space<vmem>>
        %get3A_1367 = tpu.memref_squeeze %get3A_1366 : memref<1x200x64xf32, #tpu.memory_space<vmem>> -> memref<200x64xf32, #tpu.memory_space<vmem>>
        %get3A_1368 = arith.index_cast %scan3A_1345 : i32 to index
        %get3A_1369 = arith.constant 32 : index
        %get3A_1370 = tpu.vector_load %get3A_1367[%get3A_1368, %get3A_1369] {strides = array<i32>} : memref<200x64xf32, #tpu.memory_space<vmem>>, vector<1x16xf32>,
        %get3A_1371 = vector.shape_cast %get3A_1370 : vector<1x16xf32> to vector<16xf32>
        %add3A_1372 = arith.addf %add3A_1334, %get3A_1371 : vector<16xf32>
        %get3A_1373 = arith.constant 0 : i32
        %get3A_1374 = arith.constant 0 : i32
        %get3A_1375 = tpu.memref_slice %arg6[%scan3A_901, %get3A_1373, %get3A_1374] : memref<8x200x64xf32, #tpu.memory_space<vmem>> -> memref<1x200x64xf32, #tpu.memory_space<vmem>>
        %get3A_1376 = tpu.memref_squeeze %get3A_1375 : memref<1x200x64xf32, #tpu.memory_space<vmem>> -> memref<200x64xf32, #tpu.memory_space<vmem>>
        %get3A_1377 = arith.index_cast %scan3A_1345 : i32 to index
        %get3A_1378 = arith.constant 48 : index
        %get3A_1379 = tpu.vector_load %get3A_1376[%get3A_1377, %get3A_1378] {strides = array<i32>} : memref<200x64xf32, #tpu.memory_space<vmem>>, vector<1x16xf32>,
        %get3A_1380 = vector.shape_cast %get3A_1379 : vector<1x16xf32> to vector<16xf32>
        %add3A_1381 = arith.addf %add3A_1343, %get3A_1380 : vector<16xf32>
        %scan3A_1382 = arith.constant 4 : i32
        %scan3A_1383 = arith.addi %scan3A_1228, %scan3A_1382 : i32
        %get3A_1384 = arith.constant 0 : i32
        %get3A_1385 = arith.constant 0 : i32
        %get3A_1386 = tpu.memref_slice %arg6[%scan3A_901, %get3A_1384, %get3A_1385] : memref<8x200x64xf32, #tpu.memory_space<vmem>> -> memref<1x200x64xf32, #tpu.memory_space<vmem>>
        %get3A_1387 = tpu.memref_squeeze %get3A_1386 : memref<1x200x64xf32, #tpu.memory_space<vmem>> -> memref<200x64xf32, #tpu.memory_space<vmem>>
        %get3A_1388 = arith.index_cast %scan3A_1383 : i32 to index
        %get3A_1389 = arith.constant 0 : index
        %get3A_1390 = tpu.vector_load %get3A_1387[%get3A_1388, %get3A_1389] {strides = array<i32>} : memref<200x64xf32, #tpu.memory_space<vmem>>, vector<1x16xf32>,
        %get3A_1391 = vector.shape_cast %get3A_1390 : vector<1x16xf32> to vector<16xf32>
        %add3A_1392 = arith.addf %add3A_1354, %get3A_1391 : vector<16xf32>
        %get3A_1393 = arith.constant 0 : i32
        %get3A_1394 = arith.constant 0 : i32
        %get3A_1395 = tpu.memref_slice %arg6[%scan3A_901, %get3A_1393, %get3A_1394] : memref<8x200x64xf32, #tpu.memory_space<vmem>> -> memref<1x200x64xf32, #tpu.memory_space<vmem>>
        %get3A_1396 = tpu.memref_squeeze %get3A_1395 : memref<1x200x64xf32, #tpu.memory_space<vmem>> -> memref<200x64xf32, #tpu.memory_space<vmem>>
        %get3A_1397 = arith.index_cast %scan3A_1383 : i32 to index
        %get3A_1398 = arith.constant 16 : index
        %get3A_1399 = tpu.vector_load %get3A_1396[%get3A_1397, %get3A_1398] {strides = array<i32>} : memref<200x64xf32, #tpu.memory_space<vmem>>, vector<1x16xf32>,
        %get3A_1400 = vector.shape_cast %get3A_1399 : vector<1x16xf32> to vector<16xf32>
        %add3A_1401 = arith.addf %add3A_1363, %get3A_1400 : vector<16xf32>
        %get3A_1402 = arith.constant 0 : i32
        %get3A_1403 = arith.constant 0 : i32
        %get3A_1404 = tpu.memref_slice %arg6[%scan3A_901, %get3A_1402, %get3A_1403] : memref<8x200x64xf32, #tpu.memory_space<vmem>> -> memref<1x200x64xf32, #tpu.memory_space<vmem>>
        %get3A_1405 = tpu.memref_squeeze %get3A_1404 : memref<1x200x64xf32, #tpu.memory_space<vmem>> -> memref<200x64xf32, #tpu.memory_space<vmem>>
        %get3A_1406 = arith.index_cast %scan3A_1383 : i32 to index
        %get3A_1407 = arith.constant 32 : index
        %get3A_1408 = tpu.vector_load %get3A_1405[%get3A_1406, %get3A_1407] {strides = array<i32>} : memref<200x64xf32, #tpu.memory_space<vmem>>, vector<1x16xf32>,
        %get3A_1409 = vector.shape_cast %get3A_1408 : vector<1x16xf32> to vector<16xf32>
        %add3A_1410 = arith.addf %add3A_1372, %get3A_1409 : vector<16xf32>
        %get3A_1411 = arith.constant 0 : i32
        %get3A_1412 = arith.constant 0 : i32
        %get3A_1413 = tpu.memref_slice %arg6[%scan3A_901, %get3A_1411, %get3A_1412] : memref<8x200x64xf32, #tpu.memory_space<vmem>> -> memref<1x200x64xf32, #tpu.memory_space<vmem>>
        %get3A_1414 = tpu.memref_squeeze %get3A_1413 : memref<1x200x64xf32, #tpu.memory_space<vmem>> -> memref<200x64xf32, #tpu.memory_space<vmem>>
        %get3A_1415 = arith.index_cast %scan3A_1383 : i32 to index
        %get3A_1416 = arith.constant 48 : index
        %get3A_1417 = tpu.vector_load %get3A_1414[%get3A_1415, %get3A_1416] {strides = array<i32>} : memref<200x64xf32, #tpu.memory_space<vmem>>, vector<1x16xf32>,
        %get3A_1418 = vector.shape_cast %get3A_1417 : vector<1x16xf32> to vector<16xf32>
        %add3A_1419 = arith.addf %add3A_1381, %get3A_1418 : vector<16xf32>
        %scan3A_1420 = arith.constant 5 : i32
        %scan3A_1421 = arith.addi %scan3A_1228, %scan3A_1420 : i32
        %get3A_1422 = arith.constant 0 : i32
        %get3A_1423 = arith.constant 0 : i32
        %get3A_1424 = tpu.memref_slice %arg6[%scan3A_901, %get3A_1422, %get3A_1423] : memref<8x200x64xf32, #tpu.memory_space<vmem>> -> memref<1x200x64xf32, #tpu.memory_space<vmem>>
        %get3A_1425 = tpu.memref_squeeze %get3A_1424 : memref<1x200x64xf32, #tpu.memory_space<vmem>> -> memref<200x64xf32, #tpu.memory_space<vmem>>
        %get3A_1426 = arith.index_cast %scan3A_1421 : i32 to index
        %get3A_1427 = arith.constant 0 : index
        %get3A_1428 = tpu.vector_load %get3A_1425[%get3A_1426, %get3A_1427] {strides = array<i32>} : memref<200x64xf32, #tpu.memory_space<vmem>>, vector<1x16xf32>,
        %get3A_1429 = vector.shape_cast %get3A_1428 : vector<1x16xf32> to vector<16xf32>
        %add3A_1430 = arith.addf %add3A_1392, %get3A_1429 : vector<16xf32>
        %get3A_1431 = arith.constant 0 : i32
        %get3A_1432 = arith.constant 0 : i32
        %get3A_1433 = tpu.memref_slice %arg6[%scan3A_901, %get3A_1431, %get3A_1432] : memref<8x200x64xf32, #tpu.memory_space<vmem>> -> memref<1x200x64xf32, #tpu.memory_space<vmem>>
        %get3A_1434 = tpu.memref_squeeze %get3A_1433 : memref<1x200x64xf32, #tpu.memory_space<vmem>> -> memref<200x64xf32, #tpu.memory_space<vmem>>
        %get3A_1435 = arith.index_cast %scan3A_1421 : i32 to index
        %get3A_1436 = arith.constant 16 : index
        %get3A_1437 = tpu.vector_load %get3A_1434[%get3A_1435, %get3A_1436] {strides = array<i32>} : memref<200x64xf32, #tpu.memory_space<vmem>>, vector<1x16xf32>,
        %get3A_1438 = vector.shape_cast %get3A_1437 : vector<1x16xf32> to vector<16xf32>
        %add3A_1439 = arith.addf %add3A_1401, %get3A_1438 : vector<16xf32>
        %get3A_1440 = arith.constant 0 : i32
        %get3A_1441 = arith.constant 0 : i32
        %get3A_1442 = tpu.memref_slice %arg6[%scan3A_901, %get3A_1440, %get3A_1441] : memref<8x200x64xf32, #tpu.memory_space<vmem>> -> memref<1x200x64xf32, #tpu.memory_space<vmem>>
        %get3A_1443 = tpu.memref_squeeze %get3A_1442 : memref<1x200x64xf32, #tpu.memory_space<vmem>> -> memref<200x64xf32, #tpu.memory_space<vmem>>
        %get3A_1444 = arith.index_cast %scan3A_1421 : i32 to index
        %get3A_1445 = arith.constant 32 : index
        %get3A_1446 = tpu.vector_load %get3A_1443[%get3A_1444, %get3A_1445] {strides = array<i32>} : memref<200x64xf32, #tpu.memory_space<vmem>>, vector<1x16xf32>,
        %get3A_1447 = vector.shape_cast %get3A_1446 : vector<1x16xf32> to vector<16xf32>
        %add3A_1448 = arith.addf %add3A_1410, %get3A_1447 : vector<16xf32>
        %get3A_1449 = arith.constant 0 : i32
        %get3A_1450 = arith.constant 0 : i32
        %get3A_1451 = tpu.memref_slice %arg6[%scan3A_901, %get3A_1449, %get3A_1450] : memref<8x200x64xf32, #tpu.memory_space<vmem>> -> memref<1x200x64xf32, #tpu.memory_space<vmem>>
        %get3A_1452 = tpu.memref_squeeze %get3A_1451 : memref<1x200x64xf32, #tpu.memory_space<vmem>> -> memref<200x64xf32, #tpu.memory_space<vmem>>
        %get3A_1453 = arith.index_cast %scan3A_1421 : i32 to index
        %get3A_1454 = arith.constant 48 : index
        %get3A_1455 = tpu.vector_load %get3A_1452[%get3A_1453, %get3A_1454] {strides = array<i32>} : memref<200x64xf32, #tpu.memory_space<vmem>>, vector<1x16xf32>,
        %get3A_1456 = vector.shape_cast %get3A_1455 : vector<1x16xf32> to vector<16xf32>
        %add3A_1457 = arith.addf %add3A_1419, %get3A_1456 : vector<16xf32>
        %scan3A_1458 = arith.constant 6 : i32
        %scan3A_1459 = arith.addi %scan3A_1228, %scan3A_1458 : i32
        %get3A_1460 = arith.constant 0 : i32
        %get3A_1461 = arith.constant 0 : i32
        %get3A_1462 = tpu.memref_slice %arg6[%scan3A_901, %get3A_1460, %get3A_1461] : memref<8x200x64xf32, #tpu.memory_space<vmem>> -> memref<1x200x64xf32, #tpu.memory_space<vmem>>
        %get3A_1463 = tpu.memref_squeeze %get3A_1462 : memref<1x200x64xf32, #tpu.memory_space<vmem>> -> memref<200x64xf32, #tpu.memory_space<vmem>>
        %get3A_1464 = arith.index_cast %scan3A_1459 : i32 to index
        %get3A_1465 = arith.constant 0 : index
        %get3A_1466 = tpu.vector_load %get3A_1463[%get3A_1464, %get3A_1465] {strides = array<i32>} : memref<200x64xf32, #tpu.memory_space<vmem>>, vector<1x16xf32>,
        %get3A_1467 = vector.shape_cast %get3A_1466 : vector<1x16xf32> to vector<16xf32>
        %add3A_1468 = arith.addf %add3A_1430, %get3A_1467 : vector<16xf32>
        %get3A_1469 = arith.constant 0 : i32
        %get3A_1470 = arith.constant 0 : i32
        %get3A_1471 = tpu.memref_slice %arg6[%scan3A_901, %get3A_1469, %get3A_1470] : memref<8x200x64xf32, #tpu.memory_space<vmem>> -> memref<1x200x64xf32, #tpu.memory_space<vmem>>
        %get3A_1472 = tpu.memref_squeeze %get3A_1471 : memref<1x200x64xf32, #tpu.memory_space<vmem>> -> memref<200x64xf32, #tpu.memory_space<vmem>>
        %get3A_1473 = arith.index_cast %scan3A_1459 : i32 to index
        %get3A_1474 = arith.constant 16 : index
        %get3A_1475 = tpu.vector_load %get3A_1472[%get3A_1473, %get3A_1474] {strides = array<i32>} : memref<200x64xf32, #tpu.memory_space<vmem>>, vector<1x16xf32>,
        %get3A_1476 = vector.shape_cast %get3A_1475 : vector<1x16xf32> to vector<16xf32>
        %add3A_1477 = arith.addf %add3A_1439, %get3A_1476 : vector<16xf32>
        %get3A_1478 = arith.constant 0 : i32
        %get3A_1479 = arith.constant 0 : i32
        %get3A_1480 = tpu.memref_slice %arg6[%scan3A_901, %get3A_1478, %get3A_1479] : memref<8x200x64xf32, #tpu.memory_space<vmem>> -> memref<1x200x64xf32, #tpu.memory_space<vmem>>
        %get3A_1481 = tpu.memref_squeeze %get3A_1480 : memref<1x200x64xf32, #tpu.memory_space<vmem>> -> memref<200x64xf32, #tpu.memory_space<vmem>>
        %get3A_1482 = arith.index_cast %scan3A_1459 : i32 to index
        %get3A_1483 = arith.constant 32 : index
        %get3A_1484 = tpu.vector_load %get3A_1481[%get3A_1482, %get3A_1483] {strides = array<i32>} : memref<200x64xf32, #tpu.memory_space<vmem>>, vector<1x16xf32>,
        %get3A_1485 = vector.shape_cast %get3A_1484 : vector<1x16xf32> to vector<16xf32>
        %add3A_1486 = arith.addf %add3A_1448, %get3A_1485 : vector<16xf32>
        %get3A_1487 = arith.constant 0 : i32
        %get3A_1488 = arith.constant 0 : i32
        %get3A_1489 = tpu.memref_slice %arg6[%scan3A_901, %get3A_1487, %get3A_1488] : memref<8x200x64xf32, #tpu.memory_space<vmem>> -> memref<1x200x64xf32, #tpu.memory_space<vmem>>
        %get3A_1490 = tpu.memref_squeeze %get3A_1489 : memref<1x200x64xf32, #tpu.memory_space<vmem>> -> memref<200x64xf32, #tpu.memory_space<vmem>>
        %get3A_1491 = arith.index_cast %scan3A_1459 : i32 to index
        %get3A_1492 = arith.constant 48 : index
        %get3A_1493 = tpu.vector_load %get3A_1490[%get3A_1491, %get3A_1492] {strides = array<i32>} : memref<200x64xf32, #tpu.memory_space<vmem>>, vector<1x16xf32>,
        %get3A_1494 = vector.shape_cast %get3A_1493 : vector<1x16xf32> to vector<16xf32>
        %add3A_1495 = arith.addf %add3A_1457, %get3A_1494 : vector<16xf32>
        %scan3A_1496 = arith.constant 7 : i32
        %scan3A_1497 = arith.addi %scan3A_1228, %scan3A_1496 : i32
        %get3A_1498 = arith.constant 0 : i32
        %get3A_1499 = arith.constant 0 : i32
        %get3A_1500 = tpu.memref_slice %arg6[%scan3A_901, %get3A_1498, %get3A_1499] : memref<8x200x64xf32, #tpu.memory_space<vmem>> -> memref<1x200x64xf32, #tpu.memory_space<vmem>>
        %get3A_1501 = tpu.memref_squeeze %get3A_1500 : memref<1x200x64xf32, #tpu.memory_space<vmem>> -> memref<200x64xf32, #tpu.memory_space<vmem>>
        %get3A_1502 = arith.index_cast %scan3A_1497 : i32 to index
        %get3A_1503 = arith.constant 0 : index
        %get3A_1504 = tpu.vector_load %get3A_1501[%get3A_1502, %get3A_1503] {strides = array<i32>} : memref<200x64xf32, #tpu.memory_space<vmem>>, vector<1x16xf32>,
        %get3A_1505 = vector.shape_cast %get3A_1504 : vector<1x16xf32> to vector<16xf32>
        %add3A_1506 = arith.addf %add3A_1468, %get3A_1505 : vector<16xf32>
        %get3A_1507 = arith.constant 0 : i32
        %get3A_1508 = arith.constant 0 : i32
        %get3A_1509 = tpu.memref_slice %arg6[%scan3A_901, %get3A_1507, %get3A_1508] : memref<8x200x64xf32, #tpu.memory_space<vmem>> -> memref<1x200x64xf32, #tpu.memory_space<vmem>>
        %get3A_1510 = tpu.memref_squeeze %get3A_1509 : memref<1x200x64xf32, #tpu.memory_space<vmem>> -> memref<200x64xf32, #tpu.memory_space<vmem>>
        %get3A_1511 = arith.index_cast %scan3A_1497 : i32 to index
        %get3A_1512 = arith.constant 16 : index
        %get3A_1513 = tpu.vector_load %get3A_1510[%get3A_1511, %get3A_1512] {strides = array<i32>} : memref<200x64xf32, #tpu.memory_space<vmem>>, vector<1x16xf32>,
        %get3A_1514 = vector.shape_cast %get3A_1513 : vector<1x16xf32> to vector<16xf32>
        %add3A_1515 = arith.addf %add3A_1477, %get3A_1514 : vector<16xf32>
        %get3A_1516 = arith.constant 0 : i32
        %get3A_1517 = arith.constant 0 : i32
        %get3A_1518 = tpu.memref_slice %arg6[%scan3A_901, %get3A_1516, %get3A_1517] : memref<8x200x64xf32, #tpu.memory_space<vmem>> -> memref<1x200x64xf32, #tpu.memory_space<vmem>>
        %get3A_1519 = tpu.memref_squeeze %get3A_1518 : memref<1x200x64xf32, #tpu.memory_space<vmem>> -> memref<200x64xf32, #tpu.memory_space<vmem>>
        %get3A_1520 = arith.index_cast %scan3A_1497 : i32 to index
        %get3A_1521 = arith.constant 32 : index
        %get3A_1522 = tpu.vector_load %get3A_1519[%get3A_1520, %get3A_1521] {strides = array<i32>} : memref<200x64xf32, #tpu.memory_space<vmem>>, vector<1x16xf32>,
        %get3A_1523 = vector.shape_cast %get3A_1522 : vector<1x16xf32> to vector<16xf32>
        %add3A_1524 = arith.addf %add3A_1486, %get3A_1523 : vector<16xf32>
        %get3A_1525 = arith.constant 0 : i32
        %get3A_1526 = arith.constant 0 : i32
        %get3A_1527 = tpu.memref_slice %arg6[%scan3A_901, %get3A_1525, %get3A_1526] : memref<8x200x64xf32, #tpu.memory_space<vmem>> -> memref<1x200x64xf32, #tpu.memory_space<vmem>>
        %get3A_1528 = tpu.memref_squeeze %get3A_1527 : memref<1x200x64xf32, #tpu.memory_space<vmem>> -> memref<200x64xf32, #tpu.memory_space<vmem>>
        %get3A_1529 = arith.index_cast %scan3A_1497 : i32 to index
        %get3A_1530 = arith.constant 48 : index
        %get3A_1531 = tpu.vector_load %get3A_1528[%get3A_1529, %get3A_1530] {strides = array<i32>} : memref<200x64xf32, #tpu.memory_space<vmem>>, vector<1x16xf32>,
        %get3A_1532 = vector.shape_cast %get3A_1531 : vector<1x16xf32> to vector<16xf32>
        %add3A_1533 = arith.addf %add3A_1495, %get3A_1532 : vector<16xf32>
        scf.yield %add3A_1506, %add3A_1515, %add3A_1524, %add3A_1533 : vector<16xf32>, vector<16xf32>, vector<16xf32>, vector<16xf32>
      }
      %scan3A_907 = arith.constant 200 : i32
      %add3A_908 = arith.constant 8 : i32
      %add3A_909 = arith.addi %add3A_870, %add3A_908 : i32
      %lt3A_910 = arith.constant 512 : i32
      %lt3A_911 = arith.cmpi slt, %add3A_909, %lt3A_910 : i32
      %rem3A_912 = arith.constant 32 : i32
      %rem3A_913 = arith.remsi %add3A_909, %rem3A_912 : i32
      %eq3A_914 = arith.constant 0 : i32
      %eq3A_915 = arith.cmpi eq, %rem3A_913, %eq3A_914 : i32
      %and3A_916 = arith.andi %lt3A_911, %eq3A_915 : i1
      %convert_element_type3A_917 = arith.extui %and3A_916 : i1 to i32
      %cond3A_918 = arith.constant 0 : i32
      %cond3A_919 = arith.cmpi ne, %convert_element_type3A_917, %cond3A_918 : i32
      scf.if %cond3A_919 {
        %dma_wait3A_1228 = arith.constant 0 : i32
        %dma_wait3A_1229 = arith.constant 0 : i32
        %dma_wait3A_1230 = arith.constant 0 : i32
        %dma_wait3A_1231 = tpu.memref_slice %arg5[%dma_wait3A_1228, %dma_wait3A_1229, %dma_wait3A_1230] : memref<2x32x200xi32, #tpu.memory_space<vmem>> -> memref<1x32x200xi32, #tpu.memory_space<vmem>>
        %dma_wait3A_1232 = tpu.memref_squeeze %dma_wait3A_1231 : memref<1x32x200xi32, #tpu.memory_space<vmem>> -> memref<32x200xi32, #tpu.memory_space<vmem>>
        %dma_wait3A_1233 = arith.constant 0 : i32
        %dma_wait3A_1234 = tpu.memref_slice %arg2[%mul3A_2, %dma_wait3A_1233] : memref<16384x200xi32, #tpu.memory_space<hbm>> -> memref<32x200xi32, #tpu.memory_space<hbm>>
        %dma_wait3A_1235 = arith.constant 0 : i32
        %dma_wait3A_1236 = arith.constant 0 : i32
        %dma_wait3A_1237 = tpu.memref_slice %arg5[%dma_wait3A_1228, %dma_wait3A_1235, %dma_wait3A_1236] : memref<2x32x200xi32, #tpu.memory_space<vmem>> -> memref<1x32x200xi32, #tpu.memory_space<vmem>>
        %dma_wait3A_1238 = tpu.memref_squeeze %dma_wait3A_1237 : memref<1x32x200xi32, #tpu.memory_space<vmem>> -> memref<32x200xi32, #tpu.memory_space<vmem>>
        %dma_wait3A_1239 = arith.constant 0 : i32
        %dma_wait3A_1240 = tpu.memref_slice %arg2[%mul3A_2, %dma_wait3A_1239] : memref<16384x200xi32, #tpu.memory_space<hbm>> -> memref<32x200xi32, #tpu.memory_space<hbm>>
        tpu.wait_dma2 semaphore(%arg16 : memref<!tpu.dma_semaphore, #tpu.memory_space<semaphore_mem>>) src(%dma_wait3A_1240 : memref<32x200xi32, #tpu.memory_space<hbm>>) dst(%dma_wait3A_1238 : memref<32x200xi32, #tpu.memory_space<vmem>>)
      } else {
      }
      %lt3A_920 = arith.constant 512 : i32
      %lt3A_921 = arith.cmpi slt, %add3A_909, %lt3A_920 : i32
      %convert_element_type3A_922 = arith.extui %lt3A_921 : i1 to i32
      %cond3A_923 = arith.constant 0 : i32
      %cond3A_924 = arith.cmpi ne, %convert_element_type3A_922, %cond3A_923 : i32
      scf.if %cond3A_924 {
        %div3A_1228 = arith.constant 32 : i32
        %div3A_1229 = arith.divsi %add3A_909, %div3A_1228 : i32
        %rem3A_1230 = arith.constant 2 : i32
        %rem3A_1231 = arith.remsi %div3A_1229, %rem3A_1230 : i32
        %rem3A_1232 = arith.constant 32 : i32
        %rem3A_1233 = arith.remsi %add3A_909, %rem3A_1232 : i32
        %dma_start3A_1234 = arith.constant 5 : i32
        %dma_start3A_1235 = arith.constant 0 : i32
        %dma_start3A_1236 = arith.constant 0 : i32
        %dma_start3A_1237 = tpu.memref_slice %arg6[%dma_start3A_1234, %dma_start3A_1235, %dma_start3A_1236] : memref<8x200x64xf32, #tpu.memory_space<vmem>> -> memref<1x104x64xf32, #tpu.memory_space<vmem>>
        %dma_start3A_1238 = tpu.memref_squeeze %dma_start3A_1237 : memref<1x104x64xf32, #tpu.memory_space<vmem>> -> memref<104x64xf32, #tpu.memory_space<vmem>>
        %dma_start3A_1239 = arith.constant 0 : i32
        %dma_start3A_1240 = tpu.memref_slice %arg5[%rem3A_1231, %rem3A_1233, %dma_start3A_1239] : memref<2x32x200xi32, #tpu.memory_space<vmem>> -> memref<1x1x104xi32, #tpu.memory_space<vmem>>
        %dma_start3A_1241 = tpu.memref_squeeze %dma_start3A_1240 : memref<1x1x104xi32, #tpu.memory_space<vmem>> -> memref<104xi32, #tpu.memory_space<vmem>>
        %dma_start3A_1242 = arith.constant 0 : i32
        %dma_start3A_1243 = arith.constant 0 : i32
        %dma_start3A_1244 = tpu.memref_slice %arg3[%dma_start3A_1242, %dma_start3A_1243] : memref<1000000x64xf32, #tpu.memory_space<hbm>> -> memref<1000000x64xf32, #tpu.memory_space<hbm>>
        tpu.enqueue_indirect_dma source(%dma_start3A_1244 : memref<1000000x64xf32, #tpu.memory_space<hbm>>) target(%dma_start3A_1238 : memref<104x64xf32, #tpu.memory_space<vmem>>) offsets(%dma_start3A_1241 : memref<104xi32, #tpu.memory_space<vmem>>) semaphore(%arg13 : memref<!tpu.dma_semaphore, #tpu.memory_space<semaphore_mem>>)
        %dma_start3A_1245 = arith.constant 5 : i32
        %dma_start3A_1246 = arith.constant 104 : i32
        %dma_start3A_1247 = arith.constant 0 : i32
        %dma_start3A_1248 = tpu.memref_slice %arg6[%dma_start3A_1245, %dma_start3A_1246, %dma_start3A_1247] : memref<8x200x64xf32, #tpu.memory_space<vmem>> -> memref<1x96x64xf32, #tpu.memory_space<vmem>>
        %dma_start3A_1249 = tpu.memref_squeeze %dma_start3A_1248 : memref<1x96x64xf32, #tpu.memory_space<vmem>> -> memref<96x64xf32, #tpu.memory_space<vmem>>
        %dma_start3A_1250 = arith.constant 104 : i32
        %dma_start3A_1251 = tpu.memref_slice %arg5[%rem3A_1231, %rem3A_1233, %dma_start3A_1250] : memref<2x32x200xi32, #tpu.memory_space<vmem>> -> memref<1x1x96xi32, #tpu.memory_space<vmem>>
        %dma_start3A_1252 = tpu.memref_squeeze %dma_start3A_1251 : memref<1x1x96xi32, #tpu.memory_space<vmem>> -> memref<96xi32, #tpu.memory_space<vmem>>
        %dma_start3A_1253 = arith.constant 0 : i32
        %dma_start3A_1254 = arith.constant 0 : i32
        %dma_start3A_1255 = tpu.memref_slice %arg3[%dma_start3A_1253, %dma_start3A_1254] : memref<1000000x64xf32, #tpu.memory_space<hbm>> -> memref<1000000x64xf32, #tpu.memory_space<hbm>>
        tpu.enqueue_indirect_dma source(%dma_start3A_1255 : memref<1000000x64xf32, #tpu.memory_space<hbm>>) target(%dma_start3A_1249 : memref<96x64xf32, #tpu.memory_space<vmem>>) offsets(%dma_start3A_1252 : memref<96xi32, #tpu.memory_space<vmem>>) semaphore(%arg13 : memref<!tpu.dma_semaphore, #tpu.memory_space<semaphore_mem>>)
      } else {
      }
      %rem3A_925 = arith.constant 32 : i32
      %rem3A_926 = arith.remsi %add3A_870, %rem3A_925 : i32
      %eq3A_927 = arith.constant 0 : i32
      %eq3A_928 = arith.cmpi eq, %rem3A_926, %eq3A_927 : i32
      %gt3A_929 = arith.constant 0 : i32
      %gt3A_930 = arith.cmpi sgt, %add3A_870, %gt3A_929 : i32
      %and3A_931 = arith.andi %eq3A_928, %gt3A_930 : i1
      %lt3A_932 = arith.constant 480 : i32
      %lt3A_933 = arith.cmpi slt, %add3A_870, %lt3A_932 : i32
      %and3A_934 = arith.andi %and3A_931, %lt3A_933 : i1
      %convert_element_type3A_935 = arith.extui %and3A_934 : i1 to i32
      %cond3A_936 = arith.constant 0 : i32
      %cond3A_937 = arith.cmpi ne, %convert_element_type3A_935, %cond3A_936 : i32
      scf.if %cond3A_937 {
        %div3A_1228 = arith.constant 32 : i32
        %div3A_1229 = arith.divsi %add3A_870, %div3A_1228 : i32
        %add3A_1230 = arith.constant 1 : i32
        %add3A_1231 = arith.addi %div3A_1229, %add3A_1230 : i32
        %mul3A_1232 = arith.constant 32 : i32
        %mul3A_1233 = arith.muli %add3A_1231, %mul3A_1232 : i32
        %add3A_1234 = arith.addi %mul3A_2, %mul3A_1233 : i32
        %rem3A_1235 = arith.constant 2 : i32
        %rem3A_1236 = arith.remsi %add3A_1231, %rem3A_1235 : i32
        %dma_start3A_1237 = arith.constant 0 : i32
        %dma_start3A_1238 = arith.constant 0 : i32
        %dma_start3A_1239 = tpu.memref_slice %arg5[%rem3A_1236, %dma_start3A_1237, %dma_start3A_1238] : memref<2x32x200xi32, #tpu.memory_space<vmem>> -> memref<1x32x200xi32, #tpu.memory_space<vmem>>
        %dma_start3A_1240 = tpu.memref_squeeze %dma_start3A_1239 : memref<1x32x200xi32, #tpu.memory_space<vmem>> -> memref<32x200xi32, #tpu.memory_space<vmem>>
        %dma_start3A_1241 = arith.constant 0 : i32
        %dma_start3A_1242 = tpu.memref_slice %arg2[%add3A_1234, %dma_start3A_1241] : memref<16384x200xi32, #tpu.memory_space<hbm>> -> memref<32x200xi32, #tpu.memory_space<hbm>>
        %dma_start3A_1243 = arith.constant 0 : i32
        %dma_start3A_1244 = arith.constant 0 : i32
        %dma_start3A_1245 = tpu.memref_slice %arg5[%rem3A_1236, %dma_start3A_1243, %dma_start3A_1244] : memref<2x32x200xi32, #tpu.memory_space<vmem>> -> memref<1x32x200xi32, #tpu.memory_space<vmem>>
        %dma_start3A_1246 = tpu.memref_squeeze %dma_start3A_1245 : memref<1x32x200xi32, #tpu.memory_space<vmem>> -> memref<32x200xi32, #tpu.memory_space<vmem>>
        %dma_start3A_1247 = arith.constant 0 : i32
        %dma_start3A_1248 = tpu.memref_slice %arg2[%add3A_1234, %dma_start3A_1247] : memref<16384x200xi32, #tpu.memory_space<hbm>> -> memref<32x200xi32, #tpu.memory_space<hbm>>
        tpu.enqueue_dma source(%dma_start3A_1248 : memref<32x200xi32, #tpu.memory_space<hbm>>) target(%dma_start3A_1246 : memref<32x200xi32, #tpu.memory_space<vmem>>) target_semaphore(%arg16 : memref<!tpu.dma_semaphore, #tpu.memory_space<semaphore_mem>>)
      } else {
      }
      %div3A_938 = arith.constant 64 : i32
      %div3A_939 = arith.divsi %add3A_870, %div3A_938 : i32
      %rem3A_940 = arith.constant 2 : i32
      %rem3A_941 = arith.remsi %div3A_939, %rem3A_940 : i32
      %rem3A_942 = arith.constant 64 : i32
      %rem3A_943 = arith.remsi %add3A_870, %rem3A_942 : i32
      %mul3A_944 = arith.constant 5.000000e-03 : f32
      %mul3A_945 = vector.broadcast %mul3A_944 : f32 to vector<16xf32>
      %mul3A_946 = arith.mulf %scan3A_906#0, %mul3A_945 : vector<16xf32>
      %swap3A_947 = arith.index_cast %rem3A_941 : i32 to index
      %swap3A_948 = arith.index_cast %rem3A_943 : i32 to index
      %swap3A_949 = arith.constant 0 : index
      %swap3A_950 = tpu.vector_load %arg7[%swap3A_947, %swap3A_948, %swap3A_949] {strides = array<i32>} : memref<2x64x64xf32, #tpu.memory_space<vmem>>, vector<1x1x16xf32>,
      %swap3A_951 = vector.shape_cast %swap3A_950 : vector<1x1x16xf32> to vector<16xf32>
      %swap3A_952 = vector.shape_cast %mul3A_946 : vector<16xf32> to vector<1x1x16xf32>
      tpu.vector_store %arg7[%swap3A_947, %swap3A_948, %swap3A_949], %swap3A_952 {strides = array<i32>} : memref<2x64x64xf32, #tpu.memory_space<vmem>>, vector<1x1x16xf32>,
      %mul3A_953 = arith.constant 5.000000e-03 : f32
      %mul3A_954 = vector.broadcast %mul3A_953 : f32 to vector<16xf32>
      %mul3A_955 = arith.mulf %scan3A_906#1, %mul3A_954 : vector<16xf32>
      %swap3A_956 = arith.index_cast %rem3A_941 : i32 to index
      %swap3A_957 = arith.index_cast %rem3A_943 : i32 to index
      %swap3A_958 = arith.constant 16 : index
      %swap3A_959 = tpu.vector_load %arg7[%swap3A_956, %swap3A_957, %swap3A_958] {strides = array<i32>} : memref<2x64x64xf32, #tpu.memory_space<vmem>>, vector<1x1x16xf32>,
      %swap3A_960 = vector.shape_cast %swap3A_959 : vector<1x1x16xf32> to vector<16xf32>
      %swap3A_961 = vector.shape_cast %mul3A_955 : vector<16xf32> to vector<1x1x16xf32>
      tpu.vector_store %arg7[%swap3A_956, %swap3A_957, %swap3A_958], %swap3A_961 {strides = array<i32>} : memref<2x64x64xf32, #tpu.memory_space<vmem>>, vector<1x1x16xf32>,
      %mul3A_962 = arith.constant 5.000000e-03 : f32
      %mul3A_963 = vector.broadcast %mul3A_962 : f32 to vector<16xf32>
      %mul3A_964 = arith.mulf %scan3A_906#2, %mul3A_963 : vector<16xf32>
      %swap3A_965 = arith.index_cast %rem3A_941 : i32 to index
      %swap3A_966 = arith.index_cast %rem3A_943 : i32 to index
      %swap3A_967 = arith.constant 32 : index
      %swap3A_968 = tpu.vector_load %arg7[%swap3A_965, %swap3A_966, %swap3A_967] {strides = array<i32>} : memref<2x64x64xf32, #tpu.memory_space<vmem>>, vector<1x1x16xf32>,
      %swap3A_969 = vector.shape_cast %swap3A_968 : vector<1x1x16xf32> to vector<16xf32>
      %swap3A_970 = vector.shape_cast %mul3A_964 : vector<16xf32> to vector<1x1x16xf32>
      tpu.vector_store %arg7[%swap3A_965, %swap3A_966, %swap3A_967], %swap3A_970 {strides = array<i32>} : memref<2x64x64xf32, #tpu.memory_space<vmem>>, vector<1x1x16xf32>,
      %mul3A_971 = arith.constant 5.000000e-03 : f32
      %mul3A_972 = vector.broadcast %mul3A_971 : f32 to vector<16xf32>
      %mul3A_973 = arith.mulf %scan3A_906#3, %mul3A_972 : vector<16xf32>
      %swap3A_974 = arith.index_cast %rem3A_941 : i32 to index
      %swap3A_975 = arith.index_cast %rem3A_943 : i32 to index
      %swap3A_976 = arith.constant 48 : index
      %swap3A_977 = tpu.vector_load %arg7[%swap3A_974, %swap3A_975, %swap3A_976] {strides = array<i32>} : memref<2x64x64xf32, #tpu.memory_space<vmem>>, vector<1x1x16xf32>,
      %swap3A_978 = vector.shape_cast %swap3A_977 : vector<1x1x16xf32> to vector<16xf32>
      %swap3A_979 = vector.shape_cast %mul3A_973 : vector<16xf32> to vector<1x1x16xf32>
      tpu.vector_store %arg7[%swap3A_974, %swap3A_975, %swap3A_976], %swap3A_979 {strides = array<i32>} : memref<2x64x64xf32, #tpu.memory_space<vmem>>, vector<1x1x16xf32>,
      %rem3A_980 = arith.constant 64 : i32
      %rem3A_981 = arith.remsi %add3A_870, %rem3A_980 : i32
      %eq3A_982 = arith.constant 63 : i32
      %eq3A_983 = arith.cmpi eq, %rem3A_981, %eq3A_982 : i32
      %convert_element_type3A_984 = arith.extui %eq3A_983 : i1 to i32
      %cond3A_985 = arith.constant 0 : i32
      %cond3A_986 = arith.cmpi ne, %convert_element_type3A_984, %cond3A_985 : i32
      scf.if %cond3A_986 {
        %div3A_1228 = arith.constant 64 : i32
        %div3A_1229 = arith.divsi %add3A_870, %div3A_1228 : i32
        %gt3A_1230 = arith.constant 0 : i32
        %gt3A_1231 = arith.cmpi sgt, %div3A_1229, %gt3A_1230 : i32
        %convert_element_type3A_1232 = arith.extui %gt3A_1231 : i1 to i32
        %cond3A_1233 = arith.constant 0 : i32
        %cond3A_1234 = arith.cmpi ne, %convert_element_type3A_1232, %cond3A_1233 : i32
        scf.if %cond3A_1234 {
          %dma_wait3A_1250 = arith.constant 0 : i32
          %dma_wait3A_1251 = arith.constant 0 : i32
          %dma_wait3A_1252 = arith.constant 0 : i32
          %dma_wait3A_1253 = tpu.memref_slice %arg7[%dma_wait3A_1250, %dma_wait3A_1251, %dma_wait3A_1252] : memref<2x64x64xf32, #tpu.memory_space<vmem>> -> memref<1x64x64xf32, #tpu.memory_space<vmem>>
          %dma_wait3A_1254 = tpu.memref_squeeze %dma_wait3A_1253 : memref<1x64x64xf32, #tpu.memory_space<vmem>> -> memref<64x64xf32, #tpu.memory_space<vmem>>
          %dma_wait3A_1255 = arith.constant 0 : i32
          %dma_wait3A_1256 = tpu.memref_slice %arg4[%mul3A_2, %dma_wait3A_1255] : memref<16384x64xf32, #tpu.memory_space<hbm>> -> memref<64x64xf32, #tpu.memory_space<hbm>>
          %dma_wait3A_1257 = arith.constant 0 : i32
          %dma_wait3A_1258 = tpu.memref_slice %arg4[%mul3A_2, %dma_wait3A_1257] : memref<16384x64xf32, #tpu.memory_space<hbm>> -> memref<64x64xf32, #tpu.memory_space<hbm>>
          %dma_wait3A_1259 = arith.constant 0 : i32
          %dma_wait3A_1260 = arith.constant 0 : i32
          %dma_wait3A_1261 = tpu.memref_slice %arg7[%dma_wait3A_1250, %dma_wait3A_1259, %dma_wait3A_1260] : memref<2x64x64xf32, #tpu.memory_space<vmem>> -> memref<1x64x64xf32, #tpu.memory_space<vmem>>
          %dma_wait3A_1262 = tpu.memref_squeeze %dma_wait3A_1261 : memref<1x64x64xf32, #tpu.memory_space<vmem>> -> memref<64x64xf32, #tpu.memory_space<vmem>>
          tpu.wait_dma2 semaphore(%arg17 : memref<!tpu.dma_semaphore, #tpu.memory_space<semaphore_mem>>) src(%dma_wait3A_1262 : memref<64x64xf32, #tpu.memory_space<vmem>>) dst(%dma_wait3A_1258 : memref<64x64xf32, #tpu.memory_space<hbm>>)
        } else {
        }
        %mul3A_1235 = arith.constant 64 : i32
        %mul3A_1236 = arith.muli %div3A_1229, %mul3A_1235 : i32
        %add3A_1237 = arith.addi %mul3A_2, %mul3A_1236 : i32
        %dma_start3A_1238 = arith.constant 0 : i32
        %dma_start3A_1239 = arith.constant 0 : i32
        %dma_start3A_1240 = tpu.memref_slice %arg7[%rem3A_941, %dma_start3A_1238, %dma_start3A_1239] : memref<2x64x64xf32, #tpu.memory_space<vmem>> -> memref<1x64x64xf32, #tpu.memory_space<vmem>>
        %dma_start3A_1241 = tpu.memref_squeeze %dma_start3A_1240 : memref<1x64x64xf32, #tpu.memory_space<vmem>> -> memref<64x64xf32, #tpu.memory_space<vmem>>
        %dma_start3A_1242 = arith.constant 0 : i32
        %dma_start3A_1243 = tpu.memref_slice %arg4[%add3A_1237, %dma_start3A_1242] : memref<16384x64xf32, #tpu.memory_space<hbm>> -> memref<64x64xf32, #tpu.memory_space<hbm>>
        %dma_start3A_1244 = arith.constant 0 : i32
        %dma_start3A_1245 = tpu.memref_slice %arg4[%add3A_1237, %dma_start3A_1244] : memref<16384x64xf32, #tpu.memory_space<hbm>> -> memref<64x64xf32, #tpu.memory_space<hbm>>
        %dma_start3A_1246 = arith.constant 0 : i32
        %dma_start3A_1247 = arith.constant 0 : i32
        %dma_start3A_1248 = tpu.memref_slice %arg7[%rem3A_941, %dma_start3A_1246, %dma_start3A_1247] : memref<2x64x64xf32, #tpu.memory_space<vmem>> -> memref<1x64x64xf32, #tpu.memory_space<vmem>>
        %dma_start3A_1249 = tpu.memref_squeeze %dma_start3A_1248 : memref<1x64x64xf32, #tpu.memory_space<vmem>> -> memref<64x64xf32, #tpu.memory_space<vmem>>
        tpu.enqueue_dma source(%dma_start3A_1249 : memref<64x64xf32, #tpu.memory_space<vmem>>) target(%dma_start3A_1245 : memref<64x64xf32, #tpu.memory_space<hbm>>) target_semaphore(%arg17 : memref<!tpu.dma_semaphore, #tpu.memory_space<semaphore_mem>>)
      } else {
      }
      %mul3A_987 = arith.constant 8 : i32
      %mul3A_988 = arith.muli %scan3A_273, %mul3A_987 : i32
      %add3A_989 = arith.constant 6 : i32
      %add3A_990 = arith.addi %mul3A_988, %add3A_989 : i32
      %div3A_991 = arith.constant 32 : i32
      %div3A_992 = arith.divsi %add3A_990, %div3A_991 : i32
      %rem3A_993 = arith.constant 2 : i32
      %rem3A_994 = arith.remsi %div3A_992, %rem3A_993 : i32
      %rem3A_995 = arith.constant 32 : i32
      %rem3A_996 = arith.remsi %add3A_990, %rem3A_995 : i32
      %dma_wait3A_997 = arith.constant 6 : i32
      %dma_wait3A_998 = arith.constant 0 : i32
      %dma_wait3A_999 = arith.constant 0 : i32
      %dma_wait3A_1000 = tpu.memref_slice %arg6[%dma_wait3A_997, %dma_wait3A_998, %dma_wait3A_999] : memref<8x200x64xf32, #tpu.memory_space<vmem>> -> memref<1x104x64xf32, #tpu.memory_space<vmem>>
      %dma_wait3A_1001 = tpu.memref_squeeze %dma_wait3A_1000 : memref<1x104x64xf32, #tpu.memory_space<vmem>> -> memref<104x64xf32, #tpu.memory_space<vmem>>
      %dma_wait3A_1002 = arith.constant 0 : i32
      %dma_wait3A_1003 = tpu.memref_slice %arg5[%rem3A_994, %rem3A_996, %dma_wait3A_1002] : memref<2x32x200xi32, #tpu.memory_space<vmem>> -> memref<1x1x104xi32, #tpu.memory_space<vmem>>
      %dma_wait3A_1004 = tpu.memref_squeeze %dma_wait3A_1003 : memref<1x1x104xi32, #tpu.memory_space<vmem>> -> memref<104xi32, #tpu.memory_space<vmem>>
      %dma_wait3A_1005 = arith.constant 0 : i32
      %dma_wait3A_1006 = arith.constant 0 : i32
      %dma_wait3A_1007 = tpu.memref_slice %arg3[%dma_wait3A_1005, %dma_wait3A_1006] : memref<1000000x64xf32, #tpu.memory_space<hbm>> -> memref<1000000x64xf32, #tpu.memory_space<hbm>>
      tpu.wait_indirect_dma semaphore(%arg14 : memref<!tpu.dma_semaphore, #tpu.memory_space<semaphore_mem>>) src(%dma_wait3A_1007 : memref<1000000x64xf32, #tpu.memory_space<hbm>>) dst(%dma_wait3A_1001 : memref<104x64xf32, #tpu.memory_space<vmem>>)
      %dma_wait3A_1008 = arith.constant 6 : i32
      %dma_wait3A_1009 = arith.constant 104 : i32
      %dma_wait3A_1010 = arith.constant 0 : i32
      %dma_wait3A_1011 = tpu.memref_slice %arg6[%dma_wait3A_1008, %dma_wait3A_1009, %dma_wait3A_1010] : memref<8x200x64xf32, #tpu.memory_space<vmem>> -> memref<1x96x64xf32, #tpu.memory_space<vmem>>
      %dma_wait3A_1012 = tpu.memref_squeeze %dma_wait3A_1011 : memref<1x96x64xf32, #tpu.memory_space<vmem>> -> memref<96x64xf32, #tpu.memory_space<vmem>>
      %dma_wait3A_1013 = arith.constant 104 : i32
      %dma_wait3A_1014 = tpu.memref_slice %arg5[%rem3A_994, %rem3A_996, %dma_wait3A_1013] : memref<2x32x200xi32, #tpu.memory_space<vmem>> -> memref<1x1x96xi32, #tpu.memory_space<vmem>>
      %dma_wait3A_1015 = tpu.memref_squeeze %dma_wait3A_1014 : memref<1x1x96xi32, #tpu.memory_space<vmem>> -> memref<96xi32, #tpu.memory_space<vmem>>
      %dma_wait3A_1016 = arith.constant 0 : i32
      %dma_wait3A_1017 = arith.constant 0 : i32
      %dma_wait3A_1018 = tpu.memref_slice %arg3[%dma_wait3A_1016, %dma_wait3A_1017] : memref<1000000x64xf32, #tpu.memory_space<hbm>> -> memref<1000000x64xf32, #tpu.memory_space<hbm>>
      tpu.wait_indirect_dma semaphore(%arg14 : memref<!tpu.dma_semaphore, #tpu.memory_space<semaphore_mem>>) src(%dma_wait3A_1018 : memref<1000000x64xf32, #tpu.memory_space<hbm>>) dst(%dma_wait3A_1012 : memref<96x64xf32, #tpu.memory_space<vmem>>)
      %broadcast_in_dim3A_1019 = arith.constant 0.000000e+00 : f32
      %broadcast_in_dim3A_1020 = vector.broadcast %broadcast_in_dim3A_1019 : f32 to vector<16xf32>
      %scan3A_1021 = arith.constant 6 : i32
      %scan3A_1022 = arith.constant 0 : i32
      %scan3A_1023 = arith.constant 200 : i32
      %scan3A_1024 = arith.addi %scan3A_1022, %scan3A_1023 : i32
      %scan3A_1025 = arith.constant 8 : i32
      %scan3A_1026:4 = scf.for %scan3A_1228 = %scan3A_1022 to %scan3A_1024 step %scan3A_1025 iter_args(%scan3A_1229 = %broadcast_in_dim3A_1020, %scan3A_1230 = %broadcast_in_dim3A_1020, %scan3A_1231 = %broadcast_in_dim3A_1020, %scan3A_1232 = %broadcast_in_dim3A_1020) -> (vector<16xf32>, vector<16xf32>, vector<16xf32>, vector<16xf32>)  : i32 {
        %get3A = arith.constant 0 : i32
        %get3A_1233 = arith.constant 0 : i32
        %get3A_1234 = tpu.memref_slice %arg6[%scan3A_1021, %get3A, %get3A_1233] : memref<8x200x64xf32, #tpu.memory_space<vmem>> -> memref<1x200x64xf32, #tpu.memory_space<vmem>>
        %get3A_1235 = tpu.memref_squeeze %get3A_1234 : memref<1x200x64xf32, #tpu.memory_space<vmem>> -> memref<200x64xf32, #tpu.memory_space<vmem>>
        %get3A_1236 = arith.index_cast %scan3A_1228 : i32 to index
        %get3A_1237 = arith.constant 0 : index
        %get3A_1238 = tpu.vector_load %get3A_1235[%get3A_1236, %get3A_1237] {strides = array<i32>} : memref<200x64xf32, #tpu.memory_space<vmem>>, vector<1x16xf32>,
        %get3A_1239 = vector.shape_cast %get3A_1238 : vector<1x16xf32> to vector<16xf32>
        %add3A_1240 = arith.addf %scan3A_1229, %get3A_1239 : vector<16xf32>
        %get3A_1241 = arith.constant 0 : i32
        %get3A_1242 = arith.constant 0 : i32
        %get3A_1243 = tpu.memref_slice %arg6[%scan3A_1021, %get3A_1241, %get3A_1242] : memref<8x200x64xf32, #tpu.memory_space<vmem>> -> memref<1x200x64xf32, #tpu.memory_space<vmem>>
        %get3A_1244 = tpu.memref_squeeze %get3A_1243 : memref<1x200x64xf32, #tpu.memory_space<vmem>> -> memref<200x64xf32, #tpu.memory_space<vmem>>
        %get3A_1245 = arith.index_cast %scan3A_1228 : i32 to index
        %get3A_1246 = arith.constant 16 : index
        %get3A_1247 = tpu.vector_load %get3A_1244[%get3A_1245, %get3A_1246] {strides = array<i32>} : memref<200x64xf32, #tpu.memory_space<vmem>>, vector<1x16xf32>,
        %get3A_1248 = vector.shape_cast %get3A_1247 : vector<1x16xf32> to vector<16xf32>
        %add3A_1249 = arith.addf %scan3A_1230, %get3A_1248 : vector<16xf32>
        %get3A_1250 = arith.constant 0 : i32
        %get3A_1251 = arith.constant 0 : i32
        %get3A_1252 = tpu.memref_slice %arg6[%scan3A_1021, %get3A_1250, %get3A_1251] : memref<8x200x64xf32, #tpu.memory_space<vmem>> -> memref<1x200x64xf32, #tpu.memory_space<vmem>>
        %get3A_1253 = tpu.memref_squeeze %get3A_1252 : memref<1x200x64xf32, #tpu.memory_space<vmem>> -> memref<200x64xf32, #tpu.memory_space<vmem>>
        %get3A_1254 = arith.index_cast %scan3A_1228 : i32 to index
        %get3A_1255 = arith.constant 32 : index
        %get3A_1256 = tpu.vector_load %get3A_1253[%get3A_1254, %get3A_1255] {strides = array<i32>} : memref<200x64xf32, #tpu.memory_space<vmem>>, vector<1x16xf32>,
        %get3A_1257 = vector.shape_cast %get3A_1256 : vector<1x16xf32> to vector<16xf32>
        %add3A_1258 = arith.addf %scan3A_1231, %get3A_1257 : vector<16xf32>
        %get3A_1259 = arith.constant 0 : i32
        %get3A_1260 = arith.constant 0 : i32
        %get3A_1261 = tpu.memref_slice %arg6[%scan3A_1021, %get3A_1259, %get3A_1260] : memref<8x200x64xf32, #tpu.memory_space<vmem>> -> memref<1x200x64xf32, #tpu.memory_space<vmem>>
        %get3A_1262 = tpu.memref_squeeze %get3A_1261 : memref<1x200x64xf32, #tpu.memory_space<vmem>> -> memref<200x64xf32, #tpu.memory_space<vmem>>
        %get3A_1263 = arith.index_cast %scan3A_1228 : i32 to index
        %get3A_1264 = arith.constant 48 : index
        %get3A_1265 = tpu.vector_load %get3A_1262[%get3A_1263, %get3A_1264] {strides = array<i32>} : memref<200x64xf32, #tpu.memory_space<vmem>>, vector<1x16xf32>,
        %get3A_1266 = vector.shape_cast %get3A_1265 : vector<1x16xf32> to vector<16xf32>
        %add3A_1267 = arith.addf %scan3A_1232, %get3A_1266 : vector<16xf32>
        %scan3A_1268 = arith.constant 1 : i32
        %scan3A_1269 = arith.addi %scan3A_1228, %scan3A_1268 : i32
        %get3A_1270 = arith.constant 0 : i32
        %get3A_1271 = arith.constant 0 : i32
        %get3A_1272 = tpu.memref_slice %arg6[%scan3A_1021, %get3A_1270, %get3A_1271] : memref<8x200x64xf32, #tpu.memory_space<vmem>> -> memref<1x200x64xf32, #tpu.memory_space<vmem>>
        %get3A_1273 = tpu.memref_squeeze %get3A_1272 : memref<1x200x64xf32, #tpu.memory_space<vmem>> -> memref<200x64xf32, #tpu.memory_space<vmem>>
        %get3A_1274 = arith.index_cast %scan3A_1269 : i32 to index
        %get3A_1275 = arith.constant 0 : index
        %get3A_1276 = tpu.vector_load %get3A_1273[%get3A_1274, %get3A_1275] {strides = array<i32>} : memref<200x64xf32, #tpu.memory_space<vmem>>, vector<1x16xf32>,
        %get3A_1277 = vector.shape_cast %get3A_1276 : vector<1x16xf32> to vector<16xf32>
        %add3A_1278 = arith.addf %add3A_1240, %get3A_1277 : vector<16xf32>
        %get3A_1279 = arith.constant 0 : i32
        %get3A_1280 = arith.constant 0 : i32
        %get3A_1281 = tpu.memref_slice %arg6[%scan3A_1021, %get3A_1279, %get3A_1280] : memref<8x200x64xf32, #tpu.memory_space<vmem>> -> memref<1x200x64xf32, #tpu.memory_space<vmem>>
        %get3A_1282 = tpu.memref_squeeze %get3A_1281 : memref<1x200x64xf32, #tpu.memory_space<vmem>> -> memref<200x64xf32, #tpu.memory_space<vmem>>
        %get3A_1283 = arith.index_cast %scan3A_1269 : i32 to index
        %get3A_1284 = arith.constant 16 : index
        %get3A_1285 = tpu.vector_load %get3A_1282[%get3A_1283, %get3A_1284] {strides = array<i32>} : memref<200x64xf32, #tpu.memory_space<vmem>>, vector<1x16xf32>,
        %get3A_1286 = vector.shape_cast %get3A_1285 : vector<1x16xf32> to vector<16xf32>
        %add3A_1287 = arith.addf %add3A_1249, %get3A_1286 : vector<16xf32>
        %get3A_1288 = arith.constant 0 : i32
        %get3A_1289 = arith.constant 0 : i32
        %get3A_1290 = tpu.memref_slice %arg6[%scan3A_1021, %get3A_1288, %get3A_1289] : memref<8x200x64xf32, #tpu.memory_space<vmem>> -> memref<1x200x64xf32, #tpu.memory_space<vmem>>
        %get3A_1291 = tpu.memref_squeeze %get3A_1290 : memref<1x200x64xf32, #tpu.memory_space<vmem>> -> memref<200x64xf32, #tpu.memory_space<vmem>>
        %get3A_1292 = arith.index_cast %scan3A_1269 : i32 to index
        %get3A_1293 = arith.constant 32 : index
        %get3A_1294 = tpu.vector_load %get3A_1291[%get3A_1292, %get3A_1293] {strides = array<i32>} : memref<200x64xf32, #tpu.memory_space<vmem>>, vector<1x16xf32>,
        %get3A_1295 = vector.shape_cast %get3A_1294 : vector<1x16xf32> to vector<16xf32>
        %add3A_1296 = arith.addf %add3A_1258, %get3A_1295 : vector<16xf32>
        %get3A_1297 = arith.constant 0 : i32
        %get3A_1298 = arith.constant 0 : i32
        %get3A_1299 = tpu.memref_slice %arg6[%scan3A_1021, %get3A_1297, %get3A_1298] : memref<8x200x64xf32, #tpu.memory_space<vmem>> -> memref<1x200x64xf32, #tpu.memory_space<vmem>>
        %get3A_1300 = tpu.memref_squeeze %get3A_1299 : memref<1x200x64xf32, #tpu.memory_space<vmem>> -> memref<200x64xf32, #tpu.memory_space<vmem>>
        %get3A_1301 = arith.index_cast %scan3A_1269 : i32 to index
        %get3A_1302 = arith.constant 48 : index
        %get3A_1303 = tpu.vector_load %get3A_1300[%get3A_1301, %get3A_1302] {strides = array<i32>} : memref<200x64xf32, #tpu.memory_space<vmem>>, vector<1x16xf32>,
        %get3A_1304 = vector.shape_cast %get3A_1303 : vector<1x16xf32> to vector<16xf32>
        %add3A_1305 = arith.addf %add3A_1267, %get3A_1304 : vector<16xf32>
        %scan3A_1306 = arith.constant 2 : i32
        %scan3A_1307 = arith.addi %scan3A_1228, %scan3A_1306 : i32
        %get3A_1308 = arith.constant 0 : i32
        %get3A_1309 = arith.constant 0 : i32
        %get3A_1310 = tpu.memref_slice %arg6[%scan3A_1021, %get3A_1308, %get3A_1309] : memref<8x200x64xf32, #tpu.memory_space<vmem>> -> memref<1x200x64xf32, #tpu.memory_space<vmem>>
        %get3A_1311 = tpu.memref_squeeze %get3A_1310 : memref<1x200x64xf32, #tpu.memory_space<vmem>> -> memref<200x64xf32, #tpu.memory_space<vmem>>
        %get3A_1312 = arith.index_cast %scan3A_1307 : i32 to index
        %get3A_1313 = arith.constant 0 : index
        %get3A_1314 = tpu.vector_load %get3A_1311[%get3A_1312, %get3A_1313] {strides = array<i32>} : memref<200x64xf32, #tpu.memory_space<vmem>>, vector<1x16xf32>,
        %get3A_1315 = vector.shape_cast %get3A_1314 : vector<1x16xf32> to vector<16xf32>
        %add3A_1316 = arith.addf %add3A_1278, %get3A_1315 : vector<16xf32>
        %get3A_1317 = arith.constant 0 : i32
        %get3A_1318 = arith.constant 0 : i32
        %get3A_1319 = tpu.memref_slice %arg6[%scan3A_1021, %get3A_1317, %get3A_1318] : memref<8x200x64xf32, #tpu.memory_space<vmem>> -> memref<1x200x64xf32, #tpu.memory_space<vmem>>
        %get3A_1320 = tpu.memref_squeeze %get3A_1319 : memref<1x200x64xf32, #tpu.memory_space<vmem>> -> memref<200x64xf32, #tpu.memory_space<vmem>>
        %get3A_1321 = arith.index_cast %scan3A_1307 : i32 to index
        %get3A_1322 = arith.constant 16 : index
        %get3A_1323 = tpu.vector_load %get3A_1320[%get3A_1321, %get3A_1322] {strides = array<i32>} : memref<200x64xf32, #tpu.memory_space<vmem>>, vector<1x16xf32>,
        %get3A_1324 = vector.shape_cast %get3A_1323 : vector<1x16xf32> to vector<16xf32>
        %add3A_1325 = arith.addf %add3A_1287, %get3A_1324 : vector<16xf32>
        %get3A_1326 = arith.constant 0 : i32
        %get3A_1327 = arith.constant 0 : i32
        %get3A_1328 = tpu.memref_slice %arg6[%scan3A_1021, %get3A_1326, %get3A_1327] : memref<8x200x64xf32, #tpu.memory_space<vmem>> -> memref<1x200x64xf32, #tpu.memory_space<vmem>>
        %get3A_1329 = tpu.memref_squeeze %get3A_1328 : memref<1x200x64xf32, #tpu.memory_space<vmem>> -> memref<200x64xf32, #tpu.memory_space<vmem>>
        %get3A_1330 = arith.index_cast %scan3A_1307 : i32 to index
        %get3A_1331 = arith.constant 32 : index
        %get3A_1332 = tpu.vector_load %get3A_1329[%get3A_1330, %get3A_1331] {strides = array<i32>} : memref<200x64xf32, #tpu.memory_space<vmem>>, vector<1x16xf32>,
        %get3A_1333 = vector.shape_cast %get3A_1332 : vector<1x16xf32> to vector<16xf32>
        %add3A_1334 = arith.addf %add3A_1296, %get3A_1333 : vector<16xf32>
        %get3A_1335 = arith.constant 0 : i32
        %get3A_1336 = arith.constant 0 : i32
        %get3A_1337 = tpu.memref_slice %arg6[%scan3A_1021, %get3A_1335, %get3A_1336] : memref<8x200x64xf32, #tpu.memory_space<vmem>> -> memref<1x200x64xf32, #tpu.memory_space<vmem>>
        %get3A_1338 = tpu.memref_squeeze %get3A_1337 : memref<1x200x64xf32, #tpu.memory_space<vmem>> -> memref<200x64xf32, #tpu.memory_space<vmem>>
        %get3A_1339 = arith.index_cast %scan3A_1307 : i32 to index
        %get3A_1340 = arith.constant 48 : index
        %get3A_1341 = tpu.vector_load %get3A_1338[%get3A_1339, %get3A_1340] {strides = array<i32>} : memref<200x64xf32, #tpu.memory_space<vmem>>, vector<1x16xf32>,
        %get3A_1342 = vector.shape_cast %get3A_1341 : vector<1x16xf32> to vector<16xf32>
        %add3A_1343 = arith.addf %add3A_1305, %get3A_1342 : vector<16xf32>
        %scan3A_1344 = arith.constant 3 : i32
        %scan3A_1345 = arith.addi %scan3A_1228, %scan3A_1344 : i32
        %get3A_1346 = arith.constant 0 : i32
        %get3A_1347 = arith.constant 0 : i32
        %get3A_1348 = tpu.memref_slice %arg6[%scan3A_1021, %get3A_1346, %get3A_1347] : memref<8x200x64xf32, #tpu.memory_space<vmem>> -> memref<1x200x64xf32, #tpu.memory_space<vmem>>
        %get3A_1349 = tpu.memref_squeeze %get3A_1348 : memref<1x200x64xf32, #tpu.memory_space<vmem>> -> memref<200x64xf32, #tpu.memory_space<vmem>>
        %get3A_1350 = arith.index_cast %scan3A_1345 : i32 to index
        %get3A_1351 = arith.constant 0 : index
        %get3A_1352 = tpu.vector_load %get3A_1349[%get3A_1350, %get3A_1351] {strides = array<i32>} : memref<200x64xf32, #tpu.memory_space<vmem>>, vector<1x16xf32>,
        %get3A_1353 = vector.shape_cast %get3A_1352 : vector<1x16xf32> to vector<16xf32>
        %add3A_1354 = arith.addf %add3A_1316, %get3A_1353 : vector<16xf32>
        %get3A_1355 = arith.constant 0 : i32
        %get3A_1356 = arith.constant 0 : i32
        %get3A_1357 = tpu.memref_slice %arg6[%scan3A_1021, %get3A_1355, %get3A_1356] : memref<8x200x64xf32, #tpu.memory_space<vmem>> -> memref<1x200x64xf32, #tpu.memory_space<vmem>>
        %get3A_1358 = tpu.memref_squeeze %get3A_1357 : memref<1x200x64xf32, #tpu.memory_space<vmem>> -> memref<200x64xf32, #tpu.memory_space<vmem>>
        %get3A_1359 = arith.index_cast %scan3A_1345 : i32 to index
        %get3A_1360 = arith.constant 16 : index
        %get3A_1361 = tpu.vector_load %get3A_1358[%get3A_1359, %get3A_1360] {strides = array<i32>} : memref<200x64xf32, #tpu.memory_space<vmem>>, vector<1x16xf32>,
        %get3A_1362 = vector.shape_cast %get3A_1361 : vector<1x16xf32> to vector<16xf32>
        %add3A_1363 = arith.addf %add3A_1325, %get3A_1362 : vector<16xf32>
        %get3A_1364 = arith.constant 0 : i32
        %get3A_1365 = arith.constant 0 : i32
        %get3A_1366 = tpu.memref_slice %arg6[%scan3A_1021, %get3A_1364, %get3A_1365] : memref<8x200x64xf32, #tpu.memory_space<vmem>> -> memref<1x200x64xf32, #tpu.memory_space<vmem>>
        %get3A_1367 = tpu.memref_squeeze %get3A_1366 : memref<1x200x64xf32, #tpu.memory_space<vmem>> -> memref<200x64xf32, #tpu.memory_space<vmem>>
        %get3A_1368 = arith.index_cast %scan3A_1345 : i32 to index
        %get3A_1369 = arith.constant 32 : index
        %get3A_1370 = tpu.vector_load %get3A_1367[%get3A_1368, %get3A_1369] {strides = array<i32>} : memref<200x64xf32, #tpu.memory_space<vmem>>, vector<1x16xf32>,
        %get3A_1371 = vector.shape_cast %get3A_1370 : vector<1x16xf32> to vector<16xf32>
        %add3A_1372 = arith.addf %add3A_1334, %get3A_1371 : vector<16xf32>
        %get3A_1373 = arith.constant 0 : i32
        %get3A_1374 = arith.constant 0 : i32
        %get3A_1375 = tpu.memref_slice %arg6[%scan3A_1021, %get3A_1373, %get3A_1374] : memref<8x200x64xf32, #tpu.memory_space<vmem>> -> memref<1x200x64xf32, #tpu.memory_space<vmem>>
        %get3A_1376 = tpu.memref_squeeze %get3A_1375 : memref<1x200x64xf32, #tpu.memory_space<vmem>> -> memref<200x64xf32, #tpu.memory_space<vmem>>
        %get3A_1377 = arith.index_cast %scan3A_1345 : i32 to index
        %get3A_1378 = arith.constant 48 : index
        %get3A_1379 = tpu.vector_load %get3A_1376[%get3A_1377, %get3A_1378] {strides = array<i32>} : memref<200x64xf32, #tpu.memory_space<vmem>>, vector<1x16xf32>,
        %get3A_1380 = vector.shape_cast %get3A_1379 : vector<1x16xf32> to vector<16xf32>
        %add3A_1381 = arith.addf %add3A_1343, %get3A_1380 : vector<16xf32>
        %scan3A_1382 = arith.constant 4 : i32
        %scan3A_1383 = arith.addi %scan3A_1228, %scan3A_1382 : i32
        %get3A_1384 = arith.constant 0 : i32
        %get3A_1385 = arith.constant 0 : i32
        %get3A_1386 = tpu.memref_slice %arg6[%scan3A_1021, %get3A_1384, %get3A_1385] : memref<8x200x64xf32, #tpu.memory_space<vmem>> -> memref<1x200x64xf32, #tpu.memory_space<vmem>>
        %get3A_1387 = tpu.memref_squeeze %get3A_1386 : memref<1x200x64xf32, #tpu.memory_space<vmem>> -> memref<200x64xf32, #tpu.memory_space<vmem>>
        %get3A_1388 = arith.index_cast %scan3A_1383 : i32 to index
        %get3A_1389 = arith.constant 0 : index
        %get3A_1390 = tpu.vector_load %get3A_1387[%get3A_1388, %get3A_1389] {strides = array<i32>} : memref<200x64xf32, #tpu.memory_space<vmem>>, vector<1x16xf32>,
        %get3A_1391 = vector.shape_cast %get3A_1390 : vector<1x16xf32> to vector<16xf32>
        %add3A_1392 = arith.addf %add3A_1354, %get3A_1391 : vector<16xf32>
        %get3A_1393 = arith.constant 0 : i32
        %get3A_1394 = arith.constant 0 : i32
        %get3A_1395 = tpu.memref_slice %arg6[%scan3A_1021, %get3A_1393, %get3A_1394] : memref<8x200x64xf32, #tpu.memory_space<vmem>> -> memref<1x200x64xf32, #tpu.memory_space<vmem>>
        %get3A_1396 = tpu.memref_squeeze %get3A_1395 : memref<1x200x64xf32, #tpu.memory_space<vmem>> -> memref<200x64xf32, #tpu.memory_space<vmem>>
        %get3A_1397 = arith.index_cast %scan3A_1383 : i32 to index
        %get3A_1398 = arith.constant 16 : index
        %get3A_1399 = tpu.vector_load %get3A_1396[%get3A_1397, %get3A_1398] {strides = array<i32>} : memref<200x64xf32, #tpu.memory_space<vmem>>, vector<1x16xf32>,
        %get3A_1400 = vector.shape_cast %get3A_1399 : vector<1x16xf32> to vector<16xf32>
        %add3A_1401 = arith.addf %add3A_1363, %get3A_1400 : vector<16xf32>
        %get3A_1402 = arith.constant 0 : i32
        %get3A_1403 = arith.constant 0 : i32
        %get3A_1404 = tpu.memref_slice %arg6[%scan3A_1021, %get3A_1402, %get3A_1403] : memref<8x200x64xf32, #tpu.memory_space<vmem>> -> memref<1x200x64xf32, #tpu.memory_space<vmem>>
        %get3A_1405 = tpu.memref_squeeze %get3A_1404 : memref<1x200x64xf32, #tpu.memory_space<vmem>> -> memref<200x64xf32, #tpu.memory_space<vmem>>
        %get3A_1406 = arith.index_cast %scan3A_1383 : i32 to index
        %get3A_1407 = arith.constant 32 : index
        %get3A_1408 = tpu.vector_load %get3A_1405[%get3A_1406, %get3A_1407] {strides = array<i32>} : memref<200x64xf32, #tpu.memory_space<vmem>>, vector<1x16xf32>,
        %get3A_1409 = vector.shape_cast %get3A_1408 : vector<1x16xf32> to vector<16xf32>
        %add3A_1410 = arith.addf %add3A_1372, %get3A_1409 : vector<16xf32>
        %get3A_1411 = arith.constant 0 : i32
        %get3A_1412 = arith.constant 0 : i32
        %get3A_1413 = tpu.memref_slice %arg6[%scan3A_1021, %get3A_1411, %get3A_1412] : memref<8x200x64xf32, #tpu.memory_space<vmem>> -> memref<1x200x64xf32, #tpu.memory_space<vmem>>
        %get3A_1414 = tpu.memref_squeeze %get3A_1413 : memref<1x200x64xf32, #tpu.memory_space<vmem>> -> memref<200x64xf32, #tpu.memory_space<vmem>>
        %get3A_1415 = arith.index_cast %scan3A_1383 : i32 to index
        %get3A_1416 = arith.constant 48 : index
        %get3A_1417 = tpu.vector_load %get3A_1414[%get3A_1415, %get3A_1416] {strides = array<i32>} : memref<200x64xf32, #tpu.memory_space<vmem>>, vector<1x16xf32>,
        %get3A_1418 = vector.shape_cast %get3A_1417 : vector<1x16xf32> to vector<16xf32>
        %add3A_1419 = arith.addf %add3A_1381, %get3A_1418 : vector<16xf32>
        %scan3A_1420 = arith.constant 5 : i32
        %scan3A_1421 = arith.addi %scan3A_1228, %scan3A_1420 : i32
        %get3A_1422 = arith.constant 0 : i32
        %get3A_1423 = arith.constant 0 : i32
        %get3A_1424 = tpu.memref_slice %arg6[%scan3A_1021, %get3A_1422, %get3A_1423] : memref<8x200x64xf32, #tpu.memory_space<vmem>> -> memref<1x200x64xf32, #tpu.memory_space<vmem>>
        %get3A_1425 = tpu.memref_squeeze %get3A_1424 : memref<1x200x64xf32, #tpu.memory_space<vmem>> -> memref<200x64xf32, #tpu.memory_space<vmem>>
        %get3A_1426 = arith.index_cast %scan3A_1421 : i32 to index
        %get3A_1427 = arith.constant 0 : index
        %get3A_1428 = tpu.vector_load %get3A_1425[%get3A_1426, %get3A_1427] {strides = array<i32>} : memref<200x64xf32, #tpu.memory_space<vmem>>, vector<1x16xf32>,
        %get3A_1429 = vector.shape_cast %get3A_1428 : vector<1x16xf32> to vector<16xf32>
        %add3A_1430 = arith.addf %add3A_1392, %get3A_1429 : vector<16xf32>
        %get3A_1431 = arith.constant 0 : i32
        %get3A_1432 = arith.constant 0 : i32
        %get3A_1433 = tpu.memref_slice %arg6[%scan3A_1021, %get3A_1431, %get3A_1432] : memref<8x200x64xf32, #tpu.memory_space<vmem>> -> memref<1x200x64xf32, #tpu.memory_space<vmem>>
        %get3A_1434 = tpu.memref_squeeze %get3A_1433 : memref<1x200x64xf32, #tpu.memory_space<vmem>> -> memref<200x64xf32, #tpu.memory_space<vmem>>
        %get3A_1435 = arith.index_cast %scan3A_1421 : i32 to index
        %get3A_1436 = arith.constant 16 : index
        %get3A_1437 = tpu.vector_load %get3A_1434[%get3A_1435, %get3A_1436] {strides = array<i32>} : memref<200x64xf32, #tpu.memory_space<vmem>>, vector<1x16xf32>,
        %get3A_1438 = vector.shape_cast %get3A_1437 : vector<1x16xf32> to vector<16xf32>
        %add3A_1439 = arith.addf %add3A_1401, %get3A_1438 : vector<16xf32>
        %get3A_1440 = arith.constant 0 : i32
        %get3A_1441 = arith.constant 0 : i32
        %get3A_1442 = tpu.memref_slice %arg6[%scan3A_1021, %get3A_1440, %get3A_1441] : memref<8x200x64xf32, #tpu.memory_space<vmem>> -> memref<1x200x64xf32, #tpu.memory_space<vmem>>
        %get3A_1443 = tpu.memref_squeeze %get3A_1442 : memref<1x200x64xf32, #tpu.memory_space<vmem>> -> memref<200x64xf32, #tpu.memory_space<vmem>>
        %get3A_1444 = arith.index_cast %scan3A_1421 : i32 to index
        %get3A_1445 = arith.constant 32 : index
        %get3A_1446 = tpu.vector_load %get3A_1443[%get3A_1444, %get3A_1445] {strides = array<i32>} : memref<200x64xf32, #tpu.memory_space<vmem>>, vector<1x16xf32>,
        %get3A_1447 = vector.shape_cast %get3A_1446 : vector<1x16xf32> to vector<16xf32>
        %add3A_1448 = arith.addf %add3A_1410, %get3A_1447 : vector<16xf32>
        %get3A_1449 = arith.constant 0 : i32
        %get3A_1450 = arith.constant 0 : i32
        %get3A_1451 = tpu.memref_slice %arg6[%scan3A_1021, %get3A_1449, %get3A_1450] : memref<8x200x64xf32, #tpu.memory_space<vmem>> -> memref<1x200x64xf32, #tpu.memory_space<vmem>>
        %get3A_1452 = tpu.memref_squeeze %get3A_1451 : memref<1x200x64xf32, #tpu.memory_space<vmem>> -> memref<200x64xf32, #tpu.memory_space<vmem>>
        %get3A_1453 = arith.index_cast %scan3A_1421 : i32 to index
        %get3A_1454 = arith.constant 48 : index
        %get3A_1455 = tpu.vector_load %get3A_1452[%get3A_1453, %get3A_1454] {strides = array<i32>} : memref<200x64xf32, #tpu.memory_space<vmem>>, vector<1x16xf32>,
        %get3A_1456 = vector.shape_cast %get3A_1455 : vector<1x16xf32> to vector<16xf32>
        %add3A_1457 = arith.addf %add3A_1419, %get3A_1456 : vector<16xf32>
        %scan3A_1458 = arith.constant 6 : i32
        %scan3A_1459 = arith.addi %scan3A_1228, %scan3A_1458 : i32
        %get3A_1460 = arith.constant 0 : i32
        %get3A_1461 = arith.constant 0 : i32
        %get3A_1462 = tpu.memref_slice %arg6[%scan3A_1021, %get3A_1460, %get3A_1461] : memref<8x200x64xf32, #tpu.memory_space<vmem>> -> memref<1x200x64xf32, #tpu.memory_space<vmem>>
        %get3A_1463 = tpu.memref_squeeze %get3A_1462 : memref<1x200x64xf32, #tpu.memory_space<vmem>> -> memref<200x64xf32, #tpu.memory_space<vmem>>
        %get3A_1464 = arith.index_cast %scan3A_1459 : i32 to index
        %get3A_1465 = arith.constant 0 : index
        %get3A_1466 = tpu.vector_load %get3A_1463[%get3A_1464, %get3A_1465] {strides = array<i32>} : memref<200x64xf32, #tpu.memory_space<vmem>>, vector<1x16xf32>,
        %get3A_1467 = vector.shape_cast %get3A_1466 : vector<1x16xf32> to vector<16xf32>
        %add3A_1468 = arith.addf %add3A_1430, %get3A_1467 : vector<16xf32>
        %get3A_1469 = arith.constant 0 : i32
        %get3A_1470 = arith.constant 0 : i32
        %get3A_1471 = tpu.memref_slice %arg6[%scan3A_1021, %get3A_1469, %get3A_1470] : memref<8x200x64xf32, #tpu.memory_space<vmem>> -> memref<1x200x64xf32, #tpu.memory_space<vmem>>
        %get3A_1472 = tpu.memref_squeeze %get3A_1471 : memref<1x200x64xf32, #tpu.memory_space<vmem>> -> memref<200x64xf32, #tpu.memory_space<vmem>>
        %get3A_1473 = arith.index_cast %scan3A_1459 : i32 to index
        %get3A_1474 = arith.constant 16 : index
        %get3A_1475 = tpu.vector_load %get3A_1472[%get3A_1473, %get3A_1474] {strides = array<i32>} : memref<200x64xf32, #tpu.memory_space<vmem>>, vector<1x16xf32>,
        %get3A_1476 = vector.shape_cast %get3A_1475 : vector<1x16xf32> to vector<16xf32>
        %add3A_1477 = arith.addf %add3A_1439, %get3A_1476 : vector<16xf32>
        %get3A_1478 = arith.constant 0 : i32
        %get3A_1479 = arith.constant 0 : i32
        %get3A_1480 = tpu.memref_slice %arg6[%scan3A_1021, %get3A_1478, %get3A_1479] : memref<8x200x64xf32, #tpu.memory_space<vmem>> -> memref<1x200x64xf32, #tpu.memory_space<vmem>>
        %get3A_1481 = tpu.memref_squeeze %get3A_1480 : memref<1x200x64xf32, #tpu.memory_space<vmem>> -> memref<200x64xf32, #tpu.memory_space<vmem>>
        %get3A_1482 = arith.index_cast %scan3A_1459 : i32 to index
        %get3A_1483 = arith.constant 32 : index
        %get3A_1484 = tpu.vector_load %get3A_1481[%get3A_1482, %get3A_1483] {strides = array<i32>} : memref<200x64xf32, #tpu.memory_space<vmem>>, vector<1x16xf32>,
        %get3A_1485 = vector.shape_cast %get3A_1484 : vector<1x16xf32> to vector<16xf32>
        %add3A_1486 = arith.addf %add3A_1448, %get3A_1485 : vector<16xf32>
        %get3A_1487 = arith.constant 0 : i32
        %get3A_1488 = arith.constant 0 : i32
        %get3A_1489 = tpu.memref_slice %arg6[%scan3A_1021, %get3A_1487, %get3A_1488] : memref<8x200x64xf32, #tpu.memory_space<vmem>> -> memref<1x200x64xf32, #tpu.memory_space<vmem>>
        %get3A_1490 = tpu.memref_squeeze %get3A_1489 : memref<1x200x64xf32, #tpu.memory_space<vmem>> -> memref<200x64xf32, #tpu.memory_space<vmem>>
        %get3A_1491 = arith.index_cast %scan3A_1459 : i32 to index
        %get3A_1492 = arith.constant 48 : index
        %get3A_1493 = tpu.vector_load %get3A_1490[%get3A_1491, %get3A_1492] {strides = array<i32>} : memref<200x64xf32, #tpu.memory_space<vmem>>, vector<1x16xf32>,
        %get3A_1494 = vector.shape_cast %get3A_1493 : vector<1x16xf32> to vector<16xf32>
        %add3A_1495 = arith.addf %add3A_1457, %get3A_1494 : vector<16xf32>
        %scan3A_1496 = arith.constant 7 : i32
        %scan3A_1497 = arith.addi %scan3A_1228, %scan3A_1496 : i32
        %get3A_1498 = arith.constant 0 : i32
        %get3A_1499 = arith.constant 0 : i32
        %get3A_1500 = tpu.memref_slice %arg6[%scan3A_1021, %get3A_1498, %get3A_1499] : memref<8x200x64xf32, #tpu.memory_space<vmem>> -> memref<1x200x64xf32, #tpu.memory_space<vmem>>
        %get3A_1501 = tpu.memref_squeeze %get3A_1500 : memref<1x200x64xf32, #tpu.memory_space<vmem>> -> memref<200x64xf32, #tpu.memory_space<vmem>>
        %get3A_1502 = arith.index_cast %scan3A_1497 : i32 to index
        %get3A_1503 = arith.constant 0 : index
        %get3A_1504 = tpu.vector_load %get3A_1501[%get3A_1502, %get3A_1503] {strides = array<i32>} : memref<200x64xf32, #tpu.memory_space<vmem>>, vector<1x16xf32>,
        %get3A_1505 = vector.shape_cast %get3A_1504 : vector<1x16xf32> to vector<16xf32>
        %add3A_1506 = arith.addf %add3A_1468, %get3A_1505 : vector<16xf32>
        %get3A_1507 = arith.constant 0 : i32
        %get3A_1508 = arith.constant 0 : i32
        %get3A_1509 = tpu.memref_slice %arg6[%scan3A_1021, %get3A_1507, %get3A_1508] : memref<8x200x64xf32, #tpu.memory_space<vmem>> -> memref<1x200x64xf32, #tpu.memory_space<vmem>>
        %get3A_1510 = tpu.memref_squeeze %get3A_1509 : memref<1x200x64xf32, #tpu.memory_space<vmem>> -> memref<200x64xf32, #tpu.memory_space<vmem>>
        %get3A_1511 = arith.index_cast %scan3A_1497 : i32 to index
        %get3A_1512 = arith.constant 16 : index
        %get3A_1513 = tpu.vector_load %get3A_1510[%get3A_1511, %get3A_1512] {strides = array<i32>} : memref<200x64xf32, #tpu.memory_space<vmem>>, vector<1x16xf32>,
        %get3A_1514 = vector.shape_cast %get3A_1513 : vector<1x16xf32> to vector<16xf32>
        %add3A_1515 = arith.addf %add3A_1477, %get3A_1514 : vector<16xf32>
        %get3A_1516 = arith.constant 0 : i32
        %get3A_1517 = arith.constant 0 : i32
        %get3A_1518 = tpu.memref_slice %arg6[%scan3A_1021, %get3A_1516, %get3A_1517] : memref<8x200x64xf32, #tpu.memory_space<vmem>> -> memref<1x200x64xf32, #tpu.memory_space<vmem>>
        %get3A_1519 = tpu.memref_squeeze %get3A_1518 : memref<1x200x64xf32, #tpu.memory_space<vmem>> -> memref<200x64xf32, #tpu.memory_space<vmem>>
        %get3A_1520 = arith.index_cast %scan3A_1497 : i32 to index
        %get3A_1521 = arith.constant 32 : index
        %get3A_1522 = tpu.vector_load %get3A_1519[%get3A_1520, %get3A_1521] {strides = array<i32>} : memref<200x64xf32, #tpu.memory_space<vmem>>, vector<1x16xf32>,
        %get3A_1523 = vector.shape_cast %get3A_1522 : vector<1x16xf32> to vector<16xf32>
        %add3A_1524 = arith.addf %add3A_1486, %get3A_1523 : vector<16xf32>
        %get3A_1525 = arith.constant 0 : i32
        %get3A_1526 = arith.constant 0 : i32
        %get3A_1527 = tpu.memref_slice %arg6[%scan3A_1021, %get3A_1525, %get3A_1526] : memref<8x200x64xf32, #tpu.memory_space<vmem>> -> memref<1x200x64xf32, #tpu.memory_space<vmem>>
        %get3A_1528 = tpu.memref_squeeze %get3A_1527 : memref<1x200x64xf32, #tpu.memory_space<vmem>> -> memref<200x64xf32, #tpu.memory_space<vmem>>
        %get3A_1529 = arith.index_cast %scan3A_1497 : i32 to index
        %get3A_1530 = arith.constant 48 : index
        %get3A_1531 = tpu.vector_load %get3A_1528[%get3A_1529, %get3A_1530] {strides = array<i32>} : memref<200x64xf32, #tpu.memory_space<vmem>>, vector<1x16xf32>,
        %get3A_1532 = vector.shape_cast %get3A_1531 : vector<1x16xf32> to vector<16xf32>
        %add3A_1533 = arith.addf %add3A_1495, %get3A_1532 : vector<16xf32>
        scf.yield %add3A_1506, %add3A_1515, %add3A_1524, %add3A_1533 : vector<16xf32>, vector<16xf32>, vector<16xf32>, vector<16xf32>
      }
      %scan3A_1027 = arith.constant 200 : i32
      %add3A_1028 = arith.constant 8 : i32
      %add3A_1029 = arith.addi %add3A_990, %add3A_1028 : i32
      %lt3A_1030 = arith.constant 512 : i32
      %lt3A_1031 = arith.cmpi slt, %add3A_1029, %lt3A_1030 : i32
      %rem3A_1032 = arith.constant 32 : i32
      %rem3A_1033 = arith.remsi %add3A_1029, %rem3A_1032 : i32
      %eq3A_1034 = arith.constant 0 : i32
      %eq3A_1035 = arith.cmpi eq, %rem3A_1033, %eq3A_1034 : i32
      %and3A_1036 = arith.andi %lt3A_1031, %eq3A_1035 : i1
      %convert_element_type3A_1037 = arith.extui %and3A_1036 : i1 to i32
      %cond3A_1038 = arith.constant 0 : i32
      %cond3A_1039 = arith.cmpi ne, %convert_element_type3A_1037, %cond3A_1038 : i32
      scf.if %cond3A_1039 {
        %dma_wait3A_1228 = arith.constant 0 : i32
        %dma_wait3A_1229 = arith.constant 0 : i32
        %dma_wait3A_1230 = arith.constant 0 : i32
        %dma_wait3A_1231 = tpu.memref_slice %arg5[%dma_wait3A_1228, %dma_wait3A_1229, %dma_wait3A_1230] : memref<2x32x200xi32, #tpu.memory_space<vmem>> -> memref<1x32x200xi32, #tpu.memory_space<vmem>>
        %dma_wait3A_1232 = tpu.memref_squeeze %dma_wait3A_1231 : memref<1x32x200xi32, #tpu.memory_space<vmem>> -> memref<32x200xi32, #tpu.memory_space<vmem>>
        %dma_wait3A_1233 = arith.constant 0 : i32
        %dma_wait3A_1234 = tpu.memref_slice %arg2[%mul3A_2, %dma_wait3A_1233] : memref<16384x200xi32, #tpu.memory_space<hbm>> -> memref<32x200xi32, #tpu.memory_space<hbm>>
        %dma_wait3A_1235 = arith.constant 0 : i32
        %dma_wait3A_1236 = arith.constant 0 : i32
        %dma_wait3A_1237 = tpu.memref_slice %arg5[%dma_wait3A_1228, %dma_wait3A_1235, %dma_wait3A_1236] : memref<2x32x200xi32, #tpu.memory_space<vmem>> -> memref<1x32x200xi32, #tpu.memory_space<vmem>>
        %dma_wait3A_1238 = tpu.memref_squeeze %dma_wait3A_1237 : memref<1x32x200xi32, #tpu.memory_space<vmem>> -> memref<32x200xi32, #tpu.memory_space<vmem>>
        %dma_wait3A_1239 = arith.constant 0 : i32
        %dma_wait3A_1240 = tpu.memref_slice %arg2[%mul3A_2, %dma_wait3A_1239] : memref<16384x200xi32, #tpu.memory_space<hbm>> -> memref<32x200xi32, #tpu.memory_space<hbm>>
        tpu.wait_dma2 semaphore(%arg16 : memref<!tpu.dma_semaphore, #tpu.memory_space<semaphore_mem>>) src(%dma_wait3A_1240 : memref<32x200xi32, #tpu.memory_space<hbm>>) dst(%dma_wait3A_1238 : memref<32x200xi32, #tpu.memory_space<vmem>>)
      } else {
      }
      %lt3A_1040 = arith.constant 512 : i32
      %lt3A_1041 = arith.cmpi slt, %add3A_1029, %lt3A_1040 : i32
      %convert_element_type3A_1042 = arith.extui %lt3A_1041 : i1 to i32
      %cond3A_1043 = arith.constant 0 : i32
      %cond3A_1044 = arith.cmpi ne, %convert_element_type3A_1042, %cond3A_1043 : i32
      scf.if %cond3A_1044 {
        %div3A_1228 = arith.constant 32 : i32
        %div3A_1229 = arith.divsi %add3A_1029, %div3A_1228 : i32
        %rem3A_1230 = arith.constant 2 : i32
        %rem3A_1231 = arith.remsi %div3A_1229, %rem3A_1230 : i32
        %rem3A_1232 = arith.constant 32 : i32
        %rem3A_1233 = arith.remsi %add3A_1029, %rem3A_1232 : i32
        %dma_start3A_1234 = arith.constant 6 : i32
        %dma_start3A_1235 = arith.constant 0 : i32
        %dma_start3A_1236 = arith.constant 0 : i32
        %dma_start3A_1237 = tpu.memref_slice %arg6[%dma_start3A_1234, %dma_start3A_1235, %dma_start3A_1236] : memref<8x200x64xf32, #tpu.memory_space<vmem>> -> memref<1x104x64xf32, #tpu.memory_space<vmem>>
        %dma_start3A_1238 = tpu.memref_squeeze %dma_start3A_1237 : memref<1x104x64xf32, #tpu.memory_space<vmem>> -> memref<104x64xf32, #tpu.memory_space<vmem>>
        %dma_start3A_1239 = arith.constant 0 : i32
        %dma_start3A_1240 = tpu.memref_slice %arg5[%rem3A_1231, %rem3A_1233, %dma_start3A_1239] : memref<2x32x200xi32, #tpu.memory_space<vmem>> -> memref<1x1x104xi32, #tpu.memory_space<vmem>>
        %dma_start3A_1241 = tpu.memref_squeeze %dma_start3A_1240 : memref<1x1x104xi32, #tpu.memory_space<vmem>> -> memref<104xi32, #tpu.memory_space<vmem>>
        %dma_start3A_1242 = arith.constant 0 : i32
        %dma_start3A_1243 = arith.constant 0 : i32
        %dma_start3A_1244 = tpu.memref_slice %arg3[%dma_start3A_1242, %dma_start3A_1243] : memref<1000000x64xf32, #tpu.memory_space<hbm>> -> memref<1000000x64xf32, #tpu.memory_space<hbm>>
        tpu.enqueue_indirect_dma source(%dma_start3A_1244 : memref<1000000x64xf32, #tpu.memory_space<hbm>>) target(%dma_start3A_1238 : memref<104x64xf32, #tpu.memory_space<vmem>>) offsets(%dma_start3A_1241 : memref<104xi32, #tpu.memory_space<vmem>>) semaphore(%arg14 : memref<!tpu.dma_semaphore, #tpu.memory_space<semaphore_mem>>)
        %dma_start3A_1245 = arith.constant 6 : i32
        %dma_start3A_1246 = arith.constant 104 : i32
        %dma_start3A_1247 = arith.constant 0 : i32
        %dma_start3A_1248 = tpu.memref_slice %arg6[%dma_start3A_1245, %dma_start3A_1246, %dma_start3A_1247] : memref<8x200x64xf32, #tpu.memory_space<vmem>> -> memref<1x96x64xf32, #tpu.memory_space<vmem>>
        %dma_start3A_1249 = tpu.memref_squeeze %dma_start3A_1248 : memref<1x96x64xf32, #tpu.memory_space<vmem>> -> memref<96x64xf32, #tpu.memory_space<vmem>>
        %dma_start3A_1250 = arith.constant 104 : i32
        %dma_start3A_1251 = tpu.memref_slice %arg5[%rem3A_1231, %rem3A_1233, %dma_start3A_1250] : memref<2x32x200xi32, #tpu.memory_space<vmem>> -> memref<1x1x96xi32, #tpu.memory_space<vmem>>
        %dma_start3A_1252 = tpu.memref_squeeze %dma_start3A_1251 : memref<1x1x96xi32, #tpu.memory_space<vmem>> -> memref<96xi32, #tpu.memory_space<vmem>>
        %dma_start3A_1253 = arith.constant 0 : i32
        %dma_start3A_1254 = arith.constant 0 : i32
        %dma_start3A_1255 = tpu.memref_slice %arg3[%dma_start3A_1253, %dma_start3A_1254] : memref<1000000x64xf32, #tpu.memory_space<hbm>> -> memref<1000000x64xf32, #tpu.memory_space<hbm>>
        tpu.enqueue_indirect_dma source(%dma_start3A_1255 : memref<1000000x64xf32, #tpu.memory_space<hbm>>) target(%dma_start3A_1249 : memref<96x64xf32, #tpu.memory_space<vmem>>) offsets(%dma_start3A_1252 : memref<96xi32, #tpu.memory_space<vmem>>) semaphore(%arg14 : memref<!tpu.dma_semaphore, #tpu.memory_space<semaphore_mem>>)
      } else {
      }
      %rem3A_1045 = arith.constant 32 : i32
      %rem3A_1046 = arith.remsi %add3A_990, %rem3A_1045 : i32
      %eq3A_1047 = arith.constant 0 : i32
      %eq3A_1048 = arith.cmpi eq, %rem3A_1046, %eq3A_1047 : i32
      %gt3A_1049 = arith.constant 0 : i32
      %gt3A_1050 = arith.cmpi sgt, %add3A_990, %gt3A_1049 : i32
      %and3A_1051 = arith.andi %eq3A_1048, %gt3A_1050 : i1
      %lt3A_1052 = arith.constant 480 : i32
      %lt3A_1053 = arith.cmpi slt, %add3A_990, %lt3A_1052 : i32
      %and3A_1054 = arith.andi %and3A_1051, %lt3A_1053 : i1
      %convert_element_type3A_1055 = arith.extui %and3A_1054 : i1 to i32
      %cond3A_1056 = arith.constant 0 : i32
      %cond3A_1057 = arith.cmpi ne, %convert_element_type3A_1055, %cond3A_1056 : i32
      scf.if %cond3A_1057 {
        %div3A_1228 = arith.constant 32 : i32
        %div3A_1229 = arith.divsi %add3A_990, %div3A_1228 : i32
        %add3A_1230 = arith.constant 1 : i32
        %add3A_1231 = arith.addi %div3A_1229, %add3A_1230 : i32
        %mul3A_1232 = arith.constant 32 : i32
        %mul3A_1233 = arith.muli %add3A_1231, %mul3A_1232 : i32
        %add3A_1234 = arith.addi %mul3A_2, %mul3A_1233 : i32
        %rem3A_1235 = arith.constant 2 : i32
        %rem3A_1236 = arith.remsi %add3A_1231, %rem3A_1235 : i32
        %dma_start3A_1237 = arith.constant 0 : i32
        %dma_start3A_1238 = arith.constant 0 : i32
        %dma_start3A_1239 = tpu.memref_slice %arg5[%rem3A_1236, %dma_start3A_1237, %dma_start3A_1238] : memref<2x32x200xi32, #tpu.memory_space<vmem>> -> memref<1x32x200xi32, #tpu.memory_space<vmem>>
        %dma_start3A_1240 = tpu.memref_squeeze %dma_start3A_1239 : memref<1x32x200xi32, #tpu.memory_space<vmem>> -> memref<32x200xi32, #tpu.memory_space<vmem>>
        %dma_start3A_1241 = arith.constant 0 : i32
        %dma_start3A_1242 = tpu.memref_slice %arg2[%add3A_1234, %dma_start3A_1241] : memref<16384x200xi32, #tpu.memory_space<hbm>> -> memref<32x200xi32, #tpu.memory_space<hbm>>
        %dma_start3A_1243 = arith.constant 0 : i32
        %dma_start3A_1244 = arith.constant 0 : i32
        %dma_start3A_1245 = tpu.memref_slice %arg5[%rem3A_1236, %dma_start3A_1243, %dma_start3A_1244] : memref<2x32x200xi32, #tpu.memory_space<vmem>> -> memref<1x32x200xi32, #tpu.memory_space<vmem>>
        %dma_start3A_1246 = tpu.memref_squeeze %dma_start3A_1245 : memref<1x32x200xi32, #tpu.memory_space<vmem>> -> memref<32x200xi32, #tpu.memory_space<vmem>>
        %dma_start3A_1247 = arith.constant 0 : i32
        %dma_start3A_1248 = tpu.memref_slice %arg2[%add3A_1234, %dma_start3A_1247] : memref<16384x200xi32, #tpu.memory_space<hbm>> -> memref<32x200xi32, #tpu.memory_space<hbm>>
        tpu.enqueue_dma source(%dma_start3A_1248 : memref<32x200xi32, #tpu.memory_space<hbm>>) target(%dma_start3A_1246 : memref<32x200xi32, #tpu.memory_space<vmem>>) target_semaphore(%arg16 : memref<!tpu.dma_semaphore, #tpu.memory_space<semaphore_mem>>)
      } else {
      }
      %div3A_1058 = arith.constant 64 : i32
      %div3A_1059 = arith.divsi %add3A_990, %div3A_1058 : i32
      %rem3A_1060 = arith.constant 2 : i32
      %rem3A_1061 = arith.remsi %div3A_1059, %rem3A_1060 : i32
      %rem3A_1062 = arith.constant 64 : i32
      %rem3A_1063 = arith.remsi %add3A_990, %rem3A_1062 : i32
      %mul3A_1064 = arith.constant 5.000000e-03 : f32
      %mul3A_1065 = vector.broadcast %mul3A_1064 : f32 to vector<16xf32>
      %mul3A_1066 = arith.mulf %scan3A_1026#0, %mul3A_1065 : vector<16xf32>
      %swap3A_1067 = arith.index_cast %rem3A_1061 : i32 to index
      %swap3A_1068 = arith.index_cast %rem3A_1063 : i32 to index
      %swap3A_1069 = arith.constant 0 : index
      %swap3A_1070 = tpu.vector_load %arg7[%swap3A_1067, %swap3A_1068, %swap3A_1069] {strides = array<i32>} : memref<2x64x64xf32, #tpu.memory_space<vmem>>, vector<1x1x16xf32>,
      %swap3A_1071 = vector.shape_cast %swap3A_1070 : vector<1x1x16xf32> to vector<16xf32>
      %swap3A_1072 = vector.shape_cast %mul3A_1066 : vector<16xf32> to vector<1x1x16xf32>
      tpu.vector_store %arg7[%swap3A_1067, %swap3A_1068, %swap3A_1069], %swap3A_1072 {strides = array<i32>} : memref<2x64x64xf32, #tpu.memory_space<vmem>>, vector<1x1x16xf32>,
      %mul3A_1073 = arith.constant 5.000000e-03 : f32
      %mul3A_1074 = vector.broadcast %mul3A_1073 : f32 to vector<16xf32>
      %mul3A_1075 = arith.mulf %scan3A_1026#1, %mul3A_1074 : vector<16xf32>
      %swap3A_1076 = arith.index_cast %rem3A_1061 : i32 to index
      %swap3A_1077 = arith.index_cast %rem3A_1063 : i32 to index
      %swap3A_1078 = arith.constant 16 : index
      %swap3A_1079 = tpu.vector_load %arg7[%swap3A_1076, %swap3A_1077, %swap3A_1078] {strides = array<i32>} : memref<2x64x64xf32, #tpu.memory_space<vmem>>, vector<1x1x16xf32>,
      %swap3A_1080 = vector.shape_cast %swap3A_1079 : vector<1x1x16xf32> to vector<16xf32>
      %swap3A_1081 = vector.shape_cast %mul3A_1075 : vector<16xf32> to vector<1x1x16xf32>
      tpu.vector_store %arg7[%swap3A_1076, %swap3A_1077, %swap3A_1078], %swap3A_1081 {strides = array<i32>} : memref<2x64x64xf32, #tpu.memory_space<vmem>>, vector<1x1x16xf32>,
      %mul3A_1082 = arith.constant 5.000000e-03 : f32
      %mul3A_1083 = vector.broadcast %mul3A_1082 : f32 to vector<16xf32>
      %mul3A_1084 = arith.mulf %scan3A_1026#2, %mul3A_1083 : vector<16xf32>
      %swap3A_1085 = arith.index_cast %rem3A_1061 : i32 to index
      %swap3A_1086 = arith.index_cast %rem3A_1063 : i32 to index
      %swap3A_1087 = arith.constant 32 : index
      %swap3A_1088 = tpu.vector_load %arg7[%swap3A_1085, %swap3A_1086, %swap3A_1087] {strides = array<i32>} : memref<2x64x64xf32, #tpu.memory_space<vmem>>, vector<1x1x16xf32>,
      %swap3A_1089 = vector.shape_cast %swap3A_1088 : vector<1x1x16xf32> to vector<16xf32>
      %swap3A_1090 = vector.shape_cast %mul3A_1084 : vector<16xf32> to vector<1x1x16xf32>
      tpu.vector_store %arg7[%swap3A_1085, %swap3A_1086, %swap3A_1087], %swap3A_1090 {strides = array<i32>} : memref<2x64x64xf32, #tpu.memory_space<vmem>>, vector<1x1x16xf32>,
      %mul3A_1091 = arith.constant 5.000000e-03 : f32
      %mul3A_1092 = vector.broadcast %mul3A_1091 : f32 to vector<16xf32>
      %mul3A_1093 = arith.mulf %scan3A_1026#3, %mul3A_1092 : vector<16xf32>
      %swap3A_1094 = arith.index_cast %rem3A_1061 : i32 to index
      %swap3A_1095 = arith.index_cast %rem3A_1063 : i32 to index
      %swap3A_1096 = arith.constant 48 : index
      %swap3A_1097 = tpu.vector_load %arg7[%swap3A_1094, %swap3A_1095, %swap3A_1096] {strides = array<i32>} : memref<2x64x64xf32, #tpu.memory_space<vmem>>, vector<1x1x16xf32>,
      %swap3A_1098 = vector.shape_cast %swap3A_1097 : vector<1x1x16xf32> to vector<16xf32>
      %swap3A_1099 = vector.shape_cast %mul3A_1093 : vector<16xf32> to vector<1x1x16xf32>
      tpu.vector_store %arg7[%swap3A_1094, %swap3A_1095, %swap3A_1096], %swap3A_1099 {strides = array<i32>} : memref<2x64x64xf32, #tpu.memory_space<vmem>>, vector<1x1x16xf32>,
      %rem3A_1100 = arith.constant 64 : i32
      %rem3A_1101 = arith.remsi %add3A_990, %rem3A_1100 : i32
      %eq3A_1102 = arith.constant 63 : i32
      %eq3A_1103 = arith.cmpi eq, %rem3A_1101, %eq3A_1102 : i32
      %convert_element_type3A_1104 = arith.extui %eq3A_1103 : i1 to i32
      %cond3A_1105 = arith.constant 0 : i32
      %cond3A_1106 = arith.cmpi ne, %convert_element_type3A_1104, %cond3A_1105 : i32
      scf.if %cond3A_1106 {
        %div3A_1228 = arith.constant 64 : i32
        %div3A_1229 = arith.divsi %add3A_990, %div3A_1228 : i32
        %gt3A_1230 = arith.constant 0 : i32
        %gt3A_1231 = arith.cmpi sgt, %div3A_1229, %gt3A_1230 : i32
        %convert_element_type3A_1232 = arith.extui %gt3A_1231 : i1 to i32
        %cond3A_1233 = arith.constant 0 : i32
        %cond3A_1234 = arith.cmpi ne, %convert_element_type3A_1232, %cond3A_1233 : i32
        scf.if %cond3A_1234 {
          %dma_wait3A_1250 = arith.constant 0 : i32
          %dma_wait3A_1251 = arith.constant 0 : i32
          %dma_wait3A_1252 = arith.constant 0 : i32
          %dma_wait3A_1253 = tpu.memref_slice %arg7[%dma_wait3A_1250, %dma_wait3A_1251, %dma_wait3A_1252] : memref<2x64x64xf32, #tpu.memory_space<vmem>> -> memref<1x64x64xf32, #tpu.memory_space<vmem>>
          %dma_wait3A_1254 = tpu.memref_squeeze %dma_wait3A_1253 : memref<1x64x64xf32, #tpu.memory_space<vmem>> -> memref<64x64xf32, #tpu.memory_space<vmem>>
          %dma_wait3A_1255 = arith.constant 0 : i32
          %dma_wait3A_1256 = tpu.memref_slice %arg4[%mul3A_2, %dma_wait3A_1255] : memref<16384x64xf32, #tpu.memory_space<hbm>> -> memref<64x64xf32, #tpu.memory_space<hbm>>
          %dma_wait3A_1257 = arith.constant 0 : i32
          %dma_wait3A_1258 = tpu.memref_slice %arg4[%mul3A_2, %dma_wait3A_1257] : memref<16384x64xf32, #tpu.memory_space<hbm>> -> memref<64x64xf32, #tpu.memory_space<hbm>>
          %dma_wait3A_1259 = arith.constant 0 : i32
          %dma_wait3A_1260 = arith.constant 0 : i32
          %dma_wait3A_1261 = tpu.memref_slice %arg7[%dma_wait3A_1250, %dma_wait3A_1259, %dma_wait3A_1260] : memref<2x64x64xf32, #tpu.memory_space<vmem>> -> memref<1x64x64xf32, #tpu.memory_space<vmem>>
          %dma_wait3A_1262 = tpu.memref_squeeze %dma_wait3A_1261 : memref<1x64x64xf32, #tpu.memory_space<vmem>> -> memref<64x64xf32, #tpu.memory_space<vmem>>
          tpu.wait_dma2 semaphore(%arg17 : memref<!tpu.dma_semaphore, #tpu.memory_space<semaphore_mem>>) src(%dma_wait3A_1262 : memref<64x64xf32, #tpu.memory_space<vmem>>) dst(%dma_wait3A_1258 : memref<64x64xf32, #tpu.memory_space<hbm>>)
        } else {
        }
        %mul3A_1235 = arith.constant 64 : i32
        %mul3A_1236 = arith.muli %div3A_1229, %mul3A_1235 : i32
        %add3A_1237 = arith.addi %mul3A_2, %mul3A_1236 : i32
        %dma_start3A_1238 = arith.constant 0 : i32
        %dma_start3A_1239 = arith.constant 0 : i32
        %dma_start3A_1240 = tpu.memref_slice %arg7[%rem3A_1061, %dma_start3A_1238, %dma_start3A_1239] : memref<2x64x64xf32, #tpu.memory_space<vmem>> -> memref<1x64x64xf32, #tpu.memory_space<vmem>>
        %dma_start3A_1241 = tpu.memref_squeeze %dma_start3A_1240 : memref<1x64x64xf32, #tpu.memory_space<vmem>> -> memref<64x64xf32, #tpu.memory_space<vmem>>
        %dma_start3A_1242 = arith.constant 0 : i32
        %dma_start3A_1243 = tpu.memref_slice %arg4[%add3A_1237, %dma_start3A_1242] : memref<16384x64xf32, #tpu.memory_space<hbm>> -> memref<64x64xf32, #tpu.memory_space<hbm>>
        %dma_start3A_1244 = arith.constant 0 : i32
        %dma_start3A_1245 = tpu.memref_slice %arg4[%add3A_1237, %dma_start3A_1244] : memref<16384x64xf32, #tpu.memory_space<hbm>> -> memref<64x64xf32, #tpu.memory_space<hbm>>
        %dma_start3A_1246 = arith.constant 0 : i32
        %dma_start3A_1247 = arith.constant 0 : i32
        %dma_start3A_1248 = tpu.memref_slice %arg7[%rem3A_1061, %dma_start3A_1246, %dma_start3A_1247] : memref<2x64x64xf32, #tpu.memory_space<vmem>> -> memref<1x64x64xf32, #tpu.memory_space<vmem>>
        %dma_start3A_1249 = tpu.memref_squeeze %dma_start3A_1248 : memref<1x64x64xf32, #tpu.memory_space<vmem>> -> memref<64x64xf32, #tpu.memory_space<vmem>>
        tpu.enqueue_dma source(%dma_start3A_1249 : memref<64x64xf32, #tpu.memory_space<vmem>>) target(%dma_start3A_1245 : memref<64x64xf32, #tpu.memory_space<hbm>>) target_semaphore(%arg17 : memref<!tpu.dma_semaphore, #tpu.memory_space<semaphore_mem>>)
      } else {
      }
      %mul3A_1107 = arith.constant 8 : i32
      %mul3A_1108 = arith.muli %scan3A_273, %mul3A_1107 : i32
      %add3A_1109 = arith.constant 7 : i32
      %add3A_1110 = arith.addi %mul3A_1108, %add3A_1109 : i32
      %div3A_1111 = arith.constant 32 : i32
      %div3A_1112 = arith.divsi %add3A_1110, %div3A_1111 : i32
      %rem3A_1113 = arith.constant 2 : i32
      %rem3A_1114 = arith.remsi %div3A_1112, %rem3A_1113 : i32
      %rem3A_1115 = arith.constant 32 : i32
      %rem3A_1116 = arith.remsi %add3A_1110, %rem3A_1115 : i32
      %dma_wait3A_1117 = arith.constant 7 : i32
      %dma_wait3A_1118 = arith.constant 0 : i32
      %dma_wait3A_1119 = arith.constant 0 : i32
      %dma_wait3A_1120 = tpu.memref_slice %arg6[%dma_wait3A_1117, %dma_wait3A_1118, %dma_wait3A_1119] : memref<8x200x64xf32, #tpu.memory_space<vmem>> -> memref<1x104x64xf32, #tpu.memory_space<vmem>>
      %dma_wait3A_1121 = tpu.memref_squeeze %dma_wait3A_1120 : memref<1x104x64xf32, #tpu.memory_space<vmem>> -> memref<104x64xf32, #tpu.memory_space<vmem>>
      %dma_wait3A_1122 = arith.constant 0 : i32
      %dma_wait3A_1123 = tpu.memref_slice %arg5[%rem3A_1114, %rem3A_1116, %dma_wait3A_1122] : memref<2x32x200xi32, #tpu.memory_space<vmem>> -> memref<1x1x104xi32, #tpu.memory_space<vmem>>
      %dma_wait3A_1124 = tpu.memref_squeeze %dma_wait3A_1123 : memref<1x1x104xi32, #tpu.memory_space<vmem>> -> memref<104xi32, #tpu.memory_space<vmem>>
      %dma_wait3A_1125 = arith.constant 0 : i32
      %dma_wait3A_1126 = arith.constant 0 : i32
      %dma_wait3A_1127 = tpu.memref_slice %arg3[%dma_wait3A_1125, %dma_wait3A_1126] : memref<1000000x64xf32, #tpu.memory_space<hbm>> -> memref<1000000x64xf32, #tpu.memory_space<hbm>>
      tpu.wait_indirect_dma semaphore(%arg15 : memref<!tpu.dma_semaphore, #tpu.memory_space<semaphore_mem>>) src(%dma_wait3A_1127 : memref<1000000x64xf32, #tpu.memory_space<hbm>>) dst(%dma_wait3A_1121 : memref<104x64xf32, #tpu.memory_space<vmem>>)
      %dma_wait3A_1128 = arith.constant 7 : i32
      %dma_wait3A_1129 = arith.constant 104 : i32
      %dma_wait3A_1130 = arith.constant 0 : i32
      %dma_wait3A_1131 = tpu.memref_slice %arg6[%dma_wait3A_1128, %dma_wait3A_1129, %dma_wait3A_1130] : memref<8x200x64xf32, #tpu.memory_space<vmem>> -> memref<1x96x64xf32, #tpu.memory_space<vmem>>
      %dma_wait3A_1132 = tpu.memref_squeeze %dma_wait3A_1131 : memref<1x96x64xf32, #tpu.memory_space<vmem>> -> memref<96x64xf32, #tpu.memory_space<vmem>>
      %dma_wait3A_1133 = arith.constant 104 : i32
      %dma_wait3A_1134 = tpu.memref_slice %arg5[%rem3A_1114, %rem3A_1116, %dma_wait3A_1133] : memref<2x32x200xi32, #tpu.memory_space<vmem>> -> memref<1x1x96xi32, #tpu.memory_space<vmem>>
      %dma_wait3A_1135 = tpu.memref_squeeze %dma_wait3A_1134 : memref<1x1x96xi32, #tpu.memory_space<vmem>> -> memref<96xi32, #tpu.memory_space<vmem>>
      %dma_wait3A_1136 = arith.constant 0 : i32
      %dma_wait3A_1137 = arith.constant 0 : i32
      %dma_wait3A_1138 = tpu.memref_slice %arg3[%dma_wait3A_1136, %dma_wait3A_1137] : memref<1000000x64xf32, #tpu.memory_space<hbm>> -> memref<1000000x64xf32, #tpu.memory_space<hbm>>
      tpu.wait_indirect_dma semaphore(%arg15 : memref<!tpu.dma_semaphore, #tpu.memory_space<semaphore_mem>>) src(%dma_wait3A_1138 : memref<1000000x64xf32, #tpu.memory_space<hbm>>) dst(%dma_wait3A_1132 : memref<96x64xf32, #tpu.memory_space<vmem>>)
      %broadcast_in_dim3A_1139 = arith.constant 0.000000e+00 : f32
      %broadcast_in_dim3A_1140 = vector.broadcast %broadcast_in_dim3A_1139 : f32 to vector<16xf32>
      %scan3A_1141 = arith.constant 7 : i32
      %scan3A_1142 = arith.constant 0 : i32
      %scan3A_1143 = arith.constant 200 : i32
      %scan3A_1144 = arith.addi %scan3A_1142, %scan3A_1143 : i32
      %scan3A_1145 = arith.constant 8 : i32
      %scan3A_1146:4 = scf.for %scan3A_1228 = %scan3A_1142 to %scan3A_1144 step %scan3A_1145 iter_args(%scan3A_1229 = %broadcast_in_dim3A_1140, %scan3A_1230 = %broadcast_in_dim3A_1140, %scan3A_1231 = %broadcast_in_dim3A_1140, %scan3A_1232 = %broadcast_in_dim3A_1140) -> (vector<16xf32>, vector<16xf32>, vector<16xf32>, vector<16xf32>)  : i32 {
        %get3A = arith.constant 0 : i32
        %get3A_1233 = arith.constant 0 : i32
        %get3A_1234 = tpu.memref_slice %arg6[%scan3A_1141, %get3A, %get3A_1233] : memref<8x200x64xf32, #tpu.memory_space<vmem>> -> memref<1x200x64xf32, #tpu.memory_space<vmem>>
        %get3A_1235 = tpu.memref_squeeze %get3A_1234 : memref<1x200x64xf32, #tpu.memory_space<vmem>> -> memref<200x64xf32, #tpu.memory_space<vmem>>
        %get3A_1236 = arith.index_cast %scan3A_1228 : i32 to index
        %get3A_1237 = arith.constant 0 : index
        %get3A_1238 = tpu.vector_load %get3A_1235[%get3A_1236, %get3A_1237] {strides = array<i32>} : memref<200x64xf32, #tpu.memory_space<vmem>>, vector<1x16xf32>,
        %get3A_1239 = vector.shape_cast %get3A_1238 : vector<1x16xf32> to vector<16xf32>
        %add3A_1240 = arith.addf %scan3A_1229, %get3A_1239 : vector<16xf32>
        %get3A_1241 = arith.constant 0 : i32
        %get3A_1242 = arith.constant 0 : i32
        %get3A_1243 = tpu.memref_slice %arg6[%scan3A_1141, %get3A_1241, %get3A_1242] : memref<8x200x64xf32, #tpu.memory_space<vmem>> -> memref<1x200x64xf32, #tpu.memory_space<vmem>>
        %get3A_1244 = tpu.memref_squeeze %get3A_1243 : memref<1x200x64xf32, #tpu.memory_space<vmem>> -> memref<200x64xf32, #tpu.memory_space<vmem>>
        %get3A_1245 = arith.index_cast %scan3A_1228 : i32 to index
        %get3A_1246 = arith.constant 16 : index
        %get3A_1247 = tpu.vector_load %get3A_1244[%get3A_1245, %get3A_1246] {strides = array<i32>} : memref<200x64xf32, #tpu.memory_space<vmem>>, vector<1x16xf32>,
        %get3A_1248 = vector.shape_cast %get3A_1247 : vector<1x16xf32> to vector<16xf32>
        %add3A_1249 = arith.addf %scan3A_1230, %get3A_1248 : vector<16xf32>
        %get3A_1250 = arith.constant 0 : i32
        %get3A_1251 = arith.constant 0 : i32
        %get3A_1252 = tpu.memref_slice %arg6[%scan3A_1141, %get3A_1250, %get3A_1251] : memref<8x200x64xf32, #tpu.memory_space<vmem>> -> memref<1x200x64xf32, #tpu.memory_space<vmem>>
        %get3A_1253 = tpu.memref_squeeze %get3A_1252 : memref<1x200x64xf32, #tpu.memory_space<vmem>> -> memref<200x64xf32, #tpu.memory_space<vmem>>
        %get3A_1254 = arith.index_cast %scan3A_1228 : i32 to index
        %get3A_1255 = arith.constant 32 : index
        %get3A_1256 = tpu.vector_load %get3A_1253[%get3A_1254, %get3A_1255] {strides = array<i32>} : memref<200x64xf32, #tpu.memory_space<vmem>>, vector<1x16xf32>,
        %get3A_1257 = vector.shape_cast %get3A_1256 : vector<1x16xf32> to vector<16xf32>
        %add3A_1258 = arith.addf %scan3A_1231, %get3A_1257 : vector<16xf32>
        %get3A_1259 = arith.constant 0 : i32
        %get3A_1260 = arith.constant 0 : i32
        %get3A_1261 = tpu.memref_slice %arg6[%scan3A_1141, %get3A_1259, %get3A_1260] : memref<8x200x64xf32, #tpu.memory_space<vmem>> -> memref<1x200x64xf32, #tpu.memory_space<vmem>>
        %get3A_1262 = tpu.memref_squeeze %get3A_1261 : memref<1x200x64xf32, #tpu.memory_space<vmem>> -> memref<200x64xf32, #tpu.memory_space<vmem>>
        %get3A_1263 = arith.index_cast %scan3A_1228 : i32 to index
        %get3A_1264 = arith.constant 48 : index
        %get3A_1265 = tpu.vector_load %get3A_1262[%get3A_1263, %get3A_1264] {strides = array<i32>} : memref<200x64xf32, #tpu.memory_space<vmem>>, vector<1x16xf32>,
        %get3A_1266 = vector.shape_cast %get3A_1265 : vector<1x16xf32> to vector<16xf32>
        %add3A_1267 = arith.addf %scan3A_1232, %get3A_1266 : vector<16xf32>
        %scan3A_1268 = arith.constant 1 : i32
        %scan3A_1269 = arith.addi %scan3A_1228, %scan3A_1268 : i32
        %get3A_1270 = arith.constant 0 : i32
        %get3A_1271 = arith.constant 0 : i32
        %get3A_1272 = tpu.memref_slice %arg6[%scan3A_1141, %get3A_1270, %get3A_1271] : memref<8x200x64xf32, #tpu.memory_space<vmem>> -> memref<1x200x64xf32, #tpu.memory_space<vmem>>
        %get3A_1273 = tpu.memref_squeeze %get3A_1272 : memref<1x200x64xf32, #tpu.memory_space<vmem>> -> memref<200x64xf32, #tpu.memory_space<vmem>>
        %get3A_1274 = arith.index_cast %scan3A_1269 : i32 to index
        %get3A_1275 = arith.constant 0 : index
        %get3A_1276 = tpu.vector_load %get3A_1273[%get3A_1274, %get3A_1275] {strides = array<i32>} : memref<200x64xf32, #tpu.memory_space<vmem>>, vector<1x16xf32>,
        %get3A_1277 = vector.shape_cast %get3A_1276 : vector<1x16xf32> to vector<16xf32>
        %add3A_1278 = arith.addf %add3A_1240, %get3A_1277 : vector<16xf32>
        %get3A_1279 = arith.constant 0 : i32
        %get3A_1280 = arith.constant 0 : i32
        %get3A_1281 = tpu.memref_slice %arg6[%scan3A_1141, %get3A_1279, %get3A_1280] : memref<8x200x64xf32, #tpu.memory_space<vmem>> -> memref<1x200x64xf32, #tpu.memory_space<vmem>>
        %get3A_1282 = tpu.memref_squeeze %get3A_1281 : memref<1x200x64xf32, #tpu.memory_space<vmem>> -> memref<200x64xf32, #tpu.memory_space<vmem>>
        %get3A_1283 = arith.index_cast %scan3A_1269 : i32 to index
        %get3A_1284 = arith.constant 16 : index
        %get3A_1285 = tpu.vector_load %get3A_1282[%get3A_1283, %get3A_1284] {strides = array<i32>} : memref<200x64xf32, #tpu.memory_space<vmem>>, vector<1x16xf32>,
        %get3A_1286 = vector.shape_cast %get3A_1285 : vector<1x16xf32> to vector<16xf32>
        %add3A_1287 = arith.addf %add3A_1249, %get3A_1286 : vector<16xf32>
        %get3A_1288 = arith.constant 0 : i32
        %get3A_1289 = arith.constant 0 : i32
        %get3A_1290 = tpu.memref_slice %arg6[%scan3A_1141, %get3A_1288, %get3A_1289] : memref<8x200x64xf32, #tpu.memory_space<vmem>> -> memref<1x200x64xf32, #tpu.memory_space<vmem>>
        %get3A_1291 = tpu.memref_squeeze %get3A_1290 : memref<1x200x64xf32, #tpu.memory_space<vmem>> -> memref<200x64xf32, #tpu.memory_space<vmem>>
        %get3A_1292 = arith.index_cast %scan3A_1269 : i32 to index
        %get3A_1293 = arith.constant 32 : index
        %get3A_1294 = tpu.vector_load %get3A_1291[%get3A_1292, %get3A_1293] {strides = array<i32>} : memref<200x64xf32, #tpu.memory_space<vmem>>, vector<1x16xf32>,
        %get3A_1295 = vector.shape_cast %get3A_1294 : vector<1x16xf32> to vector<16xf32>
        %add3A_1296 = arith.addf %add3A_1258, %get3A_1295 : vector<16xf32>
        %get3A_1297 = arith.constant 0 : i32
        %get3A_1298 = arith.constant 0 : i32
        %get3A_1299 = tpu.memref_slice %arg6[%scan3A_1141, %get3A_1297, %get3A_1298] : memref<8x200x64xf32, #tpu.memory_space<vmem>> -> memref<1x200x64xf32, #tpu.memory_space<vmem>>
        %get3A_1300 = tpu.memref_squeeze %get3A_1299 : memref<1x200x64xf32, #tpu.memory_space<vmem>> -> memref<200x64xf32, #tpu.memory_space<vmem>>
        %get3A_1301 = arith.index_cast %scan3A_1269 : i32 to index
        %get3A_1302 = arith.constant 48 : index
        %get3A_1303 = tpu.vector_load %get3A_1300[%get3A_1301, %get3A_1302] {strides = array<i32>} : memref<200x64xf32, #tpu.memory_space<vmem>>, vector<1x16xf32>,
        %get3A_1304 = vector.shape_cast %get3A_1303 : vector<1x16xf32> to vector<16xf32>
        %add3A_1305 = arith.addf %add3A_1267, %get3A_1304 : vector<16xf32>
        %scan3A_1306 = arith.constant 2 : i32
        %scan3A_1307 = arith.addi %scan3A_1228, %scan3A_1306 : i32
        %get3A_1308 = arith.constant 0 : i32
        %get3A_1309 = arith.constant 0 : i32
        %get3A_1310 = tpu.memref_slice %arg6[%scan3A_1141, %get3A_1308, %get3A_1309] : memref<8x200x64xf32, #tpu.memory_space<vmem>> -> memref<1x200x64xf32, #tpu.memory_space<vmem>>
        %get3A_1311 = tpu.memref_squeeze %get3A_1310 : memref<1x200x64xf32, #tpu.memory_space<vmem>> -> memref<200x64xf32, #tpu.memory_space<vmem>>
        %get3A_1312 = arith.index_cast %scan3A_1307 : i32 to index
        %get3A_1313 = arith.constant 0 : index
        %get3A_1314 = tpu.vector_load %get3A_1311[%get3A_1312, %get3A_1313] {strides = array<i32>} : memref<200x64xf32, #tpu.memory_space<vmem>>, vector<1x16xf32>,
        %get3A_1315 = vector.shape_cast %get3A_1314 : vector<1x16xf32> to vector<16xf32>
        %add3A_1316 = arith.addf %add3A_1278, %get3A_1315 : vector<16xf32>
        %get3A_1317 = arith.constant 0 : i32
        %get3A_1318 = arith.constant 0 : i32
        %get3A_1319 = tpu.memref_slice %arg6[%scan3A_1141, %get3A_1317, %get3A_1318] : memref<8x200x64xf32, #tpu.memory_space<vmem>> -> memref<1x200x64xf32, #tpu.memory_space<vmem>>
        %get3A_1320 = tpu.memref_squeeze %get3A_1319 : memref<1x200x64xf32, #tpu.memory_space<vmem>> -> memref<200x64xf32, #tpu.memory_space<vmem>>
        %get3A_1321 = arith.index_cast %scan3A_1307 : i32 to index
        %get3A_1322 = arith.constant 16 : index
        %get3A_1323 = tpu.vector_load %get3A_1320[%get3A_1321, %get3A_1322] {strides = array<i32>} : memref<200x64xf32, #tpu.memory_space<vmem>>, vector<1x16xf32>,
        %get3A_1324 = vector.shape_cast %get3A_1323 : vector<1x16xf32> to vector<16xf32>
        %add3A_1325 = arith.addf %add3A_1287, %get3A_1324 : vector<16xf32>
        %get3A_1326 = arith.constant 0 : i32
        %get3A_1327 = arith.constant 0 : i32
        %get3A_1328 = tpu.memref_slice %arg6[%scan3A_1141, %get3A_1326, %get3A_1327] : memref<8x200x64xf32, #tpu.memory_space<vmem>> -> memref<1x200x64xf32, #tpu.memory_space<vmem>>
        %get3A_1329 = tpu.memref_squeeze %get3A_1328 : memref<1x200x64xf32, #tpu.memory_space<vmem>> -> memref<200x64xf32, #tpu.memory_space<vmem>>
        %get3A_1330 = arith.index_cast %scan3A_1307 : i32 to index
        %get3A_1331 = arith.constant 32 : index
        %get3A_1332 = tpu.vector_load %get3A_1329[%get3A_1330, %get3A_1331] {strides = array<i32>} : memref<200x64xf32, #tpu.memory_space<vmem>>, vector<1x16xf32>,
        %get3A_1333 = vector.shape_cast %get3A_1332 : vector<1x16xf32> to vector<16xf32>
        %add3A_1334 = arith.addf %add3A_1296, %get3A_1333 : vector<16xf32>
        %get3A_1335 = arith.constant 0 : i32
        %get3A_1336 = arith.constant 0 : i32
        %get3A_1337 = tpu.memref_slice %arg6[%scan3A_1141, %get3A_1335, %get3A_1336] : memref<8x200x64xf32, #tpu.memory_space<vmem>> -> memref<1x200x64xf32, #tpu.memory_space<vmem>>
        %get3A_1338 = tpu.memref_squeeze %get3A_1337 : memref<1x200x64xf32, #tpu.memory_space<vmem>> -> memref<200x64xf32, #tpu.memory_space<vmem>>
        %get3A_1339 = arith.index_cast %scan3A_1307 : i32 to index
        %get3A_1340 = arith.constant 48 : index
        %get3A_1341 = tpu.vector_load %get3A_1338[%get3A_1339, %get3A_1340] {strides = array<i32>} : memref<200x64xf32, #tpu.memory_space<vmem>>, vector<1x16xf32>,
        %get3A_1342 = vector.shape_cast %get3A_1341 : vector<1x16xf32> to vector<16xf32>
        %add3A_1343 = arith.addf %add3A_1305, %get3A_1342 : vector<16xf32>
        %scan3A_1344 = arith.constant 3 : i32
        %scan3A_1345 = arith.addi %scan3A_1228, %scan3A_1344 : i32
        %get3A_1346 = arith.constant 0 : i32
        %get3A_1347 = arith.constant 0 : i32
        %get3A_1348 = tpu.memref_slice %arg6[%scan3A_1141, %get3A_1346, %get3A_1347] : memref<8x200x64xf32, #tpu.memory_space<vmem>> -> memref<1x200x64xf32, #tpu.memory_space<vmem>>
        %get3A_1349 = tpu.memref_squeeze %get3A_1348 : memref<1x200x64xf32, #tpu.memory_space<vmem>> -> memref<200x64xf32, #tpu.memory_space<vmem>>
        %get3A_1350 = arith.index_cast %scan3A_1345 : i32 to index
        %get3A_1351 = arith.constant 0 : index
        %get3A_1352 = tpu.vector_load %get3A_1349[%get3A_1350, %get3A_1351] {strides = array<i32>} : memref<200x64xf32, #tpu.memory_space<vmem>>, vector<1x16xf32>,
        %get3A_1353 = vector.shape_cast %get3A_1352 : vector<1x16xf32> to vector<16xf32>
        %add3A_1354 = arith.addf %add3A_1316, %get3A_1353 : vector<16xf32>
        %get3A_1355 = arith.constant 0 : i32
        %get3A_1356 = arith.constant 0 : i32
        %get3A_1357 = tpu.memref_slice %arg6[%scan3A_1141, %get3A_1355, %get3A_1356] : memref<8x200x64xf32, #tpu.memory_space<vmem>> -> memref<1x200x64xf32, #tpu.memory_space<vmem>>
        %get3A_1358 = tpu.memref_squeeze %get3A_1357 : memref<1x200x64xf32, #tpu.memory_space<vmem>> -> memref<200x64xf32, #tpu.memory_space<vmem>>
        %get3A_1359 = arith.index_cast %scan3A_1345 : i32 to index
        %get3A_1360 = arith.constant 16 : index
        %get3A_1361 = tpu.vector_load %get3A_1358[%get3A_1359, %get3A_1360] {strides = array<i32>} : memref<200x64xf32, #tpu.memory_space<vmem>>, vector<1x16xf32>,
        %get3A_1362 = vector.shape_cast %get3A_1361 : vector<1x16xf32> to vector<16xf32>
        %add3A_1363 = arith.addf %add3A_1325, %get3A_1362 : vector<16xf32>
        %get3A_1364 = arith.constant 0 : i32
        %get3A_1365 = arith.constant 0 : i32
        %get3A_1366 = tpu.memref_slice %arg6[%scan3A_1141, %get3A_1364, %get3A_1365] : memref<8x200x64xf32, #tpu.memory_space<vmem>> -> memref<1x200x64xf32, #tpu.memory_space<vmem>>
        %get3A_1367 = tpu.memref_squeeze %get3A_1366 : memref<1x200x64xf32, #tpu.memory_space<vmem>> -> memref<200x64xf32, #tpu.memory_space<vmem>>
        %get3A_1368 = arith.index_cast %scan3A_1345 : i32 to index
        %get3A_1369 = arith.constant 32 : index
        %get3A_1370 = tpu.vector_load %get3A_1367[%get3A_1368, %get3A_1369] {strides = array<i32>} : memref<200x64xf32, #tpu.memory_space<vmem>>, vector<1x16xf32>,
        %get3A_1371 = vector.shape_cast %get3A_1370 : vector<1x16xf32> to vector<16xf32>
        %add3A_1372 = arith.addf %add3A_1334, %get3A_1371 : vector<16xf32>
        %get3A_1373 = arith.constant 0 : i32
        %get3A_1374 = arith.constant 0 : i32
        %get3A_1375 = tpu.memref_slice %arg6[%scan3A_1141, %get3A_1373, %get3A_1374] : memref<8x200x64xf32, #tpu.memory_space<vmem>> -> memref<1x200x64xf32, #tpu.memory_space<vmem>>
        %get3A_1376 = tpu.memref_squeeze %get3A_1375 : memref<1x200x64xf32, #tpu.memory_space<vmem>> -> memref<200x64xf32, #tpu.memory_space<vmem>>
        %get3A_1377 = arith.index_cast %scan3A_1345 : i32 to index
        %get3A_1378 = arith.constant 48 : index
        %get3A_1379 = tpu.vector_load %get3A_1376[%get3A_1377, %get3A_1378] {strides = array<i32>} : memref<200x64xf32, #tpu.memory_space<vmem>>, vector<1x16xf32>,
        %get3A_1380 = vector.shape_cast %get3A_1379 : vector<1x16xf32> to vector<16xf32>
        %add3A_1381 = arith.addf %add3A_1343, %get3A_1380 : vector<16xf32>
        %scan3A_1382 = arith.constant 4 : i32
        %scan3A_1383 = arith.addi %scan3A_1228, %scan3A_1382 : i32
        %get3A_1384 = arith.constant 0 : i32
        %get3A_1385 = arith.constant 0 : i32
        %get3A_1386 = tpu.memref_slice %arg6[%scan3A_1141, %get3A_1384, %get3A_1385] : memref<8x200x64xf32, #tpu.memory_space<vmem>> -> memref<1x200x64xf32, #tpu.memory_space<vmem>>
        %get3A_1387 = tpu.memref_squeeze %get3A_1386 : memref<1x200x64xf32, #tpu.memory_space<vmem>> -> memref<200x64xf32, #tpu.memory_space<vmem>>
        %get3A_1388 = arith.index_cast %scan3A_1383 : i32 to index
        %get3A_1389 = arith.constant 0 : index
        %get3A_1390 = tpu.vector_load %get3A_1387[%get3A_1388, %get3A_1389] {strides = array<i32>} : memref<200x64xf32, #tpu.memory_space<vmem>>, vector<1x16xf32>,
        %get3A_1391 = vector.shape_cast %get3A_1390 : vector<1x16xf32> to vector<16xf32>
        %add3A_1392 = arith.addf %add3A_1354, %get3A_1391 : vector<16xf32>
        %get3A_1393 = arith.constant 0 : i32
        %get3A_1394 = arith.constant 0 : i32
        %get3A_1395 = tpu.memref_slice %arg6[%scan3A_1141, %get3A_1393, %get3A_1394] : memref<8x200x64xf32, #tpu.memory_space<vmem>> -> memref<1x200x64xf32, #tpu.memory_space<vmem>>
        %get3A_1396 = tpu.memref_squeeze %get3A_1395 : memref<1x200x64xf32, #tpu.memory_space<vmem>> -> memref<200x64xf32, #tpu.memory_space<vmem>>
        %get3A_1397 = arith.index_cast %scan3A_1383 : i32 to index
        %get3A_1398 = arith.constant 16 : index
        %get3A_1399 = tpu.vector_load %get3A_1396[%get3A_1397, %get3A_1398] {strides = array<i32>} : memref<200x64xf32, #tpu.memory_space<vmem>>, vector<1x16xf32>,
        %get3A_1400 = vector.shape_cast %get3A_1399 : vector<1x16xf32> to vector<16xf32>
        %add3A_1401 = arith.addf %add3A_1363, %get3A_1400 : vector<16xf32>
        %get3A_1402 = arith.constant 0 : i32
        %get3A_1403 = arith.constant 0 : i32
        %get3A_1404 = tpu.memref_slice %arg6[%scan3A_1141, %get3A_1402, %get3A_1403] : memref<8x200x64xf32, #tpu.memory_space<vmem>> -> memref<1x200x64xf32, #tpu.memory_space<vmem>>
        %get3A_1405 = tpu.memref_squeeze %get3A_1404 : memref<1x200x64xf32, #tpu.memory_space<vmem>> -> memref<200x64xf32, #tpu.memory_space<vmem>>
        %get3A_1406 = arith.index_cast %scan3A_1383 : i32 to index
        %get3A_1407 = arith.constant 32 : index
        %get3A_1408 = tpu.vector_load %get3A_1405[%get3A_1406, %get3A_1407] {strides = array<i32>} : memref<200x64xf32, #tpu.memory_space<vmem>>, vector<1x16xf32>,
        %get3A_1409 = vector.shape_cast %get3A_1408 : vector<1x16xf32> to vector<16xf32>
        %add3A_1410 = arith.addf %add3A_1372, %get3A_1409 : vector<16xf32>
        %get3A_1411 = arith.constant 0 : i32
        %get3A_1412 = arith.constant 0 : i32
        %get3A_1413 = tpu.memref_slice %arg6[%scan3A_1141, %get3A_1411, %get3A_1412] : memref<8x200x64xf32, #tpu.memory_space<vmem>> -> memref<1x200x64xf32, #tpu.memory_space<vmem>>
        %get3A_1414 = tpu.memref_squeeze %get3A_1413 : memref<1x200x64xf32, #tpu.memory_space<vmem>> -> memref<200x64xf32, #tpu.memory_space<vmem>>
        %get3A_1415 = arith.index_cast %scan3A_1383 : i32 to index
        %get3A_1416 = arith.constant 48 : index
        %get3A_1417 = tpu.vector_load %get3A_1414[%get3A_1415, %get3A_1416] {strides = array<i32>} : memref<200x64xf32, #tpu.memory_space<vmem>>, vector<1x16xf32>,
        %get3A_1418 = vector.shape_cast %get3A_1417 : vector<1x16xf32> to vector<16xf32>
        %add3A_1419 = arith.addf %add3A_1381, %get3A_1418 : vector<16xf32>
        %scan3A_1420 = arith.constant 5 : i32
        %scan3A_1421 = arith.addi %scan3A_1228, %scan3A_1420 : i32
        %get3A_1422 = arith.constant 0 : i32
        %get3A_1423 = arith.constant 0 : i32
        %get3A_1424 = tpu.memref_slice %arg6[%scan3A_1141, %get3A_1422, %get3A_1423] : memref<8x200x64xf32, #tpu.memory_space<vmem>> -> memref<1x200x64xf32, #tpu.memory_space<vmem>>
        %get3A_1425 = tpu.memref_squeeze %get3A_1424 : memref<1x200x64xf32, #tpu.memory_space<vmem>> -> memref<200x64xf32, #tpu.memory_space<vmem>>
        %get3A_1426 = arith.index_cast %scan3A_1421 : i32 to index
        %get3A_1427 = arith.constant 0 : index
        %get3A_1428 = tpu.vector_load %get3A_1425[%get3A_1426, %get3A_1427] {strides = array<i32>} : memref<200x64xf32, #tpu.memory_space<vmem>>, vector<1x16xf32>,
        %get3A_1429 = vector.shape_cast %get3A_1428 : vector<1x16xf32> to vector<16xf32>
        %add3A_1430 = arith.addf %add3A_1392, %get3A_1429 : vector<16xf32>
        %get3A_1431 = arith.constant 0 : i32
        %get3A_1432 = arith.constant 0 : i32
        %get3A_1433 = tpu.memref_slice %arg6[%scan3A_1141, %get3A_1431, %get3A_1432] : memref<8x200x64xf32, #tpu.memory_space<vmem>> -> memref<1x200x64xf32, #tpu.memory_space<vmem>>
        %get3A_1434 = tpu.memref_squeeze %get3A_1433 : memref<1x200x64xf32, #tpu.memory_space<vmem>> -> memref<200x64xf32, #tpu.memory_space<vmem>>
        %get3A_1435 = arith.index_cast %scan3A_1421 : i32 to index
        %get3A_1436 = arith.constant 16 : index
        %get3A_1437 = tpu.vector_load %get3A_1434[%get3A_1435, %get3A_1436] {strides = array<i32>} : memref<200x64xf32, #tpu.memory_space<vmem>>, vector<1x16xf32>,
        %get3A_1438 = vector.shape_cast %get3A_1437 : vector<1x16xf32> to vector<16xf32>
        %add3A_1439 = arith.addf %add3A_1401, %get3A_1438 : vector<16xf32>
        %get3A_1440 = arith.constant 0 : i32
        %get3A_1441 = arith.constant 0 : i32
        %get3A_1442 = tpu.memref_slice %arg6[%scan3A_1141, %get3A_1440, %get3A_1441] : memref<8x200x64xf32, #tpu.memory_space<vmem>> -> memref<1x200x64xf32, #tpu.memory_space<vmem>>
        %get3A_1443 = tpu.memref_squeeze %get3A_1442 : memref<1x200x64xf32, #tpu.memory_space<vmem>> -> memref<200x64xf32, #tpu.memory_space<vmem>>
        %get3A_1444 = arith.index_cast %scan3A_1421 : i32 to index
        %get3A_1445 = arith.constant 32 : index
        %get3A_1446 = tpu.vector_load %get3A_1443[%get3A_1444, %get3A_1445] {strides = array<i32>} : memref<200x64xf32, #tpu.memory_space<vmem>>, vector<1x16xf32>,
        %get3A_1447 = vector.shape_cast %get3A_1446 : vector<1x16xf32> to vector<16xf32>
        %add3A_1448 = arith.addf %add3A_1410, %get3A_1447 : vector<16xf32>
        %get3A_1449 = arith.constant 0 : i32
        %get3A_1450 = arith.constant 0 : i32
        %get3A_1451 = tpu.memref_slice %arg6[%scan3A_1141, %get3A_1449, %get3A_1450] : memref<8x200x64xf32, #tpu.memory_space<vmem>> -> memref<1x200x64xf32, #tpu.memory_space<vmem>>
        %get3A_1452 = tpu.memref_squeeze %get3A_1451 : memref<1x200x64xf32, #tpu.memory_space<vmem>> -> memref<200x64xf32, #tpu.memory_space<vmem>>
        %get3A_1453 = arith.index_cast %scan3A_1421 : i32 to index
        %get3A_1454 = arith.constant 48 : index
        %get3A_1455 = tpu.vector_load %get3A_1452[%get3A_1453, %get3A_1454] {strides = array<i32>} : memref<200x64xf32, #tpu.memory_space<vmem>>, vector<1x16xf32>,
        %get3A_1456 = vector.shape_cast %get3A_1455 : vector<1x16xf32> to vector<16xf32>
        %add3A_1457 = arith.addf %add3A_1419, %get3A_1456 : vector<16xf32>
        %scan3A_1458 = arith.constant 6 : i32
        %scan3A_1459 = arith.addi %scan3A_1228, %scan3A_1458 : i32
        %get3A_1460 = arith.constant 0 : i32
        %get3A_1461 = arith.constant 0 : i32
        %get3A_1462 = tpu.memref_slice %arg6[%scan3A_1141, %get3A_1460, %get3A_1461] : memref<8x200x64xf32, #tpu.memory_space<vmem>> -> memref<1x200x64xf32, #tpu.memory_space<vmem>>
        %get3A_1463 = tpu.memref_squeeze %get3A_1462 : memref<1x200x64xf32, #tpu.memory_space<vmem>> -> memref<200x64xf32, #tpu.memory_space<vmem>>
        %get3A_1464 = arith.index_cast %scan3A_1459 : i32 to index
        %get3A_1465 = arith.constant 0 : index
        %get3A_1466 = tpu.vector_load %get3A_1463[%get3A_1464, %get3A_1465] {strides = array<i32>} : memref<200x64xf32, #tpu.memory_space<vmem>>, vector<1x16xf32>,
        %get3A_1467 = vector.shape_cast %get3A_1466 : vector<1x16xf32> to vector<16xf32>
        %add3A_1468 = arith.addf %add3A_1430, %get3A_1467 : vector<16xf32>
        %get3A_1469 = arith.constant 0 : i32
        %get3A_1470 = arith.constant 0 : i32
        %get3A_1471 = tpu.memref_slice %arg6[%scan3A_1141, %get3A_1469, %get3A_1470] : memref<8x200x64xf32, #tpu.memory_space<vmem>> -> memref<1x200x64xf32, #tpu.memory_space<vmem>>
        %get3A_1472 = tpu.memref_squeeze %get3A_1471 : memref<1x200x64xf32, #tpu.memory_space<vmem>> -> memref<200x64xf32, #tpu.memory_space<vmem>>
        %get3A_1473 = arith.index_cast %scan3A_1459 : i32 to index
        %get3A_1474 = arith.constant 16 : index
        %get3A_1475 = tpu.vector_load %get3A_1472[%get3A_1473, %get3A_1474] {strides = array<i32>} : memref<200x64xf32, #tpu.memory_space<vmem>>, vector<1x16xf32>,
        %get3A_1476 = vector.shape_cast %get3A_1475 : vector<1x16xf32> to vector<16xf32>
        %add3A_1477 = arith.addf %add3A_1439, %get3A_1476 : vector<16xf32>
        %get3A_1478 = arith.constant 0 : i32
        %get3A_1479 = arith.constant 0 : i32
        %get3A_1480 = tpu.memref_slice %arg6[%scan3A_1141, %get3A_1478, %get3A_1479] : memref<8x200x64xf32, #tpu.memory_space<vmem>> -> memref<1x200x64xf32, #tpu.memory_space<vmem>>
        %get3A_1481 = tpu.memref_squeeze %get3A_1480 : memref<1x200x64xf32, #tpu.memory_space<vmem>> -> memref<200x64xf32, #tpu.memory_space<vmem>>
        %get3A_1482 = arith.index_cast %scan3A_1459 : i32 to index
        %get3A_1483 = arith.constant 32 : index
        %get3A_1484 = tpu.vector_load %get3A_1481[%get3A_1482, %get3A_1483] {strides = array<i32>} : memref<200x64xf32, #tpu.memory_space<vmem>>, vector<1x16xf32>,
        %get3A_1485 = vector.shape_cast %get3A_1484 : vector<1x16xf32> to vector<16xf32>
        %add3A_1486 = arith.addf %add3A_1448, %get3A_1485 : vector<16xf32>
        %get3A_1487 = arith.constant 0 : i32
        %get3A_1488 = arith.constant 0 : i32
        %get3A_1489 = tpu.memref_slice %arg6[%scan3A_1141, %get3A_1487, %get3A_1488] : memref<8x200x64xf32, #tpu.memory_space<vmem>> -> memref<1x200x64xf32, #tpu.memory_space<vmem>>
        %get3A_1490 = tpu.memref_squeeze %get3A_1489 : memref<1x200x64xf32, #tpu.memory_space<vmem>> -> memref<200x64xf32, #tpu.memory_space<vmem>>
        %get3A_1491 = arith.index_cast %scan3A_1459 : i32 to index
        %get3A_1492 = arith.constant 48 : index
        %get3A_1493 = tpu.vector_load %get3A_1490[%get3A_1491, %get3A_1492] {strides = array<i32>} : memref<200x64xf32, #tpu.memory_space<vmem>>, vector<1x16xf32>,
        %get3A_1494 = vector.shape_cast %get3A_1493 : vector<1x16xf32> to vector<16xf32>
        %add3A_1495 = arith.addf %add3A_1457, %get3A_1494 : vector<16xf32>
        %scan3A_1496 = arith.constant 7 : i32
        %scan3A_1497 = arith.addi %scan3A_1228, %scan3A_1496 : i32
        %get3A_1498 = arith.constant 0 : i32
        %get3A_1499 = arith.constant 0 : i32
        %get3A_1500 = tpu.memref_slice %arg6[%scan3A_1141, %get3A_1498, %get3A_1499] : memref<8x200x64xf32, #tpu.memory_space<vmem>> -> memref<1x200x64xf32, #tpu.memory_space<vmem>>
        %get3A_1501 = tpu.memref_squeeze %get3A_1500 : memref<1x200x64xf32, #tpu.memory_space<vmem>> -> memref<200x64xf32, #tpu.memory_space<vmem>>
        %get3A_1502 = arith.index_cast %scan3A_1497 : i32 to index
        %get3A_1503 = arith.constant 0 : index
        %get3A_1504 = tpu.vector_load %get3A_1501[%get3A_1502, %get3A_1503] {strides = array<i32>} : memref<200x64xf32, #tpu.memory_space<vmem>>, vector<1x16xf32>,
        %get3A_1505 = vector.shape_cast %get3A_1504 : vector<1x16xf32> to vector<16xf32>
        %add3A_1506 = arith.addf %add3A_1468, %get3A_1505 : vector<16xf32>
        %get3A_1507 = arith.constant 0 : i32
        %get3A_1508 = arith.constant 0 : i32
        %get3A_1509 = tpu.memref_slice %arg6[%scan3A_1141, %get3A_1507, %get3A_1508] : memref<8x200x64xf32, #tpu.memory_space<vmem>> -> memref<1x200x64xf32, #tpu.memory_space<vmem>>
        %get3A_1510 = tpu.memref_squeeze %get3A_1509 : memref<1x200x64xf32, #tpu.memory_space<vmem>> -> memref<200x64xf32, #tpu.memory_space<vmem>>
        %get3A_1511 = arith.index_cast %scan3A_1497 : i32 to index
        %get3A_1512 = arith.constant 16 : index
        %get3A_1513 = tpu.vector_load %get3A_1510[%get3A_1511, %get3A_1512] {strides = array<i32>} : memref<200x64xf32, #tpu.memory_space<vmem>>, vector<1x16xf32>,
        %get3A_1514 = vector.shape_cast %get3A_1513 : vector<1x16xf32> to vector<16xf32>
        %add3A_1515 = arith.addf %add3A_1477, %get3A_1514 : vector<16xf32>
        %get3A_1516 = arith.constant 0 : i32
        %get3A_1517 = arith.constant 0 : i32
        %get3A_1518 = tpu.memref_slice %arg6[%scan3A_1141, %get3A_1516, %get3A_1517] : memref<8x200x64xf32, #tpu.memory_space<vmem>> -> memref<1x200x64xf32, #tpu.memory_space<vmem>>
        %get3A_1519 = tpu.memref_squeeze %get3A_1518 : memref<1x200x64xf32, #tpu.memory_space<vmem>> -> memref<200x64xf32, #tpu.memory_space<vmem>>
        %get3A_1520 = arith.index_cast %scan3A_1497 : i32 to index
        %get3A_1521 = arith.constant 32 : index
        %get3A_1522 = tpu.vector_load %get3A_1519[%get3A_1520, %get3A_1521] {strides = array<i32>} : memref<200x64xf32, #tpu.memory_space<vmem>>, vector<1x16xf32>,
        %get3A_1523 = vector.shape_cast %get3A_1522 : vector<1x16xf32> to vector<16xf32>
        %add3A_1524 = arith.addf %add3A_1486, %get3A_1523 : vector<16xf32>
        %get3A_1525 = arith.constant 0 : i32
        %get3A_1526 = arith.constant 0 : i32
        %get3A_1527 = tpu.memref_slice %arg6[%scan3A_1141, %get3A_1525, %get3A_1526] : memref<8x200x64xf32, #tpu.memory_space<vmem>> -> memref<1x200x64xf32, #tpu.memory_space<vmem>>
        %get3A_1528 = tpu.memref_squeeze %get3A_1527 : memref<1x200x64xf32, #tpu.memory_space<vmem>> -> memref<200x64xf32, #tpu.memory_space<vmem>>
        %get3A_1529 = arith.index_cast %scan3A_1497 : i32 to index
        %get3A_1530 = arith.constant 48 : index
        %get3A_1531 = tpu.vector_load %get3A_1528[%get3A_1529, %get3A_1530] {strides = array<i32>} : memref<200x64xf32, #tpu.memory_space<vmem>>, vector<1x16xf32>,
        %get3A_1532 = vector.shape_cast %get3A_1531 : vector<1x16xf32> to vector<16xf32>
        %add3A_1533 = arith.addf %add3A_1495, %get3A_1532 : vector<16xf32>
        scf.yield %add3A_1506, %add3A_1515, %add3A_1524, %add3A_1533 : vector<16xf32>, vector<16xf32>, vector<16xf32>, vector<16xf32>
      }
      %scan3A_1147 = arith.constant 200 : i32
      %add3A_1148 = arith.constant 8 : i32
      %add3A_1149 = arith.addi %add3A_1110, %add3A_1148 : i32
      %lt3A_1150 = arith.constant 512 : i32
      %lt3A_1151 = arith.cmpi slt, %add3A_1149, %lt3A_1150 : i32
      %rem3A_1152 = arith.constant 32 : i32
      %rem3A_1153 = arith.remsi %add3A_1149, %rem3A_1152 : i32
      %eq3A_1154 = arith.constant 0 : i32
      %eq3A_1155 = arith.cmpi eq, %rem3A_1153, %eq3A_1154 : i32
      %and3A_1156 = arith.andi %lt3A_1151, %eq3A_1155 : i1
      %convert_element_type3A_1157 = arith.extui %and3A_1156 : i1 to i32
      %cond3A_1158 = arith.constant 0 : i32
      %cond3A_1159 = arith.cmpi ne, %convert_element_type3A_1157, %cond3A_1158 : i32
      scf.if %cond3A_1159 {
        %dma_wait3A_1228 = arith.constant 0 : i32
        %dma_wait3A_1229 = arith.constant 0 : i32
        %dma_wait3A_1230 = arith.constant 0 : i32
        %dma_wait3A_1231 = tpu.memref_slice %arg5[%dma_wait3A_1228, %dma_wait3A_1229, %dma_wait3A_1230] : memref<2x32x200xi32, #tpu.memory_space<vmem>> -> memref<1x32x200xi32, #tpu.memory_space<vmem>>
        %dma_wait3A_1232 = tpu.memref_squeeze %dma_wait3A_1231 : memref<1x32x200xi32, #tpu.memory_space<vmem>> -> memref<32x200xi32, #tpu.memory_space<vmem>>
        %dma_wait3A_1233 = arith.constant 0 : i32
        %dma_wait3A_1234 = tpu.memref_slice %arg2[%mul3A_2, %dma_wait3A_1233] : memref<16384x200xi32, #tpu.memory_space<hbm>> -> memref<32x200xi32, #tpu.memory_space<hbm>>
        %dma_wait3A_1235 = arith.constant 0 : i32
        %dma_wait3A_1236 = arith.constant 0 : i32
        %dma_wait3A_1237 = tpu.memref_slice %arg5[%dma_wait3A_1228, %dma_wait3A_1235, %dma_wait3A_1236] : memref<2x32x200xi32, #tpu.memory_space<vmem>> -> memref<1x32x200xi32, #tpu.memory_space<vmem>>
        %dma_wait3A_1238 = tpu.memref_squeeze %dma_wait3A_1237 : memref<1x32x200xi32, #tpu.memory_space<vmem>> -> memref<32x200xi32, #tpu.memory_space<vmem>>
        %dma_wait3A_1239 = arith.constant 0 : i32
        %dma_wait3A_1240 = tpu.memref_slice %arg2[%mul3A_2, %dma_wait3A_1239] : memref<16384x200xi32, #tpu.memory_space<hbm>> -> memref<32x200xi32, #tpu.memory_space<hbm>>
        tpu.wait_dma2 semaphore(%arg16 : memref<!tpu.dma_semaphore, #tpu.memory_space<semaphore_mem>>) src(%dma_wait3A_1240 : memref<32x200xi32, #tpu.memory_space<hbm>>) dst(%dma_wait3A_1238 : memref<32x200xi32, #tpu.memory_space<vmem>>)
      } else {
      }
      %lt3A_1160 = arith.constant 512 : i32
      %lt3A_1161 = arith.cmpi slt, %add3A_1149, %lt3A_1160 : i32
      %convert_element_type3A_1162 = arith.extui %lt3A_1161 : i1 to i32
      %cond3A_1163 = arith.constant 0 : i32
      %cond3A_1164 = arith.cmpi ne, %convert_element_type3A_1162, %cond3A_1163 : i32
      scf.if %cond3A_1164 {
        %div3A_1228 = arith.constant 32 : i32
        %div3A_1229 = arith.divsi %add3A_1149, %div3A_1228 : i32
        %rem3A_1230 = arith.constant 2 : i32
        %rem3A_1231 = arith.remsi %div3A_1229, %rem3A_1230 : i32
        %rem3A_1232 = arith.constant 32 : i32
        %rem3A_1233 = arith.remsi %add3A_1149, %rem3A_1232 : i32
        %dma_start3A_1234 = arith.constant 7 : i32
        %dma_start3A_1235 = arith.constant 0 : i32
        %dma_start3A_1236 = arith.constant 0 : i32
        %dma_start3A_1237 = tpu.memref_slice %arg6[%dma_start3A_1234, %dma_start3A_1235, %dma_start3A_1236] : memref<8x200x64xf32, #tpu.memory_space<vmem>> -> memref<1x104x64xf32, #tpu.memory_space<vmem>>
        %dma_start3A_1238 = tpu.memref_squeeze %dma_start3A_1237 : memref<1x104x64xf32, #tpu.memory_space<vmem>> -> memref<104x64xf32, #tpu.memory_space<vmem>>
        %dma_start3A_1239 = arith.constant 0 : i32
        %dma_start3A_1240 = tpu.memref_slice %arg5[%rem3A_1231, %rem3A_1233, %dma_start3A_1239] : memref<2x32x200xi32, #tpu.memory_space<vmem>> -> memref<1x1x104xi32, #tpu.memory_space<vmem>>
        %dma_start3A_1241 = tpu.memref_squeeze %dma_start3A_1240 : memref<1x1x104xi32, #tpu.memory_space<vmem>> -> memref<104xi32, #tpu.memory_space<vmem>>
        %dma_start3A_1242 = arith.constant 0 : i32
        %dma_start3A_1243 = arith.constant 0 : i32
        %dma_start3A_1244 = tpu.memref_slice %arg3[%dma_start3A_1242, %dma_start3A_1243] : memref<1000000x64xf32, #tpu.memory_space<hbm>> -> memref<1000000x64xf32, #tpu.memory_space<hbm>>
        tpu.enqueue_indirect_dma source(%dma_start3A_1244 : memref<1000000x64xf32, #tpu.memory_space<hbm>>) target(%dma_start3A_1238 : memref<104x64xf32, #tpu.memory_space<vmem>>) offsets(%dma_start3A_1241 : memref<104xi32, #tpu.memory_space<vmem>>) semaphore(%arg15 : memref<!tpu.dma_semaphore, #tpu.memory_space<semaphore_mem>>)
        %dma_start3A_1245 = arith.constant 7 : i32
        %dma_start3A_1246 = arith.constant 104 : i32
        %dma_start3A_1247 = arith.constant 0 : i32
        %dma_start3A_1248 = tpu.memref_slice %arg6[%dma_start3A_1245, %dma_start3A_1246, %dma_start3A_1247] : memref<8x200x64xf32, #tpu.memory_space<vmem>> -> memref<1x96x64xf32, #tpu.memory_space<vmem>>
        %dma_start3A_1249 = tpu.memref_squeeze %dma_start3A_1248 : memref<1x96x64xf32, #tpu.memory_space<vmem>> -> memref<96x64xf32, #tpu.memory_space<vmem>>
        %dma_start3A_1250 = arith.constant 104 : i32
        %dma_start3A_1251 = tpu.memref_slice %arg5[%rem3A_1231, %rem3A_1233, %dma_start3A_1250] : memref<2x32x200xi32, #tpu.memory_space<vmem>> -> memref<1x1x96xi32, #tpu.memory_space<vmem>>
        %dma_start3A_1252 = tpu.memref_squeeze %dma_start3A_1251 : memref<1x1x96xi32, #tpu.memory_space<vmem>> -> memref<96xi32, #tpu.memory_space<vmem>>
        %dma_start3A_1253 = arith.constant 0 : i32
        %dma_start3A_1254 = arith.constant 0 : i32
        %dma_start3A_1255 = tpu.memref_slice %arg3[%dma_start3A_1253, %dma_start3A_1254] : memref<1000000x64xf32, #tpu.memory_space<hbm>> -> memref<1000000x64xf32, #tpu.memory_space<hbm>>
        tpu.enqueue_indirect_dma source(%dma_start3A_1255 : memref<1000000x64xf32, #tpu.memory_space<hbm>>) target(%dma_start3A_1249 : memref<96x64xf32, #tpu.memory_space<vmem>>) offsets(%dma_start3A_1252 : memref<96xi32, #tpu.memory_space<vmem>>) semaphore(%arg15 : memref<!tpu.dma_semaphore, #tpu.memory_space<semaphore_mem>>)
      } else {
      }
      %rem3A_1165 = arith.constant 32 : i32
      %rem3A_1166 = arith.remsi %add3A_1110, %rem3A_1165 : i32
      %eq3A_1167 = arith.constant 0 : i32
      %eq3A_1168 = arith.cmpi eq, %rem3A_1166, %eq3A_1167 : i32
      %gt3A_1169 = arith.constant 0 : i32
      %gt3A_1170 = arith.cmpi sgt, %add3A_1110, %gt3A_1169 : i32
      %and3A_1171 = arith.andi %eq3A_1168, %gt3A_1170 : i1
      %lt3A_1172 = arith.constant 480 : i32
      %lt3A_1173 = arith.cmpi slt, %add3A_1110, %lt3A_1172 : i32
      %and3A_1174 = arith.andi %and3A_1171, %lt3A_1173 : i1
      %convert_element_type3A_1175 = arith.extui %and3A_1174 : i1 to i32
      %cond3A_1176 = arith.constant 0 : i32
      %cond3A_1177 = arith.cmpi ne, %convert_element_type3A_1175, %cond3A_1176 : i32
      scf.if %cond3A_1177 {
        %div3A_1228 = arith.constant 32 : i32
        %div3A_1229 = arith.divsi %add3A_1110, %div3A_1228 : i32
        %add3A_1230 = arith.constant 1 : i32
        %add3A_1231 = arith.addi %div3A_1229, %add3A_1230 : i32
        %mul3A_1232 = arith.constant 32 : i32
        %mul3A_1233 = arith.muli %add3A_1231, %mul3A_1232 : i32
        %add3A_1234 = arith.addi %mul3A_2, %mul3A_1233 : i32
        %rem3A_1235 = arith.constant 2 : i32
        %rem3A_1236 = arith.remsi %add3A_1231, %rem3A_1235 : i32
        %dma_start3A_1237 = arith.constant 0 : i32
        %dma_start3A_1238 = arith.constant 0 : i32
        %dma_start3A_1239 = tpu.memref_slice %arg5[%rem3A_1236, %dma_start3A_1237, %dma_start3A_1238] : memref<2x32x200xi32, #tpu.memory_space<vmem>> -> memref<1x32x200xi32, #tpu.memory_space<vmem>>
        %dma_start3A_1240 = tpu.memref_squeeze %dma_start3A_1239 : memref<1x32x200xi32, #tpu.memory_space<vmem>> -> memref<32x200xi32, #tpu.memory_space<vmem>>
        %dma_start3A_1241 = arith.constant 0 : i32
        %dma_start3A_1242 = tpu.memref_slice %arg2[%add3A_1234, %dma_start3A_1241] : memref<16384x200xi32, #tpu.memory_space<hbm>> -> memref<32x200xi32, #tpu.memory_space<hbm>>
        %dma_start3A_1243 = arith.constant 0 : i32
        %dma_start3A_1244 = arith.constant 0 : i32
        %dma_start3A_1245 = tpu.memref_slice %arg5[%rem3A_1236, %dma_start3A_1243, %dma_start3A_1244] : memref<2x32x200xi32, #tpu.memory_space<vmem>> -> memref<1x32x200xi32, #tpu.memory_space<vmem>>
        %dma_start3A_1246 = tpu.memref_squeeze %dma_start3A_1245 : memref<1x32x200xi32, #tpu.memory_space<vmem>> -> memref<32x200xi32, #tpu.memory_space<vmem>>
        %dma_start3A_1247 = arith.constant 0 : i32
        %dma_start3A_1248 = tpu.memref_slice %arg2[%add3A_1234, %dma_start3A_1247] : memref<16384x200xi32, #tpu.memory_space<hbm>> -> memref<32x200xi32, #tpu.memory_space<hbm>>
        tpu.enqueue_dma source(%dma_start3A_1248 : memref<32x200xi32, #tpu.memory_space<hbm>>) target(%dma_start3A_1246 : memref<32x200xi32, #tpu.memory_space<vmem>>) target_semaphore(%arg16 : memref<!tpu.dma_semaphore, #tpu.memory_space<semaphore_mem>>)
      } else {
      }
      %div3A_1178 = arith.constant 64 : i32
      %div3A_1179 = arith.divsi %add3A_1110, %div3A_1178 : i32
      %rem3A_1180 = arith.constant 2 : i32
      %rem3A_1181 = arith.remsi %div3A_1179, %rem3A_1180 : i32
      %rem3A_1182 = arith.constant 64 : i32
      %rem3A_1183 = arith.remsi %add3A_1110, %rem3A_1182 : i32
      %mul3A_1184 = arith.constant 5.000000e-03 : f32
      %mul3A_1185 = vector.broadcast %mul3A_1184 : f32 to vector<16xf32>
      %mul3A_1186 = arith.mulf %scan3A_1146#0, %mul3A_1185 : vector<16xf32>
      %swap3A_1187 = arith.index_cast %rem3A_1181 : i32 to index
      %swap3A_1188 = arith.index_cast %rem3A_1183 : i32 to index
      %swap3A_1189 = arith.constant 0 : index
      %swap3A_1190 = tpu.vector_load %arg7[%swap3A_1187, %swap3A_1188, %swap3A_1189] {strides = array<i32>} : memref<2x64x64xf32, #tpu.memory_space<vmem>>, vector<1x1x16xf32>,
      %swap3A_1191 = vector.shape_cast %swap3A_1190 : vector<1x1x16xf32> to vector<16xf32>
      %swap3A_1192 = vector.shape_cast %mul3A_1186 : vector<16xf32> to vector<1x1x16xf32>
      tpu.vector_store %arg7[%swap3A_1187, %swap3A_1188, %swap3A_1189], %swap3A_1192 {strides = array<i32>} : memref<2x64x64xf32, #tpu.memory_space<vmem>>, vector<1x1x16xf32>,
      %mul3A_1193 = arith.constant 5.000000e-03 : f32
      %mul3A_1194 = vector.broadcast %mul3A_1193 : f32 to vector<16xf32>
      %mul3A_1195 = arith.mulf %scan3A_1146#1, %mul3A_1194 : vector<16xf32>
      %swap3A_1196 = arith.index_cast %rem3A_1181 : i32 to index
      %swap3A_1197 = arith.index_cast %rem3A_1183 : i32 to index
      %swap3A_1198 = arith.constant 16 : index
      %swap3A_1199 = tpu.vector_load %arg7[%swap3A_1196, %swap3A_1197, %swap3A_1198] {strides = array<i32>} : memref<2x64x64xf32, #tpu.memory_space<vmem>>, vector<1x1x16xf32>,
      %swap3A_1200 = vector.shape_cast %swap3A_1199 : vector<1x1x16xf32> to vector<16xf32>
      %swap3A_1201 = vector.shape_cast %mul3A_1195 : vector<16xf32> to vector<1x1x16xf32>
      tpu.vector_store %arg7[%swap3A_1196, %swap3A_1197, %swap3A_1198], %swap3A_1201 {strides = array<i32>} : memref<2x64x64xf32, #tpu.memory_space<vmem>>, vector<1x1x16xf32>,
      %mul3A_1202 = arith.constant 5.000000e-03 : f32
      %mul3A_1203 = vector.broadcast %mul3A_1202 : f32 to vector<16xf32>
      %mul3A_1204 = arith.mulf %scan3A_1146#2, %mul3A_1203 : vector<16xf32>
      %swap3A_1205 = arith.index_cast %rem3A_1181 : i32 to index
      %swap3A_1206 = arith.index_cast %rem3A_1183 : i32 to index
      %swap3A_1207 = arith.constant 32 : index
      %swap3A_1208 = tpu.vector_load %arg7[%swap3A_1205, %swap3A_1206, %swap3A_1207] {strides = array<i32>} : memref<2x64x64xf32, #tpu.memory_space<vmem>>, vector<1x1x16xf32>,
      %swap3A_1209 = vector.shape_cast %swap3A_1208 : vector<1x1x16xf32> to vector<16xf32>
      %swap3A_1210 = vector.shape_cast %mul3A_1204 : vector<16xf32> to vector<1x1x16xf32>
      tpu.vector_store %arg7[%swap3A_1205, %swap3A_1206, %swap3A_1207], %swap3A_1210 {strides = array<i32>} : memref<2x64x64xf32, #tpu.memory_space<vmem>>, vector<1x1x16xf32>,
      %mul3A_1211 = arith.constant 5.000000e-03 : f32
      %mul3A_1212 = vector.broadcast %mul3A_1211 : f32 to vector<16xf32>
      %mul3A_1213 = arith.mulf %scan3A_1146#3, %mul3A_1212 : vector<16xf32>
      %swap3A_1214 = arith.index_cast %rem3A_1181 : i32 to index
      %swap3A_1215 = arith.index_cast %rem3A_1183 : i32 to index
      %swap3A_1216 = arith.constant 48 : index
      %swap3A_1217 = tpu.vector_load %arg7[%swap3A_1214, %swap3A_1215, %swap3A_1216] {strides = array<i32>} : memref<2x64x64xf32, #tpu.memory_space<vmem>>, vector<1x1x16xf32>,
      %swap3A_1218 = vector.shape_cast %swap3A_1217 : vector<1x1x16xf32> to vector<16xf32>
      %swap3A_1219 = vector.shape_cast %mul3A_1213 : vector<16xf32> to vector<1x1x16xf32>
      tpu.vector_store %arg7[%swap3A_1214, %swap3A_1215, %swap3A_1216], %swap3A_1219 {strides = array<i32>} : memref<2x64x64xf32, #tpu.memory_space<vmem>>, vector<1x1x16xf32>,
      %rem3A_1220 = arith.constant 64 : i32
      %rem3A_1221 = arith.remsi %add3A_1110, %rem3A_1220 : i32
      %eq3A_1222 = arith.constant 63 : i32
      %eq3A_1223 = arith.cmpi eq, %rem3A_1221, %eq3A_1222 : i32
      %convert_element_type3A_1224 = arith.extui %eq3A_1223 : i1 to i32
      %cond3A_1225 = arith.constant 0 : i32
      %cond3A_1226 = arith.cmpi ne, %convert_element_type3A_1224, %cond3A_1225 : i32
      scf.if %cond3A_1226 {
        %div3A_1228 = arith.constant 64 : i32
        %div3A_1229 = arith.divsi %add3A_1110, %div3A_1228 : i32
        %gt3A_1230 = arith.constant 0 : i32
        %gt3A_1231 = arith.cmpi sgt, %div3A_1229, %gt3A_1230 : i32
        %convert_element_type3A_1232 = arith.extui %gt3A_1231 : i1 to i32
        %cond3A_1233 = arith.constant 0 : i32
        %cond3A_1234 = arith.cmpi ne, %convert_element_type3A_1232, %cond3A_1233 : i32
        scf.if %cond3A_1234 {
          %dma_wait3A_1250 = arith.constant 0 : i32
          %dma_wait3A_1251 = arith.constant 0 : i32
          %dma_wait3A_1252 = arith.constant 0 : i32
          %dma_wait3A_1253 = tpu.memref_slice %arg7[%dma_wait3A_1250, %dma_wait3A_1251, %dma_wait3A_1252] : memref<2x64x64xf32, #tpu.memory_space<vmem>> -> memref<1x64x64xf32, #tpu.memory_space<vmem>>
          %dma_wait3A_1254 = tpu.memref_squeeze %dma_wait3A_1253 : memref<1x64x64xf32, #tpu.memory_space<vmem>> -> memref<64x64xf32, #tpu.memory_space<vmem>>
          %dma_wait3A_1255 = arith.constant 0 : i32
          %dma_wait3A_1256 = tpu.memref_slice %arg4[%mul3A_2, %dma_wait3A_1255] : memref<16384x64xf32, #tpu.memory_space<hbm>> -> memref<64x64xf32, #tpu.memory_space<hbm>>
          %dma_wait3A_1257 = arith.constant 0 : i32
          %dma_wait3A_1258 = tpu.memref_slice %arg4[%mul3A_2, %dma_wait3A_1257] : memref<16384x64xf32, #tpu.memory_space<hbm>> -> memref<64x64xf32, #tpu.memory_space<hbm>>
          %dma_wait3A_1259 = arith.constant 0 : i32
          %dma_wait3A_1260 = arith.constant 0 : i32
          %dma_wait3A_1261 = tpu.memref_slice %arg7[%dma_wait3A_1250, %dma_wait3A_1259, %dma_wait3A_1260] : memref<2x64x64xf32, #tpu.memory_space<vmem>> -> memref<1x64x64xf32, #tpu.memory_space<vmem>>
          %dma_wait3A_1262 = tpu.memref_squeeze %dma_wait3A_1261 : memref<1x64x64xf32, #tpu.memory_space<vmem>> -> memref<64x64xf32, #tpu.memory_space<vmem>>
          tpu.wait_dma2 semaphore(%arg17 : memref<!tpu.dma_semaphore, #tpu.memory_space<semaphore_mem>>) src(%dma_wait3A_1262 : memref<64x64xf32, #tpu.memory_space<vmem>>) dst(%dma_wait3A_1258 : memref<64x64xf32, #tpu.memory_space<hbm>>)
        } else {
        }
        %mul3A_1235 = arith.constant 64 : i32
        %mul3A_1236 = arith.muli %div3A_1229, %mul3A_1235 : i32
        %add3A_1237 = arith.addi %mul3A_2, %mul3A_1236 : i32
        %dma_start3A_1238 = arith.constant 0 : i32
        %dma_start3A_1239 = arith.constant 0 : i32
        %dma_start3A_1240 = tpu.memref_slice %arg7[%rem3A_1181, %dma_start3A_1238, %dma_start3A_1239] : memref<2x64x64xf32, #tpu.memory_space<vmem>> -> memref<1x64x64xf32, #tpu.memory_space<vmem>>
        %dma_start3A_1241 = tpu.memref_squeeze %dma_start3A_1240 : memref<1x64x64xf32, #tpu.memory_space<vmem>> -> memref<64x64xf32, #tpu.memory_space<vmem>>
        %dma_start3A_1242 = arith.constant 0 : i32
        %dma_start3A_1243 = tpu.memref_slice %arg4[%add3A_1237, %dma_start3A_1242] : memref<16384x64xf32, #tpu.memory_space<hbm>> -> memref<64x64xf32, #tpu.memory_space<hbm>>
        %dma_start3A_1244 = arith.constant 0 : i32
        %dma_start3A_1245 = tpu.memref_slice %arg4[%add3A_1237, %dma_start3A_1244] : memref<16384x64xf32, #tpu.memory_space<hbm>> -> memref<64x64xf32, #tpu.memory_space<hbm>>
        %dma_start3A_1246 = arith.constant 0 : i32
        %dma_start3A_1247 = arith.constant 0 : i32
        %dma_start3A_1248 = tpu.memref_slice %arg7[%rem3A_1181, %dma_start3A_1246, %dma_start3A_1247] : memref<2x64x64xf32, #tpu.memory_space<vmem>> -> memref<1x64x64xf32, #tpu.memory_space<vmem>>
        %dma_start3A_1249 = tpu.memref_squeeze %dma_start3A_1248 : memref<1x64x64xf32, #tpu.memory_space<vmem>> -> memref<64x64xf32, #tpu.memory_space<vmem>>
        tpu.enqueue_dma source(%dma_start3A_1249 : memref<64x64xf32, #tpu.memory_space<vmem>>) target(%dma_start3A_1245 : memref<64x64xf32, #tpu.memory_space<hbm>>) target_semaphore(%arg17 : memref<!tpu.dma_semaphore, #tpu.memory_space<semaphore_mem>>)
      } else {
      }
      %scan3A_1227 = arith.constant 0 : i32
      scf.yield %scan3A_1227 : i32
    }
    %scan3A_260 = arith.constant 64 : i32
    %dma_wait3A = arith.constant 0 : i32
    %dma_wait3A_261 = arith.constant 0 : i32
    %dma_wait3A_262 = arith.constant 0 : i32
    %dma_wait3A_263 = tpu.memref_slice %arg7[%dma_wait3A, %dma_wait3A_261, %dma_wait3A_262] : memref<2x64x64xf32, #tpu.memory_space<vmem>> -> memref<1x64x64xf32, #tpu.memory_space<vmem>>
    %dma_wait3A_264 = tpu.memref_squeeze %dma_wait3A_263 : memref<1x64x64xf32, #tpu.memory_space<vmem>> -> memref<64x64xf32, #tpu.memory_space<vmem>>
    %dma_wait3A_265 = arith.constant 0 : i32
    %dma_wait3A_266 = tpu.memref_slice %arg4[%mul3A_2, %dma_wait3A_265] : memref<16384x64xf32, #tpu.memory_space<hbm>> -> memref<64x64xf32, #tpu.memory_space<hbm>>
    %dma_wait3A_267 = arith.constant 0 : i32
    %dma_wait3A_268 = tpu.memref_slice %arg4[%mul3A_2, %dma_wait3A_267] : memref<16384x64xf32, #tpu.memory_space<hbm>> -> memref<64x64xf32, #tpu.memory_space<hbm>>
    %dma_wait3A_269 = arith.constant 0 : i32
    %dma_wait3A_270 = arith.constant 0 : i32
    %dma_wait3A_271 = tpu.memref_slice %arg7[%dma_wait3A, %dma_wait3A_269, %dma_wait3A_270] : memref<2x64x64xf32, #tpu.memory_space<vmem>> -> memref<1x64x64xf32, #tpu.memory_space<vmem>>
    %dma_wait3A_272 = tpu.memref_squeeze %dma_wait3A_271 : memref<1x64x64xf32, #tpu.memory_space<vmem>> -> memref<64x64xf32, #tpu.memory_space<vmem>>
    tpu.wait_dma2 semaphore(%arg17 : memref<!tpu.dma_semaphore, #tpu.memory_space<semaphore_mem>>) src(%dma_wait3A_272 : memref<64x64xf32, #tpu.memory_space<vmem>>) dst(%dma_wait3A_268 : memref<64x64xf32, #tpu.memory_space<hbm>>)
    return
  }
}

module attributes {stable_mosaic.version = 14 : i64} {
  func.func @_dense_body(%arg0: memref<16384x64xf32, #tpu.memory_space<vmem>>, %arg1: memref<64x64xf32, #tpu.memory_space<vmem>>, %arg2: memref<1x64xf32, #tpu.memory_space<vmem>>, %arg3: memref<1x64xf32, #tpu.memory_space<vmem>>, %arg4: memref<1x64xf32, #tpu.memory_space<vmem>>, %arg5: memref<8x64xf32, #tpu.memory_space<vmem>>, %arg6: memref<1x8xf32, #tpu.memory_space<vmem>>, %arg7: memref<16384x8xf32, #tpu.memory_space<vmem>>) attributes {dimension_semantics = [], scalar_prefetch = 0 : i64, scratch_operands = 0 : i64, tpu.core_type = #tpu.core_type<tc>} {
    %get3A = arith.constant 0 : index
    %get3A_0 = arith.constant 0 : index
    %get3A_1 = vector.load %arg0[%get3A, %get3A_0] : memref<16384x64xf32, #tpu.memory_space<vmem>>, vector<16384x64xf32>
    %get3A_2 = arith.constant 0 : index
    %get3A_3 = arith.constant 0 : index
    %get3A_4 = vector.load %arg1[%get3A_2, %get3A_3] : memref<64x64xf32, #tpu.memory_space<vmem>>, vector<64x64xf32>
    %dot_general3A = arith.constant dense<0.000000e+00> : vector<16384x64xf32>
    %dot_general3A_5 = tpu.matmul %get3A_1, %get3A_4, %dot_general3A {dimension_numbers = #tpu.dot_dimension_numbers<[1], [1], [0], [0], [0, 0, 1, 0], [], []>, transpose_lhs_hint = false} : vector<16384x64xf32>, vector<64x64xf32>, vector<16384x64xf32> -> vector<16384x64xf32>
    %get3A_6 = arith.constant 0 : index
    %get3A_7 = arith.constant 0 : index
    %get3A_8 = vector.load %arg2[%get3A_6, %get3A_7] : memref<1x64xf32, #tpu.memory_space<vmem>>, vector<1x64xf32>
    %add3A = vector.broadcast %get3A_8 : vector<1x64xf32> to vector<16384x64xf32>
    %add3A_9 = arith.addf %dot_general3A_5, %add3A : vector<16384x64xf32>
    %reduce_sum3A = arith.constant dense<0.000000e+00> : vector<64xf32>
    %reduce_sum3A_10 = vector.multi_reduction <add>, %add3A_9, %reduce_sum3A [0] : vector<16384x64xf32> to vector<64xf32>
    %broadcast_in_dim3A = vector.shape_cast %reduce_sum3A_10 : vector<64xf32> to vector<1x64xf32>
    %div3A = arith.constant 1.638400e+04 : f32
    %div3A_11 = vector.broadcast %div3A : f32 to vector<1x64xf32>
    %div3A_12 = arith.divf %broadcast_in_dim3A, %div3A_11 : vector<1x64xf32>
    %sub3A = vector.broadcast %div3A_12 : vector<1x64xf32> to vector<16384x64xf32>
    %sub3A_13 = arith.subf %add3A_9, %sub3A : vector<16384x64xf32>
    %mul3A = arith.mulf %sub3A_13, %sub3A_13 : vector<16384x64xf32>
    %reduce_sum3A_14 = arith.constant dense<0.000000e+00> : vector<64xf32>
    %reduce_sum3A_15 = vector.multi_reduction <add>, %mul3A, %reduce_sum3A_14 [0] : vector<16384x64xf32> to vector<64xf32>
    %broadcast_in_dim3A_16 = vector.shape_cast %reduce_sum3A_15 : vector<64xf32> to vector<1x64xf32>
    %div3A_17 = arith.constant 1.638400e+04 : f32
    %div3A_18 = vector.broadcast %div3A_17 : f32 to vector<1x64xf32>
    %div3A_19 = arith.divf %broadcast_in_dim3A_16, %div3A_18 : vector<1x64xf32>
    %add3A_20 = arith.constant 9.99999974E-6 : f32
    %add3A_21 = vector.broadcast %add3A_20 : f32 to vector<1x64xf32>
    %add3A_22 = arith.addf %div3A_19, %add3A_21 : vector<1x64xf32>
    %rsqrt3A = math.rsqrt %add3A_22 : vector<1x64xf32>
    %mul3A_23 = vector.broadcast %rsqrt3A : vector<1x64xf32> to vector<16384x64xf32>
    %mul3A_24 = arith.mulf %sub3A_13, %mul3A_23 : vector<16384x64xf32>
    %get3A_25 = arith.constant 0 : index
    %get3A_26 = arith.constant 0 : index
    %get3A_27 = vector.load %arg3[%get3A_25, %get3A_26] : memref<1x64xf32, #tpu.memory_space<vmem>>, vector<1x64xf32>
    %mul3A_28 = vector.broadcast %get3A_27 : vector<1x64xf32> to vector<16384x64xf32>
    %mul3A_29 = arith.mulf %mul3A_24, %mul3A_28 : vector<16384x64xf32>
    %get3A_30 = arith.constant 0 : index
    %get3A_31 = arith.constant 0 : index
    %get3A_32 = vector.load %arg4[%get3A_30, %get3A_31] : memref<1x64xf32, #tpu.memory_space<vmem>>, vector<1x64xf32>
    %add3A_33 = vector.broadcast %get3A_32 : vector<1x64xf32> to vector<16384x64xf32>
    %add3A_34 = arith.addf %mul3A_29, %add3A_33 : vector<16384x64xf32>
    %max3A = arith.constant 0.000000e+00 : f32
    %max3A_35 = vector.broadcast %max3A : f32 to vector<16384x64xf32>
    %max3A_36 = arith.maximumf %add3A_34, %max3A_35 : vector<16384x64xf32>
    %get3A_37 = arith.constant 0 : index
    %get3A_38 = arith.constant 0 : index
    %get3A_39 = vector.load %arg5[%get3A_37, %get3A_38] : memref<8x64xf32, #tpu.memory_space<vmem>>, vector<8x64xf32>
    %dot_general3A_40 = arith.constant dense<0.000000e+00> : vector<16384x8xf32>
    %dot_general3A_41 = tpu.matmul %max3A_36, %get3A_39, %dot_general3A_40 {dimension_numbers = #tpu.dot_dimension_numbers<[1], [1], [0], [0], [0, 0, 1, 0], [], []>, transpose_lhs_hint = false} : vector<16384x64xf32>, vector<8x64xf32>, vector<16384x8xf32> -> vector<16384x8xf32>
    %get3A_42 = arith.constant 0 : index
    %get3A_43 = arith.constant 0 : index
    %get3A_44 = vector.load %arg6[%get3A_42, %get3A_43] : memref<1x8xf32, #tpu.memory_space<vmem>>, vector<1x8xf32>
    %add3A_45 = vector.broadcast %get3A_44 : vector<1x8xf32> to vector<16384x8xf32>
    %add3A_46 = arith.addf %dot_general3A_41, %add3A_45 : vector<16384x8xf32>
    %swap3A = arith.constant 0 : index
    %swap3A_47 = arith.constant 0 : index
    %swap3A_48 = vector.load %arg7[%swap3A, %swap3A_47] : memref<16384x8xf32, #tpu.memory_space<vmem>>, vector<16384x8xf32>
    tpu.vector_store %arg7[%swap3A, %swap3A_47], %add3A_46 {strides = array<i32>} : memref<16384x8xf32, #tpu.memory_space<vmem>>, vector<16384x8xf32>,
    return
  }
}

</mosaic_0001>

<sc_bundles>
// kernel: kernel.4.cloned.1.call-start
scs
__scs_entry_jumppad:
0x0: {  	(pc) =	sbr.rel $0x88, $3  }
0x1: {  	(tag) =	ssettag $0x0;
	lr =	simm.s32 $0x1  }
0x2: {  	[smem:$0x3F99] =	sst lr;
	_ =	strace $0xD0000000  }
0x3: {  	_ = 	snop  }
0x4: {  	_ = 	snop  }
0x5: {  	_ = 	snop  }
0x6: {  	_ = 	snop  }
0x7: {  	_ = 	snop  }
__scs_overlays_trampoline_lowered:
0x8: {  	[smem:$0x3FA8] =	sst s0  }
0x9: {  	[smem:$0x3FA9] =	sst s1  }
0xa: {  	[smem:$0x3FAA] =	sst s2  }
0xb: {  	[smem:$0x3FAB] =	sst s3  }
0xc: {  	[smem:$0x3FAC] =	sst s4  }
0xd: {  	[smem:$0x3FAD] =	sst s5  }
0xe: {  	[smem:$0x3FAE] =	sst s6  }
0xf: {  	[smem:$0x3FAF] =	sst s7  }
0x10: {  	[smem:$0x3FB0] =	sst s8  }
0x11: {  	[smem:$0x3FB1] =	sst s9;
	s0 =	simm.s32 @!p0 $0x0  }
0x12: {  	s1 =	sld [smem:$0x3F97];
	s0 =	simm.s32 @p0 $0x1  }
0x13: {  	[smem:$0x3FB2] =	sst s0;
	s0 =	simm.s32 @!p1 $0x0  }
0x14: {  	s2 =	sld [smem:$0x3F96];
	s0 =	simm.s32 @p1 $0x1  }
0x15: {  	[smem:$0x3FB3] =	sst s0;
	s0 =	simm.s32 @!p2 $0x0  }
0x16: {  	s3 =	sld [smem:$0x3FDB];
	s0 =	simm.s32 @p2 $0x1  }
0x17: {  	s4 =	simm.s32 $0x1BF5;
	[smem:$0x3FB5] =	sst s0  }
0x18: {  	s0 =	sld [smem:$0x3F98];
	_ =	swait.ge [sflag:s4], $0x0  }
0x19: {  	s7 =	sld [smem:$0x3F99]  }
0x1a: {  	s8 =	sadd.s32 $0xFFFFE003, lr  }
0x1b: {  	s9 =	sadd.s32 $0xFFFFFEF7, lr;
	s5 =	simm.s32 $0xFFFFFFFF;
	p2 =	slt.u32 s8, $0xFFFFF086  }
0x1c: {  	p1 =	slt.u32 s9, $0xF7A;
	s5 =	simm.s32 @!p2 $0x0  }
0x1d: {  	s5 =	simm.s32 @p1 $0x1;
	p0 =	seq.s32 s7, s2  }
0x1e: {  	s7 =	smul.u32 @!p0 $0xF7A, s2;
	p2 =	seq.s32 @!p0 s5, $0x0  }
0x1f: {  	s9 =	smul.u32 $0xF7A, s1;
	s8 =	simm.s32 @!p0 $0x1BF5;
	p2 =	por !p2, p0  }
0x20: {  	[sflag:s8] =	ssyncset.s32 @!p0 $0xFFFFF086;
	s6 =	sadd.s32 @!p0 s3, s7;
	s7 =	simm.s32 @!p0 $0x108  }
0x21: {  	s3 =	sadd.s32 s3, s9;
	s6 =	sadd.s32 @!p0 $0x88, s6;
	s7 =	simm.s32 @p2 $0x1082  }
0x22: {  	[simem:s7], [sflag:s8] =	dma.local @!p0 [hbm:s6], $0xF7A  }
0x23: {  	s9 =	sor.u32 $0xD0000000, s2;
	s6 =	simm.s32 $0x108;
	_ =	swait.ge @!p0 [sflag:s8], $0x0  }
0x24: {  	s3 =	sadd.s32 $0x88, s3;
	s6 =	simm.s32 @!p1 $0x1082;
	[sflag:s4] =	ssyncset.s32 $0xFFFFF086  }
0x25: {  	[simem:s6], [sflag:s4] =	dma.local [hbm:s3], $0xF7A  }
0x26: {  	[smem:$0x3F99] =	sst s1;
	(tag) =	ssettag s2;
	_ =	strace s9  }
0x27: {  	s1 =	sld [smem:$0x3FA9]  }
0x28: {  	s2 =	sld [smem:$0x3FAA]  }
0x29: {  	s4 =	sld [smem:$0x3FAC]  }
0x2a: {  	p0 =	seq.s32 s5, $0x0;
	s5 =	sld [smem:$0x3FAD]  }
0x2b: {  	s6 =	sld [smem:$0x3FAE]  }
0x2c: {  	s7 =	sld [smem:$0x3FAF]  }
0x2d: {  	s3 =	simm.s32 $0x108;
	s8 =	sld [smem:$0x3FB0]  }
0x2e: {  	s3 =	simm.s32 @!p0 $0x1082;
	s9 =	sld [smem:$0x3FB1]  }
0x2f: {  	lr =	sadd.s32 s0, s3;
	s0 =	sld [smem:$0x3FA8]  }
0x30: {  	s3 =	sld [smem:$0x3FAB]  }
0x31: {  	[smem:$0x3FB4] =	sst s10  }
0x32: {  	s10 =	sld [smem:$0x3FB2];
	_ =	sdelay $0x3  }
0x33: {  	p0 =	seq.s32 s10, $0x1;
	s10 =	sld [smem:$0x3FB4];
	_ =	sdelay $0x3  }
0x34: {  	[smem:$0x3FB4] =	sst s10  }
0x35: {  	s10 =	sld [smem:$0x3FB3];
	_ =	sdelay $0x3  }
0x36: {  	p1 =	seq.s32 s10, $0x1;
	s10 =	sld [smem:$0x3FB4];
	_ =	sdelay $0x3  }
0x37: {  	[smem:$0x3FB4] =	sst s10  }
0x38: {  	s10 =	sld [smem:$0x3FB5]  }
0x39: {  	_ = 	snop;
	(pc) =	sbr.ind lr, $3  }
0x3a: {  	_ = 	snop  }
0x3b: {  	_ = 	snop  }
0x3c: {  	p2 =	seq.s32 s10, $0x1;
	s10 =	sld [smem:$0x3FB4]  }
0x3d: {  	_ =	shalt  }
0x3e: {  	_ =	shalt  }
0x3f: {  	_ =	shalt  }
0x40: {  	_ =	shalt  }
0x41: {  	_ =	shalt  }
0x42: {  	_ =	shalt  }
0x43: {  	_ =	shalt  }
0x44: {  	_ =	shalt  }
0x45: {  	_ =	shalt  }
0x46: {  	_ =	shalt  }
0x47: {  	_ =	shalt  }
0x48: {  	_ =	shalt  }
0x49: {  	_ =	shalt  }
0x4a: {  	_ =	shalt  }
0x4b: {  	_ =	shalt  }
0x4c: {  	_ =	shalt  }
0x4d: {  	_ =	shalt  }
0x4e: {  	_ =	shalt  }
0x4f: {  	_ =	shalt  }
0x50: {  	_ =	shalt  }
0x51: {  	_ =	shalt  }
0x52: {  	_ =	shalt  }
0x53: {  	_ =	shalt  }
0x54: {  	_ =	shalt  }
0x55: {  	_ =	shalt  }
0x56: {  	_ =	shalt  }
0x57: {  	_ =	shalt  }
0x58: {  	_ =	shalt  }
0x59: {  	_ =	shalt  }
0x5a: {  	_ =	shalt  }
0x5b: {  	_ =	shalt  }
0x5c: {  	_ =	shalt  }
0x5d: {  	_ =	shalt  }
0x5e: {  	_ =	shalt  }
0x5f: {  	_ =	shalt  }
0x60: {  	_ =	shalt  }
0x61: {  	_ =	shalt  }
0x62: {  	_ =	shalt  }
0x63: {  	_ =	shalt  }
0x64: {  	_ =	shalt  }
0x65: {  	_ =	shalt  }
0x66: {  	_ =	shalt  }
0x67: {  	_ =	shalt  }
0x68: {  	_ =	shalt  }
0x69: {  	_ =	shalt  }
0x6a: {  	_ =	shalt  }
0x6b: {  	_ =	shalt  }
0x6c: {  	_ =	shalt  }
0x6d: {  	_ =	shalt  }
0x6e: {  	_ =	shalt  }
0x6f: {  	_ =	shalt  }
0x70: {  	_ =	shalt  }
0x71: {  	_ =	shalt  }
0x72: {  	_ =	shalt  }
0x73: {  	_ =	shalt  }
0x74: {  	_ =	shalt  }
0x75: {  	_ =	shalt  }
0x76: {  	_ =	shalt  }
0x77: {  	_ =	shalt  }
0x78: {  	_ =	shalt  }
0x79: {  	_ =	shalt  }
0x7a: {  	_ =	shalt  }
0x7b: {  	_ =	shalt  }
0x7c: {  	_ =	shalt  }
0x7d: {  	_ =	shalt  }
0x7e: {  	_ =	shalt  }
0x7f: {  	_ =	shalt  }
0x80: {  	_ =	shalt  }
0x81: {  	_ =	shalt  }
0x82: {  	_ =	shalt  }
0x83: {  	_ =	shalt  }
0x84: {  	_ =	shalt  }
0x85: {  	_ =	shalt  }
0x86: {  	_ =	shalt  }
0x87: {  	_ =	shalt  }
.Lfunc_end0:
.L_simem_size_0:
called_computation_lowered:
.L_overlay_start_0:
0x88: {  	s2 =	sld [smem:$0x3FD9]  }
0x89: {  	s3 =	sld [smem:$0x3FFE];
	_ =	sdelay $0x1  }
0x8a: {  	s1 =	srdreg.scid  }
0x8b: {  	s0 =	sand.u32 $0x1, s1  }
0x8c: {  	s16 =	sshll.u32 s0, $0xA;
	s2 =	sadd.s32 s3, s2  }
0x8d: {  	s2 =	sadd.s32 s2, s16  }
0x8e: {  	[smem:$0x3FC0] =	sst s2  }
0x8f: {  	_ = 	snop  }
0x90: {  	(tm) =	ssettm $0x1  }
0x91: {  	s17 =	sld [smem:$0x3FFB];
	_ =	sdelay $0x3  }
0x92: {  	_ =	strace s17  }
0x93: {  	s2 =	sld [smem:$0x3FFC];
	_ =	sdelay $0x3  }
0x94: {  	_ =	strace s2  }
0x95: {  	s2 =	sld [smem:$0x3FFD];
	_ =	sdelay $0x3  }
0x96: {  	_ =	strace s2  }
0x97: {  	_ =	strace $0x8FFFFFFF  }
0x98: {  	s18 =	sld [smem:$0x3FDB];
	_ =	sdelay $0x1  }
0x99: {  	s19 =	simm.s32 $_scs_section_size  }
0x9a: {  	s4 =	simm.s32 $_size__tile_overlayer_lowered;
	s5 =	simm.s32 $_tile_overlayer_lowered  }
0x9b: {  	s22 =	simm.s32 $0x1BFF;
	s21 =	sshll.u32 s5, $0x1;
	s2 =	sadd.s32 s19, s18  }
0x9c: {  	s6 =	simm.s32 $0x0;
	s20 =	sshll.u32 s4, $0x1;
	s4 =	sadd.s32 s21, s2  }
0x9d: {  	[timem:s6], [sflag:s22] =	dma.local [hbm:s4], s20  }
0x9e: {  	_ =	swait.ge [sflag:s22], s20  }
0x9f: {  	s3 =	ssub.s32 $0x0, s20;
	[sflag:s22] =	ssyncset.done $0x0  }
0xa0: {  	[sflag:s22] =	ssyncadd.s32 s3;
	_ =	sdelay $0x1  }
0xa1: {  	s23 =	simm.s32 $0x1B8B  }
0xa2: {  	_ =	swait.ge [sflag:s23], $0x1  }
0xa3: {  	[sflag:s23] =	ssyncset.done $0x0  }
0xa4: {  	s25 =	simm.s32 $0x1B8E;
	s24 =	sld [smem:$0x3FFE];
	[sflag:s23] =	ssyncadd.s32 $0xFFFFFFFF  }
0xa5: {  	s26 =	simm.s32 $execute0_lowered;
	[smem:$0x3FD2] =	sst s25  }
0xa6: {  	s4 =	sshll.u32 s26, $0x1;
	_ =	strace $0x80000046;
	[dreg:$0x1] =	wrdreg $0xFFFFFFFF  }
0xa7: {  	s28 =	simm.s32 $_size_execute0_lowered;
	s2 =	sadd.s32 s2, s4;
	[dreg:$0x0] =	wrdreg $0x0  }
0xa8: {  	s4 =	sshll.u32 s28, $0x1;
	[dreg:$0x2] =	wrdreg s2  }
0xa9: {  	[dreg:$0x3] =	wrdreg s4  }
0xaa: {  	[dreg:$0x4] =	wrdreg $0xC0  }
0xab: {  	_ =	task [dreg:s6], $0x5FFFF  }
0xac: {  	[dreg:$0x1] =	wrdreg $0xFFFFFFFF  }
0xad: {  	[dreg:$0x0] =	wrdreg $0x60  }
0xae: {  	[dreg:$0x2] =	wrdreg s24  }
0xaf: {  	[dreg:$0x3] =	wrdreg $0x9  }
0xb0: {  	_ =	task.clear_ibuf [dreg:s6], $0x4FFFF;
	_ =	strace $0x90000046  }
0xb1: {  	s29 =	simm.s32 $0x9;
	_ =	strace $0x80000048  }
0xb2: {  	_ =	swait.ge [sflag:s29], $0x1  }
0xb3: {  	[sflag:s29] =	ssyncadd.s32 $0xFFFFFFFF  }
0xb4: {  	_ =	strace $0x90000048  }
0xb5: {  	_ =	sfence  }
0xb6: {  	s30 =	sld [smem:$0x0];
	_ =	sdelay $0x2  }
0xb7: {  	s31 =	sshll.u32 s1, $0xD;
	s1 =	sshrl.u32 s1, $0x2  }
0xb8: {  	s3 =	sand.u32 $0x4000, s31;
	s1 =	sadd.s32 s1, s30  }
0xb9: {  	s0 =	sor.u32 s3, s0;
	s1 =	sshll.u32 s1, $0x11  }
0xba: {  	s0 =	sor.u32 s1, s0  }
0xbb: {  	s0 =	sadd.s32 $0x8F2B, s0  }
0xbc: {  	[sflag:s0] =	ssyncadd.remote.s32 $0x1  }
0xbd: {  	_ =	sfence.sel $0xFFFF  }
0xbe: {  	[dreg:$0x0] =	wrdreg $0xFFFFFFFF;
	(pc) =	sbr.abs _section_cstart, $3  }
0xbf: {  	[dreg:$0x1] =	wrdreg $0xFFFFFFFF  }
0xc0: {  	_ =	task.clear_ibuf [dreg:s6], $0x2FFFF;
	_ =	strace $0x9FFFFFFF  }
0xc1: {  	(tm) =	ssettm $0x7FFFFFFF  }
tec
execute0_lowered:
.L_overlay_start_1:
0x0: {  	(tag) =	ssettag $0x1  }
0x1: {  	s0 =	rddreg [dreg:$0x0];
	s1 =	srdreg.scid;
	s2 =	simm.s32 $0x0  }
0x2: {  	s3 =	stileid.u32;
	s10 =	simm.s32 $0xB;
	s12 =	simm.s32 $0x68  }
0x3: {  	s13 =	simm.s32 $0x3200;
	s14 =	simm.s32 $0x60;
	s15 =	simm.s32 $0x4C00  }
0x4: {  	s28 =	simm.s32 $0x9;
	s29 =	simm.s32 $0x2;
	s30 =	simm.s32 $0x3  }
0x5: {  	s31 =	simm.s32 $0x4;
	s11 =	simm.s32 $0x7;
	s1 =	sand.u32 $0x1, s1  }
0x6: {  	s16 =	simm.s32 $0x8;
	s3 =	sshll.u32 s3, $0xA;
	s4 =	sshll.u32 s1, $0x9  }
0x7: {  	s17 =	simm.s32 $0xA;
	s18 =	simm.s32 $0x0;
	s3 =	sor.u32 s4, s3  }
0x8: {  	[smem:$0x7FF] =	sst s2;
	s5 =	sadd.s32 $0xF43200, s0;
	s6 =	smul.u32 $0xC8, s3  }
0x9: {  	_ =	strace $0x80000047;
	s1 =	ssub.s32 $0x2, s1;
	s8 =	smul.u32 $0x19, s3  }
.Ltmp0:
0xa: {  	s25 =	sshrl.u32 s1, $0x1;
	s7 =	sshll.u32 s3, $0x3;
	(pc) =	sbr.rel .LBB2_1-.Ltmp0, $4  }
0xb: {  	s4 =	sadd.s32 $0xE00, s0;
	s1 =	ssub.s32 s1, s25;
	s0 =	sadd.s32 s7, s0  }
0xc: {  	s9 =	sshrl.u32 s6, $0x3;
	s6 =	sadd.s32 s4, s8;
	s8 =	sadd.s32 $0x64E00, s0  }
0xd: {  	s0 =	simm.s32 $0x5;
	s26 =	sadd.s32 s4, s9;
	s9 =	smax.u32 s1, $0x1  }
0xe: {  	s1 =	simm.s32 $0x6;
	s7 =	sadd.s32 $0x320, s26;
	s26 =	simm.s32 $0x1  }
.LBB2_23:
0xf: {  	s18 =	sadd.s32 $0x1, s18  }
0x10: {  	p0 =	sne.s32 s18, s9  }
.Ltmp1:
0x11: {  	_ = 	snop;
	(pc) =	sbr.rel @!p0 .LBB2_24-.Ltmp1, $4  }
0x12: {  	_ = 	snop  }
0x13: {  	_ =	swait.ge [sflag:s17], $0x1000  }
0x14: {  	[sflag:s17] =	ssyncset.done $0x0  }
0x15: {  	[sflag:s17] =	ssyncadd.s32 $0xFFFFF000  }
.LBB2_1:
0x16: {  	[tilespmem:s2], [sflag:$0xB] =	stream.linear.gather [hbm4b:s6+s2], $0x1900, $0x38;
	[tilespmem:$0x1E200] =	vst v63  }
0x17: {  	_ =	swait.ge [sflag:s10], $0x1900  }
0x18: {  	[sflag:s10] =	ssyncset.done $0x0  }
0x19: {  	s19 =	simm.s32 $0x1900;
	[sflag:s10] =	ssyncadd.s32 $0xFFFFE700  }
0x1a: {  	[tilespmem:s19], [sflag:$0x9] =	stream.linear.gather [hbm4b:s7+s2], $0x1900, $0x38;
	[tilespmem:$0x1E200] =	vst v63  }
0x1b: {  	_ = 	snop  }
0x1c: {  	[tilespmem:s13], [sflag:$0x1] =	stream.indirect.gather [hbm4b:s5+s12], $0x40, s2, s12, $0xb8;
	[tilespmem:$0x1E200] =	vst v63  }
0x1d: {  	_ = 	snop  }
0x1e: {  	[tilespmem:s15], [sflag:$0x1] =	stream.indirect.gather [hbm4b:s5+s14], $0x40, s12, s14, $0xb8;
	[tilespmem:$0x1E200] =	vst v63  }
0x1f: {  	s23 =	simm.s32 $0xC8;
	s20 =	simm.s32 $0x6400  }
0x20: {  	[tilespmem:s20], [sflag:$0x2] =	stream.indirect.gather [hbm4b:s5+s12], $0x40, s23, s12, $0xb8;
	[tilespmem:$0x1E200] =	vst v63  }
0x21: {  	s24 =	simm.s32 $0x130;
	s25 =	simm.s32 $0x7E00  }
0x22: {  	[tilespmem:s25], [sflag:$0x2] =	stream.indirect.gather [hbm4b:s5+s14], $0x40, s24, s14, $0xb8;
	[tilespmem:$0x1E200] =	vst v63  }
0x23: {  	s21 =	simm.s32 $0x9600;
	s20 =	simm.s32 $0x190  }
0x24: {  	[tilespmem:s21], [sflag:$0x3] =	stream.indirect.gather [hbm4b:s5+s12], $0x40, s20, s12, $0xb8;
	[tilespmem:$0x1E200] =	vst v63  }
0x25: {  	s22 =	simm.s32 $0x1F8;
	s23 =	simm.s32 $0xB000  }
0x26: {  	[tilespmem:s23], [sflag:$0x3] =	stream.indirect.gather [hbm4b:s5+s14], $0x40, s22, s14, $0xb8;
	[tilespmem:$0x1E200] =	vst v63  }
0x27: {  	s24 =	simm.s32 $0x258;
	s25 =	simm.s32 $0xC800  }
0x28: {  	[tilespmem:s25], [sflag:$0x4] =	stream.indirect.gather [hbm4b:s5+s12], $0x40, s24, s12, $0xb8;
	[tilespmem:$0x1E200] =	vst v63  }
0x29: {  	s20 =	simm.s32 $0x2C0;
	s21 =	simm.s32 $0xE200  }
0x2a: {  	[tilespmem:s21], [sflag:$0x4] =	stream.indirect.gather [hbm4b:s5+s14], $0x40, s20, s14, $0xb8;
	[tilespmem:$0x1E200] =	vst v63  }
0x2b: {  	s22 =	simm.s32 $0x320;
	s23 =	simm.s32 $0xFA00  }
0x2c: {  	[tilespmem:s23], [sflag:$0x5] =	stream.indirect.gather [hbm4b:s5+s12], $0x40, s22, s12, $0xb8;
	[tilespmem:$0x1E200] =	vst v63  }
0x2d: {  	s24 =	simm.s32 $0x388;
	s25 =	simm.s32 $0x11400  }
0x2e: {  	[tilespmem:s25], [sflag:$0x5] =	stream.indirect.gather [hbm4b:s5+s14], $0x40, s24, s14, $0xb8;
	[tilespmem:$0x1E200] =	vst v63  }
0x2f: {  	s20 =	simm.s32 $0x3E8;
	s21 =	simm.s32 $0x12C00  }
0x30: {  	[tilespmem:s21], [sflag:$0x6] =	stream.indirect.gather [hbm4b:s5+s12], $0x40, s20, s12, $0xb8;
	[tilespmem:$0x1E200] =	vst v63  }
0x31: {  	s22 =	simm.s32 $0x450;
	s23 =	simm.s32 $0x14600  }
0x32: {  	[tilespmem:s23], [sflag:$0x6] =	stream.indirect.gather [hbm4b:s5+s14], $0x40, s22, s14, $0xb8;
	[tilespmem:$0x1E200] =	vst v63  }
0x33: {  	s24 =	simm.s32 $0x4B0;
	s25 =	simm.s32 $0x15E00  }
0x34: {  	[tilespmem:s25], [sflag:$0x7] =	stream.indirect.gather [hbm4b:s5+s12], $0x40, s24, s12, $0xb8;
	[tilespmem:$0x1E200] =	vst v63  }
0x35: {  	s20 =	simm.s32 $0x518;
	s21 =	simm.s32 $0x17800  }
0x36: {  	[tilespmem:s21], [sflag:$0x7] =	stream.indirect.gather [hbm4b:s5+s14], $0x40, s20, s14, $0xb8;
	[tilespmem:$0x1E200] =	vst v63  }
0x37: {  	s22 =	simm.s32 $0x578;
	s23 =	simm.s32 $0x19000  }
0x38: {  	[tilespmem:s23], [sflag:$0x8] =	stream.indirect.gather [hbm4b:s5+s12], $0x40, s22, s12, $0xb8;
	[tilespmem:$0x1E200] =	vst v63  }
0x39: {  	s19 =	simm.s32 $0x0;
	s24 =	simm.s32 $0x5E0;
	s25 =	simm.s32 $0x1AA00  }
0x3a: {  	[tilespmem:s25], [sflag:$0x8] =	stream.indirect.gather [hbm4b:s5+s14], $0x40, s24, s14, $0xb8;
	[tilespmem:$0x1E200] =	vst v63  }
.LBB2_2:
0x3b: {  	_ =	swait.ge [sflag:s26], $0x1A00  }
0x3c: {  	[sflag:s26] =	ssyncset.done $0x0  }
0x3d: {  	[sflag:s26] =	ssyncadd.s32 $0xFFFFE600  }
0x3e: {  	_ =	swait.ge [sflag:s26], $0x1800  }
0x3f: {  	[sflag:s26] =	ssyncset.done $0x0  }
0x40: {  	s21 =	simm.s32 $0x3300;
	[sflag:s26] =	ssyncadd.s32 $0xFFFFE800  }
0x41: {  	v0 =	vld [tilespmem:s21+$0xC0]  }
0x42: {  	v1 =	vld [tilespmem:s21+$0xD0]  }
0x43: {  	v2 =	vld [tilespmem:s21+$0x80]  }
0x44: {  	v3 =	vld [tilespmem:s21+$0x90]  }
0x45: {  	v9 =	vld [tilespmem:s21+$0x40]  }
0x46: {  	v13 =	vld [tilespmem:s21+$0x50]  }
0x47: {  	v5 =	vld [tilespmem:s21+$0x0]  }
0x48: {  	v7 =	vld [tilespmem:s21+$0x10]  }
0x49: {  	v4 =	vld [tilespmem:s21+$0xFFFFFFC0]  }
0x4a: {  	v8 =	vld [tilespmem:s21+$0xFFFFFFD0]  }
0x4b: {  	v6 =	vld [tilespmem:s21+$0xFFFFFF80]  }
0x4c: {  	v10 =	vld [tilespmem:s21+$0xFFFFFF90]  }
0x4d: {  	v11 =	vld [tilespmem:s21+$0xFFFFFF40]  }
0x4e: {  	v12 =	vld [tilespmem:s21+$0xFFFFFF50]  }
0x4f: {  	v14 =	vld [tilespmem:s21+$0xFFFFFF00]  }
0x50: {  	v15 =	vld [tilespmem:s21+$0xFFFFFF10]  }
0x51: {  	v16 =	vld [tilespmem:s21+$0xFFFFFF20]  }
0x52: {  	v17 =	vld [tilespmem:s21+$0xFFFFFF30]  }
0x53: {  	v18 =	vld [tilespmem:s21+$0xFFFFFF60]  }
0x54: {  	v19 =	vld [tilespmem:s21+$0xFFFFFF70]  }
0x55: {  	v20 =	vimm.f32 $0.0e+00;
	v21 =	vld [tilespmem:s21+$0xFFFFFFA0]  }
0x56: {  	v22 =	vld [tilespmem:s21+$0xFFFFFFB0];
	v14 =	vadd.f32 v14, v20;
	v15 =	vadd.f32 v15, v20  }
0x57: {  	v59 =	vld [tilespmem:s21+$0xFFFFFFE0];
	v16 =	vadd.f32 v16, v20;
	v17 =	vadd.f32 v17, v20  }
0x58: {  	v11 =	vadd.f32 v11, v14;
	v12 =	vadd.f32 v12, v15;
	v14 =	vld [tilespmem:s21+$0xFFFFFFF0]  }
0x59: {  	v61 =	vld [tilespmem:s21+$0x20];
	v15 =	vadd.f32 v18, v16;
	v60 =	vadd.f32 v19, v17  }
0x5a: {  	v11 =	vadd.f32 v6, v11;
	v10 =	vadd.f32 v10, v12;
	v12 =	vld [tilespmem:s21+$0x30]  }
0x5b: {  	v15 =	vadd.f32 v21, v15;
	v16 =	vadd.f32 v22, v60;
	v6 =	vld [tilespmem:s21+$0x60]  }
0x5c: {  	v11 =	vadd.f32 v4, v11;
	v10 =	vadd.f32 v8, v10;
	v8 =	vld [tilespmem:s21+$0x70]  }
0x5d: {  	v15 =	vadd.f32 v59, v15;
	v4 =	vld [tilespmem:s21+$0xA0];
	v14 =	vadd.f32 v14, v16  }
0x5e: {  	v62 =	vadd.f32 v5, v11;
	v63 =	vadd.f32 v7, v10;
	v7 =	vld [tilespmem:s21+$0xB0]  }
0x5f: {  	v10 =	vadd.f32 v61, v15;
	v5 =	vld [tilespmem:s21+$0xE0];
	v11 =	vadd.f32 v12, v14  }
0x60: {  	s20 =	simm.s32 $0x0;
	v12 =	vadd.f32 v9, v62;
	v13 =	vadd.f32 v13, v63;
	v9 =	vld [tilespmem:s21+$0xF0];
	s21 =	simm.s32 $0x3500  }
.LBB2_3:
0x61: {  	v14 =	vld [tilespmem:s21+$0xC0];
	v6 =	vadd.f32 v6, v10;
	v8 =	vadd.f32 v8, v11  }
0x62: {  	v10 =	vld [tilespmem:s21+$0xD0];
	v11 =	vadd.f32 v2, v12;
	v12 =	vadd.f32 v3, v13  }
0x63: {  	v2 =	vld [tilespmem:s21+$0x80];
	v4 =	vadd.f32 v4, v6;
	v6 =	vadd.f32 v7, v8  }
0x64: {  	v3 =	vld [tilespmem:s21+$0x90];
	v7 =	vadd.f32 v0, v11;
	v8 =	vadd.f32 v1, v12  }
0x65: {  	v12 =	vld [tilespmem:s21+$0x40];
	v4 =	vadd.f32 v5, v4;
	v5 =	vadd.f32 v9, v6  }
0x66: {  	v9 =	vld [tilespmem:s21+$0x50];
	v0 =	vmov v14  }
0x67: {  	v11 =	vld [tilespmem:s21+$0x0];
	v1 =	vmov v10  }
0x68: {  	v10 =	vld [tilespmem:s21+$0x10]  }
0x69: {  	v13 =	vld [tilespmem:s21+$0xFFFFFFC0]  }
0x6a: {  	v14 =	vld [tilespmem:s21+$0xFFFFFFD0]  }
0x6b: {  	v6 =	vld [tilespmem:s21+$0xFFFFFF80]  }
0x6c: {  	v15 =	vld [tilespmem:s21+$0xFFFFFF90]  }
0x6d: {  	v16 =	vld [tilespmem:s21+$0xFFFFFF40]  }
0x6e: {  	v17 =	vld [tilespmem:s21+$0xFFFFFF50]  }
0x6f: {  	v18 =	vld [tilespmem:s21+$0xFFFFFF00]  }
0x70: {  	v19 =	vld [tilespmem:s21+$0xFFFFFF10]  }
0x71: {  	v20 =	vld [tilespmem:s21+$0xFFFFFF20]  }
0x72: {  	s20 =	sadd.s32 $0x8, s20;
	v21 =	vld [tilespmem:s21+$0xFFFFFF30]  }
0x73: {  	p0 =	slt.u32 s20, $0xC0;
	v22 =	vld [tilespmem:s21+$0xFFFFFF60]  }
0x74: {  	v23 =	vld [tilespmem:s21+$0xFFFFFF70]  }
0x75: {  	v24 =	vld [tilespmem:s21+$0xFFFFFFA0]  }
0x76: {  	v7 =	vadd.f32 v18, v7;
	v8 =	vadd.f32 v19, v8;
	v18 =	vld [tilespmem:s21+$0xFFFFFFB0]  }
0x77: {  	v4 =	vadd.f32 v20, v4;
	v5 =	vadd.f32 v21, v5;
	v19 =	vld [tilespmem:s21+$0xFFFFFFE0]  }
0x78: {  	v7 =	vadd.f32 v16, v7;
	v8 =	vadd.f32 v17, v8;
	v16 =	vld [tilespmem:s21+$0xFFFFFFF0]  }
0x79: {  	v4 =	vadd.f32 v22, v4;
	v5 =	vadd.f32 v23, v5;
	v17 =	vld [tilespmem:s21+$0x20]  }
0x7a: {  	v7 =	vadd.f32 v6, v7;
	v8 =	vadd.f32 v15, v8;
	v15 =	vld [tilespmem:s21+$0x30]  }
0x7b: {  	v4 =	vadd.f32 v24, v4;
	v5 =	vadd.f32 v18, v5;
	v6 =	vld [tilespmem:s21+$0x60]  }
.Ltmp2:
0x7c: {  	v7 =	vadd.f32 v13, v7;
	v13 =	vadd.f32 v14, v8;
	v8 =	vld [tilespmem:s21+$0x70];
	(pc) =	sbr.rel @p0 .LBB2_3-.Ltmp2, $4  }
0x7d: {  	v14 =	vadd.f32 v19, v4;
	v5 =	vadd.f32 v16, v5;
	v4 =	vld [tilespmem:s21+$0xA0]  }
0x7e: {  	v16 =	vadd.f32 v11, v7;
	v13 =	vadd.f32 v10, v13;
	v7 =	vld [tilespmem:s21+$0xB0]  }
0x7f: {  	v10 =	vadd.f32 v17, v14;
	v11 =	vadd.f32 v15, v5;
	v5 =	vld [tilespmem:s21+$0xE0]  }
0x80: {  	v12 =	vadd.f32 v12, v16;
	v13 =	vadd.f32 v9, v13;
	v9 =	vld [tilespmem:s21+$0xF0];
	s21 =	sadd.s32 $0x200, s21  }
0x81: {  	s20 =	sshll.u32 s19, $0x3  }
0x82: {  	s21 =	sadd.s32 $0x8, s20  }
0x83: {  	p0 =	seq.s32 s19, $0x3F;
	s22 =	sand.u32 $0x18, s21  }
0x84: {  	p1 =	sne.s32 @!p0 s22, $0x0  }
0x85: {  	p1 =	por p0, p1  }
.Ltmp3:
0x86: {  	v6 =	vadd.f32 v6, v10;
	v8 =	vadd.f32 v8, v11;
	(pc) =	sbr.rel @p1 .LBB2_6-.Ltmp3, $4  }
0x87: {  	v2 =	vadd.f32 v2, v12;
	v62 =	vadd.f32 v3, v13  }
0x88: {  	v4 =	vadd.f32 v4, v6;
	v63 =	vadd.f32 v7, v8  }
0x89: {  	v3 =	vadd.f32 v0, v2;
	v1 =	vadd.f32 v1, v62  }
0x8a: {  	v2 =	vadd.f32 v5, v4;
	v0 =	vadd.f32 v9, v63  }
0x8b: {  	_ =	swait.ge [sflag:s28], $0x1900  }
0x8c: {  	[sflag:s28] =	ssyncset.done $0x0  }
0x8d: {  	[sflag:s28] =	ssyncadd.s32 $0xFFFFE700  }
.LBB2_7:
0x8e: {  	s21 =	sshll.u32 s21, $0x1A;
	s22 =	smul.u32 $0x320, s22  }
0x8f: {  	s21 =	sshra.s32 s21, $0x1F  }
0x90: {  	s21 =	sand.u32 $0x1900, s21;
	s22 =	sshrl.u32 s22, $0x2  }
0x91: {  	s21 =	sadd.s32 s22, s21  }
0x92: {  	[tilespmem:s13], [sflag:$0x1] =	stream.indirect.gather [hbm4b:s5+s12], $0x40, s21, s12, $0xb8;
	[tilespmem:$0x1E200] =	vst v63  }
0x93: {  	s25 =	sand.u32 $0x3, s19;
	s21 =	sadd.s32 $0x68, s21  }
0x94: {  	[tilespmem:s15], [sflag:$0x1] =	stream.indirect.gather [hbm4b:s5+s14], $0x40, s21, s14, $0xb8;
	[tilespmem:$0x1E200] =	vst v63  }
0x95: {  	p1 =	sne.s32 s25, $0x0;
	s21 =	sadd.s32 $0xFFFFFFFF, s20  }
0x96: {  	p2 =	sgt.u32 @!p1 s21, $0x1DE  }
0x97: {  	p3 =	por p2, p1  }
0x98: {  	s21 =	sshrl.u32 @!p3 s19, $0x2  }
0x99: {  	s21 =	sadd.s32 @!p3 $0x1, s21  }
0x9a: {  	s22 =	sshll.u32 @!p3 s21, $0x5;
	s21 =	sand.u32 @!p3 $0x1, s21  }
0x9b: {  	s22 =	sadd.s32 @!p3 s3, s22;
	p4 =	seq.s32 @!p3 s21, $0x1  }
0x9c: {  	p2 =	por @!p1 !p4, p2;
	s21 =	smul.u32 @!p3 $0x19, s22  }
0x9d: {  	s22 =	simm.s32 @!p3 $0x1900;
	p1 =	por !p2, p1  }
0x9e: {  	s23 =	simm.s32 @!p3 $0x0;
	s22 =	simm.s32 @!p1 $0x0;
	s21 =	sadd.s32 @!p3 s4, s21  }
0x9f: {  	[tilespmem:s22], [sflag:$0x9] =	stream.linear.gather @!p3 [hbm4b:s21+s23], $0x1900, $0x38;
	[tilespmem:$0x1E200] =	vst v63  }
.LBB2_8:
0xa0: {  	v3 =	vmul.f32 $4.999999890e-03, v3;
	s22 =	sshll.u32 s19, $0x9  }
0xa1: {  	v1 =	vmul.f32 $4.999999890e-03, v1;
	s21 =	sand.u32 $0x1E00, s22  }
0xa2: {  	v2 =	vmul.f32 $4.999999890e-03, v2;
	[tilespmem:s21+$0x1C200] =	vst v3  }
0xa3: {  	v0 =	vmul.f32 $4.999999890e-03, v0;
	[tilespmem:s21+$0x1C210] =	vst v1  }
0xa4: {  	[tilespmem:s21+$0x1C220] =	vst v2  }
0xa5: {  	[tilespmem:s21+$0x1C230] =	vst v0  }
0xa6: {  	_ =	swait.ge [sflag:s29], $0x1A00  }
0xa7: {  	[sflag:s29] =	ssyncset.done $0x0  }
0xa8: {  	[sflag:s29] =	ssyncadd.s32 $0xFFFFE600  }
0xa9: {  	_ =	swait.ge [sflag:s29], $0x1800  }
0xaa: {  	[sflag:s29] =	ssyncset.done $0x0  }
0xab: {  	s23 =	simm.s32 $0x65F0;
	[sflag:s29] =	ssyncadd.s32 $0xFFFFE800  }
0xac: {  	v1 =	vld [tilespmem:s23+$0xFFFFFFD0]  }
0xad: {  	v0 =	vld [tilespmem:s23+$0xFFFFFFE0]  }
0xae: {  	v3 =	vld [tilespmem:s23+$0xFFFFFF90]  }
0xaf: {  	v2 =	vld [tilespmem:s23+$0xFFFFFFA0]  }
0xb0: {  	v8 =	vld [tilespmem:s23+$0xFFFFFF50]  }
0xb1: {  	v11 =	vld [tilespmem:s23+$0xFFFFFF60]  }
0xb2: {  	v4 =	vld [tilespmem:s23+$0xFFFFFF10]  }
0xb3: {  	v6 =	vld [tilespmem:s23+$0xFFFFFF20]  }
0xb4: {  	v5 =	vld [tilespmem:s23+$0xFFFFFED0]  }
0xb5: {  	v9 =	vld [tilespmem:s23+$0xFFFFFEE0]  }
0xb6: {  	v7 =	vld [tilespmem:s23+$0xFFFFFE90]  }
0xb7: {  	v10 =	vld [tilespmem:s23+$0xFFFFFEA0]  }
0xb8: {  	v12 =	vld [tilespmem:s23+$0xFFFFFE50]  }
0xb9: {  	v13 =	vld [tilespmem:s23+$0xFFFFFE60]  }
0xba: {  	v14 =	vld [tilespmem:s23+$0xFFFFFE10]  }
0xbb: {  	v15 =	vld [tilespmem:s23+$0xFFFFFE20]  }
0xbc: {  	v16 =	vld [tilespmem:s23+$0xFFFFFE30]  }
0xbd: {  	v17 =	vld [tilespmem:s23+$0xFFFFFE40]  }
0xbe: {  	v18 =	vld [tilespmem:s23+$0xFFFFFE70]  }
0xbf: {  	v19 =	vld [tilespmem:s23+$0xFFFFFE80]  }
0xc0: {  	v20 =	vimm.f32 $0.0e+00;
	v21 =	vld [tilespmem:s23+$0xFFFFFEB0]  }
0xc1: {  	v22 =	vld [tilespmem:s23+$0xFFFFFEC0];
	v14 =	vadd.f32 v14, v20;
	v15 =	vadd.f32 v15, v20  }
0xc2: {  	v59 =	vld [tilespmem:s23+$0xFFFFFEF0];
	v16 =	vadd.f32 v16, v20;
	v17 =	vadd.f32 v17, v20  }
0xc3: {  	v12 =	vadd.f32 v12, v14;
	v13 =	vadd.f32 v13, v15;
	v14 =	vld [tilespmem:s23+$0xFFFFFF00]  }
0xc4: {  	v61 =	vld [tilespmem:s23+$0xFFFFFF30];
	v15 =	vadd.f32 v18, v16;
	v60 =	vadd.f32 v19, v17  }
0xc5: {  	v12 =	vadd.f32 v7, v12;
	v10 =	vadd.f32 v10, v13;
	v13 =	vld [tilespmem:s23+$0xFFFFFF40]  }
0xc6: {  	v15 =	vadd.f32 v21, v15;
	v16 =	vadd.f32 v22, v60;
	v7 =	vld [tilespmem:s23+$0xFFFFFF70]  }
0xc7: {  	v12 =	vadd.f32 v5, v12;
	v10 =	vadd.f32 v9, v10;
	v9 =	vld [tilespmem:s23+$0xFFFFFF80]  }
0xc8: {  	v15 =	vadd.f32 v59, v15;
	v5 =	vld [tilespmem:s23+$0xFFFFFFB0];
	v14 =	vadd.f32 v14, v16  }
0xc9: {  	v62 =	vadd.f32 v4, v12;
	v63 =	vadd.f32 v6, v10;
	v6 =	vld [tilespmem:s23+$0xFFFFFFC0]  }
0xca: {  	v12 =	vadd.f32 v61, v15;
	v4 =	vld [tilespmem:s23+$0xFFFFFFF0];
	v10 =	vadd.f32 v13, v14  }
0xcb: {  	s21 =	simm.s32 $0x0;
	v13 =	vadd.f32 v8, v62;
	v11 =	vadd.f32 v11, v63;
	v8 =	vld [tilespmem:s23+$0x0];
	s23 =	simm.s32 $0x67F0  }
.LBB2_9:
0xcc: {  	v14 =	vld [tilespmem:s23+$0xFFFFFFD0];
	v7 =	vadd.f32 v7, v12;
	v9 =	vadd.f32 v9, v10  }
0xcd: {  	v10 =	vld [tilespmem:s23+$0xFFFFFFE0];
	v12 =	vadd.f32 v3, v13;
	v11 =	vadd.f32 v2, v11  }
0xce: {  	v3 =	vld [tilespmem:s23+$0xFFFFFF90];
	v5 =	vadd.f32 v5, v7;
	v6 =	vadd.f32 v6, v9  }
0xcf: {  	v2 =	vld [tilespmem:s23+$0xFFFFFFA0];
	v7 =	vadd.f32 v1, v12;
	v9 =	vadd.f32 v0, v11  }
0xd0: {  	v11 =	vld [tilespmem:s23+$0xFFFFFF50];
	v4 =	vadd.f32 v4, v5;
	v5 =	vadd.f32 v8, v6  }
0xd1: {  	v8 =	vld [tilespmem:s23+$0xFFFFFF60];
	v1 =	vmov v14  }
0xd2: {  	v6 =	vld [tilespmem:s23+$0xFFFFFF10];
	v0 =	vmov v10  }
0xd3: {  	v10 =	vld [tilespmem:s23+$0xFFFFFF20]  }
0xd4: {  	v12 =	vld [tilespmem:s23+$0xFFFFFED0]  }
0xd5: {  	v13 =	vld [tilespmem:s23+$0xFFFFFEE0]  }
0xd6: {  	v14 =	vld [tilespmem:s23+$0xFFFFFE90]  }
0xd7: {  	v15 =	vld [tilespmem:s23+$0xFFFFFEA0]  }
0xd8: {  	v16 =	vld [tilespmem:s23+$0xFFFFFE50]  }
0xd9: {  	v17 =	vld [tilespmem:s23+$0xFFFFFE60]  }
0xda: {  	v18 =	vld [tilespmem:s23+$0xFFFFFE10]  }
0xdb: {  	v19 =	vld [tilespmem:s23+$0xFFFFFE20]  }
0xdc: {  	v20 =	vld [tilespmem:s23+$0xFFFFFE30]  }
0xdd: {  	s21 =	sadd.s32 $0x8, s21;
	v21 =	vld [tilespmem:s23+$0xFFFFFE40]  }
0xde: {  	p1 =	slt.u32 s21, $0xC0;
	v22 =	vld [tilespmem:s23+$0xFFFFFE70]  }
0xdf: {  	v23 =	vld [tilespmem:s23+$0xFFFFFE80]  }
0xe0: {  	v24 =	vld [tilespmem:s23+$0xFFFFFEB0]  }
0xe1: {  	v7 =	vadd.f32 v18, v7;
	v9 =	vadd.f32 v19, v9;
	v18 =	vld [tilespmem:s23+$0xFFFFFEC0]  }
0xe2: {  	v4 =	vadd.f32 v20, v4;
	v5 =	vadd.f32 v21, v5;
	v19 =	vld [tilespmem:s23+$0xFFFFFEF0]  }
0xe3: {  	v7 =	vadd.f32 v16, v7;
	v9 =	vadd.f32 v17, v9;
	v16 =	vld [tilespmem:s23+$0xFFFFFF00]  }
0xe4: {  	v4 =	vadd.f32 v22, v4;
	v5 =	vadd.f32 v23, v5;
	v17 =	vld [tilespmem:s23+$0xFFFFFF30]  }
0xe5: {  	v14 =	vadd.f32 v14, v7;
	v9 =	vadd.f32 v15, v9;
	v15 =	vld [tilespmem:s23+$0xFFFFFF40]  }
0xe6: {  	v4 =	vadd.f32 v24, v4;
	v5 =	vadd.f32 v18, v5;
	v7 =	vld [tilespmem:s23+$0xFFFFFF70]  }
.Ltmp4:
0xe7: {  	v12 =	vadd.f32 v12, v14;
	v13 =	vadd.f32 v13, v9;
	v9 =	vld [tilespmem:s23+$0xFFFFFF80];
	(pc) =	sbr.rel @p1 .LBB2_9-.Ltmp4, $4  }
0xe8: {  	v4 =	vadd.f32 v19, v4;
	v14 =	vadd.f32 v16, v5;
	v5 =	vld [tilespmem:s23+$0xFFFFFFB0]  }
0xe9: {  	v16 =	vadd.f32 v6, v12;
	v18 =	vadd.f32 v10, v13;
	v6 =	vld [tilespmem:s23+$0xFFFFFFC0]  }
0xea: {  	v12 =	vadd.f32 v17, v4;
	v10 =	vadd.f32 v15, v14;
	v4 =	vld [tilespmem:s23+$0xFFFFFFF0]  }
0xeb: {  	v13 =	vadd.f32 v11, v16;
	v11 =	vadd.f32 v8, v18;
	v8 =	vld [tilespmem:s23+$0x0];
	s23 =	sadd.s32 $0x200, s23  }
0xec: {  	s21 =	sadd.s32 @!p0 $0x9, s20  }
0xed: {  	s23 =	sand.u32 @!p0 $0x19, s21  }
0xee: {  	s25 =	simm.s32 @!p0 $0x6400;
	s24 =	sshll.u32 @!p0 s21, $0x1A;
	s23 =	smul.u32 @!p0 $0x320, s23  }
0xef: {  	v7 =	vadd.f32 v7, v12;
	s21 =	sand.u32 $0x1000, s22;
	s22 =	sand.u32 $0xE00, s22;
	v3 =	vadd.f32 v3, v13;
	s24 =	sshra.s32 @!p0 s24, $0x1F  }
0xf0: {  	v9 =	vadd.f32 v9, v10;
	v2 =	vadd.f32 v2, v11;
	s22 =	sadd.s32 s22, s21;
	s24 =	sand.u32 @!p0 $0x1900, s24;
	s23 =	sshrl.u32 @!p0 s23, $0x2  }
0xf1: {  	v5 =	vadd.f32 v5, v7;
	v1 =	vadd.f32 v1, v3;
	s22 =	sadd.s32 $0x1C200, s22;
	s23 =	sadd.s32 @!p0 s23, s24;
	s24 =	simm.s32 @!p0 $0x68  }
0xf2: {  	v3 =	vadd.f32 v6, v9;
	v0 =	vadd.f32 v0, v2;
	[tilespmem:s25], [sflag:$0x2] =	stream.indirect.gather @!p0 [hbm4b:s5+s24], $0x40, s23, s24, $0xb8;
	[tilespmem:$0x1E200] =	vst v63  }
0xf3: {  	v2 =	vadd.f32 v4, v5;
	v1 =	vmul.f32 $4.999999890e-03, v1;
	s23 =	sadd.s32 @!p0 $0x68, s23;
	s24 =	simm.s32 @!p0 $0x60;
	s25 =	simm.s32 @!p0 $0x7E00  }
0xf4: {  	v3 =	vadd.f32 v8, v3;
	v0 =	vmul.f32 $4.999999890e-03, v0;
	[tilespmem:s25], [sflag:$0x2] =	stream.indirect.gather @!p0 [hbm4b:s5+s24], $0x40, s23, s24, $0xb8;
	[tilespmem:$0x1E200] =	vst v63  }
0xf5: {  	[tilespmem:s22+$0x40] =	vst v1;
	v1 =	vmul.f32 $4.999999890e-03, v2  }
0xf6: {  	[tilespmem:s22+$0x50] =	vst v0;
	v0 =	vmul.f32 $4.999999890e-03, v3  }
0xf7: {  	[tilespmem:s22+$0x60] =	vst v1  }
0xf8: {  	[tilespmem:s22+$0x70] =	vst v0  }
0xf9: {  	_ =	swait.ge [sflag:s30], $0x1A00  }
0xfa: {  	[sflag:s30] =	ssyncset.done $0x0  }
0xfb: {  	[sflag:s30] =	ssyncadd.s32 $0xFFFFE600  }
0xfc: {  	_ =	swait.ge [sflag:s30], $0x1800  }
0xfd: {  	[sflag:s30] =	ssyncset.done $0x0  }
0xfe: {  	s25 =	simm.s32 $0x9600;
	[sflag:s30] =	ssyncadd.s32 $0xFFFFE800  }
0xff: {  	v1 =	vld [tilespmem:s25+$0x1C0]  }
0x100: {  	v0 =	vld [tilespmem:s25+$0x1D0]  }
0x101: {  	v2 =	vld [tilespmem:s25+$0x180]  }
0x102: {  	v3 =	vld [tilespmem:s25+$0x190]  }
0x103: {  	v6 =	vld [tilespmem:s25+$0x140]  }
0x104: {  	v12 =	vld [tilespmem:s25+$0x150]  }
0x105: {  	v4 =	vld [tilespmem:s25+$0x100]  }
0x106: {  	v8 =	vld [tilespmem:s25+$0x110]  }
0x107: {  	v5 =	vld [tilespmem:s25+$0xC0]  }
0x108: {  	v9 =	vld [tilespmem:s25+$0xD0]  }
0x109: {  	v7 =	vld [tilespmem:s25+$0x80]  }
0x10a: {  	v10 =	vld [tilespmem:s25+$0x90]  }
0x10b: {  	v11 =	vld [tilespmem:s25+$0x40]  }
0x10c: {  	v13 =	vld [tilespmem:s25+$0x50]  }
0x10d: {  	v14 =	vld [tilespmem:s25+$0x0]  }
0x10e: {  	v15 =	vld [tilespmem:s25+$0x10]  }
0x10f: {  	v16 =	vld [tilespmem:s25+$0x20]  }
0x110: {  	v17 =	vld [tilespmem:s25+$0x30]  }
0x111: {  	v18 =	vld [tilespmem:s25+$0x60]  }
0x112: {  	v19 =	vld [tilespmem:s25+$0x70]  }
0x113: {  	v20 =	vimm.f32 $0.0e+00;
	v21 =	vld [tilespmem:s25+$0xA0]  }
0x114: {  	v22 =	vld [tilespmem:s25+$0xB0];
	v14 =	vadd.f32 v14, v20;
	v15 =	vadd.f32 v15, v20  }
0x115: {  	v59 =	vld [tilespmem:s25+$0xE0];
	v16 =	vadd.f32 v16, v20;
	v17 =	vadd.f32 v17, v20  }
0x116: {  	v11 =	vadd.f32 v11, v14;
	v13 =	vadd.f32 v13, v15;
	v14 =	vld [tilespmem:s25+$0xF0]  }
0x117: {  	v61 =	vld [tilespmem:s25+$0x120];
	v15 =	vadd.f32 v18, v16;
	v60 =	vadd.f32 v19, v17  }
0x118: {  	v11 =	vadd.f32 v7, v11;
	v10 =	vadd.f32 v10, v13;
	v13 =	vld [tilespmem:s25+$0x130]  }
0x119: {  	v15 =	vadd.f32 v21, v15;
	v16 =	vadd.f32 v22, v60;
	v7 =	vld [tilespmem:s25+$0x160]  }
0x11a: {  	v11 =	vadd.f32 v5, v11;
	v10 =	vadd.f32 v9, v10;
	v9 =	vld [tilespmem:s25+$0x170]  }
0x11b: {  	v15 =	vadd.f32 v59, v15;
	v5 =	vld [tilespmem:s25+$0x1A0];
	v14 =	vadd.f32 v14, v16  }
0x11c: {  	v62 =	vadd.f32 v4, v11;
	v63 =	vadd.f32 v8, v10;
	v8 =	vld [tilespmem:s25+$0x1B0]  }
0x11d: {  	v11 =	vadd.f32 v61, v15;
	v4 =	vld [tilespmem:s25+$0x1E0];
	v10 =	vadd.f32 v13, v14  }
0x11e: {  	s23 =	simm.s32 $0x0;
	s24 =	simm.s32 $0x9800;
	v13 =	vadd.f32 v6, v62;
	v12 =	vadd.f32 v12, v63;
	v6 =	vld [tilespmem:s25+$0x1F0]  }
.LBB2_11:
0x11f: {  	v14 =	vld [tilespmem:s24+$0x1C0];
	v7 =	vadd.f32 v7, v11;
	v9 =	vadd.f32 v9, v10  }
0x120: {  	v10 =	vld [tilespmem:s24+$0x1D0];
	v11 =	vadd.f32 v2, v13;
	v12 =	vadd.f32 v3, v12  }
0x121: {  	v2 =	vld [tilespmem:s24+$0x180];
	v5 =	vadd.f32 v5, v7;
	v7 =	vadd.f32 v8, v9  }
0x122: {  	v3 =	vld [tilespmem:s24+$0x190];
	v8 =	vadd.f32 v1, v11;
	v9 =	vadd.f32 v0, v12  }
0x123: {  	v12 =	vld [tilespmem:s24+$0x140];
	v4 =	vadd.f32 v4, v5;
	v5 =	vadd.f32 v6, v7  }
0x124: {  	v6 =	vld [tilespmem:s24+$0x150];
	v1 =	vmov v14  }
0x125: {  	v11 =	vld [tilespmem:s24+$0x100];
	v0 =	vmov v10  }
0x126: {  	v10 =	vld [tilespmem:s24+$0x110]  }
0x127: {  	v13 =	vld [tilespmem:s24+$0xC0]  }
0x128: {  	v14 =	vld [tilespmem:s24+$0xD0]  }
0x129: {  	v7 =	vld [tilespmem:s24+$0x80]  }
0x12a: {  	v15 =	vld [tilespmem:s24+$0x90]  }
0x12b: {  	v16 =	vld [tilespmem:s24+$0x40]  }
0x12c: {  	v17 =	vld [tilespmem:s24+$0x50]  }
0x12d: {  	v18 =	vld [tilespmem:s24+$0x0]  }
0x12e: {  	v19 =	vld [tilespmem:s24+$0x10]  }
0x12f: {  	v20 =	vld [tilespmem:s24+$0x20]  }
0x130: {  	s23 =	sadd.s32 $0x8, s23;
	v21 =	vld [tilespmem:s24+$0x30]  }
0x131: {  	p1 =	slt.u32 s23, $0xC0;
	v22 =	vld [tilespmem:s24+$0x60]  }
0x132: {  	v23 =	vld [tilespmem:s24+$0x70]  }
0x133: {  	v24 =	vld [tilespmem:s24+$0xA0]  }
0x134: {  	v8 =	vadd.f32 v18, v8;
	v9 =	vadd.f32 v19, v9;
	v18 =	vld [tilespmem:s24+$0xB0]  }
0x135: {  	v4 =	vadd.f32 v20, v4;
	v5 =	vadd.f32 v21, v5;
	v19 =	vld [tilespmem:s24+$0xE0]  }
0x136: {  	v8 =	vadd.f32 v16, v8;
	v9 =	vadd.f32 v17, v9;
	v16 =	vld [tilespmem:s24+$0xF0]  }
0x137: {  	v4 =	vadd.f32 v22, v4;
	v5 =	vadd.f32 v23, v5;
	v17 =	vld [tilespmem:s24+$0x120]  }
0x138: {  	v8 =	vadd.f32 v7, v8;
	v9 =	vadd.f32 v15, v9;
	v15 =	vld [tilespmem:s24+$0x130]  }
0x139: {  	v4 =	vadd.f32 v24, v4;
	v5 =	vadd.f32 v18, v5;
	v7 =	vld [tilespmem:s24+$0x160]  }
.Ltmp5:
0x13a: {  	v8 =	vadd.f32 v13, v8;
	v13 =	vadd.f32 v14, v9;
	v9 =	vld [tilespmem:s24+$0x170];
	(pc) =	sbr.rel @p1 .LBB2_11-.Ltmp5, $4  }
0x13b: {  	v4 =	vadd.f32 v19, v4;
	v14 =	vadd.f32 v16, v5;
	v5 =	vld [tilespmem:s24+$0x1A0]  }
0x13c: {  	v16 =	vadd.f32 v11, v8;
	v18 =	vadd.f32 v10, v13;
	v8 =	vld [tilespmem:s24+$0x1B0]  }
0x13d: {  	v11 =	vadd.f32 v17, v4;
	v10 =	vadd.f32 v15, v14;
	v4 =	vld [tilespmem:s24+$0x1E0]  }
0x13e: {  	v13 =	vadd.f32 v12, v16;
	v12 =	vadd.f32 v6, v18;
	v6 =	vld [tilespmem:s24+$0x1F0];
	s24 =	sadd.s32 $0x200, s24  }
0x13f: {  	s23 =	sadd.s32 @!p0 $0xA, s20  }
0x140: {  	s24 =	sand.u32 @!p0 $0x1A, s23  }
0x141: {  	s23 =	sshll.u32 @!p0 s23, $0x1A;
	s24 =	smul.u32 @!p0 $0x320, s24  }
0x142: {  	v7 =	vadd.f32 v7, v11;
	v2 =	vadd.f32 v2, v13;
	s23 =	sshra.s32 @!p0 s23, $0x1F  }
0x143: {  	v9 =	vadd.f32 v9, v10;
	v3 =	vadd.f32 v3, v12;
	s23 =	sand.u32 @!p0 $0x1900, s23;
	s24 =	sshrl.u32 @!p0 s24, $0x2  }
0x144: {  	s25 =	simm.s32 @!p0 $0x9600;
	v5 =	vadd.f32 v5, v7;
	v1 =	vadd.f32 v1, v2;
	s23 =	sadd.s32 @!p0 s24, s23;
	s24 =	simm.s32 @!p0 $0x68  }
0x145: {  	v2 =	vadd.f32 v8, v9;
	v0 =	vadd.f32 v0, v3;
	[tilespmem:s25], [sflag:$0x3] =	stream.indirect.gather @!p0 [hbm4b:s5+s24], $0x40, s23, s24, $0xb8;
	[tilespmem:$0x1E200] =	vst v63  }
0x146: {  	v3 =	vadd.f32 v4, v5;
	v1 =	vmul.f32 $4.999999890e-03, v1;
	s23 =	sadd.s32 @!p0 $0x68, s23;
	s24 =	simm.s32 @!p0 $0x60;
	s25 =	simm.s32 @!p0 $0xB000  }
0x147: {  	v2 =	vadd.f32 v6, v2;
	v0 =	vmul.f32 $4.999999890e-03, v0;
	[tilespmem:s25], [sflag:$0x3] =	stream.indirect.gather @!p0 [hbm4b:s5+s24], $0x40, s23, s24, $0xb8;
	[tilespmem:$0x1E200] =	vst v63  }
0x148: {  	[tilespmem:s22+$0x80] =	vst v1;
	v1 =	vmul.f32 $4.999999890e-03, v3  }
0x149: {  	[tilespmem:s22+$0x90] =	vst v0;
	v0 =	vmul.f32 $4.999999890e-03, v2  }
0x14a: {  	[tilespmem:s22+$0xA0] =	vst v1  }
0x14b: {  	[tilespmem:s22+$0xB0] =	vst v0  }
0x14c: {  	_ =	swait.ge [sflag:s31], $0x1A00  }
0x14d: {  	[sflag:s31] =	ssyncset.done $0x0  }
0x14e: {  	[sflag:s31] =	ssyncadd.s32 $0xFFFFE600  }
0x14f: {  	_ =	swait.ge [sflag:s31], $0x1800  }
0x150: {  	[sflag:s31] =	ssyncset.done $0x0  }
0x151: {  	s25 =	simm.s32 $0xC800;
	[sflag:s31] =	ssyncadd.s32 $0xFFFFE800  }
0x152: {  	v1 =	vld [tilespmem:s25+$0x1C0]  }
0x153: {  	v0 =	vld [tilespmem:s25+$0x1D0]  }
0x154: {  	v2 =	vld [tilespmem:s25+$0x180]  }
0x155: {  	v3 =	vld [tilespmem:s25+$0x190]  }
0x156: {  	v6 =	vld [tilespmem:s25+$0x140]  }
0x157: {  	v12 =	vld [tilespmem:s25+$0x150]  }
0x158: {  	v4 =	vld [tilespmem:s25+$0x100]  }
0x159: {  	v8 =	vld [tilespmem:s25+$0x110]  }
0x15a: {  	v5 =	vld [tilespmem:s25+$0xC0]  }
0x15b: {  	v9 =	vld [tilespmem:s25+$0xD0]  }
0x15c: {  	v7 =	vld [tilespmem:s25+$0x80]  }
0x15d: {  	v10 =	vld [tilespmem:s25+$0x90]  }
0x15e: {  	v11 =	vld [tilespmem:s25+$0x40]  }
0x15f: {  	v13 =	vld [tilespmem:s25+$0x50]  }
0x160: {  	v14 =	vld [tilespmem:s25+$0x0]  }
0x161: {  	v15 =	vld [tilespmem:s25+$0x10]  }
0x162: {  	v16 =	vld [tilespmem:s25+$0x20]  }
0x163: {  	v17 =	vld [tilespmem:s25+$0x30]  }
0x164: {  	v18 =	vld [tilespmem:s25+$0x60]  }
0x165: {  	v19 =	vld [tilespmem:s25+$0x70]  }
0x166: {  	v20 =	vimm.f32 $0.0e+00;
	v21 =	vld [tilespmem:s25+$0xA0]  }
0x167: {  	v22 =	vld [tilespmem:s25+$0xB0];
	v14 =	vadd.f32 v14, v20;
	v15 =	vadd.f32 v15, v20  }
0x168: {  	v59 =	vld [tilespmem:s25+$0xE0];
	v16 =	vadd.f32 v16, v20;
	v17 =	vadd.f32 v17, v20  }
0x169: {  	v11 =	vadd.f32 v11, v14;
	v13 =	vadd.f32 v13, v15;
	v14 =	vld [tilespmem:s25+$0xF0]  }
0x16a: {  	v61 =	vld [tilespmem:s25+$0x120];
	v15 =	vadd.f32 v18, v16;
	v60 =	vadd.f32 v19, v17  }
0x16b: {  	v11 =	vadd.f32 v7, v11;
	v10 =	vadd.f32 v10, v13;
	v13 =	vld [tilespmem:s25+$0x130]  }
0x16c: {  	v15 =	vadd.f32 v21, v15;
	v16 =	vadd.f32 v22, v60;
	v7 =	vld [tilespmem:s25+$0x160]  }
0x16d: {  	v11 =	vadd.f32 v5, v11;
	v10 =	vadd.f32 v9, v10;
	v9 =	vld [tilespmem:s25+$0x170]  }
0x16e: {  	v15 =	vadd.f32 v59, v15;
	v5 =	vld [tilespmem:s25+$0x1A0];
	v14 =	vadd.f32 v14, v16  }
0x16f: {  	v62 =	vadd.f32 v4, v11;
	v63 =	vadd.f32 v8, v10;
	v8 =	vld [tilespmem:s25+$0x1B0]  }
0x170: {  	v11 =	vadd.f32 v61, v15;
	v4 =	vld [tilespmem:s25+$0x1E0];
	v10 =	vadd.f32 v13, v14  }
0x171: {  	s23 =	simm.s32 $0x0;
	s24 =	simm.s32 $0xCA00;
	v13 =	vadd.f32 v6, v62;
	v12 =	vadd.f32 v12, v63;
	v6 =	vld [tilespmem:s25+$0x1F0]  }
.LBB2_13:
0x172: {  	v14 =	vld [tilespmem:s24+$0x1C0];
	v7 =	vadd.f32 v7, v11;
	v9 =	vadd.f32 v9, v10  }
0x173: {  	v10 =	vld [tilespmem:s24+$0x1D0];
	v11 =	vadd.f32 v2, v13;
	v12 =	vadd.f32 v3, v12  }
0x174: {  	v2 =	vld [tilespmem:s24+$0x180];
	v5 =	vadd.f32 v5, v7;
	v7 =	vadd.f32 v8, v9  }
0x175: {  	v3 =	vld [tilespmem:s24+$0x190];
	v8 =	vadd.f32 v1, v11;
	v9 =	vadd.f32 v0, v12  }
0x176: {  	v12 =	vld [tilespmem:s24+$0x140];
	v4 =	vadd.f32 v4, v5;
	v5 =	vadd.f32 v6, v7  }
0x177: {  	v6 =	vld [tilespmem:s24+$0x150];
	v1 =	vmov v14  }
0x178: {  	v11 =	vld [tilespmem:s24+$0x100];
	v0 =	vmov v10  }
0x179: {  	v10 =	vld [tilespmem:s24+$0x110]  }
0x17a: {  	v13 =	vld [tilespmem:s24+$0xC0]  }
0x17b: {  	v14 =	vld [tilespmem:s24+$0xD0]  }
0x17c: {  	v7 =	vld [tilespmem:s24+$0x80]  }
0x17d: {  	v15 =	vld [tilespmem:s24+$0x90]  }
0x17e: {  	v16 =	vld [tilespmem:s24+$0x40]  }
0x17f: {  	v17 =	vld [tilespmem:s24+$0x50]  }
0x180: {  	v18 =	vld [tilespmem:s24+$0x0]  }
0x181: {  	v19 =	vld [tilespmem:s24+$0x10]  }
0x182: {  	v20 =	vld [tilespmem:s24+$0x20]  }
0x183: {  	s23 =	sadd.s32 $0x8, s23;
	v21 =	vld [tilespmem:s24+$0x30]  }
0x184: {  	p1 =	slt.u32 s23, $0xC0;
	v22 =	vld [tilespmem:s24+$0x60]  }
0x185: {  	v23 =	vld [tilespmem:s24+$0x70]  }
0x186: {  	v24 =	vld [tilespmem:s24+$0xA0]  }
0x187: {  	v8 =	vadd.f32 v18, v8;
	v9 =	vadd.f32 v19, v9;
	v18 =	vld [tilespmem:s24+$0xB0]  }
0x188: {  	v4 =	vadd.f32 v20, v4;
	v5 =	vadd.f32 v21, v5;
	v19 =	vld [tilespmem:s24+$0xE0]  }
0x189: {  	v8 =	vadd.f32 v16, v8;
	v9 =	vadd.f32 v17, v9;
	v16 =	vld [tilespmem:s24+$0xF0]  }
0x18a: {  	v4 =	vadd.f32 v22, v4;
	v5 =	vadd.f32 v23, v5;
	v17 =	vld [tilespmem:s24+$0x120]  }
0x18b: {  	v8 =	vadd.f32 v7, v8;
	v9 =	vadd.f32 v15, v9;
	v15 =	vld [tilespmem:s24+$0x130]  }
0x18c: {  	v4 =	vadd.f32 v24, v4;
	v5 =	vadd.f32 v18, v5;
	v7 =	vld [tilespmem:s24+$0x160]  }
.Ltmp6:
0x18d: {  	v8 =	vadd.f32 v13, v8;
	v13 =	vadd.f32 v14, v9;
	v9 =	vld [tilespmem:s24+$0x170];
	(pc) =	sbr.rel @p1 .LBB2_13-.Ltmp6, $4  }
0x18e: {  	v4 =	vadd.f32 v19, v4;
	v14 =	vadd.f32 v16, v5;
	v5 =	vld [tilespmem:s24+$0x1A0]  }
0x18f: {  	v16 =	vadd.f32 v11, v8;
	v18 =	vadd.f32 v10, v13;
	v8 =	vld [tilespmem:s24+$0x1B0]  }
0x190: {  	v11 =	vadd.f32 v17, v4;
	v10 =	vadd.f32 v15, v14;
	v4 =	vld [tilespmem:s24+$0x1E0]  }
0x191: {  	v13 =	vadd.f32 v12, v16;
	v12 =	vadd.f32 v6, v18;
	v6 =	vld [tilespmem:s24+$0x1F0];
	s24 =	sadd.s32 $0x200, s24  }
0x192: {  	s23 =	sadd.s32 @!p0 $0xB, s20  }
0x193: {  	s24 =	sand.u32 @!p0 $0x1B, s23  }
0x194: {  	s23 =	sshll.u32 @!p0 s23, $0x1A;
	s24 =	smul.u32 @!p0 $0x320, s24  }
0x195: {  	v7 =	vadd.f32 v7, v11;
	v2 =	vadd.f32 v2, v13;
	s23 =	sshra.s32 @!p0 s23, $0x1F  }
0x196: {  	v9 =	vadd.f32 v9, v10;
	v3 =	vadd.f32 v3, v12;
	s23 =	sand.u32 @!p0 $0x1900, s23;
	s24 =	sshrl.u32 @!p0 s24, $0x2  }
0x197: {  	s25 =	simm.s32 @!p0 $0xC800;
	v5 =	vadd.f32 v5, v7;
	v1 =	vadd.f32 v1, v2;
	s23 =	sadd.s32 @!p0 s24, s23;
	s24 =	simm.s32 @!p0 $0x68  }
0x198: {  	v2 =	vadd.f32 v8, v9;
	v0 =	vadd.f32 v0, v3;
	[tilespmem:s25], [sflag:$0x4] =	stream.indirect.gather @!p0 [hbm4b:s5+s24], $0x40, s23, s24, $0xb8;
	[tilespmem:$0x1E200] =	vst v63  }
0x199: {  	v3 =	vadd.f32 v4, v5;
	v1 =	vmul.f32 $4.999999890e-03, v1;
	s23 =	sadd.s32 @!p0 $0x68, s23;
	s24 =	simm.s32 @!p0 $0x60;
	s25 =	simm.s32 @!p0 $0xE200  }
0x19a: {  	v2 =	vadd.f32 v6, v2;
	v0 =	vmul.f32 $4.999999890e-03, v0;
	[tilespmem:s25], [sflag:$0x4] =	stream.indirect.gather @!p0 [hbm4b:s5+s24], $0x40, s23, s24, $0xb8;
	[tilespmem:$0x1E200] =	vst v63  }
0x19b: {  	[tilespmem:s22+$0xC0] =	vst v1;
	v1 =	vmul.f32 $4.999999890e-03, v3  }
0x19c: {  	[tilespmem:s22+$0xD0] =	vst v0;
	v0 =	vmul.f32 $4.999999890e-03, v2  }
0x19d: {  	[tilespmem:s22+$0xE0] =	vst v1  }
0x19e: {  	[tilespmem:s22+$0xF0] =	vst v0  }
0x19f: {  	_ =	swait.ge [sflag:s0], $0x1A00  }
0x1a0: {  	[sflag:s0] =	ssyncset.done $0x0  }
0x1a1: {  	[sflag:s0] =	ssyncadd.s32 $0xFFFFE600  }
0x1a2: {  	_ =	swait.ge [sflag:s0], $0x1800  }
0x1a3: {  	[sflag:s0] =	ssyncset.done $0x0  }
0x1a4: {  	s25 =	simm.s32 $0xFA00;
	[sflag:s0] =	ssyncadd.s32 $0xFFFFE800  }
0x1a5: {  	v1 =	vld [tilespmem:s25+$0x1C0]  }
0x1a6: {  	v0 =	vld [tilespmem:s25+$0x1D0]  }
0x1a7: {  	v2 =	vld [tilespmem:s25+$0x180]  }
0x1a8: {  	v3 =	vld [tilespmem:s25+$0x190]  }
0x1a9: {  	v6 =	vld [tilespmem:s25+$0x140]  }
0x1aa: {  	v12 =	vld [tilespmem:s25+$0x150]  }
0x1ab: {  	v4 =	vld [tilespmem:s25+$0x100]  }
0x1ac: {  	v8 =	vld [tilespmem:s25+$0x110]  }
0x1ad: {  	v5 =	vld [tilespmem:s25+$0xC0]  }
0x1ae: {  	v9 =	vld [tilespmem:s25+$0xD0]  }
0x1af: {  	v7 =	vld [tilespmem:s25+$0x80]  }
0x1b0: {  	v10 =	vld [tilespmem:s25+$0x90]  }
0x1b1: {  	v11 =	vld [tilespmem:s25+$0x40]  }
0x1b2: {  	v13 =	vld [tilespmem:s25+$0x50]  }
0x1b3: {  	v14 =	vld [tilespmem:s25+$0x0]  }
0x1b4: {  	v15 =	vld [tilespmem:s25+$0x10]  }
0x1b5: {  	v16 =	vld [tilespmem:s25+$0x20]  }
0x1b6: {  	v17 =	vld [tilespmem:s25+$0x30]  }
0x1b7: {  	v18 =	vld [tilespmem:s25+$0x60]  }
0x1b8: {  	v19 =	vld [tilespmem:s25+$0x70]  }
0x1b9: {  	v20 =	vimm.f32 $0.0e+00;
	v21 =	vld [tilespmem:s25+$0xA0]  }
0x1ba: {  	v22 =	vld [tilespmem:s25+$0xB0];
	v14 =	vadd.f32 v14, v20;
	v15 =	vadd.f32 v15, v20  }
0x1bb: {  	v59 =	vld [tilespmem:s25+$0xE0];
	v16 =	vadd.f32 v16, v20;
	v17 =	vadd.f32 v17, v20  }
0x1bc: {  	v11 =	vadd.f32 v11, v14;
	v13 =	vadd.f32 v13, v15;
	v14 =	vld [tilespmem:s25+$0xF0]  }
0x1bd: {  	v61 =	vld [tilespmem:s25+$0x120];
	v15 =	vadd.f32 v18, v16;
	v60 =	vadd.f32 v19, v17  }
0x1be: {  	v11 =	vadd.f32 v7, v11;
	v10 =	vadd.f32 v10, v13;
	v13 =	vld [tilespmem:s25+$0x130]  }
0x1bf: {  	v15 =	vadd.f32 v21, v15;
	v16 =	vadd.f32 v22, v60;
	v7 =	vld [tilespmem:s25+$0x160]  }
0x1c0: {  	v11 =	vadd.f32 v5, v11;
	v10 =	vadd.f32 v9, v10;
	v9 =	vld [tilespmem:s25+$0x170]  }
0x1c1: {  	v15 =	vadd.f32 v59, v15;
	v5 =	vld [tilespmem:s25+$0x1A0];
	v14 =	vadd.f32 v14, v16  }
0x1c2: {  	v62 =	vadd.f32 v4, v11;
	v63 =	vadd.f32 v8, v10;
	v8 =	vld [tilespmem:s25+$0x1B0]  }
0x1c3: {  	v11 =	vadd.f32 v61, v15;
	v4 =	vld [tilespmem:s25+$0x1E0];
	v10 =	vadd.f32 v13, v14  }
0x1c4: {  	s23 =	simm.s32 $0x0;
	s24 =	simm.s32 $0xFC00;
	v13 =	vadd.f32 v6, v62;
	v12 =	vadd.f32 v12, v63;
	v6 =	vld [tilespmem:s25+$0x1F0]  }
.LBB2_15:
0x1c5: {  	v14 =	vld [tilespmem:s24+$0x1C0];
	v7 =	vadd.f32 v7, v11;
	v9 =	vadd.f32 v9, v10  }
0x1c6: {  	v10 =	vld [tilespmem:s24+$0x1D0];
	v11 =	vadd.f32 v2, v13;
	v12 =	vadd.f32 v3, v12  }
0x1c7: {  	v2 =	vld [tilespmem:s24+$0x180];
	v5 =	vadd.f32 v5, v7;
	v7 =	vadd.f32 v8, v9  }
0x1c8: {  	v3 =	vld [tilespmem:s24+$0x190];
	v8 =	vadd.f32 v1, v11;
	v9 =	vadd.f32 v0, v12  }
0x1c9: {  	v12 =	vld [tilespmem:s24+$0x140];
	v4 =	vadd.f32 v4, v5;
	v5 =	vadd.f32 v6, v7  }
0x1ca: {  	v6 =	vld [tilespmem:s24+$0x150];
	v1 =	vmov v14  }
0x1cb: {  	v11 =	vld [tilespmem:s24+$0x100];
	v0 =	vmov v10  }
0x1cc: {  	v10 =	vld [tilespmem:s24+$0x110]  }
0x1cd: {  	v13 =	vld [tilespmem:s24+$0xC0]  }
0x1ce: {  	v14 =	vld [tilespmem:s24+$0xD0]  }
0x1cf: {  	v7 =	vld [tilespmem:s24+$0x80]  }
0x1d0: {  	v15 =	vld [tilespmem:s24+$0x90]  }
0x1d1: {  	v16 =	vld [tilespmem:s24+$0x40]  }
0x1d2: {  	v17 =	vld [tilespmem:s24+$0x50]  }
0x1d3: {  	v18 =	vld [tilespmem:s24+$0x0]  }
0x1d4: {  	v19 =	vld [tilespmem:s24+$0x10]  }
0x1d5: {  	v20 =	vld [tilespmem:s24+$0x20]  }
0x1d6: {  	s23 =	sadd.s32 $0x8, s23;
	v21 =	vld [tilespmem:s24+$0x30]  }
0x1d7: {  	p1 =	slt.u32 s23, $0xC0;
	v22 =	vld [tilespmem:s24+$0x60]  }
0x1d8: {  	v23 =	vld [tilespmem:s24+$0x70]  }
0x1d9: {  	v24 =	vld [tilespmem:s24+$0xA0]  }
0x1da: {  	v8 =	vadd.f32 v18, v8;
	v9 =	vadd.f32 v19, v9;
	v18 =	vld [tilespmem:s24+$0xB0]  }
0x1db: {  	v4 =	vadd.f32 v20, v4;
	v5 =	vadd.f32 v21, v5;
	v19 =	vld [tilespmem:s24+$0xE0]  }
0x1dc: {  	v8 =	vadd.f32 v16, v8;
	v9 =	vadd.f32 v17, v9;
	v16 =	vld [tilespmem:s24+$0xF0]  }
0x1dd: {  	v4 =	vadd.f32 v22, v4;
	v5 =	vadd.f32 v23, v5;
	v17 =	vld [tilespmem:s24+$0x120]  }
0x1de: {  	v8 =	vadd.f32 v7, v8;
	v9 =	vadd.f32 v15, v9;
	v15 =	vld [tilespmem:s24+$0x130]  }
0x1df: {  	v4 =	vadd.f32 v24, v4;
	v5 =	vadd.f32 v18, v5;
	v7 =	vld [tilespmem:s24+$0x160]  }
.Ltmp7:
0x1e0: {  	v8 =	vadd.f32 v13, v8;
	v13 =	vadd.f32 v14, v9;
	v9 =	vld [tilespmem:s24+$0x170];
	(pc) =	sbr.rel @p1 .LBB2_15-.Ltmp7, $4  }
0x1e1: {  	v4 =	vadd.f32 v19, v4;
	v14 =	vadd.f32 v16, v5;
	v5 =	vld [tilespmem:s24+$0x1A0]  }
0x1e2: {  	v16 =	vadd.f32 v11, v8;
	v18 =	vadd.f32 v10, v13;
	v8 =	vld [tilespmem:s24+$0x1B0]  }
0x1e3: {  	v11 =	vadd.f32 v17, v4;
	v10 =	vadd.f32 v15, v14;
	v4 =	vld [tilespmem:s24+$0x1E0]  }
0x1e4: {  	v13 =	vadd.f32 v12, v16;
	v12 =	vadd.f32 v6, v18;
	v6 =	vld [tilespmem:s24+$0x1F0];
	s24 =	sadd.s32 $0x200, s24  }
0x1e5: {  	s23 =	sadd.s32 @!p0 $0xC, s20  }
0x1e6: {  	s24 =	sand.u32 @!p0 $0x1C, s23  }
0x1e7: {  	s23 =	sshll.u32 @!p0 s23, $0x1A;
	s24 =	smul.u32 @!p0 $0x320, s24  }
0x1e8: {  	v7 =	vadd.f32 v7, v11;
	v2 =	vadd.f32 v2, v13;
	s23 =	sshra.s32 @!p0 s23, $0x1F  }
0x1e9: {  	v9 =	vadd.f32 v9, v10;
	v3 =	vadd.f32 v3, v12;
	s23 =	sand.u32 @!p0 $0x1900, s23;
	s24 =	sshrl.u32 @!p0 s24, $0x2  }
0x1ea: {  	s25 =	simm.s32 @!p0 $0xFA00;
	v5 =	vadd.f32 v5, v7;
	v1 =	vadd.f32 v1, v2;
	s23 =	sadd.s32 @!p0 s24, s23;
	s24 =	simm.s32 @!p0 $0x68  }
0x1eb: {  	v2 =	vadd.f32 v8, v9;
	v0 =	vadd.f32 v0, v3;
	[tilespmem:s25], [sflag:$0x5] =	stream.indirect.gather @!p0 [hbm4b:s5+s24], $0x40, s23, s24, $0xb8;
	[tilespmem:$0x1E200] =	vst v63  }
0x1ec: {  	v3 =	vadd.f32 v4, v5;
	v1 =	vmul.f32 $4.999999890e-03, v1;
	s23 =	sadd.s32 @!p0 $0x68, s23;
	s24 =	simm.s32 @!p0 $0x60;
	s25 =	simm.s32 @!p0 $0x11400  }
0x1ed: {  	v2 =	vadd.f32 v6, v2;
	v0 =	vmul.f32 $4.999999890e-03, v0;
	[tilespmem:s25], [sflag:$0x5] =	stream.indirect.gather @!p0 [hbm4b:s5+s24], $0x40, s23, s24, $0xb8;
	[tilespmem:$0x1E200] =	vst v63  }
0x1ee: {  	[tilespmem:s22+$0x100] =	vst v1;
	v1 =	vmul.f32 $4.999999890e-03, v3  }
0x1ef: {  	[tilespmem:s22+$0x110] =	vst v0;
	v0 =	vmul.f32 $4.999999890e-03, v2  }
0x1f0: {  	[tilespmem:s22+$0x120] =	vst v1  }
0x1f1: {  	[tilespmem:s22+$0x130] =	vst v0  }
0x1f2: {  	_ =	swait.ge [sflag:s1], $0x1A00  }
0x1f3: {  	[sflag:s1] =	ssyncset.done $0x0  }
0x1f4: {  	[sflag:s1] =	ssyncadd.s32 $0xFFFFE600  }
0x1f5: {  	_ =	swait.ge [sflag:s1], $0x1800  }
0x1f6: {  	[sflag:s1] =	ssyncset.done $0x0  }
0x1f7: {  	s25 =	simm.s32 $0x12C00;
	[sflag:s1] =	ssyncadd.s32 $0xFFFFE800  }
0x1f8: {  	v1 =	vld [tilespmem:s25+$0x1C0]  }
0x1f9: {  	v0 =	vld [tilespmem:s25+$0x1D0]  }
0x1fa: {  	v2 =	vld [tilespmem:s25+$0x180]  }
0x1fb: {  	v3 =	vld [tilespmem:s25+$0x190]  }
0x1fc: {  	v6 =	vld [tilespmem:s25+$0x140]  }
0x1fd: {  	v12 =	vld [tilespmem:s25+$0x150]  }
0x1fe: {  	v4 =	vld [tilespmem:s25+$0x100]  }
0x1ff: {  	v8 =	vld [tilespmem:s25+$0x110]  }
0x200: {  	v5 =	vld [tilespmem:s25+$0xC0]  }
0x201: {  	v9 =	vld [tilespmem:s25+$0xD0]  }
0x202: {  	v7 =	vld [tilespmem:s25+$0x80]  }
0x203: {  	v10 =	vld [tilespmem:s25+$0x90]  }
0x204: {  	v11 =	vld [tilespmem:s25+$0x40]  }
0x205: {  	v13 =	vld [tilespmem:s25+$0x50]  }
0x206: {  	v14 =	vld [tilespmem:s25+$0x0]  }
0x207: {  	v15 =	vld [tilespmem:s25+$0x10]  }
0x208: {  	v16 =	vld [tilespmem:s25+$0x20]  }
0x209: {  	v17 =	vld [tilespmem:s25+$0x30]  }
0x20a: {  	v18 =	vld [tilespmem:s25+$0x60]  }
0x20b: {  	v19 =	vld [tilespmem:s25+$0x70]  }
0x20c: {  	v20 =	vimm.f32 $0.0e+00;
	v21 =	vld [tilespmem:s25+$0xA0]  }
0x20d: {  	v22 =	vld [tilespmem:s25+$0xB0];
	v14 =	vadd.f32 v14, v20;
	v15 =	vadd.f32 v15, v20  }
0x20e: {  	v59 =	vld [tilespmem:s25+$0xE0];
	v16 =	vadd.f32 v16, v20;
	v17 =	vadd.f32 v17, v20  }
0x20f: {  	v11 =	vadd.f32 v11, v14;
	v13 =	vadd.f32 v13, v15;
	v14 =	vld [tilespmem:s25+$0xF0]  }
0x210: {  	v61 =	vld [tilespmem:s25+$0x120];
	v15 =	vadd.f32 v18, v16;
	v60 =	vadd.f32 v19, v17  }
0x211: {  	v11 =	vadd.f32 v7, v11;
	v10 =	vadd.f32 v10, v13;
	v13 =	vld [tilespmem:s25+$0x130]  }
0x212: {  	v15 =	vadd.f32 v21, v15;
	v16 =	vadd.f32 v22, v60;
	v7 =	vld [tilespmem:s25+$0x160]  }
0x213: {  	v11 =	vadd.f32 v5, v11;
	v10 =	vadd.f32 v9, v10;
	v9 =	vld [tilespmem:s25+$0x170]  }
0x214: {  	v15 =	vadd.f32 v59, v15;
	v5 =	vld [tilespmem:s25+$0x1A0];
	v14 =	vadd.f32 v14, v16  }
0x215: {  	v62 =	vadd.f32 v4, v11;
	v63 =	vadd.f32 v8, v10;
	v8 =	vld [tilespmem:s25+$0x1B0]  }
0x216: {  	v11 =	vadd.f32 v61, v15;
	v4 =	vld [tilespmem:s25+$0x1E0];
	v10 =	vadd.f32 v13, v14  }
0x217: {  	s23 =	simm.s32 $0x0;
	s24 =	simm.s32 $0x12E00;
	v13 =	vadd.f32 v6, v62;
	v12 =	vadd.f32 v12, v63;
	v6 =	vld [tilespmem:s25+$0x1F0]  }
.LBB2_17:
0x218: {  	v14 =	vld [tilespmem:s24+$0x1C0];
	v7 =	vadd.f32 v7, v11;
	v9 =	vadd.f32 v9, v10  }
0x219: {  	v10 =	vld [tilespmem:s24+$0x1D0];
	v11 =	vadd.f32 v2, v13;
	v12 =	vadd.f32 v3, v12  }
0x21a: {  	v2 =	vld [tilespmem:s24+$0x180];
	v5 =	vadd.f32 v5, v7;
	v7 =	vadd.f32 v8, v9  }
0x21b: {  	v3 =	vld [tilespmem:s24+$0x190];
	v8 =	vadd.f32 v1, v11;
	v9 =	vadd.f32 v0, v12  }
0x21c: {  	v12 =	vld [tilespmem:s24+$0x140];
	v4 =	vadd.f32 v4, v5;
	v5 =	vadd.f32 v6, v7  }
0x21d: {  	v6 =	vld [tilespmem:s24+$0x150];
	v1 =	vmov v14  }
0x21e: {  	v11 =	vld [tilespmem:s24+$0x100];
	v0 =	vmov v10  }
0x21f: {  	v10 =	vld [tilespmem:s24+$0x110]  }
0x220: {  	v13 =	vld [tilespmem:s24+$0xC0]  }
0x221: {  	v14 =	vld [tilespmem:s24+$0xD0]  }
0x222: {  	v7 =	vld [tilespmem:s24+$0x80]  }
0x223: {  	v15 =	vld [tilespmem:s24+$0x90]  }
0x224: {  	v16 =	vld [tilespmem:s24+$0x40]  }
0x225: {  	v17 =	vld [tilespmem:s24+$0x50]  }
0x226: {  	v18 =	vld [tilespmem:s24+$0x0]  }
0x227: {  	v19 =	vld [tilespmem:s24+$0x10]  }
0x228: {  	v20 =	vld [tilespmem:s24+$0x20]  }
0x229: {  	s23 =	sadd.s32 $0x8, s23;
	v21 =	vld [tilespmem:s24+$0x30]  }
0x22a: {  	p1 =	slt.u32 s23, $0xC0;
	v22 =	vld [tilespmem:s24+$0x60]  }
0x22b: {  	v23 =	vld [tilespmem:s24+$0x70]  }
0x22c: {  	v24 =	vld [tilespmem:s24+$0xA0]  }
0x22d: {  	v8 =	vadd.f32 v18, v8;
	v9 =	vadd.f32 v19, v9;
	v18 =	vld [tilespmem:s24+$0xB0]  }
0x22e: {  	v4 =	vadd.f32 v20, v4;
	v5 =	vadd.f32 v21, v5;
	v19 =	vld [tilespmem:s24+$0xE0]  }
0x22f: {  	v8 =	vadd.f32 v16, v8;
	v9 =	vadd.f32 v17, v9;
	v16 =	vld [tilespmem:s24+$0xF0]  }
0x230: {  	v4 =	vadd.f32 v22, v4;
	v5 =	vadd.f32 v23, v5;
	v17 =	vld [tilespmem:s24+$0x120]  }
0x231: {  	v8 =	vadd.f32 v7, v8;
	v9 =	vadd.f32 v15, v9;
	v15 =	vld [tilespmem:s24+$0x130]  }
0x232: {  	v4 =	vadd.f32 v24, v4;
	v5 =	vadd.f32 v18, v5;
	v7 =	vld [tilespmem:s24+$0x160]  }
.Ltmp8:
0x233: {  	v8 =	vadd.f32 v13, v8;
	v13 =	vadd.f32 v14, v9;
	v9 =	vld [tilespmem:s24+$0x170];
	(pc) =	sbr.rel @p1 .LBB2_17-.Ltmp8, $4  }
0x234: {  	v4 =	vadd.f32 v19, v4;
	v14 =	vadd.f32 v16, v5;
	v5 =	vld [tilespmem:s24+$0x1A0]  }
0x235: {  	v16 =	vadd.f32 v11, v8;
	v18 =	vadd.f32 v10, v13;
	v8 =	vld [tilespmem:s24+$0x1B0]  }
0x236: {  	v11 =	vadd.f32 v17, v4;
	v10 =	vadd.f32 v15, v14;
	v4 =	vld [tilespmem:s24+$0x1E0]  }
0x237: {  	v13 =	vadd.f32 v12, v16;
	v12 =	vadd.f32 v6, v18;
	v6 =	vld [tilespmem:s24+$0x1F0];
	s24 =	sadd.s32 $0x200, s24  }
0x238: {  	s23 =	sadd.s32 @!p0 $0xD, s20  }
0x239: {  	s24 =	sand.u32 @!p0 $0x1D, s23  }
0x23a: {  	s23 =	sshll.u32 @!p0 s23, $0x1A;
	s24 =	smul.u32 @!p0 $0x320, s24  }
0x23b: {  	v7 =	vadd.f32 v7, v11;
	v2 =	vadd.f32 v2, v13;
	s23 =	sshra.s32 @!p0 s23, $0x1F  }
0x23c: {  	v9 =	vadd.f32 v9, v10;
	v3 =	vadd.f32 v3, v12;
	s23 =	sand.u32 @!p0 $0x1900, s23;
	s24 =	sshrl.u32 @!p0 s24, $0x2  }
0x23d: {  	s25 =	simm.s32 @!p0 $0x12C00;
	v5 =	vadd.f32 v5, v7;
	v1 =	vadd.f32 v1, v2;
	s23 =	sadd.s32 @!p0 s24, s23;
	s24 =	simm.s32 @!p0 $0x68  }
0x23e: {  	v2 =	vadd.f32 v8, v9;
	v0 =	vadd.f32 v0, v3;
	[tilespmem:s25], [sflag:$0x6] =	stream.indirect.gather @!p0 [hbm4b:s5+s24], $0x40, s23, s24, $0xb8;
	[tilespmem:$0x1E200] =	vst v63  }
0x23f: {  	v3 =	vadd.f32 v4, v5;
	v1 =	vmul.f32 $4.999999890e-03, v1;
	s23 =	sadd.s32 @!p0 $0x68, s23;
	s24 =	simm.s32 @!p0 $0x60;
	s25 =	simm.s32 @!p0 $0x14600  }
0x240: {  	v2 =	vadd.f32 v6, v2;
	v0 =	vmul.f32 $4.999999890e-03, v0;
	[tilespmem:s25], [sflag:$0x6] =	stream.indirect.gather @!p0 [hbm4b:s5+s24], $0x40, s23, s24, $0xb8;
	[tilespmem:$0x1E200] =	vst v63  }
0x241: {  	[tilespmem:s22+$0x140] =	vst v1;
	v1 =	vmul.f32 $4.999999890e-03, v3  }
0x242: {  	[tilespmem:s22+$0x150] =	vst v0;
	v0 =	vmul.f32 $4.999999890e-03, v2  }
0x243: {  	[tilespmem:s22+$0x160] =	vst v1  }
0x244: {  	[tilespmem:s22+$0x170] =	vst v0  }
0x245: {  	_ =	swait.ge [sflag:s11], $0x1A00  }
0x246: {  	[sflag:s11] =	ssyncset.done $0x0  }
0x247: {  	[sflag:s11] =	ssyncadd.s32 $0xFFFFE600  }
0x248: {  	_ =	swait.ge [sflag:s11], $0x1800  }
0x249: {  	[sflag:s11] =	ssyncset.done $0x0  }
0x24a: {  	s25 =	simm.s32 $0x15E00;
	[sflag:s11] =	ssyncadd.s32 $0xFFFFE800  }
0x24b: {  	v1 =	vld [tilespmem:s25+$0x1C0]  }
0x24c: {  	v0 =	vld [tilespmem:s25+$0x1D0]  }
0x24d: {  	v2 =	vld [tilespmem:s25+$0x180]  }
0x24e: {  	v3 =	vld [tilespmem:s25+$0x190]  }
0x24f: {  	v6 =	vld [tilespmem:s25+$0x140]  }
0x250: {  	v12 =	vld [tilespmem:s25+$0x150]  }
0x251: {  	v4 =	vld [tilespmem:s25+$0x100]  }
0x252: {  	v8 =	vld [tilespmem:s25+$0x110]  }
0x253: {  	v5 =	vld [tilespmem:s25+$0xC0]  }
0x254: {  	v9 =	vld [tilespmem:s25+$0xD0]  }
0x255: {  	v7 =	vld [tilespmem:s25+$0x80]  }
0x256: {  	v10 =	vld [tilespmem:s25+$0x90]  }
0x257: {  	v11 =	vld [tilespmem:s25+$0x40]  }
0x258: {  	v13 =	vld [tilespmem:s25+$0x50]  }
0x259: {  	v14 =	vld [tilespmem:s25+$0x0]  }
0x25a: {  	v15 =	vld [tilespmem:s25+$0x10]  }
0x25b: {  	v16 =	vld [tilespmem:s25+$0x20]  }
0x25c: {  	v17 =	vld [tilespmem:s25+$0x30]  }
0x25d: {  	v18 =	vld [tilespmem:s25+$0x60]  }
0x25e: {  	v19 =	vld [tilespmem:s25+$0x70]  }
0x25f: {  	v20 =	vimm.f32 $0.0e+00;
	v21 =	vld [tilespmem:s25+$0xA0]  }
0x260: {  	v22 =	vld [tilespmem:s25+$0xB0];
	v14 =	vadd.f32 v14, v20;
	v15 =	vadd.f32 v15, v20  }
0x261: {  	v59 =	vld [tilespmem:s25+$0xE0];
	v16 =	vadd.f32 v16, v20;
	v17 =	vadd.f32 v17, v20  }
0x262: {  	v11 =	vadd.f32 v11, v14;
	v13 =	vadd.f32 v13, v15;
	v14 =	vld [tilespmem:s25+$0xF0]  }
0x263: {  	v61 =	vld [tilespmem:s25+$0x120];
	v15 =	vadd.f32 v18, v16;
	v60 =	vadd.f32 v19, v17  }
0x264: {  	v11 =	vadd.f32 v7, v11;
	v10 =	vadd.f32 v10, v13;
	v13 =	vld [tilespmem:s25+$0x130]  }
0x265: {  	v15 =	vadd.f32 v21, v15;
	v16 =	vadd.f32 v22, v60;
	v7 =	vld [tilespmem:s25+$0x160]  }
0x266: {  	v11 =	vadd.f32 v5, v11;
	v10 =	vadd.f32 v9, v10;
	v9 =	vld [tilespmem:s25+$0x170]  }
0x267: {  	v15 =	vadd.f32 v59, v15;
	v5 =	vld [tilespmem:s25+$0x1A0];
	v14 =	vadd.f32 v14, v16  }
0x268: {  	v62 =	vadd.f32 v4, v11;
	v63 =	vadd.f32 v8, v10;
	v8 =	vld [tilespmem:s25+$0x1B0]  }
0x269: {  	v11 =	vadd.f32 v61, v15;
	v4 =	vld [tilespmem:s25+$0x1E0];
	v10 =	vadd.f32 v13, v14  }
0x26a: {  	s23 =	simm.s32 $0x0;
	s24 =	simm.s32 $0x16000;
	v13 =	vadd.f32 v6, v62;
	v12 =	vadd.f32 v12, v63;
	v6 =	vld [tilespmem:s25+$0x1F0]  }
.LBB2_19:
0x26b: {  	v14 =	vld [tilespmem:s24+$0x1C0];
	v7 =	vadd.f32 v7, v11;
	v9 =	vadd.f32 v9, v10  }
0x26c: {  	v10 =	vld [tilespmem:s24+$0x1D0];
	v11 =	vadd.f32 v2, v13;
	v12 =	vadd.f32 v3, v12  }
0x26d: {  	v2 =	vld [tilespmem:s24+$0x180];
	v5 =	vadd.f32 v5, v7;
	v7 =	vadd.f32 v8, v9  }
0x26e: {  	v3 =	vld [tilespmem:s24+$0x190];
	v8 =	vadd.f32 v1, v11;
	v9 =	vadd.f32 v0, v12  }
0x26f: {  	v12 =	vld [tilespmem:s24+$0x140];
	v4 =	vadd.f32 v4, v5;
	v5 =	vadd.f32 v6, v7  }
0x270: {  	v6 =	vld [tilespmem:s24+$0x150];
	v1 =	vmov v14  }
0x271: {  	v11 =	vld [tilespmem:s24+$0x100];
	v0 =	vmov v10  }
0x272: {  	v10 =	vld [tilespmem:s24+$0x110]  }
0x273: {  	v13 =	vld [tilespmem:s24+$0xC0]  }
0x274: {  	v14 =	vld [tilespmem:s24+$0xD0]  }
0x275: {  	v7 =	vld [tilespmem:s24+$0x80]  }
0x276: {  	v15 =	vld [tilespmem:s24+$0x90]  }
0x277: {  	v16 =	vld [tilespmem:s24+$0x40]  }
0x278: {  	v17 =	vld [tilespmem:s24+$0x50]  }
0x279: {  	v18 =	vld [tilespmem:s24+$0x0]  }
0x27a: {  	v19 =	vld [tilespmem:s24+$0x10]  }
0x27b: {  	v20 =	vld [tilespmem:s24+$0x20]  }
0x27c: {  	s23 =	sadd.s32 $0x8, s23;
	v21 =	vld [tilespmem:s24+$0x30]  }
0x27d: {  	p1 =	slt.u32 s23, $0xC0;
	v22 =	vld [tilespmem:s24+$0x60]  }
0x27e: {  	v23 =	vld [tilespmem:s24+$0x70]  }
0x27f: {  	v24 =	vld [tilespmem:s24+$0xA0]  }
0x280: {  	v8 =	vadd.f32 v18, v8;
	v9 =	vadd.f32 v19, v9;
	v18 =	vld [tilespmem:s24+$0xB0]  }
0x281: {  	v4 =	vadd.f32 v20, v4;
	v5 =	vadd.f32 v21, v5;
	v19 =	vld [tilespmem:s24+$0xE0]  }
0x282: {  	v8 =	vadd.f32 v16, v8;
	v9 =	vadd.f32 v17, v9;
	v16 =	vld [tilespmem:s24+$0xF0]  }
0x283: {  	v4 =	vadd.f32 v22, v4;
	v5 =	vadd.f32 v23, v5;
	v17 =	vld [tilespmem:s24+$0x120]  }
0x284: {  	v8 =	vadd.f32 v7, v8;
	v9 =	vadd.f32 v15, v9;
	v15 =	vld [tilespmem:s24+$0x130]  }
0x285: {  	v4 =	vadd.f32 v24, v4;
	v5 =	vadd.f32 v18, v5;
	v7 =	vld [tilespmem:s24+$0x160]  }
.Ltmp9:
0x286: {  	v8 =	vadd.f32 v13, v8;
	v13 =	vadd.f32 v14, v9;
	v9 =	vld [tilespmem:s24+$0x170];
	(pc) =	sbr.rel @p1 .LBB2_19-.Ltmp9, $4  }
0x287: {  	v4 =	vadd.f32 v19, v4;
	v14 =	vadd.f32 v16, v5;
	v5 =	vld [tilespmem:s24+$0x1A0]  }
0x288: {  	v16 =	vadd.f32 v11, v8;
	v18 =	vadd.f32 v10, v13;
	v8 =	vld [tilespmem:s24+$0x1B0]  }
0x289: {  	v11 =	vadd.f32 v17, v4;
	v10 =	vadd.f32 v15, v14;
	v4 =	vld [tilespmem:s24+$0x1E0]  }
0x28a: {  	v13 =	vadd.f32 v12, v16;
	v12 =	vadd.f32 v6, v18;
	v6 =	vld [tilespmem:s24+$0x1F0];
	s24 =	sadd.s32 $0x200, s24  }
0x28b: {  	s23 =	sadd.s32 @!p0 $0xE, s20  }
0x28c: {  	s24 =	sand.u32 @!p0 $0x1E, s23  }
0x28d: {  	s23 =	sshll.u32 @!p0 s23, $0x1A;
	s24 =	smul.u32 @!p0 $0x320, s24  }
0x28e: {  	v7 =	vadd.f32 v7, v11;
	v2 =	vadd.f32 v2, v13;
	s23 =	sshra.s32 @!p0 s23, $0x1F  }
0x28f: {  	v9 =	vadd.f32 v9, v10;
	v3 =	vadd.f32 v3, v12;
	s23 =	sand.u32 @!p0 $0x1900, s23;
	s24 =	sshrl.u32 @!p0 s24, $0x2  }
0x290: {  	s25 =	simm.s32 @!p0 $0x15E00;
	v5 =	vadd.f32 v5, v7;
	v1 =	vadd.f32 v1, v2;
	s23 =	sadd.s32 @!p0 s24, s23;
	s24 =	simm.s32 @!p0 $0x68  }
0x291: {  	v2 =	vadd.f32 v8, v9;
	v0 =	vadd.f32 v0, v3;
	[tilespmem:s25], [sflag:$0x7] =	stream.indirect.gather @!p0 [hbm4b:s5+s24], $0x40, s23, s24, $0xb8;
	[tilespmem:$0x1E200] =	vst v63  }
0x292: {  	v3 =	vadd.f32 v4, v5;
	v1 =	vmul.f32 $4.999999890e-03, v1;
	s23 =	sadd.s32 @!p0 $0x68, s23;
	s24 =	simm.s32 @!p0 $0x60;
	s25 =	simm.s32 @!p0 $0x17800  }
0x293: {  	v2 =	vadd.f32 v6, v2;
	v0 =	vmul.f32 $4.999999890e-03, v0;
	[tilespmem:s25], [sflag:$0x7] =	stream.indirect.gather @!p0 [hbm4b:s5+s24], $0x40, s23, s24, $0xb8;
	[tilespmem:$0x1E200] =	vst v63  }
0x294: {  	[tilespmem:s22+$0x180] =	vst v1;
	v1 =	vmul.f32 $4.999999890e-03, v3  }
0x295: {  	[tilespmem:s22+$0x190] =	vst v0;
	v0 =	vmul.f32 $4.999999890e-03, v2  }
0x296: {  	[tilespmem:s22+$0x1A0] =	vst v1  }
0x297: {  	[tilespmem:s22+$0x1B0] =	vst v0  }
0x298: {  	_ =	swait.ge [sflag:s16], $0x1A00  }
0x299: {  	[sflag:s16] =	ssyncset.done $0x0  }
0x29a: {  	[sflag:s16] =	ssyncadd.s32 $0xFFFFE600  }
0x29b: {  	_ =	swait.ge [sflag:s16], $0x1800  }
0x29c: {  	[sflag:s16] =	ssyncset.done $0x0  }
0x29d: {  	s25 =	simm.s32 $0x19000;
	[sflag:s16] =	ssyncadd.s32 $0xFFFFE800  }
0x29e: {  	v0 =	vld [tilespmem:s25+$0x1C0]  }
0x29f: {  	v1 =	vld [tilespmem:s25+$0x1D0]  }
0x2a0: {  	v2 =	vld [tilespmem:s25+$0x180]  }
0x2a1: {  	v3 =	vld [tilespmem:s25+$0x190]  }
0x2a2: {  	v8 =	vld [tilespmem:s25+$0x140]  }
0x2a3: {  	v12 =	vld [tilespmem:s25+$0x150]  }
0x2a4: {  	v5 =	vld [tilespmem:s25+$0x100]  }
0x2a5: {  	v7 =	vld [tilespmem:s25+$0x110]  }
0x2a6: {  	v4 =	vld [tilespmem:s25+$0xC0]  }
0x2a7: {  	v9 =	vld [tilespmem:s25+$0xD0]  }
0x2a8: {  	v6 =	vld [tilespmem:s25+$0x80]  }
0x2a9: {  	v10 =	vld [tilespmem:s25+$0x90]  }
0x2aa: {  	v11 =	vld [tilespmem:s25+$0x40]  }
0x2ab: {  	v13 =	vld [tilespmem:s25+$0x50]  }
0x2ac: {  	v14 =	vld [tilespmem:s25+$0x0]  }
0x2ad: {  	v15 =	vld [tilespmem:s25+$0x10]  }
0x2ae: {  	v16 =	vld [tilespmem:s25+$0x20]  }
0x2af: {  	v17 =	vld [tilespmem:s25+$0x30]  }
0x2b0: {  	v18 =	vld [tilespmem:s25+$0x60]  }
0x2b1: {  	v19 =	vld [tilespmem:s25+$0x70]  }
0x2b2: {  	v20 =	vimm.f32 $0.0e+00;
	v21 =	vld [tilespmem:s25+$0xA0]  }
0x2b3: {  	v22 =	vld [tilespmem:s25+$0xB0];
	v14 =	vadd.f32 v14, v20;
	v15 =	vadd.f32 v15, v20  }
0x2b4: {  	v59 =	vld [tilespmem:s25+$0xE0];
	v16 =	vadd.f32 v16, v20;
	v17 =	vadd.f32 v17, v20  }
0x2b5: {  	v11 =	vadd.f32 v11, v14;
	v13 =	vadd.f32 v13, v15;
	v14 =	vld [tilespmem:s25+$0xF0]  }
0x2b6: {  	v61 =	vld [tilespmem:s25+$0x120];
	v15 =	vadd.f32 v18, v16;
	v60 =	vadd.f32 v19, v17  }
0x2b7: {  	v11 =	vadd.f32 v6, v11;
	v10 =	vadd.f32 v10, v13;
	v13 =	vld [tilespmem:s25+$0x130]  }
0x2b8: {  	v15 =	vadd.f32 v21, v15;
	v16 =	vadd.f32 v22, v60;
	v6 =	vld [tilespmem:s25+$0x160]  }
0x2b9: {  	v11 =	vadd.f32 v4, v11;
	v10 =	vadd.f32 v9, v10;
	v9 =	vld [tilespmem:s25+$0x170]  }
0x2ba: {  	v15 =	vadd.f32 v59, v15;
	v4 =	vld [tilespmem:s25+$0x1A0];
	v14 =	vadd.f32 v14, v16  }
0x2bb: {  	v62 =	vadd.f32 v5, v11;
	v63 =	vadd.f32 v7, v10;
	v7 =	vld [tilespmem:s25+$0x1B0]  }
0x2bc: {  	v11 =	vadd.f32 v61, v15;
	v5 =	vld [tilespmem:s25+$0x1E0];
	v10 =	vadd.f32 v13, v14  }
0x2bd: {  	s23 =	simm.s32 $0x19200;
	s22 =	simm.s32 $0x0;
	v13 =	vadd.f32 v8, v62;
	v12 =	vadd.f32 v12, v63;
	v8 =	vld [tilespmem:s25+$0x1F0]  }
.LBB2_21:
0x2be: {  	v14 =	vld [tilespmem:s23+$0x1C0];
	v6 =	vadd.f32 v6, v11;
	v9 =	vadd.f32 v9, v10  }
0x2bf: {  	v10 =	vld [tilespmem:s23+$0x1D0];
	v11 =	vadd.f32 v2, v13;
	v12 =	vadd.f32 v3, v12  }
0x2c0: {  	v2 =	vld [tilespmem:s23+$0x180];
	v4 =	vadd.f32 v4, v6;
	v6 =	vadd.f32 v7, v9  }
0x2c1: {  	v3 =	vld [tilespmem:s23+$0x190];
	v7 =	vadd.f32 v0, v11;
	v9 =	vadd.f32 v1, v12  }
0x2c2: {  	v12 =	vld [tilespmem:s23+$0x140];
	v4 =	vadd.f32 v5, v4;
	v5 =	vadd.f32 v8, v6  }
0x2c3: {  	v8 =	vld [tilespmem:s23+$0x150];
	v0 =	vmov v14  }
0x2c4: {  	v11 =	vld [tilespmem:s23+$0x100];
	v1 =	vmov v10  }
0x2c5: {  	v10 =	vld [tilespmem:s23+$0x110]  }
0x2c6: {  	v13 =	vld [tilespmem:s23+$0xC0]  }
0x2c7: {  	v14 =	vld [tilespmem:s23+$0xD0]  }
0x2c8: {  	v6 =	vld [tilespmem:s23+$0x80]  }
0x2c9: {  	v15 =	vld [tilespmem:s23+$0x90]  }
0x2ca: {  	v16 =	vld [tilespmem:s23+$0x40]  }
0x2cb: {  	v17 =	vld [tilespmem:s23+$0x50]  }
0x2cc: {  	v18 =	vld [tilespmem:s23+$0x0]  }
0x2cd: {  	v19 =	vld [tilespmem:s23+$0x10]  }
0x2ce: {  	v20 =	vld [tilespmem:s23+$0x20]  }
0x2cf: {  	s22 =	sadd.s32 $0x8, s22;
	v21 =	vld [tilespmem:s23+$0x30]  }
0x2d0: {  	p1 =	slt.u32 s22, $0xC0;
	v22 =	vld [tilespmem:s23+$0x60]  }
0x2d1: {  	v23 =	vld [tilespmem:s23+$0x70]  }
0x2d2: {  	v24 =	vld [tilespmem:s23+$0xA0]  }
0x2d3: {  	v7 =	vadd.f32 v18, v7;
	v9 =	vadd.f32 v19, v9;
	v18 =	vld [tilespmem:s23+$0xB0]  }
0x2d4: {  	v4 =	vadd.f32 v20, v4;
	v5 =	vadd.f32 v21, v5;
	v19 =	vld [tilespmem:s23+$0xE0]  }
0x2d5: {  	v7 =	vadd.f32 v16, v7;
	v9 =	vadd.f32 v17, v9;
	v16 =	vld [tilespmem:s23+$0xF0]  }
0x2d6: {  	v4 =	vadd.f32 v22, v4;
	v5 =	vadd.f32 v23, v5;
	v17 =	vld [tilespmem:s23+$0x120]  }
0x2d7: {  	v7 =	vadd.f32 v6, v7;
	v9 =	vadd.f32 v15, v9;
	v15 =	vld [tilespmem:s23+$0x130]  }
0x2d8: {  	v4 =	vadd.f32 v24, v4;
	v5 =	vadd.f32 v18, v5;
	v6 =	vld [tilespmem:s23+$0x160]  }
.Ltmp10:
0x2d9: {  	v7 =	vadd.f32 v13, v7;
	v13 =	vadd.f32 v14, v9;
	v9 =	vld [tilespmem:s23+$0x170];
	(pc) =	sbr.rel @p1 .LBB2_21-.Ltmp10, $4  }
0x2da: {  	v14 =	vadd.f32 v19, v4;
	v5 =	vadd.f32 v16, v5;
	v4 =	vld [tilespmem:s23+$0x1A0]  }
0x2db: {  	v16 =	vadd.f32 v11, v7;
	v18 =	vadd.f32 v10, v13;
	v7 =	vld [tilespmem:s23+$0x1B0]  }
0x2dc: {  	v11 =	vadd.f32 v17, v14;
	v10 =	vadd.f32 v15, v5;
	v5 =	vld [tilespmem:s23+$0x1E0]  }
0x2dd: {  	v13 =	vadd.f32 v12, v16;
	v12 =	vadd.f32 v8, v18;
	v8 =	vld [tilespmem:s23+$0x1F0];
	s23 =	sadd.s32 $0x200, s23  }
0x2de: {  	s22 =	sadd.s32 @!p0 $0xF, s20  }
0x2df: {  	s23 =	sand.u32 @!p0 $0x1F, s22  }
0x2e0: {  	s22 =	sshll.u32 @!p0 s22, $0x1A;
	s23 =	smul.u32 @!p0 $0x320, s23  }
0x2e1: {  	s22 =	sshra.s32 @!p0 s22, $0x1F  }
0x2e2: {  	s22 =	sand.u32 @!p0 $0x1900, s22;
	s23 =	sshrl.u32 @!p0 s23, $0x2  }
0x2e3: {  	s24 =	simm.s32 @!p0 $0x19000;
	s22 =	sadd.s32 @!p0 s23, s22;
	s23 =	simm.s32 @!p0 $0x68  }
0x2e4: {  	v6 =	vadd.f32 v6, v11;
	v2 =	vadd.f32 v2, v13;
	[tilespmem:s24], [sflag:$0x8] =	stream.indirect.gather @!p0 [hbm4b:s5+s23], $0x40, s22, s23, $0xb8;
	[tilespmem:$0x1E200] =	vst v63  }
0x2e5: {  	v9 =	vadd.f32 v9, v10;
	v3 =	vadd.f32 v3, v12;
	s22 =	sadd.s32 @!p0 $0x68, s22;
	s23 =	simm.s32 @!p0 $0x60;
	s24 =	simm.s32 @!p0 $0x1AA00  }
0x2e6: {  	v4 =	vadd.f32 v4, v6;
	v0 =	vadd.f32 v0, v2;
	[tilespmem:s24], [sflag:$0x8] =	stream.indirect.gather @!p0 [hbm4b:s5+s23], $0x40, s22, s23, $0xb8;
	[tilespmem:$0x1E200] =	vst v63  }
0x2e7: {  	v60 =	vadd.f32 v7, v9;
	v1 =	vadd.f32 v1, v3;
	s24 =	sand.u32 $0x38, s20  }
0x2e8: {  	s21 =	sor.u32 $0x1C200, s21;
	v61 =	vadd.f32 v5, v4;
	v0 =	vmul.f32 $4.999999890e-03, v0;
	s25 =	sshll.u32 s24, $0x6  }
0x2e9: {  	v2 =	vadd.f32 v8, v60;
	v1 =	vmul.f32 $4.999999890e-03, v1;
	s22 =	sadd.s32 s25, s21  }
0x2ea: {  	v62 =	vmul.f32 $4.999999890e-03, v61;
	p0 =	sne.s32 s24, $0x38;
	[tilespmem:s22+$0x1C0] =	vst v0  }
0x2eb: {  	v63 =	vmul.f32 $4.999999890e-03, v2;
	p1 =	slt.u32 @!p0 s19, $0x8;
	[tilespmem:s22+$0x1D0] =	vst v1  }
0x2ec: {  	[tilespmem:s22+$0x1E0] =	vst v62;
	p1 =	por p1, p0  }
0x2ed: {  	[tilespmem:s22+$0x1F0] =	vst v63;
	s20 =	simm.s32 @!p1 $0xA  }
0x2ee: {  	s22 =	sshrl.u32 s19, $0x3;
	_ =	swait.ge @!p1 [sflag:s20], $0x1000  }
0x2ef: {  	s19 =	sadd.s32 $0x1, s19;
	s22 =	sshll.u32 @!p0 s22, $0x9;
	[sflag:s20] =	ssyncset.done @!p1 $0x0  }
0x2f0: {  	[sflag:s20] =	ssyncadd.s32 @!p1 $0xFFFFF000;
	s20 =	sadd.s32 @!p0 s22, s8;
	s22 =	simm.s32 @!p0 $0x0  }
0x2f1: {  	[hbm4b:s20+s22] =	stream.linear.scatter @!p0 [tilespmem:s21], [sflag:$0xA], $0x1000, $0x38;
	[tilespmem:$0x1E200] =	vst v63  }
0x2f2: {  	p0 =	sne.s32 s19, $0x40  }
.Ltmp11:
0x2f3: {  	_ = 	snop;
	(pc) =	sbr.rel @p0 .LBB2_2-.Ltmp11, $4  }
.Ltmp12:
0x2f4: {  	_ = 	snop;
	(pc) =	sbr.rel @!p0 .LBB2_23-.Ltmp12, $4  }
0x2f5: {  	_ = 	snop  }
0x2f6: {  	_ = 	snop  }
0x2f7: {  	_ = 	snop  }
0x2f8: {  	_ = 	snop  }
.LBB2_6:
.Ltmp13:
0x2f9: {  	(pc) =	sbr.rel @p0 .LBB2_8-.Ltmp13, $4  }
.Ltmp14:
0x2fa: {  	(pc) =	sbr.rel @!p0 .LBB2_7-.Ltmp14, $4  }
0x2fb: {  	_ = 	snop  }
0x2fc: {  	_ = 	snop  }
0x2fd: {  	_ = 	snop  }
0x2fe: {  	_ = 	snop  }
.LBB2_24:
0x2ff: {  	_ =	sfence.sel $0x180000  }
0x300: {  	[bflag:$0x0] =	sbarrier.arrive $0xFFFF  }
0x301: {  	_ =	strace $0x90000047  }
0x302: {  	s0 =	stileid.u32;
	[bflag:$0x2] =	sbarrier.arrive $0xFFFF  }
0x303: {  	p0 =	sne.s32 s0, $0x0;
	s0 =	rddreg [dreg:$0x1]  }
0x304: {  	s0 =	sadd.s32 @!p0 $0x100000, s0  }
0x305: {  	[sflag:s0] =	ssyncadd.tile.s32 @!p0 $0x1;
	_ =	shalt  }
.Lfunc_end2:
_tile_overlayer_lowered:
.L_overlay_start_2:
0x306: {  	(tag) =	ssettag $0x2  }
0x307: {  	s0 =	rddreg [dreg:$0x0];
	s2 =	stileid.u32  }
0x308: {  	s1 =	rddreg [dreg:$0x1];
	p0 =	sne.s32 s2, $0x0  }
0x309: {  	s3 =	rddreg [dreg:$0x2];
	[bflag:$0x3] =	sbarrier.arrive $0xFFFF;
	s2 =	simm.s32 @!p0 $0x1C0B  }
0x30a: {  	[timem:s3], [sflag:s2] =	dma.local @!p0 [hbm:s0], s1  }
0x30b: {  	s0 =	simm.s32 @!p0 $0xB  }
0x30c: {  	_ =	swait.ge @!p0 [sflag:s0], s1  }
0x30d: {  	s1 =	ssub.s32 @!p0 $0x0, s1;
	[sflag:s0] =	ssyncset.done @!p0 $0x0  }
0x30e: {  	[sflag:s0] =	ssyncadd.s32 @!p0 s1  }
0x30f: {  	[bflag:$0x3] =	sbarrier.arrive $0xFFFF  }
0x310: {  	_ =	shalt  }

</sc_bundles>
